<compile_context>
chip_gen: v7x
topology: tpu7x:2x2x1
jax: 0.10.2.dev20260603
libtpu: 0.0.44.dev20260713+nightly
codegen_flags: <defaults>
</compile_context>

<pallas_src>
import functools

import jax
import jax.numpy as jnp
from jax import lax
from jax.experimental import pallas as pl
from jax.experimental.pallas import tpu as pltpu
from jax.experimental.pallas import tpu_sc as plsc

F = 26
V = 100000
D = 32
B = 4096
H1 = 256
H2 = 128

NC = 2
NS = 16
NW = NC * NS
BPW = B // NW
LPW = BPW * F
CHUNK = BPW
LG = 32

_SC_MESH = plsc.VectorSubcoreMesh(core_axis_name="c", subcore_axis_name="s")


@functools.partial(
    pl.kernel,
    out_type=(
        jax.ShapeDtypeStruct((F, NW, D * CHUNK), jnp.float32),
        jax.ShapeDtypeStruct((NW, LPW), jnp.float32),
    ),
    mesh=_SC_MESH,
    scratch_types=(
        pltpu.VMEM((F, CHUNK), jnp.int32),
        pltpu.VMEM((F, CHUNK), jnp.int32),
        pltpu.VMEM((F, CHUNK), jnp.int32),
        pltpu.VMEM((2, D * CHUNK), jnp.int32),
        pltpu.VMEM((2, D * CHUNK), jnp.float32),
        pltpu.VMEM((2, CHUNK, LG), jnp.float32),
        pltpu.VMEM((LPW,), jnp.float32),
        pltpu.SemaphoreType.DMA((2,)),
        pltpu.SemaphoreType.DMA((2,)),
    ),
    compiler_params=pltpu.CompilerParams(use_tc_tiling_on_sc=False,
                                         needs_layout_passes=False),
)
def _sc_gather(xw, xq, xr, embL, lin32, out_emb, out_lin, idx_v, idxq_v,
               rem_v, idxe, tchunk, lring, lin_v, sem_g, sem_lg):
    wid = lax.axis_index("s") * NC + lax.axis_index("c")
    pltpu.sync_copy(xw.at[wid], idx_v)
    pltpu.sync_copy(xq.at[wid], idxq_v)
    pltpu.sync_copy(xr.at[wid], rem_v)

    def do_field(f, slot):
        regs = [idx_v[f, pl.ds(g * 16, 16)] + (f * (D * V))
                for g in range(CHUNK // 16)]
        for d in range(D):
            for g in range(CHUNK // 16):
                if d > 0:
                    regs[g] = regs[g] + V
                idxe[slot, pl.ds(d * CHUNK + g * 16, 16)] = regs[g]
        g_cp = pltpu.async_copy(embL.at[idxe.at[slot]], tchunk.at[slot],
                                sem_g.at[slot])
        l_cp = pltpu.async_copy(lin32.at[f].at[idxq_v.at[f]],
                                lring.at[slot], sem_lg.at[slot])
        return g_cp, l_cp

    def finish_field(f, slot, g_cp, l_cp):
        g_cp.wait()
        pltpu.sync_copy(tchunk.at[slot], out_emb.at[f, wid])
        l_cp.wait()
        for g in range(CHUNK // 16):
            rows = lax.iota(jnp.int32, 16) + (g * 16)
            lanes = rem_v[f, pl.ds(g * 16, 16)]
            vals = plsc.load_gather(lring.at[slot], [rows, lanes])
            lin_v[pl.ds(f * CHUNK + g * 16, 16)] = vals

    def body(i, carry):
        f0 = i * 2
        f1 = f0 + 1
        g0, l0 = do_field(f0, 0)
        g1, l1 = do_field(f1, 1)
        finish_field(f0, 0, g0, l0)
        finish_field(f1, 1, g1, l1)
        return carry

    lax.fori_loop(0, F // 2, body, 0)
    pltpu.sync_copy(lin_v, out_lin.at[wid])


BB = BPW


def _tc_body(scal_ref, e_ref, lin_ref, w1_ref, b1_ref, w2_ref, b2_ref,
             wfh_ref, o_ref):
    cdim = (((0,), (0,)), ((), ()))
    s = jnp.zeros((D, BB), jnp.float32)
    esq = jnp.zeros((D, BB), jnp.float32)
    h = jnp.zeros((BB, H1), jnp.float32)
    for f in range(F):
        ef = e_ref[f, 0]
        s = s + ef
        esq = esq + ef * ef
        h = h + lax.dot_general(ef, w1_ref[f], cdim,
                                preferred_element_type=jnp.float32)
    ones = jnp.ones((D, 1), jnp.float32)
    sq_sum = lax.dot_general(s * s, ones, cdim,
                             preferred_element_type=jnp.float32)
    ssq = lax.dot_general(esq, ones, cdim,
                          preferred_element_type=jnp.float32)
    second = 0.5 * (sq_sum - ssq)
    linear = jnp.sum(lin_ref[...], axis=1, keepdims=True)
    h = jnp.maximum(h + b1_ref[...], 0.0)
    h = jnp.dot(h, w2_ref[...], preferred_element_type=jnp.float32)
    h = jnp.maximum(h + b2_ref[...], 0.0)
    z = jnp.dot(h, wfh_ref[...], preferred_element_type=jnp.float32)
    z = linear * scal_ref[0] + second * scal_ref[1] + z + scal_ref[2]
    o_ref[...] = 1.0 / (1.0 + jnp.exp(-z))


def _tc_head(e4, ling, W1f, b1, W2, b2, wfh, scal):
    grid = (NW,)
    return pl.pallas_call(
        _tc_body,
        grid=grid,
        in_specs=[
            pl.BlockSpec(memory_space=pltpu.SMEM),
            pl.BlockSpec((F, 1, D, CHUNK), lambda i: (0, i, 0, 0)),
            pl.BlockSpec((BB, F), lambda i: (i, 0)),
            pl.BlockSpec((F, D, H1), lambda i: (0, 0, 0)),
            pl.BlockSpec((1, H1), lambda i: (0, 0)),
            pl.BlockSpec((H1, H2), lambda i: (0, 0)),
            pl.BlockSpec((1, H2), lambda i: (0, 0)),
            pl.BlockSpec((H2, 1), lambda i: (0, 0)),
        ],
        out_specs=pl.BlockSpec((BB, 1), lambda i: (i, 0)),
        out_shape=jax.ShapeDtypeStruct((B, 1), jnp.float32),
    )(scal, e4, ling, W1f, b1, W2, b2, wfh)


def kernel(x, emb_tables, lin_tables, W1, b1, W2, b2, Wf, bf):
    x = x.astype(jnp.int32)
    xw = x.reshape(NW, BPW, F).transpose(0, 2, 1)
    embL = emb_tables.transpose(0, 2, 1).reshape(F * D * V)
    out_emb, out_lin = _sc_gather(xw, xw // LG, xw % LG, embL,
                                  lin_tables.reshape(F, V // LG, LG))
    ling = out_lin.reshape(NW, F, BPW).transpose(0, 2, 1).reshape(B, F)
    scal = jnp.stack([Wf[0, 0], Wf[1, 0], bf[0]])
    e4 = out_emb.reshape(F, NW, D, CHUNK)
    return _tc_head(e4, ling, W1.reshape(F, D, H1), b1.reshape(1, H1),
                    W2, b2.reshape(1, H2), Wf[2:, :], scal)

# --- scband reference (transcript-rebuilt; emitter-appended) ---
"""Pipeline reference for scband-deep-fm-78855599555209 (READ-ONLY COPY).

The authoritative reference and input builder live on the scoring server;
editing this copy changes nothing except your own understanding.
"""

import jax, jax.numpy as jnp
import numpy as np

F = 26
V = 100000
D = 32
B = 4096
H1 = 256
H2 = 128


def setup_inputs(seed: int = 0) -> dict:
    key = jax.random.key(seed)
    ks = jax.random.split(key, 10)
    x = jax.random.randint(ks[0], (B, F), 0, V, dtype=jnp.int64) if jax.config.jax_enable_x64 else jax.random.randint(ks[0], (B, F), 0, V, dtype=jnp.int32)
    emb_tables = jax.random.normal(ks[1], (F, V, D), dtype=jnp.float32) * 0.01
    lin_tables = jax.random.normal(ks[2], (F, V, 1), dtype=jnp.float32) * 0.01
    W1 = jax.random.normal(ks[3], (F * D, H1), dtype=jnp.float32) * (1.0 / np.sqrt(F * D))
    b1 = jnp.zeros((H1,), dtype=jnp.float32)
    W2 = jax.random.normal(ks[4], (H1, H2), dtype=jnp.float32) * (1.0 / np.sqrt(H1))
    b2 = jnp.zeros((H2,), dtype=jnp.float32)
    Wf = jax.random.normal(ks[5], (2 + H2, 1), dtype=jnp.float32) * (1.0 / np.sqrt(2 + H2))
    bf = jnp.zeros((1,), dtype=jnp.float32)
    return {"x": x, "emb_tables": emb_tables, "lin_tables": lin_tables,
            "W1": W1, "b1": b1, "W2": W2, "b2": b2, "Wf": Wf, "bf": bf}


def reference(x, emb_tables, lin_tables, W1, b1, W2, b2, Wf, bf):
    # linear (first-order) term: sum of per-field 1-dim embeddings
    linear_out = jnp.zeros((x.shape[0], 1), dtype=jnp.float32)
    for i in range(F):
        linear_out = linear_out + jnp.take(lin_tables[i], x[:, i], axis=0)
    # per-field dense embeddings -> [B, F, D]
    embeds = jnp.stack([jnp.take(emb_tables[i], x[:, i], axis=0) for i in range(F)], axis=1)
    # FM second-order interaction
    sum_of_embeds = jnp.sum(embeds, axis=1)
    square_of_sum = sum_of_embeds ** 2
    sum_of_square = jnp.sum(embeds ** 2, axis=1)
    second_order_out = 0.5 * jnp.sum(square_of_sum - sum_of_square, axis=1, keepdims=True)
    # deep component
    deep_input = embeds.reshape(embeds.shape[0], -1)
    h = jax.nn.relu(deep_input @ W1 + b1)
    h = jax.nn.relu(h @ W2 + b2)
    concat_out = jnp.concatenate([linear_out, second_order_out, h], axis=1)
    output = concat_out @ Wf + bf
    return jax.nn.sigmoid(output)

if __name__ == "__main__":
    import jax
    _d = setup_inputs()
    print(jax.jit(kernel)(*tuple(_d.values())))

</pallas_src>

<mosaic_0001>
#map = affine_map<(d0, d1) -> (0, 0, 0)>
#map1 = affine_map<(d0, d1) -> (0)>
#map2 = affine_map<(d0, d1) -> (0, 0)>
module attributes {stable_mosaic.version = 14 : i64} {
  func.func @_sc_gather(%arg0: i32, %arg1: i32, %arg2: memref<32x26x128xi32, #tpu.memory_space<hbm>>, %arg3: memref<32x26x128xi32, #tpu.memory_space<hbm>>, %arg4: memref<32x26x128xi32, #tpu.memory_space<hbm>>, %arg5: memref<83200000xf32, #tpu.memory_space<hbm>>, %arg6: memref<26x3125x32xf32, #tpu.memory_space<hbm>>, %arg7: memref<26x32x4096xf32, #tpu.memory_space<hbm>>, %arg8: memref<32x3328xf32, #tpu.memory_space<hbm>>, %arg9: memref<26x128xi32, #tpu.memory_space<vmem>>, %arg10: memref<26x128xi32, #tpu.memory_space<vmem>>, %arg11: memref<26x128xi32, #tpu.memory_space<vmem>>, %arg12: memref<2x4096xi32, #tpu.memory_space<vmem>>, %arg13: memref<2x4096xf32, #tpu.memory_space<vmem>>, %arg14: memref<2x128x32xf32, #tpu.memory_space<vmem>>, %arg15: memref<3328xf32, #tpu.memory_space<vmem>>, %arg16: memref<2x!tpu.dma_semaphore, #tpu.memory_space<semaphore_mem>>, %arg17: memref<2x!tpu.dma_semaphore, #tpu.memory_space<semaphore_mem>>) attributes {dimension_semantics = [#tpu.dimension_semantics<core_parallel>, #tpu.dimension_semantics<subcore_parallel>], iteration_bounds = array<i64: 2, 16>, scalar_prefetch = 0 : i64, scratch_operands = 9 : i64, tpu.core_type = #tpu.core_type<sc_vector_subcore>, window_params = [{transform_indices = #map}, {transform_indices = #map}, {transform_indices = #map}, {transform_indices = #map1}, {transform_indices = #map}, {transform_indices = #map}, {transform_indices = #map2}]} {
    %mul3A = arith.constant 2 : i32
    %mul3A_0 = arith.muli %arg1, %mul3A : i32
    %add3A = arith.addi %mul3A_0, %arg0 : i32
    "tpu.region"() ({
      %run_scoped3A = tpu.sem_alloc : memref<!tpu.dma_semaphore, #tpu.memory_space<semaphore_mem>>
      %dma_start3A = arith.constant 0 : i32
      %dma_start3A_6 = arith.constant 0 : i32
      %dma_start3A_7 = tpu.memref_slice %arg2[%add3A, %dma_start3A, %dma_start3A_6] : memref<32x26x128xi32, #tpu.memory_space<hbm>> -> memref<1x26x128xi32, #tpu.memory_space<hbm>>
      %dma_start3A_8 = tpu.memref_squeeze %dma_start3A_7 : memref<1x26x128xi32, #tpu.memory_space<hbm>> -> memref<26x128xi32, #tpu.memory_space<hbm>>
      %dma_start3A_9 = arith.constant 0 : i32
      %dma_start3A_10 = arith.constant 0 : i32
      %dma_start3A_11 = tpu.memref_slice %arg2[%add3A, %dma_start3A_9, %dma_start3A_10] : memref<32x26x128xi32, #tpu.memory_space<hbm>> -> memref<1x26x128xi32, #tpu.memory_space<hbm>>
      %dma_start3A_12 = tpu.memref_squeeze %dma_start3A_11 : memref<1x26x128xi32, #tpu.memory_space<hbm>> -> memref<26x128xi32, #tpu.memory_space<hbm>>
      tpu.enqueue_dma source(%dma_start3A_12 : memref<26x128xi32, #tpu.memory_space<hbm>>) target(%arg9 : memref<26x128xi32, #tpu.memory_space<vmem>>) target_semaphore(%run_scoped3A : memref<!tpu.dma_semaphore, #tpu.memory_space<semaphore_mem>>)
      %dma_wait3A = arith.constant 0 : i32
      %dma_wait3A_13 = arith.constant 0 : i32
      %dma_wait3A_14 = tpu.memref_slice %arg2[%add3A, %dma_wait3A, %dma_wait3A_13] : memref<32x26x128xi32, #tpu.memory_space<hbm>> -> memref<1x26x128xi32, #tpu.memory_space<hbm>>
      %dma_wait3A_15 = tpu.memref_squeeze %dma_wait3A_14 : memref<1x26x128xi32, #tpu.memory_space<hbm>> -> memref<26x128xi32, #tpu.memory_space<hbm>>
      %dma_wait3A_16 = arith.constant 0 : i32
      %dma_wait3A_17 = arith.constant 0 : i32
      %dma_wait3A_18 = tpu.memref_slice %arg2[%add3A, %dma_wait3A_16, %dma_wait3A_17] : memref<32x26x128xi32, #tpu.memory_space<hbm>> -> memref<1x26x128xi32, #tpu.memory_space<hbm>>
      %dma_wait3A_19 = tpu.memref_squeeze %dma_wait3A_18 : memref<1x26x128xi32, #tpu.memory_space<hbm>> -> memref<26x128xi32, #tpu.memory_space<hbm>>
      tpu.wait_dma2 semaphore(%run_scoped3A : memref<!tpu.dma_semaphore, #tpu.memory_space<semaphore_mem>>) src(%dma_wait3A_19 : memref<26x128xi32, #tpu.memory_space<hbm>>) dst(%arg9 : memref<26x128xi32, #tpu.memory_space<vmem>>)
      tpu.yield
    }) : () -> ()
    "tpu.region"() ({
      %run_scoped3A = tpu.sem_alloc : memref<!tpu.dma_semaphore, #tpu.memory_space<semaphore_mem>>
      %dma_start3A = arith.constant 0 : i32
      %dma_start3A_6 = arith.constant 0 : i32
      %dma_start3A_7 = tpu.memref_slice %arg3[%add3A, %dma_start3A, %dma_start3A_6] : memref<32x26x128xi32, #tpu.memory_space<hbm>> -> memref<1x26x128xi32, #tpu.memory_space<hbm>>
      %dma_start3A_8 = tpu.memref_squeeze %dma_start3A_7 : memref<1x26x128xi32, #tpu.memory_space<hbm>> -> memref<26x128xi32, #tpu.memory_space<hbm>>
      %dma_start3A_9 = arith.constant 0 : i32
      %dma_start3A_10 = arith.constant 0 : i32
      %dma_start3A_11 = tpu.memref_slice %arg3[%add3A, %dma_start3A_9, %dma_start3A_10] : memref<32x26x128xi32, #tpu.memory_space<hbm>> -> memref<1x26x128xi32, #tpu.memory_space<hbm>>
      %dma_start3A_12 = tpu.memref_squeeze %dma_start3A_11 : memref<1x26x128xi32, #tpu.memory_space<hbm>> -> memref<26x128xi32, #tpu.memory_space<hbm>>
      tpu.enqueue_dma source(%dma_start3A_12 : memref<26x128xi32, #tpu.memory_space<hbm>>) target(%arg10 : memref<26x128xi32, #tpu.memory_space<vmem>>) target_semaphore(%run_scoped3A : memref<!tpu.dma_semaphore, #tpu.memory_space<semaphore_mem>>)
      %dma_wait3A = arith.constant 0 : i32
      %dma_wait3A_13 = arith.constant 0 : i32
      %dma_wait3A_14 = tpu.memref_slice %arg3[%add3A, %dma_wait3A, %dma_wait3A_13] : memref<32x26x128xi32, #tpu.memory_space<hbm>> -> memref<1x26x128xi32, #tpu.memory_space<hbm>>
      %dma_wait3A_15 = tpu.memref_squeeze %dma_wait3A_14 : memref<1x26x128xi32, #tpu.memory_space<hbm>> -> memref<26x128xi32, #tpu.memory_space<hbm>>
      %dma_wait3A_16 = arith.constant 0 : i32
      %dma_wait3A_17 = arith.constant 0 : i32
      %dma_wait3A_18 = tpu.memref_slice %arg3[%add3A, %dma_wait3A_16, %dma_wait3A_17] : memref<32x26x128xi32, #tpu.memory_space<hbm>> -> memref<1x26x128xi32, #tpu.memory_space<hbm>>
      %dma_wait3A_19 = tpu.memref_squeeze %dma_wait3A_18 : memref<1x26x128xi32, #tpu.memory_space<hbm>> -> memref<26x128xi32, #tpu.memory_space<hbm>>
      tpu.wait_dma2 semaphore(%run_scoped3A : memref<!tpu.dma_semaphore, #tpu.memory_space<semaphore_mem>>) src(%dma_wait3A_19 : memref<26x128xi32, #tpu.memory_space<hbm>>) dst(%arg10 : memref<26x128xi32, #tpu.memory_space<vmem>>)
      tpu.yield
    }) : () -> ()
    "tpu.region"() ({
      %run_scoped3A = tpu.sem_alloc : memref<!tpu.dma_semaphore, #tpu.memory_space<semaphore_mem>>
      %dma_start3A = arith.constant 0 : i32
      %dma_start3A_6 = arith.constant 0 : i32
      %dma_start3A_7 = tpu.memref_slice %arg4[%add3A, %dma_start3A, %dma_start3A_6] : memref<32x26x128xi32, #tpu.memory_space<hbm>> -> memref<1x26x128xi32, #tpu.memory_space<hbm>>
      %dma_start3A_8 = tpu.memref_squeeze %dma_start3A_7 : memref<1x26x128xi32, #tpu.memory_space<hbm>> -> memref<26x128xi32, #tpu.memory_space<hbm>>
      %dma_start3A_9 = arith.constant 0 : i32
      %dma_start3A_10 = arith.constant 0 : i32
      %dma_start3A_11 = tpu.memref_slice %arg4[%add3A, %dma_start3A_9, %dma_start3A_10] : memref<32x26x128xi32, #tpu.memory_space<hbm>> -> memref<1x26x128xi32, #tpu.memory_space<hbm>>
      %dma_start3A_12 = tpu.memref_squeeze %dma_start3A_11 : memref<1x26x128xi32, #tpu.memory_space<hbm>> -> memref<26x128xi32, #tpu.memory_space<hbm>>
      tpu.enqueue_dma source(%dma_start3A_12 : memref<26x128xi32, #tpu.memory_space<hbm>>) target(%arg11 : memref<26x128xi32, #tpu.memory_space<vmem>>) target_semaphore(%run_scoped3A : memref<!tpu.dma_semaphore, #tpu.memory_space<semaphore_mem>>)
      %dma_wait3A = arith.constant 0 : i32
      %dma_wait3A_13 = arith.constant 0 : i32
      %dma_wait3A_14 = tpu.memref_slice %arg4[%add3A, %dma_wait3A, %dma_wait3A_13] : memref<32x26x128xi32, #tpu.memory_space<hbm>> -> memref<1x26x128xi32, #tpu.memory_space<hbm>>
      %dma_wait3A_15 = tpu.memref_squeeze %dma_wait3A_14 : memref<1x26x128xi32, #tpu.memory_space<hbm>> -> memref<26x128xi32, #tpu.memory_space<hbm>>
      %dma_wait3A_16 = arith.constant 0 : i32
      %dma_wait3A_17 = arith.constant 0 : i32
      %dma_wait3A_18 = tpu.memref_slice %arg4[%add3A, %dma_wait3A_16, %dma_wait3A_17] : memref<32x26x128xi32, #tpu.memory_space<hbm>> -> memref<1x26x128xi32, #tpu.memory_space<hbm>>
      %dma_wait3A_19 = tpu.memref_squeeze %dma_wait3A_18 : memref<1x26x128xi32, #tpu.memory_space<hbm>> -> memref<26x128xi32, #tpu.memory_space<hbm>>
      tpu.wait_dma2 semaphore(%run_scoped3A : memref<!tpu.dma_semaphore, #tpu.memory_space<semaphore_mem>>) src(%dma_wait3A_19 : memref<26x128xi32, #tpu.memory_space<hbm>>) dst(%arg11 : memref<26x128xi32, #tpu.memory_space<vmem>>)
      tpu.yield
    }) : () -> ()
    %scan3A = arith.constant 0 : i32
    %scan3A_1 = arith.constant 0 : i32
    %scan3A_2 = arith.constant 13 : i32
    %scan3A_3 = arith.addi %scan3A_1, %scan3A_2 : i32
    %scan3A_4 = arith.constant 1 : i32
    scf.for %scan3A_6 = %scan3A_1 to %scan3A_3 step %scan3A_4  : i32 {
      %mul3A_7 = arith.constant 2 : i32
      %mul3A_8 = arith.muli %scan3A_6, %mul3A_7 : i32
      %add3A_9 = arith.constant 1 : i32
      %add3A_10 = arith.addi %mul3A_8, %add3A_9 : i32
      %get3A = arith.index_cast %mul3A_8 : i32 to index
      %get3A_11 = arith.constant 0 : index
      %get3A_12 = tpu.vector_load %arg9[%get3A, %get3A_11] {strides = array<i32>} : memref<26x128xi32, #tpu.memory_space<vmem>>, vector<16xi32>,
      %mul3A_13 = arith.constant 3200000 : i32
      %mul3A_14 = arith.muli %mul3A_8, %mul3A_13 : i32
      %add3A_15 = vector.broadcast %mul3A_14 : i32 to vector<16xi32>
      %add3A_16 = arith.addi %get3A_12, %add3A_15 : vector<16xi32>
      %get3A_17 = arith.index_cast %mul3A_8 : i32 to index
      %get3A_18 = arith.constant 16 : index
      %get3A_19 = tpu.vector_load %arg9[%get3A_17, %get3A_18] {strides = array<i32>} : memref<26x128xi32, #tpu.memory_space<vmem>>, vector<16xi32>,
      %mul3A_20 = arith.constant 3200000 : i32
      %mul3A_21 = arith.muli %mul3A_8, %mul3A_20 : i32
      %add3A_22 = vector.broadcast %mul3A_21 : i32 to vector<16xi32>
      %add3A_23 = arith.addi %get3A_19, %add3A_22 : vector<16xi32>
      %get3A_24 = arith.index_cast %mul3A_8 : i32 to index
      %get3A_25 = arith.constant 32 : index
      %get3A_26 = tpu.vector_load %arg9[%get3A_24, %get3A_25] {strides = array<i32>} : memref<26x128xi32, #tpu.memory_space<vmem>>, vector<16xi32>,
      %mul3A_27 = arith.constant 3200000 : i32
      %mul3A_28 = arith.muli %mul3A_8, %mul3A_27 : i32
      %add3A_29 = vector.broadcast %mul3A_28 : i32 to vector<16xi32>
      %add3A_30 = arith.addi %get3A_26, %add3A_29 : vector<16xi32>
      %get3A_31 = arith.index_cast %mul3A_8 : i32 to index
      %get3A_32 = arith.constant 48 : index
      %get3A_33 = tpu.vector_load %arg9[%get3A_31, %get3A_32] {strides = array<i32>} : memref<26x128xi32, #tpu.memory_space<vmem>>, vector<16xi32>,
      %mul3A_34 = arith.constant 3200000 : i32
      %mul3A_35 = arith.muli %mul3A_8, %mul3A_34 : i32
      %add3A_36 = vector.broadcast %mul3A_35 : i32 to vector<16xi32>
      %add3A_37 = arith.addi %get3A_33, %add3A_36 : vector<16xi32>
      %get3A_38 = arith.index_cast %mul3A_8 : i32 to index
      %get3A_39 = arith.constant 64 : index
      %get3A_40 = tpu.vector_load %arg9[%get3A_38, %get3A_39] {strides = array<i32>} : memref<26x128xi32, #tpu.memory_space<vmem>>, vector<16xi32>,
      %mul3A_41 = arith.constant 3200000 : i32
      %mul3A_42 = arith.muli %mul3A_8, %mul3A_41 : i32
      %add3A_43 = vector.broadcast %mul3A_42 : i32 to vector<16xi32>
      %add3A_44 = arith.addi %get3A_40, %add3A_43 : vector<16xi32>
      %get3A_45 = arith.index_cast %mul3A_8 : i32 to index
      %get3A_46 = arith.constant 80 : index
      %get3A_47 = tpu.vector_load %arg9[%get3A_45, %get3A_46] {strides = array<i32>} : memref<26x128xi32, #tpu.memory_space<vmem>>, vector<16xi32>,
      %mul3A_48 = arith.constant 3200000 : i32
      %mul3A_49 = arith.muli %mul3A_8, %mul3A_48 : i32
      %add3A_50 = vector.broadcast %mul3A_49 : i32 to vector<16xi32>
      %add3A_51 = arith.addi %get3A_47, %add3A_50 : vector<16xi32>
      %get3A_52 = arith.index_cast %mul3A_8 : i32 to index
      %get3A_53 = arith.constant 96 : index
      %get3A_54 = tpu.vector_load %arg9[%get3A_52, %get3A_53] {strides = array<i32>} : memref<26x128xi32, #tpu.memory_space<vmem>>, vector<16xi32>,
      %mul3A_55 = arith.constant 3200000 : i32
      %mul3A_56 = arith.muli %mul3A_8, %mul3A_55 : i32
      %add3A_57 = vector.broadcast %mul3A_56 : i32 to vector<16xi32>
      %add3A_58 = arith.addi %get3A_54, %add3A_57 : vector<16xi32>
      %get3A_59 = arith.index_cast %mul3A_8 : i32 to index
      %get3A_60 = arith.constant 112 : index
      %get3A_61 = tpu.vector_load %arg9[%get3A_59, %get3A_60] {strides = array<i32>} : memref<26x128xi32, #tpu.memory_space<vmem>>, vector<16xi32>,
      %mul3A_62 = arith.constant 3200000 : i32
      %mul3A_63 = arith.muli %mul3A_8, %mul3A_62 : i32
      %add3A_64 = vector.broadcast %mul3A_63 : i32 to vector<16xi32>
      %add3A_65 = arith.addi %get3A_61, %add3A_64 : vector<16xi32>
      %swap3A = arith.constant 0 : i32
      %swap3A_66 = arith.index_cast %swap3A : i32 to index
      %swap3A_67 = arith.constant 0 : index
      %swap3A_68 = tpu.vector_load %arg12[%swap3A_66, %swap3A_67] {strides = array<i32>} : memref<2x4096xi32, #tpu.memory_space<vmem>>, vector<16xi32>,
      tpu.vector_store %arg12[%swap3A_66, %swap3A_67], %add3A_16 {strides = array<i32>} : memref<2x4096xi32, #tpu.memory_space<vmem>>, vector<16xi32>,
      %swap3A_69 = arith.constant 0 : i32
      %swap3A_70 = arith.index_cast %swap3A_69 : i32 to index
      %swap3A_71 = arith.constant 16 : index
      %swap3A_72 = tpu.vector_load %arg12[%swap3A_70, %swap3A_71] {strides = array<i32>} : memref<2x4096xi32, #tpu.memory_space<vmem>>, vector<16xi32>,
      tpu.vector_store %arg12[%swap3A_70, %swap3A_71], %add3A_23 {strides = array<i32>} : memref<2x4096xi32, #tpu.memory_space<vmem>>, vector<16xi32>,
      %swap3A_73 = arith.constant 0 : i32
      %swap3A_74 = arith.index_cast %swap3A_73 : i32 to index
      %swap3A_75 = arith.constant 32 : index
      %swap3A_76 = tpu.vector_load %arg12[%swap3A_74, %swap3A_75] {strides = array<i32>} : memref<2x4096xi32, #tpu.memory_space<vmem>>, vector<16xi32>,
      tpu.vector_store %arg12[%swap3A_74, %swap3A_75], %add3A_30 {strides = array<i32>} : memref<2x4096xi32, #tpu.memory_space<vmem>>, vector<16xi32>,
      %swap3A_77 = arith.constant 0 : i32
      %swap3A_78 = arith.index_cast %swap3A_77 : i32 to index
      %swap3A_79 = arith.constant 48 : index
      %swap3A_80 = tpu.vector_load %arg12[%swap3A_78, %swap3A_79] {strides = array<i32>} : memref<2x4096xi32, #tpu.memory_space<vmem>>, vector<16xi32>,
      tpu.vector_store %arg12[%swap3A_78, %swap3A_79], %add3A_37 {strides = array<i32>} : memref<2x4096xi32, #tpu.memory_space<vmem>>, vector<16xi32>,
      %swap3A_81 = arith.constant 0 : i32
      %swap3A_82 = arith.index_cast %swap3A_81 : i32 to index
      %swap3A_83 = arith.constant 64 : index
      %swap3A_84 = tpu.vector_load %arg12[%swap3A_82, %swap3A_83] {strides = array<i32>} : memref<2x4096xi32, #tpu.memory_space<vmem>>, vector<16xi32>,
      tpu.vector_store %arg12[%swap3A_82, %swap3A_83], %add3A_44 {strides = array<i32>} : memref<2x4096xi32, #tpu.memory_space<vmem>>, vector<16xi32>,
      %swap3A_85 = arith.constant 0 : i32
      %swap3A_86 = arith.index_cast %swap3A_85 : i32 to index
      %swap3A_87 = arith.constant 80 : index
      %swap3A_88 = tpu.vector_load %arg12[%swap3A_86, %swap3A_87] {strides = array<i32>} : memref<2x4096xi32, #tpu.memory_space<vmem>>, vector<16xi32>,
      tpu.vector_store %arg12[%swap3A_86, %swap3A_87], %add3A_51 {strides = array<i32>} : memref<2x4096xi32, #tpu.memory_space<vmem>>, vector<16xi32>,
      %swap3A_89 = arith.constant 0 : i32
      %swap3A_90 = arith.index_cast %swap3A_89 : i32 to index
      %swap3A_91 = arith.constant 96 : index
      %swap3A_92 = tpu.vector_load %arg12[%swap3A_90, %swap3A_91] {strides = array<i32>} : memref<2x4096xi32, #tpu.memory_space<vmem>>, vector<16xi32>,
      tpu.vector_store %arg12[%swap3A_90, %swap3A_91], %add3A_58 {strides = array<i32>} : memref<2x4096xi32, #tpu.memory_space<vmem>>, vector<16xi32>,
      %swap3A_93 = arith.constant 0 : i32
      %swap3A_94 = arith.index_cast %swap3A_93 : i32 to index
      %swap3A_95 = arith.constant 112 : index
      %swap3A_96 = tpu.vector_load %arg12[%swap3A_94, %swap3A_95] {strides = array<i32>} : memref<2x4096xi32, #tpu.memory_space<vmem>>, vector<16xi32>,
      tpu.vector_store %arg12[%swap3A_94, %swap3A_95], %add3A_65 {strides = array<i32>} : memref<2x4096xi32, #tpu.memory_space<vmem>>, vector<16xi32>,
      %add3A_97 = arith.constant 100000 : i32
      %add3A_98 = vector.broadcast %add3A_97 : i32 to vector<16xi32>
      %add3A_99 = arith.addi %add3A_16, %add3A_98 : vector<16xi32>
      %swap3A_100 = arith.constant 0 : i32
      %swap3A_101 = arith.index_cast %swap3A_100 : i32 to index
      %swap3A_102 = arith.constant 128 : index
      %swap3A_103 = tpu.vector_load %arg12[%swap3A_101, %swap3A_102] {strides = array<i32>} : memref<2x4096xi32, #tpu.memory_space<vmem>>, vector<16xi32>,
      tpu.vector_store %arg12[%swap3A_101, %swap3A_102], %add3A_99 {strides = array<i32>} : memref<2x4096xi32, #tpu.memory_space<vmem>>, vector<16xi32>,
      %add3A_104 = arith.constant 100000 : i32
      %add3A_105 = vector.broadcast %add3A_104 : i32 to vector<16xi32>
      %add3A_106 = arith.addi %add3A_23, %add3A_105 : vector<16xi32>
      %swap3A_107 = arith.constant 0 : i32
      %swap3A_108 = arith.index_cast %swap3A_107 : i32 to index
      %swap3A_109 = arith.constant 144 : index
      %swap3A_110 = tpu.vector_load %arg12[%swap3A_108, %swap3A_109] {strides = array<i32>} : memref<2x4096xi32, #tpu.memory_space<vmem>>, vector<16xi32>,
      tpu.vector_store %arg12[%swap3A_108, %swap3A_109], %add3A_106 {strides = array<i32>} : memref<2x4096xi32, #tpu.memory_space<vmem>>, vector<16xi32>,
      %add3A_111 = arith.constant 100000 : i32
      %add3A_112 = vector.broadcast %add3A_111 : i32 to vector<16xi32>
      %add3A_113 = arith.addi %add3A_30, %add3A_112 : vector<16xi32>
      %swap3A_114 = arith.constant 0 : i32
      %swap3A_115 = arith.index_cast %swap3A_114 : i32 to index
      %swap3A_116 = arith.constant 160 : index
      %swap3A_117 = tpu.vector_load %arg12[%swap3A_115, %swap3A_116] {strides = array<i32>} : memref<2x4096xi32, #tpu.memory_space<vmem>>, vector<16xi32>,
      tpu.vector_store %arg12[%swap3A_115, %swap3A_116], %add3A_113 {strides = array<i32>} : memref<2x4096xi32, #tpu.memory_space<vmem>>, vector<16xi32>,
      %add3A_118 = arith.constant 100000 : i32
      %add3A_119 = vector.broadcast %add3A_118 : i32 to vector<16xi32>
      %add3A_120 = arith.addi %add3A_37, %add3A_119 : vector<16xi32>
      %swap3A_121 = arith.constant 0 : i32
      %swap3A_122 = arith.index_cast %swap3A_121 : i32 to index
      %swap3A_123 = arith.constant 176 : index
      %swap3A_124 = tpu.vector_load %arg12[%swap3A_122, %swap3A_123] {strides = array<i32>} : memref<2x4096xi32, #tpu.memory_space<vmem>>, vector<16xi32>,
      tpu.vector_store %arg12[%swap3A_122, %swap3A_123], %add3A_120 {strides = array<i32>} : memref<2x4096xi32, #tpu.memory_space<vmem>>, vector<16xi32>,
      %add3A_125 = arith.constant 100000 : i32
      %add3A_126 = vector.broadcast %add3A_125 : i32 to vector<16xi32>
      %add3A_127 = arith.addi %add3A_44, %add3A_126 : vector<16xi32>
      %swap3A_128 = arith.constant 0 : i32
      %swap3A_129 = arith.index_cast %swap3A_128 : i32 to index
      %swap3A_130 = arith.constant 192 : index
      %swap3A_131 = tpu.vector_load %arg12[%swap3A_129, %swap3A_130] {strides = array<i32>} : memref<2x4096xi32, #tpu.memory_space<vmem>>, vector<16xi32>,
      tpu.vector_store %arg12[%swap3A_129, %swap3A_130], %add3A_127 {strides = array<i32>} : memref<2x4096xi32, #tpu.memory_space<vmem>>, vector<16xi32>,
      %add3A_132 = arith.constant 100000 : i32
      %add3A_133 = vector.broadcast %add3A_132 : i32 to vector<16xi32>
      %add3A_134 = arith.addi %add3A_51, %add3A_133 : vector<16xi32>
      %swap3A_135 = arith.constant 0 : i32
      %swap3A_136 = arith.index_cast %swap3A_135 : i32 to index
      %swap3A_137 = arith.constant 208 : index
      %swap3A_138 = tpu.vector_load %arg12[%swap3A_136, %swap3A_137] {strides = array<i32>} : memref<2x4096xi32, #tpu.memory_space<vmem>>, vector<16xi32>,
      tpu.vector_store %arg12[%swap3A_136, %swap3A_137], %add3A_134 {strides = array<i32>} : memref<2x4096xi32, #tpu.memory_space<vmem>>, vector<16xi32>,
      %add3A_139 = arith.constant 100000 : i32
      %add3A_140 = vector.broadcast %add3A_139 : i32 to vector<16xi32>
      %add3A_141 = arith.addi %add3A_58, %add3A_140 : vector<16xi32>
      %swap3A_142 = arith.constant 0 : i32
      %swap3A_143 = arith.index_cast %swap3A_142 : i32 to index
      %swap3A_144 = arith.constant 224 : index
      %swap3A_145 = tpu.vector_load %arg12[%swap3A_143, %swap3A_144] {strides = array<i32>} : memref<2x4096xi32, #tpu.memory_space<vmem>>, vector<16xi32>,
      tpu.vector_store %arg12[%swap3A_143, %swap3A_144], %add3A_141 {strides = array<i32>} : memref<2x4096xi32, #tpu.memory_space<vmem>>, vector<16xi32>,
      %add3A_146 = arith.constant 100000 : i32
      %add3A_147 = vector.broadcast %add3A_146 : i32 to vector<16xi32>
      %add3A_148 = arith.addi %add3A_65, %add3A_147 : vector<16xi32>
      %swap3A_149 = arith.constant 0 : i32
      %swap3A_150 = arith.index_cast %swap3A_149 : i32 to index
      %swap3A_151 = arith.constant 240 : index
      %swap3A_152 = tpu.vector_load %arg12[%swap3A_150, %swap3A_151] {strides = array<i32>} : memref<2x4096xi32, #tpu.memory_space<vmem>>, vector<16xi32>,
      tpu.vector_store %arg12[%swap3A_150, %swap3A_151], %add3A_148 {strides = array<i32>} : memref<2x4096xi32, #tpu.memory_space<vmem>>, vector<16xi32>,
      %add3A_153 = arith.constant 100000 : i32
      %add3A_154 = vector.broadcast %add3A_153 : i32 to vector<16xi32>
      %add3A_155 = arith.addi %add3A_99, %add3A_154 : vector<16xi32>
      %swap3A_156 = arith.constant 0 : i32
      %swap3A_157 = arith.index_cast %swap3A_156 : i32 to index
      %swap3A_158 = arith.constant 256 : index
      %swap3A_159 = tpu.vector_load %arg12[%swap3A_157, %swap3A_158] {strides = array<i32>} : memref<2x4096xi32, #tpu.memory_space<vmem>>, vector<16xi32>,
      tpu.vector_store %arg12[%swap3A_157, %swap3A_158], %add3A_155 {strides = array<i32>} : memref<2x4096xi32, #tpu.memory_space<vmem>>, vector<16xi32>,
      %add3A_160 = arith.constant 100000 : i32
      %add3A_161 = vector.broadcast %add3A_160 : i32 to vector<16xi32>
      %add3A_162 = arith.addi %add3A_106, %add3A_161 : vector<16xi32>
      %swap3A_163 = arith.constant 0 : i32
      %swap3A_164 = arith.index_cast %swap3A_163 : i32 to index
      %swap3A_165 = arith.constant 272 : index
      %swap3A_166 = tpu.vector_load %arg12[%swap3A_164, %swap3A_165] {strides = array<i32>} : memref<2x4096xi32, #tpu.memory_space<vmem>>, vector<16xi32>,
      tpu.vector_store %arg12[%swap3A_164, %swap3A_165], %add3A_162 {strides = array<i32>} : memref<2x4096xi32, #tpu.memory_space<vmem>>, vector<16xi32>,
      %add3A_167 = arith.constant 100000 : i32
      %add3A_168 = vector.broadcast %add3A_167 : i32 to vector<16xi32>
      %add3A_169 = arith.addi %add3A_113, %add3A_168 : vector<16xi32>
      %swap3A_170 = arith.constant 0 : i32
      %swap3A_171 = arith.index_cast %swap3A_170 : i32 to index
      %swap3A_172 = arith.constant 288 : index
      %swap3A_173 = tpu.vector_load %arg12[%swap3A_171, %swap3A_172] {strides = array<i32>} : memref<2x4096xi32, #tpu.memory_space<vmem>>, vector<16xi32>,
      tpu.vector_store %arg12[%swap3A_171, %swap3A_172], %add3A_169 {strides = array<i32>} : memref<2x4096xi32, #tpu.memory_space<vmem>>, vector<16xi32>,
      %add3A_174 = arith.constant 100000 : i32
      %add3A_175 = vector.broadcast %add3A_174 : i32 to vector<16xi32>
      %add3A_176 = arith.addi %add3A_120, %add3A_175 : vector<16xi32>
      %swap3A_177 = arith.constant 0 : i32
      %swap3A_178 = arith.index_cast %swap3A_177 : i32 to index
      %swap3A_179 = arith.constant 304 : index
      %swap3A_180 = tpu.vector_load %arg12[%swap3A_178, %swap3A_179] {strides = array<i32>} : memref<2x4096xi32, #tpu.memory_space<vmem>>, vector<16xi32>,
      tpu.vector_store %arg12[%swap3A_178, %swap3A_179], %add3A_176 {strides = array<i32>} : memref<2x4096xi32, #tpu.memory_space<vmem>>, vector<16xi32>,
      %add3A_181 = arith.constant 100000 : i32
      %add3A_182 = vector.broadcast %add3A_181 : i32 to vector<16xi32>
      %add3A_183 = arith.addi %add3A_127, %add3A_182 : vector<16xi32>
      %swap3A_184 = arith.constant 0 : i32
      %swap3A_185 = arith.index_cast %swap3A_184 : i32 to index
      %swap3A_186 = arith.constant 320 : index
      %swap3A_187 = tpu.vector_load %arg12[%swap3A_185, %swap3A_186] {strides = array<i32>} : memref<2x4096xi32, #tpu.memory_space<vmem>>, vector<16xi32>,
      tpu.vector_store %arg12[%swap3A_185, %swap3A_186], %add3A_183 {strides = array<i32>} : memref<2x4096xi32, #tpu.memory_space<vmem>>, vector<16xi32>,
      %add3A_188 = arith.constant 100000 : i32
      %add3A_189 = vector.broadcast %add3A_188 : i32 to vector<16xi32>
      %add3A_190 = arith.addi %add3A_134, %add3A_189 : vector<16xi32>
      %swap3A_191 = arith.constant 0 : i32
      %swap3A_192 = arith.index_cast %swap3A_191 : i32 to index
      %swap3A_193 = arith.constant 336 : index
      %swap3A_194 = tpu.vector_load %arg12[%swap3A_192, %swap3A_193] {strides = array<i32>} : memref<2x4096xi32, #tpu.memory_space<vmem>>, vector<16xi32>,
      tpu.vector_store %arg12[%swap3A_192, %swap3A_193], %add3A_190 {strides = array<i32>} : memref<2x4096xi32, #tpu.memory_space<vmem>>, vector<16xi32>,
      %add3A_195 = arith.constant 100000 : i32
      %add3A_196 = vector.broadcast %add3A_195 : i32 to vector<16xi32>
      %add3A_197 = arith.addi %add3A_141, %add3A_196 : vector<16xi32>
      %swap3A_198 = arith.constant 0 : i32
      %swap3A_199 = arith.index_cast %swap3A_198 : i32 to index
      %swap3A_200 = arith.constant 352 : index
      %swap3A_201 = tpu.vector_load %arg12[%swap3A_199, %swap3A_200] {strides = array<i32>} : memref<2x4096xi32, #tpu.memory_space<vmem>>, vector<16xi32>,
      tpu.vector_store %arg12[%swap3A_199, %swap3A_200], %add3A_197 {strides = array<i32>} : memref<2x4096xi32, #tpu.memory_space<vmem>>, vector<16xi32>,
      %add3A_202 = arith.constant 100000 : i32
      %add3A_203 = vector.broadcast %add3A_202 : i32 to vector<16xi32>
      %add3A_204 = arith.addi %add3A_148, %add3A_203 : vector<16xi32>
      %swap3A_205 = arith.constant 0 : i32
      %swap3A_206 = arith.index_cast %swap3A_205 : i32 to index
      %swap3A_207 = arith.constant 368 : index
      %swap3A_208 = tpu.vector_load %arg12[%swap3A_206, %swap3A_207] {strides = array<i32>} : memref<2x4096xi32, #tpu.memory_space<vmem>>, vector<16xi32>,
      tpu.vector_store %arg12[%swap3A_206, %swap3A_207], %add3A_204 {strides = array<i32>} : memref<2x4096xi32, #tpu.memory_space<vmem>>, vector<16xi32>,
      %add3A_209 = arith.constant 100000 : i32
      %add3A_210 = vector.broadcast %add3A_209 : i32 to vector<16xi32>
      %add3A_211 = arith.addi %add3A_155, %add3A_210 : vector<16xi32>
      %swap3A_212 = arith.constant 0 : i32
      %swap3A_213 = arith.index_cast %swap3A_212 : i32 to index
      %swap3A_214 = arith.constant 384 : index
      %swap3A_215 = tpu.vector_load %arg12[%swap3A_213, %swap3A_214] {strides = array<i32>} : memref<2x4096xi32, #tpu.memory_space<vmem>>, vector<16xi32>,
      tpu.vector_store %arg12[%swap3A_213, %swap3A_214], %add3A_211 {strides = array<i32>} : memref<2x4096xi32, #tpu.memory_space<vmem>>, vector<16xi32>,
      %add3A_216 = arith.constant 100000 : i32
      %add3A_217 = vector.broadcast %add3A_216 : i32 to vector<16xi32>
      %add3A_218 = arith.addi %add3A_162, %add3A_217 : vector<16xi32>
      %swap3A_219 = arith.constant 0 : i32
      %swap3A_220 = arith.index_cast %swap3A_219 : i32 to index
      %swap3A_221 = arith.constant 400 : index
      %swap3A_222 = tpu.vector_load %arg12[%swap3A_220, %swap3A_221] {strides = array<i32>} : memref<2x4096xi32, #tpu.memory_space<vmem>>, vector<16xi32>,
      tpu.vector_store %arg12[%swap3A_220, %swap3A_221], %add3A_218 {strides = array<i32>} : memref<2x4096xi32, #tpu.memory_space<vmem>>, vector<16xi32>,
      %add3A_223 = arith.constant 100000 : i32
      %add3A_224 = vector.broadcast %add3A_223 : i32 to vector<16xi32>
      %add3A_225 = arith.addi %add3A_169, %add3A_224 : vector<16xi32>
      %swap3A_226 = arith.constant 0 : i32
      %swap3A_227 = arith.index_cast %swap3A_226 : i32 to index
      %swap3A_228 = arith.constant 416 : index
      %swap3A_229 = tpu.vector_load %arg12[%swap3A_227, %swap3A_228] {strides = array<i32>} : memref<2x4096xi32, #tpu.memory_space<vmem>>, vector<16xi32>,
      tpu.vector_store %arg12[%swap3A_227, %swap3A_228], %add3A_225 {strides = array<i32>} : memref<2x4096xi32, #tpu.memory_space<vmem>>, vector<16xi32>,
      %add3A_230 = arith.constant 100000 : i32
      %add3A_231 = vector.broadcast %add3A_230 : i32 to vector<16xi32>
      %add3A_232 = arith.addi %add3A_176, %add3A_231 : vector<16xi32>
      %swap3A_233 = arith.constant 0 : i32
      %swap3A_234 = arith.index_cast %swap3A_233 : i32 to index
      %swap3A_235 = arith.constant 432 : index
      %swap3A_236 = tpu.vector_load %arg12[%swap3A_234, %swap3A_235] {strides = array<i32>} : memref<2x4096xi32, #tpu.memory_space<vmem>>, vector<16xi32>,
      tpu.vector_store %arg12[%swap3A_234, %swap3A_235], %add3A_232 {strides = array<i32>} : memref<2x4096xi32, #tpu.memory_space<vmem>>, vector<16xi32>,
      %add3A_237 = arith.constant 100000 : i32
      %add3A_238 = vector.broadcast %add3A_237 : i32 to vector<16xi32>
      %add3A_239 = arith.addi %add3A_183, %add3A_238 : vector<16xi32>
      %swap3A_240 = arith.constant 0 : i32
      %swap3A_241 = arith.index_cast %swap3A_240 : i32 to index
      %swap3A_242 = arith.constant 448 : index
      %swap3A_243 = tpu.vector_load %arg12[%swap3A_241, %swap3A_242] {strides = array<i32>} : memref<2x4096xi32, #tpu.memory_space<vmem>>, vector<16xi32>,
      tpu.vector_store %arg12[%swap3A_241, %swap3A_242], %add3A_239 {strides = array<i32>} : memref<2x4096xi32, #tpu.memory_space<vmem>>, vector<16xi32>,
      %add3A_244 = arith.constant 100000 : i32
      %add3A_245 = vector.broadcast %add3A_244 : i32 to vector<16xi32>
      %add3A_246 = arith.addi %add3A_190, %add3A_245 : vector<16xi32>
      %swap3A_247 = arith.constant 0 : i32
      %swap3A_248 = arith.index_cast %swap3A_247 : i32 to index
      %swap3A_249 = arith.constant 464 : index
      %swap3A_250 = tpu.vector_load %arg12[%swap3A_248, %swap3A_249] {strides = array<i32>} : memref<2x4096xi32, #tpu.memory_space<vmem>>, vector<16xi32>,
      tpu.vector_store %arg12[%swap3A_248, %swap3A_249], %add3A_246 {strides = array<i32>} : memref<2x4096xi32, #tpu.memory_space<vmem>>, vector<16xi32>,
      %add3A_251 = arith.constant 100000 : i32
      %add3A_252 = vector.broadcast %add3A_251 : i32 to vector<16xi32>
      %add3A_253 = arith.addi %add3A_197, %add3A_252 : vector<16xi32>
      %swap3A_254 = arith.constant 0 : i32
      %swap3A_255 = arith.index_cast %swap3A_254 : i32 to index
      %swap3A_256 = arith.constant 480 : index
      %swap3A_257 = tpu.vector_load %arg12[%swap3A_255, %swap3A_256] {strides = array<i32>} : memref<2x4096xi32, #tpu.memory_space<vmem>>, vector<16xi32>,
      tpu.vector_store %arg12[%swap3A_255, %swap3A_256], %add3A_253 {strides = array<i32>} : memref<2x4096xi32, #tpu.memory_space<vmem>>, vector<16xi32>,
      %add3A_258 = arith.constant 100000 : i32
      %add3A_259 = vector.broadcast %add3A_258 : i32 to vector<16xi32>
      %add3A_260 = arith.addi %add3A_204, %add3A_259 : vector<16xi32>
      %swap3A_261 = arith.constant 0 : i32
      %swap3A_262 = arith.index_cast %swap3A_261 : i32 to index
      %swap3A_263 = arith.constant 496 : index
      %swap3A_264 = tpu.vector_load %arg12[%swap3A_262, %swap3A_263] {strides = array<i32>} : memref<2x4096xi32, #tpu.memory_space<vmem>>, vector<16xi32>,
      tpu.vector_store %arg12[%swap3A_262, %swap3A_263], %add3A_260 {strides = array<i32>} : memref<2x4096xi32, #tpu.memory_space<vmem>>, vector<16xi32>,
      %add3A_265 = arith.constant 100000 : i32
      %add3A_266 = vector.broadcast %add3A_265 : i32 to vector<16xi32>
      %add3A_267 = arith.addi %add3A_211, %add3A_266 : vector<16xi32>
      %swap3A_268 = arith.constant 0 : i32
      %swap3A_269 = arith.index_cast %swap3A_268 : i32 to index
      %swap3A_270 = arith.constant 512 : index
      %swap3A_271 = tpu.vector_load %arg12[%swap3A_269, %swap3A_270] {strides = array<i32>} : memref<2x4096xi32, #tpu.memory_space<vmem>>, vector<16xi32>,
      tpu.vector_store %arg12[%swap3A_269, %swap3A_270], %add3A_267 {strides = array<i32>} : memref<2x4096xi32, #tpu.memory_space<vmem>>, vector<16xi32>,
      %add3A_272 = arith.constant 100000 : i32
      %add3A_273 = vector.broadcast %add3A_272 : i32 to vector<16xi32>
      %add3A_274 = arith.addi %add3A_218, %add3A_273 : vector<16xi32>
      %swap3A_275 = arith.constant 0 : i32
      %swap3A_276 = arith.index_cast %swap3A_275 : i32 to index
      %swap3A_277 = arith.constant 528 : index
      %swap3A_278 = tpu.vector_load %arg12[%swap3A_276, %swap3A_277] {strides = array<i32>} : memref<2x4096xi32, #tpu.memory_space<vmem>>, vector<16xi32>,
      tpu.vector_store %arg12[%swap3A_276, %swap3A_277], %add3A_274 {strides = array<i32>} : memref<2x4096xi32, #tpu.memory_space<vmem>>, vector<16xi32>,
      %add3A_279 = arith.constant 100000 : i32
      %add3A_280 = vector.broadcast %add3A_279 : i32 to vector<16xi32>
      %add3A_281 = arith.addi %add3A_225, %add3A_280 : vector<16xi32>
      %swap3A_282 = arith.constant 0 : i32
      %swap3A_283 = arith.index_cast %swap3A_282 : i32 to index
      %swap3A_284 = arith.constant 544 : index
      %swap3A_285 = tpu.vector_load %arg12[%swap3A_283, %swap3A_284] {strides = array<i32>} : memref<2x4096xi32, #tpu.memory_space<vmem>>, vector<16xi32>,
      tpu.vector_store %arg12[%swap3A_283, %swap3A_284], %add3A_281 {strides = array<i32>} : memref<2x4096xi32, #tpu.memory_space<vmem>>, vector<16xi32>,
      %add3A_286 = arith.constant 100000 : i32
      %add3A_287 = vector.broadcast %add3A_286 : i32 to vector<16xi32>
      %add3A_288 = arith.addi %add3A_232, %add3A_287 : vector<16xi32>
      %swap3A_289 = arith.constant 0 : i32
      %swap3A_290 = arith.index_cast %swap3A_289 : i32 to index
      %swap3A_291 = arith.constant 560 : index
      %swap3A_292 = tpu.vector_load %arg12[%swap3A_290, %swap3A_291] {strides = array<i32>} : memref<2x4096xi32, #tpu.memory_space<vmem>>, vector<16xi32>,
      tpu.vector_store %arg12[%swap3A_290, %swap3A_291], %add3A_288 {strides = array<i32>} : memref<2x4096xi32, #tpu.memory_space<vmem>>, vector<16xi32>,
      %add3A_293 = arith.constant 100000 : i32
      %add3A_294 = vector.broadcast %add3A_293 : i32 to vector<16xi32>
      %add3A_295 = arith.addi %add3A_239, %add3A_294 : vector<16xi32>
      %swap3A_296 = arith.constant 0 : i32
      %swap3A_297 = arith.index_cast %swap3A_296 : i32 to index
      %swap3A_298 = arith.constant 576 : index
      %swap3A_299 = tpu.vector_load %arg12[%swap3A_297, %swap3A_298] {strides = array<i32>} : memref<2x4096xi32, #tpu.memory_space<vmem>>, vector<16xi32>,
      tpu.vector_store %arg12[%swap3A_297, %swap3A_298], %add3A_295 {strides = array<i32>} : memref<2x4096xi32, #tpu.memory_space<vmem>>, vector<16xi32>,
      %add3A_300 = arith.constant 100000 : i32
      %add3A_301 = vector.broadcast %add3A_300 : i32 to vector<16xi32>
      %add3A_302 = arith.addi %add3A_246, %add3A_301 : vector<16xi32>
      %swap3A_303 = arith.constant 0 : i32
      %swap3A_304 = arith.index_cast %swap3A_303 : i32 to index
      %swap3A_305 = arith.constant 592 : index
      %swap3A_306 = tpu.vector_load %arg12[%swap3A_304, %swap3A_305] {strides = array<i32>} : memref<2x4096xi32, #tpu.memory_space<vmem>>, vector<16xi32>,
      tpu.vector_store %arg12[%swap3A_304, %swap3A_305], %add3A_302 {strides = array<i32>} : memref<2x4096xi32, #tpu.memory_space<vmem>>, vector<16xi32>,
      %add3A_307 = arith.constant 100000 : i32
      %add3A_308 = vector.broadcast %add3A_307 : i32 to vector<16xi32>
      %add3A_309 = arith.addi %add3A_253, %add3A_308 : vector<16xi32>
      %swap3A_310 = arith.constant 0 : i32
      %swap3A_311 = arith.index_cast %swap3A_310 : i32 to index
      %swap3A_312 = arith.constant 608 : index
      %swap3A_313 = tpu.vector_load %arg12[%swap3A_311, %swap3A_312] {strides = array<i32>} : memref<2x4096xi32, #tpu.memory_space<vmem>>, vector<16xi32>,
      tpu.vector_store %arg12[%swap3A_311, %swap3A_312], %add3A_309 {strides = array<i32>} : memref<2x4096xi32, #tpu.memory_space<vmem>>, vector<16xi32>,
      %add3A_314 = arith.constant 100000 : i32
      %add3A_315 = vector.broadcast %add3A_314 : i32 to vector<16xi32>
      %add3A_316 = arith.addi %add3A_260, %add3A_315 : vector<16xi32>
      %swap3A_317 = arith.constant 0 : i32
      %swap3A_318 = arith.index_cast %swap3A_317 : i32 to index
      %swap3A_319 = arith.constant 624 : index
      %swap3A_320 = tpu.vector_load %arg12[%swap3A_318, %swap3A_319] {strides = array<i32>} : memref<2x4096xi32, #tpu.memory_space<vmem>>, vector<16xi32>,
      tpu.vector_store %arg12[%swap3A_318, %swap3A_319], %add3A_316 {strides = array<i32>} : memref<2x4096xi32, #tpu.memory_space<vmem>>, vector<16xi32>,
      %add3A_321 = arith.constant 100000 : i32
      %add3A_322 = vector.broadcast %add3A_321 : i32 to vector<16xi32>
      %add3A_323 = arith.addi %add3A_267, %add3A_322 : vector<16xi32>
      %swap3A_324 = arith.constant 0 : i32
      %swap3A_325 = arith.index_cast %swap3A_324 : i32 to index
      %swap3A_326 = arith.constant 640 : index
      %swap3A_327 = tpu.vector_load %arg12[%swap3A_325, %swap3A_326] {strides = array<i32>} : memref<2x4096xi32, #tpu.memory_space<vmem>>, vector<16xi32>,
      tpu.vector_store %arg12[%swap3A_325, %swap3A_326], %add3A_323 {strides = array<i32>} : memref<2x4096xi32, #tpu.memory_space<vmem>>, vector<16xi32>,
      %add3A_328 = arith.constant 100000 : i32
      %add3A_329 = vector.broadcast %add3A_328 : i32 to vector<16xi32>
      %add3A_330 = arith.addi %add3A_274, %add3A_329 : vector<16xi32>
      %swap3A_331 = arith.constant 0 : i32
      %swap3A_332 = arith.index_cast %swap3A_331 : i32 to index
      %swap3A_333 = arith.constant 656 : index
      %swap3A_334 = tpu.vector_load %arg12[%swap3A_332, %swap3A_333] {strides = array<i32>} : memref<2x4096xi32, #tpu.memory_space<vmem>>, vector<16xi32>,
      tpu.vector_store %arg12[%swap3A_332, %swap3A_333], %add3A_330 {strides = array<i32>} : memref<2x4096xi32, #tpu.memory_space<vmem>>, vector<16xi32>,
      %add3A_335 = arith.constant 100000 : i32
      %add3A_336 = vector.broadcast %add3A_335 : i32 to vector<16xi32>
      %add3A_337 = arith.addi %add3A_281, %add3A_336 : vector<16xi32>
      %swap3A_338 = arith.constant 0 : i32
      %swap3A_339 = arith.index_cast %swap3A_338 : i32 to index
      %swap3A_340 = arith.constant 672 : index
      %swap3A_341 = tpu.vector_load %arg12[%swap3A_339, %swap3A_340] {strides = array<i32>} : memref<2x4096xi32, #tpu.memory_space<vmem>>, vector<16xi32>,
      tpu.vector_store %arg12[%swap3A_339, %swap3A_340], %add3A_337 {strides = array<i32>} : memref<2x4096xi32, #tpu.memory_space<vmem>>, vector<16xi32>,
      %add3A_342 = arith.constant 100000 : i32
      %add3A_343 = vector.broadcast %add3A_342 : i32 to vector<16xi32>
      %add3A_344 = arith.addi %add3A_288, %add3A_343 : vector<16xi32>
      %swap3A_345 = arith.constant 0 : i32
      %swap3A_346 = arith.index_cast %swap3A_345 : i32 to index
      %swap3A_347 = arith.constant 688 : index
      %swap3A_348 = tpu.vector_load %arg12[%swap3A_346, %swap3A_347] {strides = array<i32>} : memref<2x4096xi32, #tpu.memory_space<vmem>>, vector<16xi32>,
      tpu.vector_store %arg12[%swap3A_346, %swap3A_347], %add3A_344 {strides = array<i32>} : memref<2x4096xi32, #tpu.memory_space<vmem>>, vector<16xi32>,
      %add3A_349 = arith.constant 100000 : i32
      %add3A_350 = vector.broadcast %add3A_349 : i32 to vector<16xi32>
      %add3A_351 = arith.addi %add3A_295, %add3A_350 : vector<16xi32>
      %swap3A_352 = arith.constant 0 : i32
      %swap3A_353 = arith.index_cast %swap3A_352 : i32 to index
      %swap3A_354 = arith.constant 704 : index
      %swap3A_355 = tpu.vector_load %arg12[%swap3A_353, %swap3A_354] {strides = array<i32>} : memref<2x4096xi32, #tpu.memory_space<vmem>>, vector<16xi32>,
      tpu.vector_store %arg12[%swap3A_353, %swap3A_354], %add3A_351 {strides = array<i32>} : memref<2x4096xi32, #tpu.memory_space<vmem>>, vector<16xi32>,
      %add3A_356 = arith.constant 100000 : i32
      %add3A_357 = vector.broadcast %add3A_356 : i32 to vector<16xi32>
      %add3A_358 = arith.addi %add3A_302, %add3A_357 : vector<16xi32>
      %swap3A_359 = arith.constant 0 : i32
      %swap3A_360 = arith.index_cast %swap3A_359 : i32 to index
      %swap3A_361 = arith.constant 720 : index
      %swap3A_362 = tpu.vector_load %arg12[%swap3A_360, %swap3A_361] {strides = array<i32>} : memref<2x4096xi32, #tpu.memory_space<vmem>>, vector<16xi32>,
      tpu.vector_store %arg12[%swap3A_360, %swap3A_361], %add3A_358 {strides = array<i32>} : memref<2x4096xi32, #tpu.memory_space<vmem>>, vector<16xi32>,
      %add3A_363 = arith.constant 100000 : i32
      %add3A_364 = vector.broadcast %add3A_363 : i32 to vector<16xi32>
      %add3A_365 = arith.addi %add3A_309, %add3A_364 : vector<16xi32>
      %swap3A_366 = arith.constant 0 : i32
      %swap3A_367 = arith.index_cast %swap3A_366 : i32 to index
      %swap3A_368 = arith.constant 736 : index
      %swap3A_369 = tpu.vector_load %arg12[%swap3A_367, %swap3A_368] {strides = array<i32>} : memref<2x4096xi32, #tpu.memory_space<vmem>>, vector<16xi32>,
      tpu.vector_store %arg12[%swap3A_367, %swap3A_368], %add3A_365 {strides = array<i32>} : memref<2x4096xi32, #tpu.memory_space<vmem>>, vector<16xi32>,
      %add3A_370 = arith.constant 100000 : i32
      %add3A_371 = vector.broadcast %add3A_370 : i32 to vector<16xi32>
      %add3A_372 = arith.addi %add3A_316, %add3A_371 : vector<16xi32>
      %swap3A_373 = arith.constant 0 : i32
      %swap3A_374 = arith.index_cast %swap3A_373 : i32 to index
      %swap3A_375 = arith.constant 752 : index
      %swap3A_376 = tpu.vector_load %arg12[%swap3A_374, %swap3A_375] {strides = array<i32>} : memref<2x4096xi32, #tpu.memory_space<vmem>>, vector<16xi32>,
      tpu.vector_store %arg12[%swap3A_374, %swap3A_375], %add3A_372 {strides = array<i32>} : memref<2x4096xi32, #tpu.memory_space<vmem>>, vector<16xi32>,
      %add3A_377 = arith.constant 100000 : i32
      %add3A_378 = vector.broadcast %add3A_377 : i32 to vector<16xi32>
      %add3A_379 = arith.addi %add3A_323, %add3A_378 : vector<16xi32>
      %swap3A_380 = arith.constant 0 : i32
      %swap3A_381 = arith.index_cast %swap3A_380 : i32 to index
      %swap3A_382 = arith.constant 768 : index
      %swap3A_383 = tpu.vector_load %arg12[%swap3A_381, %swap3A_382] {strides = array<i32>} : memref<2x4096xi32, #tpu.memory_space<vmem>>, vector<16xi32>,
      tpu.vector_store %arg12[%swap3A_381, %swap3A_382], %add3A_379 {strides = array<i32>} : memref<2x4096xi32, #tpu.memory_space<vmem>>, vector<16xi32>,
      %add3A_384 = arith.constant 100000 : i32
      %add3A_385 = vector.broadcast %add3A_384 : i32 to vector<16xi32>
      %add3A_386 = arith.addi %add3A_330, %add3A_385 : vector<16xi32>
      %swap3A_387 = arith.constant 0 : i32
      %swap3A_388 = arith.index_cast %swap3A_387 : i32 to index
      %swap3A_389 = arith.constant 784 : index
      %swap3A_390 = tpu.vector_load %arg12[%swap3A_388, %swap3A_389] {strides = array<i32>} : memref<2x4096xi32, #tpu.memory_space<vmem>>, vector<16xi32>,
      tpu.vector_store %arg12[%swap3A_388, %swap3A_389], %add3A_386 {strides = array<i32>} : memref<2x4096xi32, #tpu.memory_space<vmem>>, vector<16xi32>,
      %add3A_391 = arith.constant 100000 : i32
      %add3A_392 = vector.broadcast %add3A_391 : i32 to vector<16xi32>
      %add3A_393 = arith.addi %add3A_337, %add3A_392 : vector<16xi32>
      %swap3A_394 = arith.constant 0 : i32
      %swap3A_395 = arith.index_cast %swap3A_394 : i32 to index
      %swap3A_396 = arith.constant 800 : index
      %swap3A_397 = tpu.vector_load %arg12[%swap3A_395, %swap3A_396] {strides = array<i32>} : memref<2x4096xi32, #tpu.memory_space<vmem>>, vector<16xi32>,
      tpu.vector_store %arg12[%swap3A_395, %swap3A_396], %add3A_393 {strides = array<i32>} : memref<2x4096xi32, #tpu.memory_space<vmem>>, vector<16xi32>,
      %add3A_398 = arith.constant 100000 : i32
      %add3A_399 = vector.broadcast %add3A_398 : i32 to vector<16xi32>
      %add3A_400 = arith.addi %add3A_344, %add3A_399 : vector<16xi32>
      %swap3A_401 = arith.constant 0 : i32
      %swap3A_402 = arith.index_cast %swap3A_401 : i32 to index
      %swap3A_403 = arith.constant 816 : index
      %swap3A_404 = tpu.vector_load %arg12[%swap3A_402, %swap3A_403] {strides = array<i32>} : memref<2x4096xi32, #tpu.memory_space<vmem>>, vector<16xi32>,
      tpu.vector_store %arg12[%swap3A_402, %swap3A_403], %add3A_400 {strides = array<i32>} : memref<2x4096xi32, #tpu.memory_space<vmem>>, vector<16xi32>,
      %add3A_405 = arith.constant 100000 : i32
      %add3A_406 = vector.broadcast %add3A_405 : i32 to vector<16xi32>
      %add3A_407 = arith.addi %add3A_351, %add3A_406 : vector<16xi32>
      %swap3A_408 = arith.constant 0 : i32
      %swap3A_409 = arith.index_cast %swap3A_408 : i32 to index
      %swap3A_410 = arith.constant 832 : index
      %swap3A_411 = tpu.vector_load %arg12[%swap3A_409, %swap3A_410] {strides = array<i32>} : memref<2x4096xi32, #tpu.memory_space<vmem>>, vector<16xi32>,
      tpu.vector_store %arg12[%swap3A_409, %swap3A_410], %add3A_407 {strides = array<i32>} : memref<2x4096xi32, #tpu.memory_space<vmem>>, vector<16xi32>,
      %add3A_412 = arith.constant 100000 : i32
      %add3A_413 = vector.broadcast %add3A_412 : i32 to vector<16xi32>
      %add3A_414 = arith.addi %add3A_358, %add3A_413 : vector<16xi32>
      %swap3A_415 = arith.constant 0 : i32
      %swap3A_416 = arith.index_cast %swap3A_415 : i32 to index
      %swap3A_417 = arith.constant 848 : index
      %swap3A_418 = tpu.vector_load %arg12[%swap3A_416, %swap3A_417] {strides = array<i32>} : memref<2x4096xi32, #tpu.memory_space<vmem>>, vector<16xi32>,
      tpu.vector_store %arg12[%swap3A_416, %swap3A_417], %add3A_414 {strides = array<i32>} : memref<2x4096xi32, #tpu.memory_space<vmem>>, vector<16xi32>,
      %add3A_419 = arith.constant 100000 : i32
      %add3A_420 = vector.broadcast %add3A_419 : i32 to vector<16xi32>
      %add3A_421 = arith.addi %add3A_365, %add3A_420 : vector<16xi32>
      %swap3A_422 = arith.constant 0 : i32
      %swap3A_423 = arith.index_cast %swap3A_422 : i32 to index
      %swap3A_424 = arith.constant 864 : index
      %swap3A_425 = tpu.vector_load %arg12[%swap3A_423, %swap3A_424] {strides = array<i32>} : memref<2x4096xi32, #tpu.memory_space<vmem>>, vector<16xi32>,
      tpu.vector_store %arg12[%swap3A_423, %swap3A_424], %add3A_421 {strides = array<i32>} : memref<2x4096xi32, #tpu.memory_space<vmem>>, vector<16xi32>,
      %add3A_426 = arith.constant 100000 : i32
      %add3A_427 = vector.broadcast %add3A_426 : i32 to vector<16xi32>
      %add3A_428 = arith.addi %add3A_372, %add3A_427 : vector<16xi32>
      %swap3A_429 = arith.constant 0 : i32
      %swap3A_430 = arith.index_cast %swap3A_429 : i32 to index
      %swap3A_431 = arith.constant 880 : index
      %swap3A_432 = tpu.vector_load %arg12[%swap3A_430, %swap3A_431] {strides = array<i32>} : memref<2x4096xi32, #tpu.memory_space<vmem>>, vector<16xi32>,
      tpu.vector_store %arg12[%swap3A_430, %swap3A_431], %add3A_428 {strides = array<i32>} : memref<2x4096xi32, #tpu.memory_space<vmem>>, vector<16xi32>,
      %add3A_433 = arith.constant 100000 : i32
      %add3A_434 = vector.broadcast %add3A_433 : i32 to vector<16xi32>
      %add3A_435 = arith.addi %add3A_379, %add3A_434 : vector<16xi32>
      %swap3A_436 = arith.constant 0 : i32
      %swap3A_437 = arith.index_cast %swap3A_436 : i32 to index
      %swap3A_438 = arith.constant 896 : index
      %swap3A_439 = tpu.vector_load %arg12[%swap3A_437, %swap3A_438] {strides = array<i32>} : memref<2x4096xi32, #tpu.memory_space<vmem>>, vector<16xi32>,
      tpu.vector_store %arg12[%swap3A_437, %swap3A_438], %add3A_435 {strides = array<i32>} : memref<2x4096xi32, #tpu.memory_space<vmem>>, vector<16xi32>,
      %add3A_440 = arith.constant 100000 : i32
      %add3A_441 = vector.broadcast %add3A_440 : i32 to vector<16xi32>
      %add3A_442 = arith.addi %add3A_386, %add3A_441 : vector<16xi32>
      %swap3A_443 = arith.constant 0 : i32
      %swap3A_444 = arith.index_cast %swap3A_443 : i32 to index
      %swap3A_445 = arith.constant 912 : index
      %swap3A_446 = tpu.vector_load %arg12[%swap3A_444, %swap3A_445] {strides = array<i32>} : memref<2x4096xi32, #tpu.memory_space<vmem>>, vector<16xi32>,
      tpu.vector_store %arg12[%swap3A_444, %swap3A_445], %add3A_442 {strides = array<i32>} : memref<2x4096xi32, #tpu.memory_space<vmem>>, vector<16xi32>,
      %add3A_447 = arith.constant 100000 : i32
      %add3A_448 = vector.broadcast %add3A_447 : i32 to vector<16xi32>
      %add3A_449 = arith.addi %add3A_393, %add3A_448 : vector<16xi32>
      %swap3A_450 = arith.constant 0 : i32
      %swap3A_451 = arith.index_cast %swap3A_450 : i32 to index
      %swap3A_452 = arith.constant 928 : index
      %swap3A_453 = tpu.vector_load %arg12[%swap3A_451, %swap3A_452] {strides = array<i32>} : memref<2x4096xi32, #tpu.memory_space<vmem>>, vector<16xi32>,
      tpu.vector_store %arg12[%swap3A_451, %swap3A_452], %add3A_449 {strides = array<i32>} : memref<2x4096xi32, #tpu.memory_space<vmem>>, vector<16xi32>,
      %add3A_454 = arith.constant 100000 : i32
      %add3A_455 = vector.broadcast %add3A_454 : i32 to vector<16xi32>
      %add3A_456 = arith.addi %add3A_400, %add3A_455 : vector<16xi32>
      %swap3A_457 = arith.constant 0 : i32
      %swap3A_458 = arith.index_cast %swap3A_457 : i32 to index
      %swap3A_459 = arith.constant 944 : index
      %swap3A_460 = tpu.vector_load %arg12[%swap3A_458, %swap3A_459] {strides = array<i32>} : memref<2x4096xi32, #tpu.memory_space<vmem>>, vector<16xi32>,
      tpu.vector_store %arg12[%swap3A_458, %swap3A_459], %add3A_456 {strides = array<i32>} : memref<2x4096xi32, #tpu.memory_space<vmem>>, vector<16xi32>,
      %add3A_461 = arith.constant 100000 : i32
      %add3A_462 = vector.broadcast %add3A_461 : i32 to vector<16xi32>
      %add3A_463 = arith.addi %add3A_407, %add3A_462 : vector<16xi32>
      %swap3A_464 = arith.constant 0 : i32
      %swap3A_465 = arith.index_cast %swap3A_464 : i32 to index
      %swap3A_466 = arith.constant 960 : index
      %swap3A_467 = tpu.vector_load %arg12[%swap3A_465, %swap3A_466] {strides = array<i32>} : memref<2x4096xi32, #tpu.memory_space<vmem>>, vector<16xi32>,
      tpu.vector_store %arg12[%swap3A_465, %swap3A_466], %add3A_463 {strides = array<i32>} : memref<2x4096xi32, #tpu.memory_space<vmem>>, vector<16xi32>,
      %add3A_468 = arith.constant 100000 : i32
      %add3A_469 = vector.broadcast %add3A_468 : i32 to vector<16xi32>
      %add3A_470 = arith.addi %add3A_414, %add3A_469 : vector<16xi32>
      %swap3A_471 = arith.constant 0 : i32
      %swap3A_472 = arith.index_cast %swap3A_471 : i32 to index
      %swap3A_473 = arith.constant 976 : index
      %swap3A_474 = tpu.vector_load %arg12[%swap3A_472, %swap3A_473] {strides = array<i32>} : memref<2x4096xi32, #tpu.memory_space<vmem>>, vector<16xi32>,
      tpu.vector_store %arg12[%swap3A_472, %swap3A_473], %add3A_470 {strides = array<i32>} : memref<2x4096xi32, #tpu.memory_space<vmem>>, vector<16xi32>,
      %add3A_475 = arith.constant 100000 : i32
      %add3A_476 = vector.broadcast %add3A_475 : i32 to vector<16xi32>
      %add3A_477 = arith.addi %add3A_421, %add3A_476 : vector<16xi32>
      %swap3A_478 = arith.constant 0 : i32
      %swap3A_479 = arith.index_cast %swap3A_478 : i32 to index
      %swap3A_480 = arith.constant 992 : index
      %swap3A_481 = tpu.vector_load %arg12[%swap3A_479, %swap3A_480] {strides = array<i32>} : memref<2x4096xi32, #tpu.memory_space<vmem>>, vector<16xi32>,
      tpu.vector_store %arg12[%swap3A_479, %swap3A_480], %add3A_477 {strides = array<i32>} : memref<2x4096xi32, #tpu.memory_space<vmem>>, vector<16xi32>,
      %add3A_482 = arith.constant 100000 : i32
      %add3A_483 = vector.broadcast %add3A_482 : i32 to vector<16xi32>
      %add3A_484 = arith.addi %add3A_428, %add3A_483 : vector<16xi32>
      %swap3A_485 = arith.constant 0 : i32
      %swap3A_486 = arith.index_cast %swap3A_485 : i32 to index
      %swap3A_487 = arith.constant 1008 : index
      %swap3A_488 = tpu.vector_load %arg12[%swap3A_486, %swap3A_487] {strides = array<i32>} : memref<2x4096xi32, #tpu.memory_space<vmem>>, vector<16xi32>,
      tpu.vector_store %arg12[%swap3A_486, %swap3A_487], %add3A_484 {strides = array<i32>} : memref<2x4096xi32, #tpu.memory_space<vmem>>, vector<16xi32>,
      %add3A_489 = arith.constant 100000 : i32
      %add3A_490 = vector.broadcast %add3A_489 : i32 to vector<16xi32>
      %add3A_491 = arith.addi %add3A_435, %add3A_490 : vector<16xi32>
      %swap3A_492 = arith.constant 0 : i32
      %swap3A_493 = arith.index_cast %swap3A_492 : i32 to index
      %swap3A_494 = arith.constant 1024 : index
      %swap3A_495 = tpu.vector_load %arg12[%swap3A_493, %swap3A_494] {strides = array<i32>} : memref<2x4096xi32, #tpu.memory_space<vmem>>, vector<16xi32>,
      tpu.vector_store %arg12[%swap3A_493, %swap3A_494], %add3A_491 {strides = array<i32>} : memref<2x4096xi32, #tpu.memory_space<vmem>>, vector<16xi32>,
      %add3A_496 = arith.constant 100000 : i32
      %add3A_497 = vector.broadcast %add3A_496 : i32 to vector<16xi32>
      %add3A_498 = arith.addi %add3A_442, %add3A_497 : vector<16xi32>
      %swap3A_499 = arith.constant 0 : i32
      %swap3A_500 = arith.index_cast %swap3A_499 : i32 to index
      %swap3A_501 = arith.constant 1040 : index
      %swap3A_502 = tpu.vector_load %arg12[%swap3A_500, %swap3A_501] {strides = array<i32>} : memref<2x4096xi32, #tpu.memory_space<vmem>>, vector<16xi32>,
      tpu.vector_store %arg12[%swap3A_500, %swap3A_501], %add3A_498 {strides = array<i32>} : memref<2x4096xi32, #tpu.memory_space<vmem>>, vector<16xi32>,
      %add3A_503 = arith.constant 100000 : i32
      %add3A_504 = vector.broadcast %add3A_503 : i32 to vector<16xi32>
      %add3A_505 = arith.addi %add3A_449, %add3A_504 : vector<16xi32>
      %swap3A_506 = arith.constant 0 : i32
      %swap3A_507 = arith.index_cast %swap3A_506 : i32 to index
      %swap3A_508 = arith.constant 1056 : index
      %swap3A_509 = tpu.vector_load %arg12[%swap3A_507, %swap3A_508] {strides = array<i32>} : memref<2x4096xi32, #tpu.memory_space<vmem>>, vector<16xi32>,
      tpu.vector_store %arg12[%swap3A_507, %swap3A_508], %add3A_505 {strides = array<i32>} : memref<2x4096xi32, #tpu.memory_space<vmem>>, vector<16xi32>,
      %add3A_510 = arith.constant 100000 : i32
      %add3A_511 = vector.broadcast %add3A_510 : i32 to vector<16xi32>
      %add3A_512 = arith.addi %add3A_456, %add3A_511 : vector<16xi32>
      %swap3A_513 = arith.constant 0 : i32
      %swap3A_514 = arith.index_cast %swap3A_513 : i32 to index
      %swap3A_515 = arith.constant 1072 : index
      %swap3A_516 = tpu.vector_load %arg12[%swap3A_514, %swap3A_515] {strides = array<i32>} : memref<2x4096xi32, #tpu.memory_space<vmem>>, vector<16xi32>,
      tpu.vector_store %arg12[%swap3A_514, %swap3A_515], %add3A_512 {strides = array<i32>} : memref<2x4096xi32, #tpu.memory_space<vmem>>, vector<16xi32>,
      %add3A_517 = arith.constant 100000 : i32
      %add3A_518 = vector.broadcast %add3A_517 : i32 to vector<16xi32>
      %add3A_519 = arith.addi %add3A_463, %add3A_518 : vector<16xi32>
      %swap3A_520 = arith.constant 0 : i32
      %swap3A_521 = arith.index_cast %swap3A_520 : i32 to index
      %swap3A_522 = arith.constant 1088 : index
      %swap3A_523 = tpu.vector_load %arg12[%swap3A_521, %swap3A_522] {strides = array<i32>} : memref<2x4096xi32, #tpu.memory_space<vmem>>, vector<16xi32>,
      tpu.vector_store %arg12[%swap3A_521, %swap3A_522], %add3A_519 {strides = array<i32>} : memref<2x4096xi32, #tpu.memory_space<vmem>>, vector<16xi32>,
      %add3A_524 = arith.constant 100000 : i32
      %add3A_525 = vector.broadcast %add3A_524 : i32 to vector<16xi32>
      %add3A_526 = arith.addi %add3A_470, %add3A_525 : vector<16xi32>
      %swap3A_527 = arith.constant 0 : i32
      %swap3A_528 = arith.index_cast %swap3A_527 : i32 to index
      %swap3A_529 = arith.constant 1104 : index
      %swap3A_530 = tpu.vector_load %arg12[%swap3A_528, %swap3A_529] {strides = array<i32>} : memref<2x4096xi32, #tpu.memory_space<vmem>>, vector<16xi32>,
      tpu.vector_store %arg12[%swap3A_528, %swap3A_529], %add3A_526 {strides = array<i32>} : memref<2x4096xi32, #tpu.memory_space<vmem>>, vector<16xi32>,
      %add3A_531 = arith.constant 100000 : i32
      %add3A_532 = vector.broadcast %add3A_531 : i32 to vector<16xi32>
      %add3A_533 = arith.addi %add3A_477, %add3A_532 : vector<16xi32>
      %swap3A_534 = arith.constant 0 : i32
      %swap3A_535 = arith.index_cast %swap3A_534 : i32 to index
      %swap3A_536 = arith.constant 1120 : index
      %swap3A_537 = tpu.vector_load %arg12[%swap3A_535, %swap3A_536] {strides = array<i32>} : memref<2x4096xi32, #tpu.memory_space<vmem>>, vector<16xi32>,
      tpu.vector_store %arg12[%swap3A_535, %swap3A_536], %add3A_533 {strides = array<i32>} : memref<2x4096xi32, #tpu.memory_space<vmem>>, vector<16xi32>,
      %add3A_538 = arith.constant 100000 : i32
      %add3A_539 = vector.broadcast %add3A_538 : i32 to vector<16xi32>
      %add3A_540 = arith.addi %add3A_484, %add3A_539 : vector<16xi32>
      %swap3A_541 = arith.constant 0 : i32
      %swap3A_542 = arith.index_cast %swap3A_541 : i32 to index
      %swap3A_543 = arith.constant 1136 : index
      %swap3A_544 = tpu.vector_load %arg12[%swap3A_542, %swap3A_543] {strides = array<i32>} : memref<2x4096xi32, #tpu.memory_space<vmem>>, vector<16xi32>,
      tpu.vector_store %arg12[%swap3A_542, %swap3A_543], %add3A_540 {strides = array<i32>} : memref<2x4096xi32, #tpu.memory_space<vmem>>, vector<16xi32>,
      %add3A_545 = arith.constant 100000 : i32
      %add3A_546 = vector.broadcast %add3A_545 : i32 to vector<16xi32>
      %add3A_547 = arith.addi %add3A_491, %add3A_546 : vector<16xi32>
      %swap3A_548 = arith.constant 0 : i32
      %swap3A_549 = arith.index_cast %swap3A_548 : i32 to index
      %swap3A_550 = arith.constant 1152 : index
      %swap3A_551 = tpu.vector_load %arg12[%swap3A_549, %swap3A_550] {strides = array<i32>} : memref<2x4096xi32, #tpu.memory_space<vmem>>, vector<16xi32>,
      tpu.vector_store %arg12[%swap3A_549, %swap3A_550], %add3A_547 {strides = array<i32>} : memref<2x4096xi32, #tpu.memory_space<vmem>>, vector<16xi32>,
      %add3A_552 = arith.constant 100000 : i32
      %add3A_553 = vector.broadcast %add3A_552 : i32 to vector<16xi32>
      %add3A_554 = arith.addi %add3A_498, %add3A_553 : vector<16xi32>
      %swap3A_555 = arith.constant 0 : i32
      %swap3A_556 = arith.index_cast %swap3A_555 : i32 to index
      %swap3A_557 = arith.constant 1168 : index
      %swap3A_558 = tpu.vector_load %arg12[%swap3A_556, %swap3A_557] {strides = array<i32>} : memref<2x4096xi32, #tpu.memory_space<vmem>>, vector<16xi32>,
      tpu.vector_store %arg12[%swap3A_556, %swap3A_557], %add3A_554 {strides = array<i32>} : memref<2x4096xi32, #tpu.memory_space<vmem>>, vector<16xi32>,
      %add3A_559 = arith.constant 100000 : i32
      %add3A_560 = vector.broadcast %add3A_559 : i32 to vector<16xi32>
      %add3A_561 = arith.addi %add3A_505, %add3A_560 : vector<16xi32>
      %swap3A_562 = arith.constant 0 : i32
      %swap3A_563 = arith.index_cast %swap3A_562 : i32 to index
      %swap3A_564 = arith.constant 1184 : index
      %swap3A_565 = tpu.vector_load %arg12[%swap3A_563, %swap3A_564] {strides = array<i32>} : memref<2x4096xi32, #tpu.memory_space<vmem>>, vector<16xi32>,
      tpu.vector_store %arg12[%swap3A_563, %swap3A_564], %add3A_561 {strides = array<i32>} : memref<2x4096xi32, #tpu.memory_space<vmem>>, vector<16xi32>,
      %add3A_566 = arith.constant 100000 : i32
      %add3A_567 = vector.broadcast %add3A_566 : i32 to vector<16xi32>
      %add3A_568 = arith.addi %add3A_512, %add3A_567 : vector<16xi32>
      %swap3A_569 = arith.constant 0 : i32
      %swap3A_570 = arith.index_cast %swap3A_569 : i32 to index
      %swap3A_571 = arith.constant 1200 : index
      %swap3A_572 = tpu.vector_load %arg12[%swap3A_570, %swap3A_571] {strides = array<i32>} : memref<2x4096xi32, #tpu.memory_space<vmem>>, vector<16xi32>,
      tpu.vector_store %arg12[%swap3A_570, %swap3A_571], %add3A_568 {strides = array<i32>} : memref<2x4096xi32, #tpu.memory_space<vmem>>, vector<16xi32>,
      %add3A_573 = arith.constant 100000 : i32
      %add3A_574 = vector.broadcast %add3A_573 : i32 to vector<16xi32>
      %add3A_575 = arith.addi %add3A_519, %add3A_574 : vector<16xi32>
      %swap3A_576 = arith.constant 0 : i32
      %swap3A_577 = arith.index_cast %swap3A_576 : i32 to index
      %swap3A_578 = arith.constant 1216 : index
      %swap3A_579 = tpu.vector_load %arg12[%swap3A_577, %swap3A_578] {strides = array<i32>} : memref<2x4096xi32, #tpu.memory_space<vmem>>, vector<16xi32>,
      tpu.vector_store %arg12[%swap3A_577, %swap3A_578], %add3A_575 {strides = array<i32>} : memref<2x4096xi32, #tpu.memory_space<vmem>>, vector<16xi32>,
      %add3A_580 = arith.constant 100000 : i32
      %add3A_581 = vector.broadcast %add3A_580 : i32 to vector<16xi32>
      %add3A_582 = arith.addi %add3A_526, %add3A_581 : vector<16xi32>
      %swap3A_583 = arith.constant 0 : i32
      %swap3A_584 = arith.index_cast %swap3A_583 : i32 to index
      %swap3A_585 = arith.constant 1232 : index
      %swap3A_586 = tpu.vector_load %arg12[%swap3A_584, %swap3A_585] {strides = array<i32>} : memref<2x4096xi32, #tpu.memory_space<vmem>>, vector<16xi32>,
      tpu.vector_store %arg12[%swap3A_584, %swap3A_585], %add3A_582 {strides = array<i32>} : memref<2x4096xi32, #tpu.memory_space<vmem>>, vector<16xi32>,
      %add3A_587 = arith.constant 100000 : i32
      %add3A_588 = vector.broadcast %add3A_587 : i32 to vector<16xi32>
      %add3A_589 = arith.addi %add3A_533, %add3A_588 : vector<16xi32>
      %swap3A_590 = arith.constant 0 : i32
      %swap3A_591 = arith.index_cast %swap3A_590 : i32 to index
      %swap3A_592 = arith.constant 1248 : index
      %swap3A_593 = tpu.vector_load %arg12[%swap3A_591, %swap3A_592] {strides = array<i32>} : memref<2x4096xi32, #tpu.memory_space<vmem>>, vector<16xi32>,
      tpu.vector_store %arg12[%swap3A_591, %swap3A_592], %add3A_589 {strides = array<i32>} : memref<2x4096xi32, #tpu.memory_space<vmem>>, vector<16xi32>,
      %add3A_594 = arith.constant 100000 : i32
      %add3A_595 = vector.broadcast %add3A_594 : i32 to vector<16xi32>
      %add3A_596 = arith.addi %add3A_540, %add3A_595 : vector<16xi32>
      %swap3A_597 = arith.constant 0 : i32
      %swap3A_598 = arith.index_cast %swap3A_597 : i32 to index
      %swap3A_599 = arith.constant 1264 : index
      %swap3A_600 = tpu.vector_load %arg12[%swap3A_598, %swap3A_599] {strides = array<i32>} : memref<2x4096xi32, #tpu.memory_space<vmem>>, vector<16xi32>,
      tpu.vector_store %arg12[%swap3A_598, %swap3A_599], %add3A_596 {strides = array<i32>} : memref<2x4096xi32, #tpu.memory_space<vmem>>, vector<16xi32>,
      %add3A_601 = arith.constant 100000 : i32
      %add3A_602 = vector.broadcast %add3A_601 : i32 to vector<16xi32>
      %add3A_603 = arith.addi %add3A_547, %add3A_602 : vector<16xi32>
      %swap3A_604 = arith.constant 0 : i32
      %swap3A_605 = arith.index_cast %swap3A_604 : i32 to index
      %swap3A_606 = arith.constant 1280 : index
      %swap3A_607 = tpu.vector_load %arg12[%swap3A_605, %swap3A_606] {strides = array<i32>} : memref<2x4096xi32, #tpu.memory_space<vmem>>, vector<16xi32>,
      tpu.vector_store %arg12[%swap3A_605, %swap3A_606], %add3A_603 {strides = array<i32>} : memref<2x4096xi32, #tpu.memory_space<vmem>>, vector<16xi32>,
      %add3A_608 = arith.constant 100000 : i32
      %add3A_609 = vector.broadcast %add3A_608 : i32 to vector<16xi32>
      %add3A_610 = arith.addi %add3A_554, %add3A_609 : vector<16xi32>
      %swap3A_611 = arith.constant 0 : i32
      %swap3A_612 = arith.index_cast %swap3A_611 : i32 to index
      %swap3A_613 = arith.constant 1296 : index
      %swap3A_614 = tpu.vector_load %arg12[%swap3A_612, %swap3A_613] {strides = array<i32>} : memref<2x4096xi32, #tpu.memory_space<vmem>>, vector<16xi32>,
      tpu.vector_store %arg12[%swap3A_612, %swap3A_613], %add3A_610 {strides = array<i32>} : memref<2x4096xi32, #tpu.memory_space<vmem>>, vector<16xi32>,
      %add3A_615 = arith.constant 100000 : i32
      %add3A_616 = vector.broadcast %add3A_615 : i32 to vector<16xi32>
      %add3A_617 = arith.addi %add3A_561, %add3A_616 : vector<16xi32>
      %swap3A_618 = arith.constant 0 : i32
      %swap3A_619 = arith.index_cast %swap3A_618 : i32 to index
      %swap3A_620 = arith.constant 1312 : index
      %swap3A_621 = tpu.vector_load %arg12[%swap3A_619, %swap3A_620] {strides = array<i32>} : memref<2x4096xi32, #tpu.memory_space<vmem>>, vector<16xi32>,
      tpu.vector_store %arg12[%swap3A_619, %swap3A_620], %add3A_617 {strides = array<i32>} : memref<2x4096xi32, #tpu.memory_space<vmem>>, vector<16xi32>,
      %add3A_622 = arith.constant 100000 : i32
      %add3A_623 = vector.broadcast %add3A_622 : i32 to vector<16xi32>
      %add3A_624 = arith.addi %add3A_568, %add3A_623 : vector<16xi32>
      %swap3A_625 = arith.constant 0 : i32
      %swap3A_626 = arith.index_cast %swap3A_625 : i32 to index
      %swap3A_627 = arith.constant 1328 : index
      %swap3A_628 = tpu.vector_load %arg12[%swap3A_626, %swap3A_627] {strides = array<i32>} : memref<2x4096xi32, #tpu.memory_space<vmem>>, vector<16xi32>,
      tpu.vector_store %arg12[%swap3A_626, %swap3A_627], %add3A_624 {strides = array<i32>} : memref<2x4096xi32, #tpu.memory_space<vmem>>, vector<16xi32>,
      %add3A_629 = arith.constant 100000 : i32
      %add3A_630 = vector.broadcast %add3A_629 : i32 to vector<16xi32>
      %add3A_631 = arith.addi %add3A_575, %add3A_630 : vector<16xi32>
      %swap3A_632 = arith.constant 0 : i32
      %swap3A_633 = arith.index_cast %swap3A_632 : i32 to index
      %swap3A_634 = arith.constant 1344 : index
      %swap3A_635 = tpu.vector_load %arg12[%swap3A_633, %swap3A_634] {strides = array<i32>} : memref<2x4096xi32, #tpu.memory_space<vmem>>, vector<16xi32>,
      tpu.vector_store %arg12[%swap3A_633, %swap3A_634], %add3A_631 {strides = array<i32>} : memref<2x4096xi32, #tpu.memory_space<vmem>>, vector<16xi32>,
      %add3A_636 = arith.constant 100000 : i32
      %add3A_637 = vector.broadcast %add3A_636 : i32 to vector<16xi32>
      %add3A_638 = arith.addi %add3A_582, %add3A_637 : vector<16xi32>
      %swap3A_639 = arith.constant 0 : i32
      %swap3A_640 = arith.index_cast %swap3A_639 : i32 to index
      %swap3A_641 = arith.constant 1360 : index
      %swap3A_642 = tpu.vector_load %arg12[%swap3A_640, %swap3A_641] {strides = array<i32>} : memref<2x4096xi32, #tpu.memory_space<vmem>>, vector<16xi32>,
      tpu.vector_store %arg12[%swap3A_640, %swap3A_641], %add3A_638 {strides = array<i32>} : memref<2x4096xi32, #tpu.memory_space<vmem>>, vector<16xi32>,
      %add3A_643 = arith.constant 100000 : i32
      %add3A_644 = vector.broadcast %add3A_643 : i32 to vector<16xi32>
      %add3A_645 = arith.addi %add3A_589, %add3A_644 : vector<16xi32>
      %swap3A_646 = arith.constant 0 : i32
      %swap3A_647 = arith.index_cast %swap3A_646 : i32 to index
      %swap3A_648 = arith.constant 1376 : index
      %swap3A_649 = tpu.vector_load %arg12[%swap3A_647, %swap3A_648] {strides = array<i32>} : memref<2x4096xi32, #tpu.memory_space<vmem>>, vector<16xi32>,
      tpu.vector_store %arg12[%swap3A_647, %swap3A_648], %add3A_645 {strides = array<i32>} : memref<2x4096xi32, #tpu.memory_space<vmem>>, vector<16xi32>,
      %add3A_650 = arith.constant 100000 : i32
      %add3A_651 = vector.broadcast %add3A_650 : i32 to vector<16xi32>
      %add3A_652 = arith.addi %add3A_596, %add3A_651 : vector<16xi32>
      %swap3A_653 = arith.constant 0 : i32
      %swap3A_654 = arith.index_cast %swap3A_653 : i32 to index
      %swap3A_655 = arith.constant 1392 : index
      %swap3A_656 = tpu.vector_load %arg12[%swap3A_654, %swap3A_655] {strides = array<i32>} : memref<2x4096xi32, #tpu.memory_space<vmem>>, vector<16xi32>,
      tpu.vector_store %arg12[%swap3A_654, %swap3A_655], %add3A_652 {strides = array<i32>} : memref<2x4096xi32, #tpu.memory_space<vmem>>, vector<16xi32>,
      %add3A_657 = arith.constant 100000 : i32
      %add3A_658 = vector.broadcast %add3A_657 : i32 to vector<16xi32>
      %add3A_659 = arith.addi %add3A_603, %add3A_658 : vector<16xi32>
      %swap3A_660 = arith.constant 0 : i32
      %swap3A_661 = arith.index_cast %swap3A_660 : i32 to index
      %swap3A_662 = arith.constant 1408 : index
      %swap3A_663 = tpu.vector_load %arg12[%swap3A_661, %swap3A_662] {strides = array<i32>} : memref<2x4096xi32, #tpu.memory_space<vmem>>, vector<16xi32>,
      tpu.vector_store %arg12[%swap3A_661, %swap3A_662], %add3A_659 {strides = array<i32>} : memref<2x4096xi32, #tpu.memory_space<vmem>>, vector<16xi32>,
      %add3A_664 = arith.constant 100000 : i32
      %add3A_665 = vector.broadcast %add3A_664 : i32 to vector<16xi32>
      %add3A_666 = arith.addi %add3A_610, %add3A_665 : vector<16xi32>
      %swap3A_667 = arith.constant 0 : i32
      %swap3A_668 = arith.index_cast %swap3A_667 : i32 to index
      %swap3A_669 = arith.constant 1424 : index
      %swap3A_670 = tpu.vector_load %arg12[%swap3A_668, %swap3A_669] {strides = array<i32>} : memref<2x4096xi32, #tpu.memory_space<vmem>>, vector<16xi32>,
      tpu.vector_store %arg12[%swap3A_668, %swap3A_669], %add3A_666 {strides = array<i32>} : memref<2x4096xi32, #tpu.memory_space<vmem>>, vector<16xi32>,
      %add3A_671 = arith.constant 100000 : i32
      %add3A_672 = vector.broadcast %add3A_671 : i32 to vector<16xi32>
      %add3A_673 = arith.addi %add3A_617, %add3A_672 : vector<16xi32>
      %swap3A_674 = arith.constant 0 : i32
      %swap3A_675 = arith.index_cast %swap3A_674 : i32 to index
      %swap3A_676 = arith.constant 1440 : index
      %swap3A_677 = tpu.vector_load %arg12[%swap3A_675, %swap3A_676] {strides = array<i32>} : memref<2x4096xi32, #tpu.memory_space<vmem>>, vector<16xi32>,
      tpu.vector_store %arg12[%swap3A_675, %swap3A_676], %add3A_673 {strides = array<i32>} : memref<2x4096xi32, #tpu.memory_space<vmem>>, vector<16xi32>,
      %add3A_678 = arith.constant 100000 : i32
      %add3A_679 = vector.broadcast %add3A_678 : i32 to vector<16xi32>
      %add3A_680 = arith.addi %add3A_624, %add3A_679 : vector<16xi32>
      %swap3A_681 = arith.constant 0 : i32
      %swap3A_682 = arith.index_cast %swap3A_681 : i32 to index
      %swap3A_683 = arith.constant 1456 : index
      %swap3A_684 = tpu.vector_load %arg12[%swap3A_682, %swap3A_683] {strides = array<i32>} : memref<2x4096xi32, #tpu.memory_space<vmem>>, vector<16xi32>,
      tpu.vector_store %arg12[%swap3A_682, %swap3A_683], %add3A_680 {strides = array<i32>} : memref<2x4096xi32, #tpu.memory_space<vmem>>, vector<16xi32>,
      %add3A_685 = arith.constant 100000 : i32
      %add3A_686 = vector.broadcast %add3A_685 : i32 to vector<16xi32>
      %add3A_687 = arith.addi %add3A_631, %add3A_686 : vector<16xi32>
      %swap3A_688 = arith.constant 0 : i32
      %swap3A_689 = arith.index_cast %swap3A_688 : i32 to index
      %swap3A_690 = arith.constant 1472 : index
      %swap3A_691 = tpu.vector_load %arg12[%swap3A_689, %swap3A_690] {strides = array<i32>} : memref<2x4096xi32, #tpu.memory_space<vmem>>, vector<16xi32>,
      tpu.vector_store %arg12[%swap3A_689, %swap3A_690], %add3A_687 {strides = array<i32>} : memref<2x4096xi32, #tpu.memory_space<vmem>>, vector<16xi32>,
      %add3A_692 = arith.constant 100000 : i32
      %add3A_693 = vector.broadcast %add3A_692 : i32 to vector<16xi32>
      %add3A_694 = arith.addi %add3A_638, %add3A_693 : vector<16xi32>
      %swap3A_695 = arith.constant 0 : i32
      %swap3A_696 = arith.index_cast %swap3A_695 : i32 to index
      %swap3A_697 = arith.constant 1488 : index
      %swap3A_698 = tpu.vector_load %arg12[%swap3A_696, %swap3A_697] {strides = array<i32>} : memref<2x4096xi32, #tpu.memory_space<vmem>>, vector<16xi32>,
      tpu.vector_store %arg12[%swap3A_696, %swap3A_697], %add3A_694 {strides = array<i32>} : memref<2x4096xi32, #tpu.memory_space<vmem>>, vector<16xi32>,
      %add3A_699 = arith.constant 100000 : i32
      %add3A_700 = vector.broadcast %add3A_699 : i32 to vector<16xi32>
      %add3A_701 = arith.addi %add3A_645, %add3A_700 : vector<16xi32>
      %swap3A_702 = arith.constant 0 : i32
      %swap3A_703 = arith.index_cast %swap3A_702 : i32 to index
      %swap3A_704 = arith.constant 1504 : index
      %swap3A_705 = tpu.vector_load %arg12[%swap3A_703, %swap3A_704] {strides = array<i32>} : memref<2x4096xi32, #tpu.memory_space<vmem>>, vector<16xi32>,
      tpu.vector_store %arg12[%swap3A_703, %swap3A_704], %add3A_701 {strides = array<i32>} : memref<2x4096xi32, #tpu.memory_space<vmem>>, vector<16xi32>,
      %add3A_706 = arith.constant 100000 : i32
      %add3A_707 = vector.broadcast %add3A_706 : i32 to vector<16xi32>
      %add3A_708 = arith.addi %add3A_652, %add3A_707 : vector<16xi32>
      %swap3A_709 = arith.constant 0 : i32
      %swap3A_710 = arith.index_cast %swap3A_709 : i32 to index
      %swap3A_711 = arith.constant 1520 : index
      %swap3A_712 = tpu.vector_load %arg12[%swap3A_710, %swap3A_711] {strides = array<i32>} : memref<2x4096xi32, #tpu.memory_space<vmem>>, vector<16xi32>,
      tpu.vector_store %arg12[%swap3A_710, %swap3A_711], %add3A_708 {strides = array<i32>} : memref<2x4096xi32, #tpu.memory_space<vmem>>, vector<16xi32>,
      %add3A_713 = arith.constant 100000 : i32
      %add3A_714 = vector.broadcast %add3A_713 : i32 to vector<16xi32>
      %add3A_715 = arith.addi %add3A_659, %add3A_714 : vector<16xi32>
      %swap3A_716 = arith.constant 0 : i32
      %swap3A_717 = arith.index_cast %swap3A_716 : i32 to index
      %swap3A_718 = arith.constant 1536 : index
      %swap3A_719 = tpu.vector_load %arg12[%swap3A_717, %swap3A_718] {strides = array<i32>} : memref<2x4096xi32, #tpu.memory_space<vmem>>, vector<16xi32>,
      tpu.vector_store %arg12[%swap3A_717, %swap3A_718], %add3A_715 {strides = array<i32>} : memref<2x4096xi32, #tpu.memory_space<vmem>>, vector<16xi32>,
      %add3A_720 = arith.constant 100000 : i32
      %add3A_721 = vector.broadcast %add3A_720 : i32 to vector<16xi32>
      %add3A_722 = arith.addi %add3A_666, %add3A_721 : vector<16xi32>
      %swap3A_723 = arith.constant 0 : i32
      %swap3A_724 = arith.index_cast %swap3A_723 : i32 to index
      %swap3A_725 = arith.constant 1552 : index
      %swap3A_726 = tpu.vector_load %arg12[%swap3A_724, %swap3A_725] {strides = array<i32>} : memref<2x4096xi32, #tpu.memory_space<vmem>>, vector<16xi32>,
      tpu.vector_store %arg12[%swap3A_724, %swap3A_725], %add3A_722 {strides = array<i32>} : memref<2x4096xi32, #tpu.memory_space<vmem>>, vector<16xi32>,
      %add3A_727 = arith.constant 100000 : i32
      %add3A_728 = vector.broadcast %add3A_727 : i32 to vector<16xi32>
      %add3A_729 = arith.addi %add3A_673, %add3A_728 : vector<16xi32>
      %swap3A_730 = arith.constant 0 : i32
      %swap3A_731 = arith.index_cast %swap3A_730 : i32 to index
      %swap3A_732 = arith.constant 1568 : index
      %swap3A_733 = tpu.vector_load %arg12[%swap3A_731, %swap3A_732] {strides = array<i32>} : memref<2x4096xi32, #tpu.memory_space<vmem>>, vector<16xi32>,
      tpu.vector_store %arg12[%swap3A_731, %swap3A_732], %add3A_729 {strides = array<i32>} : memref<2x4096xi32, #tpu.memory_space<vmem>>, vector<16xi32>,
      %add3A_734 = arith.constant 100000 : i32
      %add3A_735 = vector.broadcast %add3A_734 : i32 to vector<16xi32>
      %add3A_736 = arith.addi %add3A_680, %add3A_735 : vector<16xi32>
      %swap3A_737 = arith.constant 0 : i32
      %swap3A_738 = arith.index_cast %swap3A_737 : i32 to index
      %swap3A_739 = arith.constant 1584 : index
      %swap3A_740 = tpu.vector_load %arg12[%swap3A_738, %swap3A_739] {strides = array<i32>} : memref<2x4096xi32, #tpu.memory_space<vmem>>, vector<16xi32>,
      tpu.vector_store %arg12[%swap3A_738, %swap3A_739], %add3A_736 {strides = array<i32>} : memref<2x4096xi32, #tpu.memory_space<vmem>>, vector<16xi32>,
      %add3A_741 = arith.constant 100000 : i32
      %add3A_742 = vector.broadcast %add3A_741 : i32 to vector<16xi32>
      %add3A_743 = arith.addi %add3A_687, %add3A_742 : vector<16xi32>
      %swap3A_744 = arith.constant 0 : i32
      %swap3A_745 = arith.index_cast %swap3A_744 : i32 to index
      %swap3A_746 = arith.constant 1600 : index
      %swap3A_747 = tpu.vector_load %arg12[%swap3A_745, %swap3A_746] {strides = array<i32>} : memref<2x4096xi32, #tpu.memory_space<vmem>>, vector<16xi32>,
      tpu.vector_store %arg12[%swap3A_745, %swap3A_746], %add3A_743 {strides = array<i32>} : memref<2x4096xi32, #tpu.memory_space<vmem>>, vector<16xi32>,
      %add3A_748 = arith.constant 100000 : i32
      %add3A_749 = vector.broadcast %add3A_748 : i32 to vector<16xi32>
      %add3A_750 = arith.addi %add3A_694, %add3A_749 : vector<16xi32>
      %swap3A_751 = arith.constant 0 : i32
      %swap3A_752 = arith.index_cast %swap3A_751 : i32 to index
      %swap3A_753 = arith.constant 1616 : index
      %swap3A_754 = tpu.vector_load %arg12[%swap3A_752, %swap3A_753] {strides = array<i32>} : memref<2x4096xi32, #tpu.memory_space<vmem>>, vector<16xi32>,
      tpu.vector_store %arg12[%swap3A_752, %swap3A_753], %add3A_750 {strides = array<i32>} : memref<2x4096xi32, #tpu.memory_space<vmem>>, vector<16xi32>,
      %add3A_755 = arith.constant 100000 : i32
      %add3A_756 = vector.broadcast %add3A_755 : i32 to vector<16xi32>
      %add3A_757 = arith.addi %add3A_701, %add3A_756 : vector<16xi32>
      %swap3A_758 = arith.constant 0 : i32
      %swap3A_759 = arith.index_cast %swap3A_758 : i32 to index
      %swap3A_760 = arith.constant 1632 : index
      %swap3A_761 = tpu.vector_load %arg12[%swap3A_759, %swap3A_760] {strides = array<i32>} : memref<2x4096xi32, #tpu.memory_space<vmem>>, vector<16xi32>,
      tpu.vector_store %arg12[%swap3A_759, %swap3A_760], %add3A_757 {strides = array<i32>} : memref<2x4096xi32, #tpu.memory_space<vmem>>, vector<16xi32>,
      %add3A_762 = arith.constant 100000 : i32
      %add3A_763 = vector.broadcast %add3A_762 : i32 to vector<16xi32>
      %add3A_764 = arith.addi %add3A_708, %add3A_763 : vector<16xi32>
      %swap3A_765 = arith.constant 0 : i32
      %swap3A_766 = arith.index_cast %swap3A_765 : i32 to index
      %swap3A_767 = arith.constant 1648 : index
      %swap3A_768 = tpu.vector_load %arg12[%swap3A_766, %swap3A_767] {strides = array<i32>} : memref<2x4096xi32, #tpu.memory_space<vmem>>, vector<16xi32>,
      tpu.vector_store %arg12[%swap3A_766, %swap3A_767], %add3A_764 {strides = array<i32>} : memref<2x4096xi32, #tpu.memory_space<vmem>>, vector<16xi32>,
      %add3A_769 = arith.constant 100000 : i32
      %add3A_770 = vector.broadcast %add3A_769 : i32 to vector<16xi32>
      %add3A_771 = arith.addi %add3A_715, %add3A_770 : vector<16xi32>
      %swap3A_772 = arith.constant 0 : i32
      %swap3A_773 = arith.index_cast %swap3A_772 : i32 to index
      %swap3A_774 = arith.constant 1664 : index
      %swap3A_775 = tpu.vector_load %arg12[%swap3A_773, %swap3A_774] {strides = array<i32>} : memref<2x4096xi32, #tpu.memory_space<vmem>>, vector<16xi32>,
      tpu.vector_store %arg12[%swap3A_773, %swap3A_774], %add3A_771 {strides = array<i32>} : memref<2x4096xi32, #tpu.memory_space<vmem>>, vector<16xi32>,
      %add3A_776 = arith.constant 100000 : i32
      %add3A_777 = vector.broadcast %add3A_776 : i32 to vector<16xi32>
      %add3A_778 = arith.addi %add3A_722, %add3A_777 : vector<16xi32>
      %swap3A_779 = arith.constant 0 : i32
      %swap3A_780 = arith.index_cast %swap3A_779 : i32 to index
      %swap3A_781 = arith.constant 1680 : index
      %swap3A_782 = tpu.vector_load %arg12[%swap3A_780, %swap3A_781] {strides = array<i32>} : memref<2x4096xi32, #tpu.memory_space<vmem>>, vector<16xi32>,
      tpu.vector_store %arg12[%swap3A_780, %swap3A_781], %add3A_778 {strides = array<i32>} : memref<2x4096xi32, #tpu.memory_space<vmem>>, vector<16xi32>,
      %add3A_783 = arith.constant 100000 : i32
      %add3A_784 = vector.broadcast %add3A_783 : i32 to vector<16xi32>
      %add3A_785 = arith.addi %add3A_729, %add3A_784 : vector<16xi32>
      %swap3A_786 = arith.constant 0 : i32
      %swap3A_787 = arith.index_cast %swap3A_786 : i32 to index
      %swap3A_788 = arith.constant 1696 : index
      %swap3A_789 = tpu.vector_load %arg12[%swap3A_787, %swap3A_788] {strides = array<i32>} : memref<2x4096xi32, #tpu.memory_space<vmem>>, vector<16xi32>,
      tpu.vector_store %arg12[%swap3A_787, %swap3A_788], %add3A_785 {strides = array<i32>} : memref<2x4096xi32, #tpu.memory_space<vmem>>, vector<16xi32>,
      %add3A_790 = arith.constant 100000 : i32
      %add3A_791 = vector.broadcast %add3A_790 : i32 to vector<16xi32>
      %add3A_792 = arith.addi %add3A_736, %add3A_791 : vector<16xi32>
      %swap3A_793 = arith.constant 0 : i32
      %swap3A_794 = arith.index_cast %swap3A_793 : i32 to index
      %swap3A_795 = arith.constant 1712 : index
      %swap3A_796 = tpu.vector_load %arg12[%swap3A_794, %swap3A_795] {strides = array<i32>} : memref<2x4096xi32, #tpu.memory_space<vmem>>, vector<16xi32>,
      tpu.vector_store %arg12[%swap3A_794, %swap3A_795], %add3A_792 {strides = array<i32>} : memref<2x4096xi32, #tpu.memory_space<vmem>>, vector<16xi32>,
      %add3A_797 = arith.constant 100000 : i32
      %add3A_798 = vector.broadcast %add3A_797 : i32 to vector<16xi32>
      %add3A_799 = arith.addi %add3A_743, %add3A_798 : vector<16xi32>
      %swap3A_800 = arith.constant 0 : i32
      %swap3A_801 = arith.index_cast %swap3A_800 : i32 to index
      %swap3A_802 = arith.constant 1728 : index
      %swap3A_803 = tpu.vector_load %arg12[%swap3A_801, %swap3A_802] {strides = array<i32>} : memref<2x4096xi32, #tpu.memory_space<vmem>>, vector<16xi32>,
      tpu.vector_store %arg12[%swap3A_801, %swap3A_802], %add3A_799 {strides = array<i32>} : memref<2x4096xi32, #tpu.memory_space<vmem>>, vector<16xi32>,
      %add3A_804 = arith.constant 100000 : i32
      %add3A_805 = vector.broadcast %add3A_804 : i32 to vector<16xi32>
      %add3A_806 = arith.addi %add3A_750, %add3A_805 : vector<16xi32>
      %swap3A_807 = arith.constant 0 : i32
      %swap3A_808 = arith.index_cast %swap3A_807 : i32 to index
      %swap3A_809 = arith.constant 1744 : index
      %swap3A_810 = tpu.vector_load %arg12[%swap3A_808, %swap3A_809] {strides = array<i32>} : memref<2x4096xi32, #tpu.memory_space<vmem>>, vector<16xi32>,
      tpu.vector_store %arg12[%swap3A_808, %swap3A_809], %add3A_806 {strides = array<i32>} : memref<2x4096xi32, #tpu.memory_space<vmem>>, vector<16xi32>,
      %add3A_811 = arith.constant 100000 : i32
      %add3A_812 = vector.broadcast %add3A_811 : i32 to vector<16xi32>
      %add3A_813 = arith.addi %add3A_757, %add3A_812 : vector<16xi32>
      %swap3A_814 = arith.constant 0 : i32
      %swap3A_815 = arith.index_cast %swap3A_814 : i32 to index
      %swap3A_816 = arith.constant 1760 : index
      %swap3A_817 = tpu.vector_load %arg12[%swap3A_815, %swap3A_816] {strides = array<i32>} : memref<2x4096xi32, #tpu.memory_space<vmem>>, vector<16xi32>,
      tpu.vector_store %arg12[%swap3A_815, %swap3A_816], %add3A_813 {strides = array<i32>} : memref<2x4096xi32, #tpu.memory_space<vmem>>, vector<16xi32>,
      %add3A_818 = arith.constant 100000 : i32
      %add3A_819 = vector.broadcast %add3A_818 : i32 to vector<16xi32>
      %add3A_820 = arith.addi %add3A_764, %add3A_819 : vector<16xi32>
      %swap3A_821 = arith.constant 0 : i32
      %swap3A_822 = arith.index_cast %swap3A_821 : i32 to index
      %swap3A_823 = arith.constant 1776 : index
      %swap3A_824 = tpu.vector_load %arg12[%swap3A_822, %swap3A_823] {strides = array<i32>} : memref<2x4096xi32, #tpu.memory_space<vmem>>, vector<16xi32>,
      tpu.vector_store %arg12[%swap3A_822, %swap3A_823], %add3A_820 {strides = array<i32>} : memref<2x4096xi32, #tpu.memory_space<vmem>>, vector<16xi32>,
      %add3A_825 = arith.constant 100000 : i32
      %add3A_826 = vector.broadcast %add3A_825 : i32 to vector<16xi32>
      %add3A_827 = arith.addi %add3A_771, %add3A_826 : vector<16xi32>
      %swap3A_828 = arith.constant 0 : i32
      %swap3A_829 = arith.index_cast %swap3A_828 : i32 to index
      %swap3A_830 = arith.constant 1792 : index
      %swap3A_831 = tpu.vector_load %arg12[%swap3A_829, %swap3A_830] {strides = array<i32>} : memref<2x4096xi32, #tpu.memory_space<vmem>>, vector<16xi32>,
      tpu.vector_store %arg12[%swap3A_829, %swap3A_830], %add3A_827 {strides = array<i32>} : memref<2x4096xi32, #tpu.memory_space<vmem>>, vector<16xi32>,
      %add3A_832 = arith.constant 100000 : i32
      %add3A_833 = vector.broadcast %add3A_832 : i32 to vector<16xi32>
      %add3A_834 = arith.addi %add3A_778, %add3A_833 : vector<16xi32>
      %swap3A_835 = arith.constant 0 : i32
      %swap3A_836 = arith.index_cast %swap3A_835 : i32 to index
      %swap3A_837 = arith.constant 1808 : index
      %swap3A_838 = tpu.vector_load %arg12[%swap3A_836, %swap3A_837] {strides = array<i32>} : memref<2x4096xi32, #tpu.memory_space<vmem>>, vector<16xi32>,
      tpu.vector_store %arg12[%swap3A_836, %swap3A_837], %add3A_834 {strides = array<i32>} : memref<2x4096xi32, #tpu.memory_space<vmem>>, vector<16xi32>,
      %add3A_839 = arith.constant 100000 : i32
      %add3A_840 = vector.broadcast %add3A_839 : i32 to vector<16xi32>
      %add3A_841 = arith.addi %add3A_785, %add3A_840 : vector<16xi32>
      %swap3A_842 = arith.constant 0 : i32
      %swap3A_843 = arith.index_cast %swap3A_842 : i32 to index
      %swap3A_844 = arith.constant 1824 : index
      %swap3A_845 = tpu.vector_load %arg12[%swap3A_843, %swap3A_844] {strides = array<i32>} : memref<2x4096xi32, #tpu.memory_space<vmem>>, vector<16xi32>,
      tpu.vector_store %arg12[%swap3A_843, %swap3A_844], %add3A_841 {strides = array<i32>} : memref<2x4096xi32, #tpu.memory_space<vmem>>, vector<16xi32>,
      %add3A_846 = arith.constant 100000 : i32
      %add3A_847 = vector.broadcast %add3A_846 : i32 to vector<16xi32>
      %add3A_848 = arith.addi %add3A_792, %add3A_847 : vector<16xi32>
      %swap3A_849 = arith.constant 0 : i32
      %swap3A_850 = arith.index_cast %swap3A_849 : i32 to index
      %swap3A_851 = arith.constant 1840 : index
      %swap3A_852 = tpu.vector_load %arg12[%swap3A_850, %swap3A_851] {strides = array<i32>} : memref<2x4096xi32, #tpu.memory_space<vmem>>, vector<16xi32>,
      tpu.vector_store %arg12[%swap3A_850, %swap3A_851], %add3A_848 {strides = array<i32>} : memref<2x4096xi32, #tpu.memory_space<vmem>>, vector<16xi32>,
      %add3A_853 = arith.constant 100000 : i32
      %add3A_854 = vector.broadcast %add3A_853 : i32 to vector<16xi32>
      %add3A_855 = arith.addi %add3A_799, %add3A_854 : vector<16xi32>
      %swap3A_856 = arith.constant 0 : i32
      %swap3A_857 = arith.index_cast %swap3A_856 : i32 to index
      %swap3A_858 = arith.constant 1856 : index
      %swap3A_859 = tpu.vector_load %arg12[%swap3A_857, %swap3A_858] {strides = array<i32>} : memref<2x4096xi32, #tpu.memory_space<vmem>>, vector<16xi32>,
      tpu.vector_store %arg12[%swap3A_857, %swap3A_858], %add3A_855 {strides = array<i32>} : memref<2x4096xi32, #tpu.memory_space<vmem>>, vector<16xi32>,
      %add3A_860 = arith.constant 100000 : i32
      %add3A_861 = vector.broadcast %add3A_860 : i32 to vector<16xi32>
      %add3A_862 = arith.addi %add3A_806, %add3A_861 : vector<16xi32>
      %swap3A_863 = arith.constant 0 : i32
      %swap3A_864 = arith.index_cast %swap3A_863 : i32 to index
      %swap3A_865 = arith.constant 1872 : index
      %swap3A_866 = tpu.vector_load %arg12[%swap3A_864, %swap3A_865] {strides = array<i32>} : memref<2x4096xi32, #tpu.memory_space<vmem>>, vector<16xi32>,
      tpu.vector_store %arg12[%swap3A_864, %swap3A_865], %add3A_862 {strides = array<i32>} : memref<2x4096xi32, #tpu.memory_space<vmem>>, vector<16xi32>,
      %add3A_867 = arith.constant 100000 : i32
      %add3A_868 = vector.broadcast %add3A_867 : i32 to vector<16xi32>
      %add3A_869 = arith.addi %add3A_813, %add3A_868 : vector<16xi32>
      %swap3A_870 = arith.constant 0 : i32
      %swap3A_871 = arith.index_cast %swap3A_870 : i32 to index
      %swap3A_872 = arith.constant 1888 : index
      %swap3A_873 = tpu.vector_load %arg12[%swap3A_871, %swap3A_872] {strides = array<i32>} : memref<2x4096xi32, #tpu.memory_space<vmem>>, vector<16xi32>,
      tpu.vector_store %arg12[%swap3A_871, %swap3A_872], %add3A_869 {strides = array<i32>} : memref<2x4096xi32, #tpu.memory_space<vmem>>, vector<16xi32>,
      %add3A_874 = arith.constant 100000 : i32
      %add3A_875 = vector.broadcast %add3A_874 : i32 to vector<16xi32>
      %add3A_876 = arith.addi %add3A_820, %add3A_875 : vector<16xi32>
      %swap3A_877 = arith.constant 0 : i32
      %swap3A_878 = arith.index_cast %swap3A_877 : i32 to index
      %swap3A_879 = arith.constant 1904 : index
      %swap3A_880 = tpu.vector_load %arg12[%swap3A_878, %swap3A_879] {strides = array<i32>} : memref<2x4096xi32, #tpu.memory_space<vmem>>, vector<16xi32>,
      tpu.vector_store %arg12[%swap3A_878, %swap3A_879], %add3A_876 {strides = array<i32>} : memref<2x4096xi32, #tpu.memory_space<vmem>>, vector<16xi32>,
      %add3A_881 = arith.constant 100000 : i32
      %add3A_882 = vector.broadcast %add3A_881 : i32 to vector<16xi32>
      %add3A_883 = arith.addi %add3A_827, %add3A_882 : vector<16xi32>
      %swap3A_884 = arith.constant 0 : i32
      %swap3A_885 = arith.index_cast %swap3A_884 : i32 to index
      %swap3A_886 = arith.constant 1920 : index
      %swap3A_887 = tpu.vector_load %arg12[%swap3A_885, %swap3A_886] {strides = array<i32>} : memref<2x4096xi32, #tpu.memory_space<vmem>>, vector<16xi32>,
      tpu.vector_store %arg12[%swap3A_885, %swap3A_886], %add3A_883 {strides = array<i32>} : memref<2x4096xi32, #tpu.memory_space<vmem>>, vector<16xi32>,
      %add3A_888 = arith.constant 100000 : i32
      %add3A_889 = vector.broadcast %add3A_888 : i32 to vector<16xi32>
      %add3A_890 = arith.addi %add3A_834, %add3A_889 : vector<16xi32>
      %swap3A_891 = arith.constant 0 : i32
      %swap3A_892 = arith.index_cast %swap3A_891 : i32 to index
      %swap3A_893 = arith.constant 1936 : index
      %swap3A_894 = tpu.vector_load %arg12[%swap3A_892, %swap3A_893] {strides = array<i32>} : memref<2x4096xi32, #tpu.memory_space<vmem>>, vector<16xi32>,
      tpu.vector_store %arg12[%swap3A_892, %swap3A_893], %add3A_890 {strides = array<i32>} : memref<2x4096xi32, #tpu.memory_space<vmem>>, vector<16xi32>,
      %add3A_895 = arith.constant 100000 : i32
      %add3A_896 = vector.broadcast %add3A_895 : i32 to vector<16xi32>
      %add3A_897 = arith.addi %add3A_841, %add3A_896 : vector<16xi32>
      %swap3A_898 = arith.constant 0 : i32
      %swap3A_899 = arith.index_cast %swap3A_898 : i32 to index
      %swap3A_900 = arith.constant 1952 : index
      %swap3A_901 = tpu.vector_load %arg12[%swap3A_899, %swap3A_900] {strides = array<i32>} : memref<2x4096xi32, #tpu.memory_space<vmem>>, vector<16xi32>,
      tpu.vector_store %arg12[%swap3A_899, %swap3A_900], %add3A_897 {strides = array<i32>} : memref<2x4096xi32, #tpu.memory_space<vmem>>, vector<16xi32>,
      %add3A_902 = arith.constant 100000 : i32
      %add3A_903 = vector.broadcast %add3A_902 : i32 to vector<16xi32>
      %add3A_904 = arith.addi %add3A_848, %add3A_903 : vector<16xi32>
      %swap3A_905 = arith.constant 0 : i32
      %swap3A_906 = arith.index_cast %swap3A_905 : i32 to index
      %swap3A_907 = arith.constant 1968 : index
      %swap3A_908 = tpu.vector_load %arg12[%swap3A_906, %swap3A_907] {strides = array<i32>} : memref<2x4096xi32, #tpu.memory_space<vmem>>, vector<16xi32>,
      tpu.vector_store %arg12[%swap3A_906, %swap3A_907], %add3A_904 {strides = array<i32>} : memref<2x4096xi32, #tpu.memory_space<vmem>>, vector<16xi32>,
      %add3A_909 = arith.constant 100000 : i32
      %add3A_910 = vector.broadcast %add3A_909 : i32 to vector<16xi32>
      %add3A_911 = arith.addi %add3A_855, %add3A_910 : vector<16xi32>
      %swap3A_912 = arith.constant 0 : i32
      %swap3A_913 = arith.index_cast %swap3A_912 : i32 to index
      %swap3A_914 = arith.constant 1984 : index
      %swap3A_915 = tpu.vector_load %arg12[%swap3A_913, %swap3A_914] {strides = array<i32>} : memref<2x4096xi32, #tpu.memory_space<vmem>>, vector<16xi32>,
      tpu.vector_store %arg12[%swap3A_913, %swap3A_914], %add3A_911 {strides = array<i32>} : memref<2x4096xi32, #tpu.memory_space<vmem>>, vector<16xi32>,
      %add3A_916 = arith.constant 100000 : i32
      %add3A_917 = vector.broadcast %add3A_916 : i32 to vector<16xi32>
      %add3A_918 = arith.addi %add3A_862, %add3A_917 : vector<16xi32>
      %swap3A_919 = arith.constant 0 : i32
      %swap3A_920 = arith.index_cast %swap3A_919 : i32 to index
      %swap3A_921 = arith.constant 2000 : index
      %swap3A_922 = tpu.vector_load %arg12[%swap3A_920, %swap3A_921] {strides = array<i32>} : memref<2x4096xi32, #tpu.memory_space<vmem>>, vector<16xi32>,
      tpu.vector_store %arg12[%swap3A_920, %swap3A_921], %add3A_918 {strides = array<i32>} : memref<2x4096xi32, #tpu.memory_space<vmem>>, vector<16xi32>,
      %add3A_923 = arith.constant 100000 : i32
      %add3A_924 = vector.broadcast %add3A_923 : i32 to vector<16xi32>
      %add3A_925 = arith.addi %add3A_869, %add3A_924 : vector<16xi32>
      %swap3A_926 = arith.constant 0 : i32
      %swap3A_927 = arith.index_cast %swap3A_926 : i32 to index
      %swap3A_928 = arith.constant 2016 : index
      %swap3A_929 = tpu.vector_load %arg12[%swap3A_927, %swap3A_928] {strides = array<i32>} : memref<2x4096xi32, #tpu.memory_space<vmem>>, vector<16xi32>,
      tpu.vector_store %arg12[%swap3A_927, %swap3A_928], %add3A_925 {strides = array<i32>} : memref<2x4096xi32, #tpu.memory_space<vmem>>, vector<16xi32>,
      %add3A_930 = arith.constant 100000 : i32
      %add3A_931 = vector.broadcast %add3A_930 : i32 to vector<16xi32>
      %add3A_932 = arith.addi %add3A_876, %add3A_931 : vector<16xi32>
      %swap3A_933 = arith.constant 0 : i32
      %swap3A_934 = arith.index_cast %swap3A_933 : i32 to index
      %swap3A_935 = arith.constant 2032 : index
      %swap3A_936 = tpu.vector_load %arg12[%swap3A_934, %swap3A_935] {strides = array<i32>} : memref<2x4096xi32, #tpu.memory_space<vmem>>, vector<16xi32>,
      tpu.vector_store %arg12[%swap3A_934, %swap3A_935], %add3A_932 {strides = array<i32>} : memref<2x4096xi32, #tpu.memory_space<vmem>>, vector<16xi32>,
      %add3A_937 = arith.constant 100000 : i32
      %add3A_938 = vector.broadcast %add3A_937 : i32 to vector<16xi32>
      %add3A_939 = arith.addi %add3A_883, %add3A_938 : vector<16xi32>
      %swap3A_940 = arith.constant 0 : i32
      %swap3A_941 = arith.index_cast %swap3A_940 : i32 to index
      %swap3A_942 = arith.constant 2048 : index
      %swap3A_943 = tpu.vector_load %arg12[%swap3A_941, %swap3A_942] {strides = array<i32>} : memref<2x4096xi32, #tpu.memory_space<vmem>>, vector<16xi32>,
      tpu.vector_store %arg12[%swap3A_941, %swap3A_942], %add3A_939 {strides = array<i32>} : memref<2x4096xi32, #tpu.memory_space<vmem>>, vector<16xi32>,
      %add3A_944 = arith.constant 100000 : i32
      %add3A_945 = vector.broadcast %add3A_944 : i32 to vector<16xi32>
      %add3A_946 = arith.addi %add3A_890, %add3A_945 : vector<16xi32>
      %swap3A_947 = arith.constant 0 : i32
      %swap3A_948 = arith.index_cast %swap3A_947 : i32 to index
      %swap3A_949 = arith.constant 2064 : index
      %swap3A_950 = tpu.vector_load %arg12[%swap3A_948, %swap3A_949] {strides = array<i32>} : memref<2x4096xi32, #tpu.memory_space<vmem>>, vector<16xi32>,
      tpu.vector_store %arg12[%swap3A_948, %swap3A_949], %add3A_946 {strides = array<i32>} : memref<2x4096xi32, #tpu.memory_space<vmem>>, vector<16xi32>,
      %add3A_951 = arith.constant 100000 : i32
      %add3A_952 = vector.broadcast %add3A_951 : i32 to vector<16xi32>
      %add3A_953 = arith.addi %add3A_897, %add3A_952 : vector<16xi32>
      %swap3A_954 = arith.constant 0 : i32
      %swap3A_955 = arith.index_cast %swap3A_954 : i32 to index
      %swap3A_956 = arith.constant 2080 : index
      %swap3A_957 = tpu.vector_load %arg12[%swap3A_955, %swap3A_956] {strides = array<i32>} : memref<2x4096xi32, #tpu.memory_space<vmem>>, vector<16xi32>,
      tpu.vector_store %arg12[%swap3A_955, %swap3A_956], %add3A_953 {strides = array<i32>} : memref<2x4096xi32, #tpu.memory_space<vmem>>, vector<16xi32>,
      %add3A_958 = arith.constant 100000 : i32
      %add3A_959 = vector.broadcast %add3A_958 : i32 to vector<16xi32>
      %add3A_960 = arith.addi %add3A_904, %add3A_959 : vector<16xi32>
      %swap3A_961 = arith.constant 0 : i32
      %swap3A_962 = arith.index_cast %swap3A_961 : i32 to index
      %swap3A_963 = arith.constant 2096 : index
      %swap3A_964 = tpu.vector_load %arg12[%swap3A_962, %swap3A_963] {strides = array<i32>} : memref<2x4096xi32, #tpu.memory_space<vmem>>, vector<16xi32>,
      tpu.vector_store %arg12[%swap3A_962, %swap3A_963], %add3A_960 {strides = array<i32>} : memref<2x4096xi32, #tpu.memory_space<vmem>>, vector<16xi32>,
      %add3A_965 = arith.constant 100000 : i32
      %add3A_966 = vector.broadcast %add3A_965 : i32 to vector<16xi32>
      %add3A_967 = arith.addi %add3A_911, %add3A_966 : vector<16xi32>
      %swap3A_968 = arith.constant 0 : i32
      %swap3A_969 = arith.index_cast %swap3A_968 : i32 to index
      %swap3A_970 = arith.constant 2112 : index
      %swap3A_971 = tpu.vector_load %arg12[%swap3A_969, %swap3A_970] {strides = array<i32>} : memref<2x4096xi32, #tpu.memory_space<vmem>>, vector<16xi32>,
      tpu.vector_store %arg12[%swap3A_969, %swap3A_970], %add3A_967 {strides = array<i32>} : memref<2x4096xi32, #tpu.memory_space<vmem>>, vector<16xi32>,
      %add3A_972 = arith.constant 100000 : i32
      %add3A_973 = vector.broadcast %add3A_972 : i32 to vector<16xi32>
      %add3A_974 = arith.addi %add3A_918, %add3A_973 : vector<16xi32>
      %swap3A_975 = arith.constant 0 : i32
      %swap3A_976 = arith.index_cast %swap3A_975 : i32 to index
      %swap3A_977 = arith.constant 2128 : index
      %swap3A_978 = tpu.vector_load %arg12[%swap3A_976, %swap3A_977] {strides = array<i32>} : memref<2x4096xi32, #tpu.memory_space<vmem>>, vector<16xi32>,
      tpu.vector_store %arg12[%swap3A_976, %swap3A_977], %add3A_974 {strides = array<i32>} : memref<2x4096xi32, #tpu.memory_space<vmem>>, vector<16xi32>,
      %add3A_979 = arith.constant 100000 : i32
      %add3A_980 = vector.broadcast %add3A_979 : i32 to vector<16xi32>
      %add3A_981 = arith.addi %add3A_925, %add3A_980 : vector<16xi32>
      %swap3A_982 = arith.constant 0 : i32
      %swap3A_983 = arith.index_cast %swap3A_982 : i32 to index
      %swap3A_984 = arith.constant 2144 : index
      %swap3A_985 = tpu.vector_load %arg12[%swap3A_983, %swap3A_984] {strides = array<i32>} : memref<2x4096xi32, #tpu.memory_space<vmem>>, vector<16xi32>,
      tpu.vector_store %arg12[%swap3A_983, %swap3A_984], %add3A_981 {strides = array<i32>} : memref<2x4096xi32, #tpu.memory_space<vmem>>, vector<16xi32>,
      %add3A_986 = arith.constant 100000 : i32
      %add3A_987 = vector.broadcast %add3A_986 : i32 to vector<16xi32>
      %add3A_988 = arith.addi %add3A_932, %add3A_987 : vector<16xi32>
      %swap3A_989 = arith.constant 0 : i32
      %swap3A_990 = arith.index_cast %swap3A_989 : i32 to index
      %swap3A_991 = arith.constant 2160 : index
      %swap3A_992 = tpu.vector_load %arg12[%swap3A_990, %swap3A_991] {strides = array<i32>} : memref<2x4096xi32, #tpu.memory_space<vmem>>, vector<16xi32>,
      tpu.vector_store %arg12[%swap3A_990, %swap3A_991], %add3A_988 {strides = array<i32>} : memref<2x4096xi32, #tpu.memory_space<vmem>>, vector<16xi32>,
      %add3A_993 = arith.constant 100000 : i32
      %add3A_994 = vector.broadcast %add3A_993 : i32 to vector<16xi32>
      %add3A_995 = arith.addi %add3A_939, %add3A_994 : vector<16xi32>
      %swap3A_996 = arith.constant 0 : i32
      %swap3A_997 = arith.index_cast %swap3A_996 : i32 to index
      %swap3A_998 = arith.constant 2176 : index
      %swap3A_999 = tpu.vector_load %arg12[%swap3A_997, %swap3A_998] {strides = array<i32>} : memref<2x4096xi32, #tpu.memory_space<vmem>>, vector<16xi32>,
      tpu.vector_store %arg12[%swap3A_997, %swap3A_998], %add3A_995 {strides = array<i32>} : memref<2x4096xi32, #tpu.memory_space<vmem>>, vector<16xi32>,
      %add3A_1000 = arith.constant 100000 : i32
      %add3A_1001 = vector.broadcast %add3A_1000 : i32 to vector<16xi32>
      %add3A_1002 = arith.addi %add3A_946, %add3A_1001 : vector<16xi32>
      %swap3A_1003 = arith.constant 0 : i32
      %swap3A_1004 = arith.index_cast %swap3A_1003 : i32 to index
      %swap3A_1005 = arith.constant 2192 : index
      %swap3A_1006 = tpu.vector_load %arg12[%swap3A_1004, %swap3A_1005] {strides = array<i32>} : memref<2x4096xi32, #tpu.memory_space<vmem>>, vector<16xi32>,
      tpu.vector_store %arg12[%swap3A_1004, %swap3A_1005], %add3A_1002 {strides = array<i32>} : memref<2x4096xi32, #tpu.memory_space<vmem>>, vector<16xi32>,
      %add3A_1007 = arith.constant 100000 : i32
      %add3A_1008 = vector.broadcast %add3A_1007 : i32 to vector<16xi32>
      %add3A_1009 = arith.addi %add3A_953, %add3A_1008 : vector<16xi32>
      %swap3A_1010 = arith.constant 0 : i32
      %swap3A_1011 = arith.index_cast %swap3A_1010 : i32 to index
      %swap3A_1012 = arith.constant 2208 : index
      %swap3A_1013 = tpu.vector_load %arg12[%swap3A_1011, %swap3A_1012] {strides = array<i32>} : memref<2x4096xi32, #tpu.memory_space<vmem>>, vector<16xi32>,
      tpu.vector_store %arg12[%swap3A_1011, %swap3A_1012], %add3A_1009 {strides = array<i32>} : memref<2x4096xi32, #tpu.memory_space<vmem>>, vector<16xi32>,
      %add3A_1014 = arith.constant 100000 : i32
      %add3A_1015 = vector.broadcast %add3A_1014 : i32 to vector<16xi32>
      %add3A_1016 = arith.addi %add3A_960, %add3A_1015 : vector<16xi32>
      %swap3A_1017 = arith.constant 0 : i32
      %swap3A_1018 = arith.index_cast %swap3A_1017 : i32 to index
      %swap3A_1019 = arith.constant 2224 : index
      %swap3A_1020 = tpu.vector_load %arg12[%swap3A_1018, %swap3A_1019] {strides = array<i32>} : memref<2x4096xi32, #tpu.memory_space<vmem>>, vector<16xi32>,
      tpu.vector_store %arg12[%swap3A_1018, %swap3A_1019], %add3A_1016 {strides = array<i32>} : memref<2x4096xi32, #tpu.memory_space<vmem>>, vector<16xi32>,
      %add3A_1021 = arith.constant 100000 : i32
      %add3A_1022 = vector.broadcast %add3A_1021 : i32 to vector<16xi32>
      %add3A_1023 = arith.addi %add3A_967, %add3A_1022 : vector<16xi32>
      %swap3A_1024 = arith.constant 0 : i32
      %swap3A_1025 = arith.index_cast %swap3A_1024 : i32 to index
      %swap3A_1026 = arith.constant 2240 : index
      %swap3A_1027 = tpu.vector_load %arg12[%swap3A_1025, %swap3A_1026] {strides = array<i32>} : memref<2x4096xi32, #tpu.memory_space<vmem>>, vector<16xi32>,
      tpu.vector_store %arg12[%swap3A_1025, %swap3A_1026], %add3A_1023 {strides = array<i32>} : memref<2x4096xi32, #tpu.memory_space<vmem>>, vector<16xi32>,
      %add3A_1028 = arith.constant 100000 : i32
      %add3A_1029 = vector.broadcast %add3A_1028 : i32 to vector<16xi32>
      %add3A_1030 = arith.addi %add3A_974, %add3A_1029 : vector<16xi32>
      %swap3A_1031 = arith.constant 0 : i32
      %swap3A_1032 = arith.index_cast %swap3A_1031 : i32 to index
      %swap3A_1033 = arith.constant 2256 : index
      %swap3A_1034 = tpu.vector_load %arg12[%swap3A_1032, %swap3A_1033] {strides = array<i32>} : memref<2x4096xi32, #tpu.memory_space<vmem>>, vector<16xi32>,
      tpu.vector_store %arg12[%swap3A_1032, %swap3A_1033], %add3A_1030 {strides = array<i32>} : memref<2x4096xi32, #tpu.memory_space<vmem>>, vector<16xi32>,
      %add3A_1035 = arith.constant 100000 : i32
      %add3A_1036 = vector.broadcast %add3A_1035 : i32 to vector<16xi32>
      %add3A_1037 = arith.addi %add3A_981, %add3A_1036 : vector<16xi32>
      %swap3A_1038 = arith.constant 0 : i32
      %swap3A_1039 = arith.index_cast %swap3A_1038 : i32 to index
      %swap3A_1040 = arith.constant 2272 : index
      %swap3A_1041 = tpu.vector_load %arg12[%swap3A_1039, %swap3A_1040] {strides = array<i32>} : memref<2x4096xi32, #tpu.memory_space<vmem>>, vector<16xi32>,
      tpu.vector_store %arg12[%swap3A_1039, %swap3A_1040], %add3A_1037 {strides = array<i32>} : memref<2x4096xi32, #tpu.memory_space<vmem>>, vector<16xi32>,
      %add3A_1042 = arith.constant 100000 : i32
      %add3A_1043 = vector.broadcast %add3A_1042 : i32 to vector<16xi32>
      %add3A_1044 = arith.addi %add3A_988, %add3A_1043 : vector<16xi32>
      %swap3A_1045 = arith.constant 0 : i32
      %swap3A_1046 = arith.index_cast %swap3A_1045 : i32 to index
      %swap3A_1047 = arith.constant 2288 : index
      %swap3A_1048 = tpu.vector_load %arg12[%swap3A_1046, %swap3A_1047] {strides = array<i32>} : memref<2x4096xi32, #tpu.memory_space<vmem>>, vector<16xi32>,
      tpu.vector_store %arg12[%swap3A_1046, %swap3A_1047], %add3A_1044 {strides = array<i32>} : memref<2x4096xi32, #tpu.memory_space<vmem>>, vector<16xi32>,
      %add3A_1049 = arith.constant 100000 : i32
      %add3A_1050 = vector.broadcast %add3A_1049 : i32 to vector<16xi32>
      %add3A_1051 = arith.addi %add3A_995, %add3A_1050 : vector<16xi32>
      %swap3A_1052 = arith.constant 0 : i32
      %swap3A_1053 = arith.index_cast %swap3A_1052 : i32 to index
      %swap3A_1054 = arith.constant 2304 : index
      %swap3A_1055 = tpu.vector_load %arg12[%swap3A_1053, %swap3A_1054] {strides = array<i32>} : memref<2x4096xi32, #tpu.memory_space<vmem>>, vector<16xi32>,
      tpu.vector_store %arg12[%swap3A_1053, %swap3A_1054], %add3A_1051 {strides = array<i32>} : memref<2x4096xi32, #tpu.memory_space<vmem>>, vector<16xi32>,
      %add3A_1056 = arith.constant 100000 : i32
      %add3A_1057 = vector.broadcast %add3A_1056 : i32 to vector<16xi32>
      %add3A_1058 = arith.addi %add3A_1002, %add3A_1057 : vector<16xi32>
      %swap3A_1059 = arith.constant 0 : i32
      %swap3A_1060 = arith.index_cast %swap3A_1059 : i32 to index
      %swap3A_1061 = arith.constant 2320 : index
      %swap3A_1062 = tpu.vector_load %arg12[%swap3A_1060, %swap3A_1061] {strides = array<i32>} : memref<2x4096xi32, #tpu.memory_space<vmem>>, vector<16xi32>,
      tpu.vector_store %arg12[%swap3A_1060, %swap3A_1061], %add3A_1058 {strides = array<i32>} : memref<2x4096xi32, #tpu.memory_space<vmem>>, vector<16xi32>,
      %add3A_1063 = arith.constant 100000 : i32
      %add3A_1064 = vector.broadcast %add3A_1063 : i32 to vector<16xi32>
      %add3A_1065 = arith.addi %add3A_1009, %add3A_1064 : vector<16xi32>
      %swap3A_1066 = arith.constant 0 : i32
      %swap3A_1067 = arith.index_cast %swap3A_1066 : i32 to index
      %swap3A_1068 = arith.constant 2336 : index
      %swap3A_1069 = tpu.vector_load %arg12[%swap3A_1067, %swap3A_1068] {strides = array<i32>} : memref<2x4096xi32, #tpu.memory_space<vmem>>, vector<16xi32>,
      tpu.vector_store %arg12[%swap3A_1067, %swap3A_1068], %add3A_1065 {strides = array<i32>} : memref<2x4096xi32, #tpu.memory_space<vmem>>, vector<16xi32>,
      %add3A_1070 = arith.constant 100000 : i32
      %add3A_1071 = vector.broadcast %add3A_1070 : i32 to vector<16xi32>
      %add3A_1072 = arith.addi %add3A_1016, %add3A_1071 : vector<16xi32>
      %swap3A_1073 = arith.constant 0 : i32
      %swap3A_1074 = arith.index_cast %swap3A_1073 : i32 to index
      %swap3A_1075 = arith.constant 2352 : index
      %swap3A_1076 = tpu.vector_load %arg12[%swap3A_1074, %swap3A_1075] {strides = array<i32>} : memref<2x4096xi32, #tpu.memory_space<vmem>>, vector<16xi32>,
      tpu.vector_store %arg12[%swap3A_1074, %swap3A_1075], %add3A_1072 {strides = array<i32>} : memref<2x4096xi32, #tpu.memory_space<vmem>>, vector<16xi32>,
      %add3A_1077 = arith.constant 100000 : i32
      %add3A_1078 = vector.broadcast %add3A_1077 : i32 to vector<16xi32>
      %add3A_1079 = arith.addi %add3A_1023, %add3A_1078 : vector<16xi32>
      %swap3A_1080 = arith.constant 0 : i32
      %swap3A_1081 = arith.index_cast %swap3A_1080 : i32 to index
      %swap3A_1082 = arith.constant 2368 : index
      %swap3A_1083 = tpu.vector_load %arg12[%swap3A_1081, %swap3A_1082] {strides = array<i32>} : memref<2x4096xi32, #tpu.memory_space<vmem>>, vector<16xi32>,
      tpu.vector_store %arg12[%swap3A_1081, %swap3A_1082], %add3A_1079 {strides = array<i32>} : memref<2x4096xi32, #tpu.memory_space<vmem>>, vector<16xi32>,
      %add3A_1084 = arith.constant 100000 : i32
      %add3A_1085 = vector.broadcast %add3A_1084 : i32 to vector<16xi32>
      %add3A_1086 = arith.addi %add3A_1030, %add3A_1085 : vector<16xi32>
      %swap3A_1087 = arith.constant 0 : i32
      %swap3A_1088 = arith.index_cast %swap3A_1087 : i32 to index
      %swap3A_1089 = arith.constant 2384 : index
      %swap3A_1090 = tpu.vector_load %arg12[%swap3A_1088, %swap3A_1089] {strides = array<i32>} : memref<2x4096xi32, #tpu.memory_space<vmem>>, vector<16xi32>,
      tpu.vector_store %arg12[%swap3A_1088, %swap3A_1089], %add3A_1086 {strides = array<i32>} : memref<2x4096xi32, #tpu.memory_space<vmem>>, vector<16xi32>,
      %add3A_1091 = arith.constant 100000 : i32
      %add3A_1092 = vector.broadcast %add3A_1091 : i32 to vector<16xi32>
      %add3A_1093 = arith.addi %add3A_1037, %add3A_1092 : vector<16xi32>
      %swap3A_1094 = arith.constant 0 : i32
      %swap3A_1095 = arith.index_cast %swap3A_1094 : i32 to index
      %swap3A_1096 = arith.constant 2400 : index
      %swap3A_1097 = tpu.vector_load %arg12[%swap3A_1095, %swap3A_1096] {strides = array<i32>} : memref<2x4096xi32, #tpu.memory_space<vmem>>, vector<16xi32>,
      tpu.vector_store %arg12[%swap3A_1095, %swap3A_1096], %add3A_1093 {strides = array<i32>} : memref<2x4096xi32, #tpu.memory_space<vmem>>, vector<16xi32>,
      %add3A_1098 = arith.constant 100000 : i32
      %add3A_1099 = vector.broadcast %add3A_1098 : i32 to vector<16xi32>
      %add3A_1100 = arith.addi %add3A_1044, %add3A_1099 : vector<16xi32>
      %swap3A_1101 = arith.constant 0 : i32
      %swap3A_1102 = arith.index_cast %swap3A_1101 : i32 to index
      %swap3A_1103 = arith.constant 2416 : index
      %swap3A_1104 = tpu.vector_load %arg12[%swap3A_1102, %swap3A_1103] {strides = array<i32>} : memref<2x4096xi32, #tpu.memory_space<vmem>>, vector<16xi32>,
      tpu.vector_store %arg12[%swap3A_1102, %swap3A_1103], %add3A_1100 {strides = array<i32>} : memref<2x4096xi32, #tpu.memory_space<vmem>>, vector<16xi32>,
      %add3A_1105 = arith.constant 100000 : i32
      %add3A_1106 = vector.broadcast %add3A_1105 : i32 to vector<16xi32>
      %add3A_1107 = arith.addi %add3A_1051, %add3A_1106 : vector<16xi32>
      %swap3A_1108 = arith.constant 0 : i32
      %swap3A_1109 = arith.index_cast %swap3A_1108 : i32 to index
      %swap3A_1110 = arith.constant 2432 : index
      %swap3A_1111 = tpu.vector_load %arg12[%swap3A_1109, %swap3A_1110] {strides = array<i32>} : memref<2x4096xi32, #tpu.memory_space<vmem>>, vector<16xi32>,
      tpu.vector_store %arg12[%swap3A_1109, %swap3A_1110], %add3A_1107 {strides = array<i32>} : memref<2x4096xi32, #tpu.memory_space<vmem>>, vector<16xi32>,
      %add3A_1112 = arith.constant 100000 : i32
      %add3A_1113 = vector.broadcast %add3A_1112 : i32 to vector<16xi32>
      %add3A_1114 = arith.addi %add3A_1058, %add3A_1113 : vector<16xi32>
      %swap3A_1115 = arith.constant 0 : i32
      %swap3A_1116 = arith.index_cast %swap3A_1115 : i32 to index
      %swap3A_1117 = arith.constant 2448 : index
      %swap3A_1118 = tpu.vector_load %arg12[%swap3A_1116, %swap3A_1117] {strides = array<i32>} : memref<2x4096xi32, #tpu.memory_space<vmem>>, vector<16xi32>,
      tpu.vector_store %arg12[%swap3A_1116, %swap3A_1117], %add3A_1114 {strides = array<i32>} : memref<2x4096xi32, #tpu.memory_space<vmem>>, vector<16xi32>,
      %add3A_1119 = arith.constant 100000 : i32
      %add3A_1120 = vector.broadcast %add3A_1119 : i32 to vector<16xi32>
      %add3A_1121 = arith.addi %add3A_1065, %add3A_1120 : vector<16xi32>
      %swap3A_1122 = arith.constant 0 : i32
      %swap3A_1123 = arith.index_cast %swap3A_1122 : i32 to index
      %swap3A_1124 = arith.constant 2464 : index
      %swap3A_1125 = tpu.vector_load %arg12[%swap3A_1123, %swap3A_1124] {strides = array<i32>} : memref<2x4096xi32, #tpu.memory_space<vmem>>, vector<16xi32>,
      tpu.vector_store %arg12[%swap3A_1123, %swap3A_1124], %add3A_1121 {strides = array<i32>} : memref<2x4096xi32, #tpu.memory_space<vmem>>, vector<16xi32>,
      %add3A_1126 = arith.constant 100000 : i32
      %add3A_1127 = vector.broadcast %add3A_1126 : i32 to vector<16xi32>
      %add3A_1128 = arith.addi %add3A_1072, %add3A_1127 : vector<16xi32>
      %swap3A_1129 = arith.constant 0 : i32
      %swap3A_1130 = arith.index_cast %swap3A_1129 : i32 to index
      %swap3A_1131 = arith.constant 2480 : index
      %swap3A_1132 = tpu.vector_load %arg12[%swap3A_1130, %swap3A_1131] {strides = array<i32>} : memref<2x4096xi32, #tpu.memory_space<vmem>>, vector<16xi32>,
      tpu.vector_store %arg12[%swap3A_1130, %swap3A_1131], %add3A_1128 {strides = array<i32>} : memref<2x4096xi32, #tpu.memory_space<vmem>>, vector<16xi32>,
      %add3A_1133 = arith.constant 100000 : i32
      %add3A_1134 = vector.broadcast %add3A_1133 : i32 to vector<16xi32>
      %add3A_1135 = arith.addi %add3A_1079, %add3A_1134 : vector<16xi32>
      %swap3A_1136 = arith.constant 0 : i32
      %swap3A_1137 = arith.index_cast %swap3A_1136 : i32 to index
      %swap3A_1138 = arith.constant 2496 : index
      %swap3A_1139 = tpu.vector_load %arg12[%swap3A_1137, %swap3A_1138] {strides = array<i32>} : memref<2x4096xi32, #tpu.memory_space<vmem>>, vector<16xi32>,
      tpu.vector_store %arg12[%swap3A_1137, %swap3A_1138], %add3A_1135 {strides = array<i32>} : memref<2x4096xi32, #tpu.memory_space<vmem>>, vector<16xi32>,
      %add3A_1140 = arith.constant 100000 : i32
      %add3A_1141 = vector.broadcast %add3A_1140 : i32 to vector<16xi32>
      %add3A_1142 = arith.addi %add3A_1086, %add3A_1141 : vector<16xi32>
      %swap3A_1143 = arith.constant 0 : i32
      %swap3A_1144 = arith.index_cast %swap3A_1143 : i32 to index
      %swap3A_1145 = arith.constant 2512 : index
      %swap3A_1146 = tpu.vector_load %arg12[%swap3A_1144, %swap3A_1145] {strides = array<i32>} : memref<2x4096xi32, #tpu.memory_space<vmem>>, vector<16xi32>,
      tpu.vector_store %arg12[%swap3A_1144, %swap3A_1145], %add3A_1142 {strides = array<i32>} : memref<2x4096xi32, #tpu.memory_space<vmem>>, vector<16xi32>,
      %add3A_1147 = arith.constant 100000 : i32
      %add3A_1148 = vector.broadcast %add3A_1147 : i32 to vector<16xi32>
      %add3A_1149 = arith.addi %add3A_1093, %add3A_1148 : vector<16xi32>
      %swap3A_1150 = arith.constant 0 : i32
      %swap3A_1151 = arith.index_cast %swap3A_1150 : i32 to index
      %swap3A_1152 = arith.constant 2528 : index
      %swap3A_1153 = tpu.vector_load %arg12[%swap3A_1151, %swap3A_1152] {strides = array<i32>} : memref<2x4096xi32, #tpu.memory_space<vmem>>, vector<16xi32>,
      tpu.vector_store %arg12[%swap3A_1151, %swap3A_1152], %add3A_1149 {strides = array<i32>} : memref<2x4096xi32, #tpu.memory_space<vmem>>, vector<16xi32>,
      %add3A_1154 = arith.constant 100000 : i32
      %add3A_1155 = vector.broadcast %add3A_1154 : i32 to vector<16xi32>
      %add3A_1156 = arith.addi %add3A_1100, %add3A_1155 : vector<16xi32>
      %swap3A_1157 = arith.constant 0 : i32
      %swap3A_1158 = arith.index_cast %swap3A_1157 : i32 to index
      %swap3A_1159 = arith.constant 2544 : index
      %swap3A_1160 = tpu.vector_load %arg12[%swap3A_1158, %swap3A_1159] {strides = array<i32>} : memref<2x4096xi32, #tpu.memory_space<vmem>>, vector<16xi32>,
      tpu.vector_store %arg12[%swap3A_1158, %swap3A_1159], %add3A_1156 {strides = array<i32>} : memref<2x4096xi32, #tpu.memory_space<vmem>>, vector<16xi32>,
      %add3A_1161 = arith.constant 100000 : i32
      %add3A_1162 = vector.broadcast %add3A_1161 : i32 to vector<16xi32>
      %add3A_1163 = arith.addi %add3A_1107, %add3A_1162 : vector<16xi32>
      %swap3A_1164 = arith.constant 0 : i32
      %swap3A_1165 = arith.index_cast %swap3A_1164 : i32 to index
      %swap3A_1166 = arith.constant 2560 : index
      %swap3A_1167 = tpu.vector_load %arg12[%swap3A_1165, %swap3A_1166] {strides = array<i32>} : memref<2x4096xi32, #tpu.memory_space<vmem>>, vector<16xi32>,
      tpu.vector_store %arg12[%swap3A_1165, %swap3A_1166], %add3A_1163 {strides = array<i32>} : memref<2x4096xi32, #tpu.memory_space<vmem>>, vector<16xi32>,
      %add3A_1168 = arith.constant 100000 : i32
      %add3A_1169 = vector.broadcast %add3A_1168 : i32 to vector<16xi32>
      %add3A_1170 = arith.addi %add3A_1114, %add3A_1169 : vector<16xi32>
      %swap3A_1171 = arith.constant 0 : i32
      %swap3A_1172 = arith.index_cast %swap3A_1171 : i32 to index
      %swap3A_1173 = arith.constant 2576 : index
      %swap3A_1174 = tpu.vector_load %arg12[%swap3A_1172, %swap3A_1173] {strides = array<i32>} : memref<2x4096xi32, #tpu.memory_space<vmem>>, vector<16xi32>,
      tpu.vector_store %arg12[%swap3A_1172, %swap3A_1173], %add3A_1170 {strides = array<i32>} : memref<2x4096xi32, #tpu.memory_space<vmem>>, vector<16xi32>,
      %add3A_1175 = arith.constant 100000 : i32
      %add3A_1176 = vector.broadcast %add3A_1175 : i32 to vector<16xi32>
      %add3A_1177 = arith.addi %add3A_1121, %add3A_1176 : vector<16xi32>
      %swap3A_1178 = arith.constant 0 : i32
      %swap3A_1179 = arith.index_cast %swap3A_1178 : i32 to index
      %swap3A_1180 = arith.constant 2592 : index
      %swap3A_1181 = tpu.vector_load %arg12[%swap3A_1179, %swap3A_1180] {strides = array<i32>} : memref<2x4096xi32, #tpu.memory_space<vmem>>, vector<16xi32>,
      tpu.vector_store %arg12[%swap3A_1179, %swap3A_1180], %add3A_1177 {strides = array<i32>} : memref<2x4096xi32, #tpu.memory_space<vmem>>, vector<16xi32>,
      %add3A_1182 = arith.constant 100000 : i32
      %add3A_1183 = vector.broadcast %add3A_1182 : i32 to vector<16xi32>
      %add3A_1184 = arith.addi %add3A_1128, %add3A_1183 : vector<16xi32>
      %swap3A_1185 = arith.constant 0 : i32
      %swap3A_1186 = arith.index_cast %swap3A_1185 : i32 to index
      %swap3A_1187 = arith.constant 2608 : index
      %swap3A_1188 = tpu.vector_load %arg12[%swap3A_1186, %swap3A_1187] {strides = array<i32>} : memref<2x4096xi32, #tpu.memory_space<vmem>>, vector<16xi32>,
      tpu.vector_store %arg12[%swap3A_1186, %swap3A_1187], %add3A_1184 {strides = array<i32>} : memref<2x4096xi32, #tpu.memory_space<vmem>>, vector<16xi32>,
      %add3A_1189 = arith.constant 100000 : i32
      %add3A_1190 = vector.broadcast %add3A_1189 : i32 to vector<16xi32>
      %add3A_1191 = arith.addi %add3A_1135, %add3A_1190 : vector<16xi32>
      %swap3A_1192 = arith.constant 0 : i32
      %swap3A_1193 = arith.index_cast %swap3A_1192 : i32 to index
      %swap3A_1194 = arith.constant 2624 : index
      %swap3A_1195 = tpu.vector_load %arg12[%swap3A_1193, %swap3A_1194] {strides = array<i32>} : memref<2x4096xi32, #tpu.memory_space<vmem>>, vector<16xi32>,
      tpu.vector_store %arg12[%swap3A_1193, %swap3A_1194], %add3A_1191 {strides = array<i32>} : memref<2x4096xi32, #tpu.memory_space<vmem>>, vector<16xi32>,
      %add3A_1196 = arith.constant 100000 : i32
      %add3A_1197 = vector.broadcast %add3A_1196 : i32 to vector<16xi32>
      %add3A_1198 = arith.addi %add3A_1142, %add3A_1197 : vector<16xi32>
      %swap3A_1199 = arith.constant 0 : i32
      %swap3A_1200 = arith.index_cast %swap3A_1199 : i32 to index
      %swap3A_1201 = arith.constant 2640 : index
      %swap3A_1202 = tpu.vector_load %arg12[%swap3A_1200, %swap3A_1201] {strides = array<i32>} : memref<2x4096xi32, #tpu.memory_space<vmem>>, vector<16xi32>,
      tpu.vector_store %arg12[%swap3A_1200, %swap3A_1201], %add3A_1198 {strides = array<i32>} : memref<2x4096xi32, #tpu.memory_space<vmem>>, vector<16xi32>,
      %add3A_1203 = arith.constant 100000 : i32
      %add3A_1204 = vector.broadcast %add3A_1203 : i32 to vector<16xi32>
      %add3A_1205 = arith.addi %add3A_1149, %add3A_1204 : vector<16xi32>
      %swap3A_1206 = arith.constant 0 : i32
      %swap3A_1207 = arith.index_cast %swap3A_1206 : i32 to index
      %swap3A_1208 = arith.constant 2656 : index
      %swap3A_1209 = tpu.vector_load %arg12[%swap3A_1207, %swap3A_1208] {strides = array<i32>} : memref<2x4096xi32, #tpu.memory_space<vmem>>, vector<16xi32>,
      tpu.vector_store %arg12[%swap3A_1207, %swap3A_1208], %add3A_1205 {strides = array<i32>} : memref<2x4096xi32, #tpu.memory_space<vmem>>, vector<16xi32>,
      %add3A_1210 = arith.constant 100000 : i32
      %add3A_1211 = vector.broadcast %add3A_1210 : i32 to vector<16xi32>
      %add3A_1212 = arith.addi %add3A_1156, %add3A_1211 : vector<16xi32>
      %swap3A_1213 = arith.constant 0 : i32
      %swap3A_1214 = arith.index_cast %swap3A_1213 : i32 to index
      %swap3A_1215 = arith.constant 2672 : index
      %swap3A_1216 = tpu.vector_load %arg12[%swap3A_1214, %swap3A_1215] {strides = array<i32>} : memref<2x4096xi32, #tpu.memory_space<vmem>>, vector<16xi32>,
      tpu.vector_store %arg12[%swap3A_1214, %swap3A_1215], %add3A_1212 {strides = array<i32>} : memref<2x4096xi32, #tpu.memory_space<vmem>>, vector<16xi32>,
      %add3A_1217 = arith.constant 100000 : i32
      %add3A_1218 = vector.broadcast %add3A_1217 : i32 to vector<16xi32>
      %add3A_1219 = arith.addi %add3A_1163, %add3A_1218 : vector<16xi32>
      %swap3A_1220 = arith.constant 0 : i32
      %swap3A_1221 = arith.index_cast %swap3A_1220 : i32 to index
      %swap3A_1222 = arith.constant 2688 : index
      %swap3A_1223 = tpu.vector_load %arg12[%swap3A_1221, %swap3A_1222] {strides = array<i32>} : memref<2x4096xi32, #tpu.memory_space<vmem>>, vector<16xi32>,
      tpu.vector_store %arg12[%swap3A_1221, %swap3A_1222], %add3A_1219 {strides = array<i32>} : memref<2x4096xi32, #tpu.memory_space<vmem>>, vector<16xi32>,
      %add3A_1224 = arith.constant 100000 : i32
      %add3A_1225 = vector.broadcast %add3A_1224 : i32 to vector<16xi32>
      %add3A_1226 = arith.addi %add3A_1170, %add3A_1225 : vector<16xi32>
      %swap3A_1227 = arith.constant 0 : i32
      %swap3A_1228 = arith.index_cast %swap3A_1227 : i32 to index
      %swap3A_1229 = arith.constant 2704 : index
      %swap3A_1230 = tpu.vector_load %arg12[%swap3A_1228, %swap3A_1229] {strides = array<i32>} : memref<2x4096xi32, #tpu.memory_space<vmem>>, vector<16xi32>,
      tpu.vector_store %arg12[%swap3A_1228, %swap3A_1229], %add3A_1226 {strides = array<i32>} : memref<2x4096xi32, #tpu.memory_space<vmem>>, vector<16xi32>,
      %add3A_1231 = arith.constant 100000 : i32
      %add3A_1232 = vector.broadcast %add3A_1231 : i32 to vector<16xi32>
      %add3A_1233 = arith.addi %add3A_1177, %add3A_1232 : vector<16xi32>
      %swap3A_1234 = arith.constant 0 : i32
      %swap3A_1235 = arith.index_cast %swap3A_1234 : i32 to index
      %swap3A_1236 = arith.constant 2720 : index
      %swap3A_1237 = tpu.vector_load %arg12[%swap3A_1235, %swap3A_1236] {strides = array<i32>} : memref<2x4096xi32, #tpu.memory_space<vmem>>, vector<16xi32>,
      tpu.vector_store %arg12[%swap3A_1235, %swap3A_1236], %add3A_1233 {strides = array<i32>} : memref<2x4096xi32, #tpu.memory_space<vmem>>, vector<16xi32>,
      %add3A_1238 = arith.constant 100000 : i32
      %add3A_1239 = vector.broadcast %add3A_1238 : i32 to vector<16xi32>
      %add3A_1240 = arith.addi %add3A_1184, %add3A_1239 : vector<16xi32>
      %swap3A_1241 = arith.constant 0 : i32
      %swap3A_1242 = arith.index_cast %swap3A_1241 : i32 to index
      %swap3A_1243 = arith.constant 2736 : index
      %swap3A_1244 = tpu.vector_load %arg12[%swap3A_1242, %swap3A_1243] {strides = array<i32>} : memref<2x4096xi32, #tpu.memory_space<vmem>>, vector<16xi32>,
      tpu.vector_store %arg12[%swap3A_1242, %swap3A_1243], %add3A_1240 {strides = array<i32>} : memref<2x4096xi32, #tpu.memory_space<vmem>>, vector<16xi32>,
      %add3A_1245 = arith.constant 100000 : i32
      %add3A_1246 = vector.broadcast %add3A_1245 : i32 to vector<16xi32>
      %add3A_1247 = arith.addi %add3A_1191, %add3A_1246 : vector<16xi32>
      %swap3A_1248 = arith.constant 0 : i32
      %swap3A_1249 = arith.index_cast %swap3A_1248 : i32 to index
      %swap3A_1250 = arith.constant 2752 : index
      %swap3A_1251 = tpu.vector_load %arg12[%swap3A_1249, %swap3A_1250] {strides = array<i32>} : memref<2x4096xi32, #tpu.memory_space<vmem>>, vector<16xi32>,
      tpu.vector_store %arg12[%swap3A_1249, %swap3A_1250], %add3A_1247 {strides = array<i32>} : memref<2x4096xi32, #tpu.memory_space<vmem>>, vector<16xi32>,
      %add3A_1252 = arith.constant 100000 : i32
      %add3A_1253 = vector.broadcast %add3A_1252 : i32 to vector<16xi32>
      %add3A_1254 = arith.addi %add3A_1198, %add3A_1253 : vector<16xi32>
      %swap3A_1255 = arith.constant 0 : i32
      %swap3A_1256 = arith.index_cast %swap3A_1255 : i32 to index
      %swap3A_1257 = arith.constant 2768 : index
      %swap3A_1258 = tpu.vector_load %arg12[%swap3A_1256, %swap3A_1257] {strides = array<i32>} : memref<2x4096xi32, #tpu.memory_space<vmem>>, vector<16xi32>,
      tpu.vector_store %arg12[%swap3A_1256, %swap3A_1257], %add3A_1254 {strides = array<i32>} : memref<2x4096xi32, #tpu.memory_space<vmem>>, vector<16xi32>,
      %add3A_1259 = arith.constant 100000 : i32
      %add3A_1260 = vector.broadcast %add3A_1259 : i32 to vector<16xi32>
      %add3A_1261 = arith.addi %add3A_1205, %add3A_1260 : vector<16xi32>
      %swap3A_1262 = arith.constant 0 : i32
      %swap3A_1263 = arith.index_cast %swap3A_1262 : i32 to index
      %swap3A_1264 = arith.constant 2784 : index
      %swap3A_1265 = tpu.vector_load %arg12[%swap3A_1263, %swap3A_1264] {strides = array<i32>} : memref<2x4096xi32, #tpu.memory_space<vmem>>, vector<16xi32>,
      tpu.vector_store %arg12[%swap3A_1263, %swap3A_1264], %add3A_1261 {strides = array<i32>} : memref<2x4096xi32, #tpu.memory_space<vmem>>, vector<16xi32>,
      %add3A_1266 = arith.constant 100000 : i32
      %add3A_1267 = vector.broadcast %add3A_1266 : i32 to vector<16xi32>
      %add3A_1268 = arith.addi %add3A_1212, %add3A_1267 : vector<16xi32>
      %swap3A_1269 = arith.constant 0 : i32
      %swap3A_1270 = arith.index_cast %swap3A_1269 : i32 to index
      %swap3A_1271 = arith.constant 2800 : index
      %swap3A_1272 = tpu.vector_load %arg12[%swap3A_1270, %swap3A_1271] {strides = array<i32>} : memref<2x4096xi32, #tpu.memory_space<vmem>>, vector<16xi32>,
      tpu.vector_store %arg12[%swap3A_1270, %swap3A_1271], %add3A_1268 {strides = array<i32>} : memref<2x4096xi32, #tpu.memory_space<vmem>>, vector<16xi32>,
      %add3A_1273 = arith.constant 100000 : i32
      %add3A_1274 = vector.broadcast %add3A_1273 : i32 to vector<16xi32>
      %add3A_1275 = arith.addi %add3A_1219, %add3A_1274 : vector<16xi32>
      %swap3A_1276 = arith.constant 0 : i32
      %swap3A_1277 = arith.index_cast %swap3A_1276 : i32 to index
      %swap3A_1278 = arith.constant 2816 : index
      %swap3A_1279 = tpu.vector_load %arg12[%swap3A_1277, %swap3A_1278] {strides = array<i32>} : memref<2x4096xi32, #tpu.memory_space<vmem>>, vector<16xi32>,
      tpu.vector_store %arg12[%swap3A_1277, %swap3A_1278], %add3A_1275 {strides = array<i32>} : memref<2x4096xi32, #tpu.memory_space<vmem>>, vector<16xi32>,
      %add3A_1280 = arith.constant 100000 : i32
      %add3A_1281 = vector.broadcast %add3A_1280 : i32 to vector<16xi32>
      %add3A_1282 = arith.addi %add3A_1226, %add3A_1281 : vector<16xi32>
      %swap3A_1283 = arith.constant 0 : i32
      %swap3A_1284 = arith.index_cast %swap3A_1283 : i32 to index
      %swap3A_1285 = arith.constant 2832 : index
      %swap3A_1286 = tpu.vector_load %arg12[%swap3A_1284, %swap3A_1285] {strides = array<i32>} : memref<2x4096xi32, #tpu.memory_space<vmem>>, vector<16xi32>,
      tpu.vector_store %arg12[%swap3A_1284, %swap3A_1285], %add3A_1282 {strides = array<i32>} : memref<2x4096xi32, #tpu.memory_space<vmem>>, vector<16xi32>,
      %add3A_1287 = arith.constant 100000 : i32
      %add3A_1288 = vector.broadcast %add3A_1287 : i32 to vector<16xi32>
      %add3A_1289 = arith.addi %add3A_1233, %add3A_1288 : vector<16xi32>
      %swap3A_1290 = arith.constant 0 : i32
      %swap3A_1291 = arith.index_cast %swap3A_1290 : i32 to index
      %swap3A_1292 = arith.constant 2848 : index
      %swap3A_1293 = tpu.vector_load %arg12[%swap3A_1291, %swap3A_1292] {strides = array<i32>} : memref<2x4096xi32, #tpu.memory_space<vmem>>, vector<16xi32>,
      tpu.vector_store %arg12[%swap3A_1291, %swap3A_1292], %add3A_1289 {strides = array<i32>} : memref<2x4096xi32, #tpu.memory_space<vmem>>, vector<16xi32>,
      %add3A_1294 = arith.constant 100000 : i32
      %add3A_1295 = vector.broadcast %add3A_1294 : i32 to vector<16xi32>
      %add3A_1296 = arith.addi %add3A_1240, %add3A_1295 : vector<16xi32>
      %swap3A_1297 = arith.constant 0 : i32
      %swap3A_1298 = arith.index_cast %swap3A_1297 : i32 to index
      %swap3A_1299 = arith.constant 2864 : index
      %swap3A_1300 = tpu.vector_load %arg12[%swap3A_1298, %swap3A_1299] {strides = array<i32>} : memref<2x4096xi32, #tpu.memory_space<vmem>>, vector<16xi32>,
      tpu.vector_store %arg12[%swap3A_1298, %swap3A_1299], %add3A_1296 {strides = array<i32>} : memref<2x4096xi32, #tpu.memory_space<vmem>>, vector<16xi32>,
      %add3A_1301 = arith.constant 100000 : i32
      %add3A_1302 = vector.broadcast %add3A_1301 : i32 to vector<16xi32>
      %add3A_1303 = arith.addi %add3A_1247, %add3A_1302 : vector<16xi32>
      %swap3A_1304 = arith.constant 0 : i32
      %swap3A_1305 = arith.index_cast %swap3A_1304 : i32 to index
      %swap3A_1306 = arith.constant 2880 : index
      %swap3A_1307 = tpu.vector_load %arg12[%swap3A_1305, %swap3A_1306] {strides = array<i32>} : memref<2x4096xi32, #tpu.memory_space<vmem>>, vector<16xi32>,
      tpu.vector_store %arg12[%swap3A_1305, %swap3A_1306], %add3A_1303 {strides = array<i32>} : memref<2x4096xi32, #tpu.memory_space<vmem>>, vector<16xi32>,
      %add3A_1308 = arith.constant 100000 : i32
      %add3A_1309 = vector.broadcast %add3A_1308 : i32 to vector<16xi32>
      %add3A_1310 = arith.addi %add3A_1254, %add3A_1309 : vector<16xi32>
      %swap3A_1311 = arith.constant 0 : i32
      %swap3A_1312 = arith.index_cast %swap3A_1311 : i32 to index
      %swap3A_1313 = arith.constant 2896 : index
      %swap3A_1314 = tpu.vector_load %arg12[%swap3A_1312, %swap3A_1313] {strides = array<i32>} : memref<2x4096xi32, #tpu.memory_space<vmem>>, vector<16xi32>,
      tpu.vector_store %arg12[%swap3A_1312, %swap3A_1313], %add3A_1310 {strides = array<i32>} : memref<2x4096xi32, #tpu.memory_space<vmem>>, vector<16xi32>,
      %add3A_1315 = arith.constant 100000 : i32
      %add3A_1316 = vector.broadcast %add3A_1315 : i32 to vector<16xi32>
      %add3A_1317 = arith.addi %add3A_1261, %add3A_1316 : vector<16xi32>
      %swap3A_1318 = arith.constant 0 : i32
      %swap3A_1319 = arith.index_cast %swap3A_1318 : i32 to index
      %swap3A_1320 = arith.constant 2912 : index
      %swap3A_1321 = tpu.vector_load %arg12[%swap3A_1319, %swap3A_1320] {strides = array<i32>} : memref<2x4096xi32, #tpu.memory_space<vmem>>, vector<16xi32>,
      tpu.vector_store %arg12[%swap3A_1319, %swap3A_1320], %add3A_1317 {strides = array<i32>} : memref<2x4096xi32, #tpu.memory_space<vmem>>, vector<16xi32>,
      %add3A_1322 = arith.constant 100000 : i32
      %add3A_1323 = vector.broadcast %add3A_1322 : i32 to vector<16xi32>
      %add3A_1324 = arith.addi %add3A_1268, %add3A_1323 : vector<16xi32>
      %swap3A_1325 = arith.constant 0 : i32
      %swap3A_1326 = arith.index_cast %swap3A_1325 : i32 to index
      %swap3A_1327 = arith.constant 2928 : index
      %swap3A_1328 = tpu.vector_load %arg12[%swap3A_1326, %swap3A_1327] {strides = array<i32>} : memref<2x4096xi32, #tpu.memory_space<vmem>>, vector<16xi32>,
      tpu.vector_store %arg12[%swap3A_1326, %swap3A_1327], %add3A_1324 {strides = array<i32>} : memref<2x4096xi32, #tpu.memory_space<vmem>>, vector<16xi32>,
      %add3A_1329 = arith.constant 100000 : i32
      %add3A_1330 = vector.broadcast %add3A_1329 : i32 to vector<16xi32>
      %add3A_1331 = arith.addi %add3A_1275, %add3A_1330 : vector<16xi32>
      %swap3A_1332 = arith.constant 0 : i32
      %swap3A_1333 = arith.index_cast %swap3A_1332 : i32 to index
      %swap3A_1334 = arith.constant 2944 : index
      %swap3A_1335 = tpu.vector_load %arg12[%swap3A_1333, %swap3A_1334] {strides = array<i32>} : memref<2x4096xi32, #tpu.memory_space<vmem>>, vector<16xi32>,
      tpu.vector_store %arg12[%swap3A_1333, %swap3A_1334], %add3A_1331 {strides = array<i32>} : memref<2x4096xi32, #tpu.memory_space<vmem>>, vector<16xi32>,
      %add3A_1336 = arith.constant 100000 : i32
      %add3A_1337 = vector.broadcast %add3A_1336 : i32 to vector<16xi32>
      %add3A_1338 = arith.addi %add3A_1282, %add3A_1337 : vector<16xi32>
      %swap3A_1339 = arith.constant 0 : i32
      %swap3A_1340 = arith.index_cast %swap3A_1339 : i32 to index
      %swap3A_1341 = arith.constant 2960 : index
      %swap3A_1342 = tpu.vector_load %arg12[%swap3A_1340, %swap3A_1341] {strides = array<i32>} : memref<2x4096xi32, #tpu.memory_space<vmem>>, vector<16xi32>,
      tpu.vector_store %arg12[%swap3A_1340, %swap3A_1341], %add3A_1338 {strides = array<i32>} : memref<2x4096xi32, #tpu.memory_space<vmem>>, vector<16xi32>,
      %add3A_1343 = arith.constant 100000 : i32
      %add3A_1344 = vector.broadcast %add3A_1343 : i32 to vector<16xi32>
      %add3A_1345 = arith.addi %add3A_1289, %add3A_1344 : vector<16xi32>
      %swap3A_1346 = arith.constant 0 : i32
      %swap3A_1347 = arith.index_cast %swap3A_1346 : i32 to index
      %swap3A_1348 = arith.constant 2976 : index
      %swap3A_1349 = tpu.vector_load %arg12[%swap3A_1347, %swap3A_1348] {strides = array<i32>} : memref<2x4096xi32, #tpu.memory_space<vmem>>, vector<16xi32>,
      tpu.vector_store %arg12[%swap3A_1347, %swap3A_1348], %add3A_1345 {strides = array<i32>} : memref<2x4096xi32, #tpu.memory_space<vmem>>, vector<16xi32>,
      %add3A_1350 = arith.constant 100000 : i32
      %add3A_1351 = vector.broadcast %add3A_1350 : i32 to vector<16xi32>
      %add3A_1352 = arith.addi %add3A_1296, %add3A_1351 : vector<16xi32>
      %swap3A_1353 = arith.constant 0 : i32
      %swap3A_1354 = arith.index_cast %swap3A_1353 : i32 to index
      %swap3A_1355 = arith.constant 2992 : index
      %swap3A_1356 = tpu.vector_load %arg12[%swap3A_1354, %swap3A_1355] {strides = array<i32>} : memref<2x4096xi32, #tpu.memory_space<vmem>>, vector<16xi32>,
      tpu.vector_store %arg12[%swap3A_1354, %swap3A_1355], %add3A_1352 {strides = array<i32>} : memref<2x4096xi32, #tpu.memory_space<vmem>>, vector<16xi32>,
      %add3A_1357 = arith.constant 100000 : i32
      %add3A_1358 = vector.broadcast %add3A_1357 : i32 to vector<16xi32>
      %add3A_1359 = arith.addi %add3A_1303, %add3A_1358 : vector<16xi32>
      %swap3A_1360 = arith.constant 0 : i32
      %swap3A_1361 = arith.index_cast %swap3A_1360 : i32 to index
      %swap3A_1362 = arith.constant 3008 : index
      %swap3A_1363 = tpu.vector_load %arg12[%swap3A_1361, %swap3A_1362] {strides = array<i32>} : memref<2x4096xi32, #tpu.memory_space<vmem>>, vector<16xi32>,
      tpu.vector_store %arg12[%swap3A_1361, %swap3A_1362], %add3A_1359 {strides = array<i32>} : memref<2x4096xi32, #tpu.memory_space<vmem>>, vector<16xi32>,
      %add3A_1364 = arith.constant 100000 : i32
      %add3A_1365 = vector.broadcast %add3A_1364 : i32 to vector<16xi32>
      %add3A_1366 = arith.addi %add3A_1310, %add3A_1365 : vector<16xi32>
      %swap3A_1367 = arith.constant 0 : i32
      %swap3A_1368 = arith.index_cast %swap3A_1367 : i32 to index
      %swap3A_1369 = arith.constant 3024 : index
      %swap3A_1370 = tpu.vector_load %arg12[%swap3A_1368, %swap3A_1369] {strides = array<i32>} : memref<2x4096xi32, #tpu.memory_space<vmem>>, vector<16xi32>,
      tpu.vector_store %arg12[%swap3A_1368, %swap3A_1369], %add3A_1366 {strides = array<i32>} : memref<2x4096xi32, #tpu.memory_space<vmem>>, vector<16xi32>,
      %add3A_1371 = arith.constant 100000 : i32
      %add3A_1372 = vector.broadcast %add3A_1371 : i32 to vector<16xi32>
      %add3A_1373 = arith.addi %add3A_1317, %add3A_1372 : vector<16xi32>
      %swap3A_1374 = arith.constant 0 : i32
      %swap3A_1375 = arith.index_cast %swap3A_1374 : i32 to index
      %swap3A_1376 = arith.constant 3040 : index
      %swap3A_1377 = tpu.vector_load %arg12[%swap3A_1375, %swap3A_1376] {strides = array<i32>} : memref<2x4096xi32, #tpu.memory_space<vmem>>, vector<16xi32>,
      tpu.vector_store %arg12[%swap3A_1375, %swap3A_1376], %add3A_1373 {strides = array<i32>} : memref<2x4096xi32, #tpu.memory_space<vmem>>, vector<16xi32>,
      %add3A_1378 = arith.constant 100000 : i32
      %add3A_1379 = vector.broadcast %add3A_1378 : i32 to vector<16xi32>
      %add3A_1380 = arith.addi %add3A_1324, %add3A_1379 : vector<16xi32>
      %swap3A_1381 = arith.constant 0 : i32
      %swap3A_1382 = arith.index_cast %swap3A_1381 : i32 to index
      %swap3A_1383 = arith.constant 3056 : index
      %swap3A_1384 = tpu.vector_load %arg12[%swap3A_1382, %swap3A_1383] {strides = array<i32>} : memref<2x4096xi32, #tpu.memory_space<vmem>>, vector<16xi32>,
      tpu.vector_store %arg12[%swap3A_1382, %swap3A_1383], %add3A_1380 {strides = array<i32>} : memref<2x4096xi32, #tpu.memory_space<vmem>>, vector<16xi32>,
      %add3A_1385 = arith.constant 100000 : i32
      %add3A_1386 = vector.broadcast %add3A_1385 : i32 to vector<16xi32>
      %add3A_1387 = arith.addi %add3A_1331, %add3A_1386 : vector<16xi32>
      %swap3A_1388 = arith.constant 0 : i32
      %swap3A_1389 = arith.index_cast %swap3A_1388 : i32 to index
      %swap3A_1390 = arith.constant 3072 : index
      %swap3A_1391 = tpu.vector_load %arg12[%swap3A_1389, %swap3A_1390] {strides = array<i32>} : memref<2x4096xi32, #tpu.memory_space<vmem>>, vector<16xi32>,
      tpu.vector_store %arg12[%swap3A_1389, %swap3A_1390], %add3A_1387 {strides = array<i32>} : memref<2x4096xi32, #tpu.memory_space<vmem>>, vector<16xi32>,
      %add3A_1392 = arith.constant 100000 : i32
      %add3A_1393 = vector.broadcast %add3A_1392 : i32 to vector<16xi32>
      %add3A_1394 = arith.addi %add3A_1338, %add3A_1393 : vector<16xi32>
      %swap3A_1395 = arith.constant 0 : i32
      %swap3A_1396 = arith.index_cast %swap3A_1395 : i32 to index
      %swap3A_1397 = arith.constant 3088 : index
      %swap3A_1398 = tpu.vector_load %arg12[%swap3A_1396, %swap3A_1397] {strides = array<i32>} : memref<2x4096xi32, #tpu.memory_space<vmem>>, vector<16xi32>,
      tpu.vector_store %arg12[%swap3A_1396, %swap3A_1397], %add3A_1394 {strides = array<i32>} : memref<2x4096xi32, #tpu.memory_space<vmem>>, vector<16xi32>,
      %add3A_1399 = arith.constant 100000 : i32
      %add3A_1400 = vector.broadcast %add3A_1399 : i32 to vector<16xi32>
      %add3A_1401 = arith.addi %add3A_1345, %add3A_1400 : vector<16xi32>
      %swap3A_1402 = arith.constant 0 : i32
      %swap3A_1403 = arith.index_cast %swap3A_1402 : i32 to index
      %swap3A_1404 = arith.constant 3104 : index
      %swap3A_1405 = tpu.vector_load %arg12[%swap3A_1403, %swap3A_1404] {strides = array<i32>} : memref<2x4096xi32, #tpu.memory_space<vmem>>, vector<16xi32>,
      tpu.vector_store %arg12[%swap3A_1403, %swap3A_1404], %add3A_1401 {strides = array<i32>} : memref<2x4096xi32, #tpu.memory_space<vmem>>, vector<16xi32>,
      %add3A_1406 = arith.constant 100000 : i32
      %add3A_1407 = vector.broadcast %add3A_1406 : i32 to vector<16xi32>
      %add3A_1408 = arith.addi %add3A_1352, %add3A_1407 : vector<16xi32>
      %swap3A_1409 = arith.constant 0 : i32
      %swap3A_1410 = arith.index_cast %swap3A_1409 : i32 to index
      %swap3A_1411 = arith.constant 3120 : index
      %swap3A_1412 = tpu.vector_load %arg12[%swap3A_1410, %swap3A_1411] {strides = array<i32>} : memref<2x4096xi32, #tpu.memory_space<vmem>>, vector<16xi32>,
      tpu.vector_store %arg12[%swap3A_1410, %swap3A_1411], %add3A_1408 {strides = array<i32>} : memref<2x4096xi32, #tpu.memory_space<vmem>>, vector<16xi32>,
      %add3A_1413 = arith.constant 100000 : i32
      %add3A_1414 = vector.broadcast %add3A_1413 : i32 to vector<16xi32>
      %add3A_1415 = arith.addi %add3A_1359, %add3A_1414 : vector<16xi32>
      %swap3A_1416 = arith.constant 0 : i32
      %swap3A_1417 = arith.index_cast %swap3A_1416 : i32 to index
      %swap3A_1418 = arith.constant 3136 : index
      %swap3A_1419 = tpu.vector_load %arg12[%swap3A_1417, %swap3A_1418] {strides = array<i32>} : memref<2x4096xi32, #tpu.memory_space<vmem>>, vector<16xi32>,
      tpu.vector_store %arg12[%swap3A_1417, %swap3A_1418], %add3A_1415 {strides = array<i32>} : memref<2x4096xi32, #tpu.memory_space<vmem>>, vector<16xi32>,
      %add3A_1420 = arith.constant 100000 : i32
      %add3A_1421 = vector.broadcast %add3A_1420 : i32 to vector<16xi32>
      %add3A_1422 = arith.addi %add3A_1366, %add3A_1421 : vector<16xi32>
      %swap3A_1423 = arith.constant 0 : i32
      %swap3A_1424 = arith.index_cast %swap3A_1423 : i32 to index
      %swap3A_1425 = arith.constant 3152 : index
      %swap3A_1426 = tpu.vector_load %arg12[%swap3A_1424, %swap3A_1425] {strides = array<i32>} : memref<2x4096xi32, #tpu.memory_space<vmem>>, vector<16xi32>,
      tpu.vector_store %arg12[%swap3A_1424, %swap3A_1425], %add3A_1422 {strides = array<i32>} : memref<2x4096xi32, #tpu.memory_space<vmem>>, vector<16xi32>,
      %add3A_1427 = arith.constant 100000 : i32
      %add3A_1428 = vector.broadcast %add3A_1427 : i32 to vector<16xi32>
      %add3A_1429 = arith.addi %add3A_1373, %add3A_1428 : vector<16xi32>
      %swap3A_1430 = arith.constant 0 : i32
      %swap3A_1431 = arith.index_cast %swap3A_1430 : i32 to index
      %swap3A_1432 = arith.constant 3168 : index
      %swap3A_1433 = tpu.vector_load %arg12[%swap3A_1431, %swap3A_1432] {strides = array<i32>} : memref<2x4096xi32, #tpu.memory_space<vmem>>, vector<16xi32>,
      tpu.vector_store %arg12[%swap3A_1431, %swap3A_1432], %add3A_1429 {strides = array<i32>} : memref<2x4096xi32, #tpu.memory_space<vmem>>, vector<16xi32>,
      %add3A_1434 = arith.constant 100000 : i32
      %add3A_1435 = vector.broadcast %add3A_1434 : i32 to vector<16xi32>
      %add3A_1436 = arith.addi %add3A_1380, %add3A_1435 : vector<16xi32>
      %swap3A_1437 = arith.constant 0 : i32
      %swap3A_1438 = arith.index_cast %swap3A_1437 : i32 to index
      %swap3A_1439 = arith.constant 3184 : index
      %swap3A_1440 = tpu.vector_load %arg12[%swap3A_1438, %swap3A_1439] {strides = array<i32>} : memref<2x4096xi32, #tpu.memory_space<vmem>>, vector<16xi32>,
      tpu.vector_store %arg12[%swap3A_1438, %swap3A_1439], %add3A_1436 {strides = array<i32>} : memref<2x4096xi32, #tpu.memory_space<vmem>>, vector<16xi32>,
      %add3A_1441 = arith.constant 100000 : i32
      %add3A_1442 = vector.broadcast %add3A_1441 : i32 to vector<16xi32>
      %add3A_1443 = arith.addi %add3A_1387, %add3A_1442 : vector<16xi32>
      %swap3A_1444 = arith.constant 0 : i32
      %swap3A_1445 = arith.index_cast %swap3A_1444 : i32 to index
      %swap3A_1446 = arith.constant 3200 : index
      %swap3A_1447 = tpu.vector_load %arg12[%swap3A_1445, %swap3A_1446] {strides = array<i32>} : memref<2x4096xi32, #tpu.memory_space<vmem>>, vector<16xi32>,
      tpu.vector_store %arg12[%swap3A_1445, %swap3A_1446], %add3A_1443 {strides = array<i32>} : memref<2x4096xi32, #tpu.memory_space<vmem>>, vector<16xi32>,
      %add3A_1448 = arith.constant 100000 : i32
      %add3A_1449 = vector.broadcast %add3A_1448 : i32 to vector<16xi32>
      %add3A_1450 = arith.addi %add3A_1394, %add3A_1449 : vector<16xi32>
      %swap3A_1451 = arith.constant 0 : i32
      %swap3A_1452 = arith.index_cast %swap3A_1451 : i32 to index
      %swap3A_1453 = arith.constant 3216 : index
      %swap3A_1454 = tpu.vector_load %arg12[%swap3A_1452, %swap3A_1453] {strides = array<i32>} : memref<2x4096xi32, #tpu.memory_space<vmem>>, vector<16xi32>,
      tpu.vector_store %arg12[%swap3A_1452, %swap3A_1453], %add3A_1450 {strides = array<i32>} : memref<2x4096xi32, #tpu.memory_space<vmem>>, vector<16xi32>,
      %add3A_1455 = arith.constant 100000 : i32
      %add3A_1456 = vector.broadcast %add3A_1455 : i32 to vector<16xi32>
      %add3A_1457 = arith.addi %add3A_1401, %add3A_1456 : vector<16xi32>
      %swap3A_1458 = arith.constant 0 : i32
      %swap3A_1459 = arith.index_cast %swap3A_1458 : i32 to index
      %swap3A_1460 = arith.constant 3232 : index
      %swap3A_1461 = tpu.vector_load %arg12[%swap3A_1459, %swap3A_1460] {strides = array<i32>} : memref<2x4096xi32, #tpu.memory_space<vmem>>, vector<16xi32>,
      tpu.vector_store %arg12[%swap3A_1459, %swap3A_1460], %add3A_1457 {strides = array<i32>} : memref<2x4096xi32, #tpu.memory_space<vmem>>, vector<16xi32>,
      %add3A_1462 = arith.constant 100000 : i32
      %add3A_1463 = vector.broadcast %add3A_1462 : i32 to vector<16xi32>
      %add3A_1464 = arith.addi %add3A_1408, %add3A_1463 : vector<16xi32>
      %swap3A_1465 = arith.constant 0 : i32
      %swap3A_1466 = arith.index_cast %swap3A_1465 : i32 to index
      %swap3A_1467 = arith.constant 3248 : index
      %swap3A_1468 = tpu.vector_load %arg12[%swap3A_1466, %swap3A_1467] {strides = array<i32>} : memref<2x4096xi32, #tpu.memory_space<vmem>>, vector<16xi32>,
      tpu.vector_store %arg12[%swap3A_1466, %swap3A_1467], %add3A_1464 {strides = array<i32>} : memref<2x4096xi32, #tpu.memory_space<vmem>>, vector<16xi32>,
      %add3A_1469 = arith.constant 100000 : i32
      %add3A_1470 = vector.broadcast %add3A_1469 : i32 to vector<16xi32>
      %add3A_1471 = arith.addi %add3A_1415, %add3A_1470 : vector<16xi32>
      %swap3A_1472 = arith.constant 0 : i32
      %swap3A_1473 = arith.index_cast %swap3A_1472 : i32 to index
      %swap3A_1474 = arith.constant 3264 : index
      %swap3A_1475 = tpu.vector_load %arg12[%swap3A_1473, %swap3A_1474] {strides = array<i32>} : memref<2x4096xi32, #tpu.memory_space<vmem>>, vector<16xi32>,
      tpu.vector_store %arg12[%swap3A_1473, %swap3A_1474], %add3A_1471 {strides = array<i32>} : memref<2x4096xi32, #tpu.memory_space<vmem>>, vector<16xi32>,
      %add3A_1476 = arith.constant 100000 : i32
      %add3A_1477 = vector.broadcast %add3A_1476 : i32 to vector<16xi32>
      %add3A_1478 = arith.addi %add3A_1422, %add3A_1477 : vector<16xi32>
      %swap3A_1479 = arith.constant 0 : i32
      %swap3A_1480 = arith.index_cast %swap3A_1479 : i32 to index
      %swap3A_1481 = arith.constant 3280 : index
      %swap3A_1482 = tpu.vector_load %arg12[%swap3A_1480, %swap3A_1481] {strides = array<i32>} : memref<2x4096xi32, #tpu.memory_space<vmem>>, vector<16xi32>,
      tpu.vector_store %arg12[%swap3A_1480, %swap3A_1481], %add3A_1478 {strides = array<i32>} : memref<2x4096xi32, #tpu.memory_space<vmem>>, vector<16xi32>,
      %add3A_1483 = arith.constant 100000 : i32
      %add3A_1484 = vector.broadcast %add3A_1483 : i32 to vector<16xi32>
      %add3A_1485 = arith.addi %add3A_1429, %add3A_1484 : vector<16xi32>
      %swap3A_1486 = arith.constant 0 : i32
      %swap3A_1487 = arith.index_cast %swap3A_1486 : i32 to index
      %swap3A_1488 = arith.constant 3296 : index
      %swap3A_1489 = tpu.vector_load %arg12[%swap3A_1487, %swap3A_1488] {strides = array<i32>} : memref<2x4096xi32, #tpu.memory_space<vmem>>, vector<16xi32>,
      tpu.vector_store %arg12[%swap3A_1487, %swap3A_1488], %add3A_1485 {strides = array<i32>} : memref<2x4096xi32, #tpu.memory_space<vmem>>, vector<16xi32>,
      %add3A_1490 = arith.constant 100000 : i32
      %add3A_1491 = vector.broadcast %add3A_1490 : i32 to vector<16xi32>
      %add3A_1492 = arith.addi %add3A_1436, %add3A_1491 : vector<16xi32>
      %swap3A_1493 = arith.constant 0 : i32
      %swap3A_1494 = arith.index_cast %swap3A_1493 : i32 to index
      %swap3A_1495 = arith.constant 3312 : index
      %swap3A_1496 = tpu.vector_load %arg12[%swap3A_1494, %swap3A_1495] {strides = array<i32>} : memref<2x4096xi32, #tpu.memory_space<vmem>>, vector<16xi32>,
      tpu.vector_store %arg12[%swap3A_1494, %swap3A_1495], %add3A_1492 {strides = array<i32>} : memref<2x4096xi32, #tpu.memory_space<vmem>>, vector<16xi32>,
      %add3A_1497 = arith.constant 100000 : i32
      %add3A_1498 = vector.broadcast %add3A_1497 : i32 to vector<16xi32>
      %add3A_1499 = arith.addi %add3A_1443, %add3A_1498 : vector<16xi32>
      %swap3A_1500 = arith.constant 0 : i32
      %swap3A_1501 = arith.index_cast %swap3A_1500 : i32 to index
      %swap3A_1502 = arith.constant 3328 : index
      %swap3A_1503 = tpu.vector_load %arg12[%swap3A_1501, %swap3A_1502] {strides = array<i32>} : memref<2x4096xi32, #tpu.memory_space<vmem>>, vector<16xi32>,
      tpu.vector_store %arg12[%swap3A_1501, %swap3A_1502], %add3A_1499 {strides = array<i32>} : memref<2x4096xi32, #tpu.memory_space<vmem>>, vector<16xi32>,
      %add3A_1504 = arith.constant 100000 : i32
      %add3A_1505 = vector.broadcast %add3A_1504 : i32 to vector<16xi32>
      %add3A_1506 = arith.addi %add3A_1450, %add3A_1505 : vector<16xi32>
      %swap3A_1507 = arith.constant 0 : i32
      %swap3A_1508 = arith.index_cast %swap3A_1507 : i32 to index
      %swap3A_1509 = arith.constant 3344 : index
      %swap3A_1510 = tpu.vector_load %arg12[%swap3A_1508, %swap3A_1509] {strides = array<i32>} : memref<2x4096xi32, #tpu.memory_space<vmem>>, vector<16xi32>,
      tpu.vector_store %arg12[%swap3A_1508, %swap3A_1509], %add3A_1506 {strides = array<i32>} : memref<2x4096xi32, #tpu.memory_space<vmem>>, vector<16xi32>,
      %add3A_1511 = arith.constant 100000 : i32
      %add3A_1512 = vector.broadcast %add3A_1511 : i32 to vector<16xi32>
      %add3A_1513 = arith.addi %add3A_1457, %add3A_1512 : vector<16xi32>
      %swap3A_1514 = arith.constant 0 : i32
      %swap3A_1515 = arith.index_cast %swap3A_1514 : i32 to index
      %swap3A_1516 = arith.constant 3360 : index
      %swap3A_1517 = tpu.vector_load %arg12[%swap3A_1515, %swap3A_1516] {strides = array<i32>} : memref<2x4096xi32, #tpu.memory_space<vmem>>, vector<16xi32>,
      tpu.vector_store %arg12[%swap3A_1515, %swap3A_1516], %add3A_1513 {strides = array<i32>} : memref<2x4096xi32, #tpu.memory_space<vmem>>, vector<16xi32>,
      %add3A_1518 = arith.constant 100000 : i32
      %add3A_1519 = vector.broadcast %add3A_1518 : i32 to vector<16xi32>
      %add3A_1520 = arith.addi %add3A_1464, %add3A_1519 : vector<16xi32>
      %swap3A_1521 = arith.constant 0 : i32
      %swap3A_1522 = arith.index_cast %swap3A_1521 : i32 to index
      %swap3A_1523 = arith.constant 3376 : index
      %swap3A_1524 = tpu.vector_load %arg12[%swap3A_1522, %swap3A_1523] {strides = array<i32>} : memref<2x4096xi32, #tpu.memory_space<vmem>>, vector<16xi32>,
      tpu.vector_store %arg12[%swap3A_1522, %swap3A_1523], %add3A_1520 {strides = array<i32>} : memref<2x4096xi32, #tpu.memory_space<vmem>>, vector<16xi32>,
      %add3A_1525 = arith.constant 100000 : i32
      %add3A_1526 = vector.broadcast %add3A_1525 : i32 to vector<16xi32>
      %add3A_1527 = arith.addi %add3A_1471, %add3A_1526 : vector<16xi32>
      %swap3A_1528 = arith.constant 0 : i32
      %swap3A_1529 = arith.index_cast %swap3A_1528 : i32 to index
      %swap3A_1530 = arith.constant 3392 : index
      %swap3A_1531 = tpu.vector_load %arg12[%swap3A_1529, %swap3A_1530] {strides = array<i32>} : memref<2x4096xi32, #tpu.memory_space<vmem>>, vector<16xi32>,
      tpu.vector_store %arg12[%swap3A_1529, %swap3A_1530], %add3A_1527 {strides = array<i32>} : memref<2x4096xi32, #tpu.memory_space<vmem>>, vector<16xi32>,
      %add3A_1532 = arith.constant 100000 : i32
      %add3A_1533 = vector.broadcast %add3A_1532 : i32 to vector<16xi32>
      %add3A_1534 = arith.addi %add3A_1478, %add3A_1533 : vector<16xi32>
      %swap3A_1535 = arith.constant 0 : i32
      %swap3A_1536 = arith.index_cast %swap3A_1535 : i32 to index
      %swap3A_1537 = arith.constant 3408 : index
      %swap3A_1538 = tpu.vector_load %arg12[%swap3A_1536, %swap3A_1537] {strides = array<i32>} : memref<2x4096xi32, #tpu.memory_space<vmem>>, vector<16xi32>,
      tpu.vector_store %arg12[%swap3A_1536, %swap3A_1537], %add3A_1534 {strides = array<i32>} : memref<2x4096xi32, #tpu.memory_space<vmem>>, vector<16xi32>,
      %add3A_1539 = arith.constant 100000 : i32
      %add3A_1540 = vector.broadcast %add3A_1539 : i32 to vector<16xi32>
      %add3A_1541 = arith.addi %add3A_1485, %add3A_1540 : vector<16xi32>
      %swap3A_1542 = arith.constant 0 : i32
      %swap3A_1543 = arith.index_cast %swap3A_1542 : i32 to index
      %swap3A_1544 = arith.constant 3424 : index
      %swap3A_1545 = tpu.vector_load %arg12[%swap3A_1543, %swap3A_1544] {strides = array<i32>} : memref<2x4096xi32, #tpu.memory_space<vmem>>, vector<16xi32>,
      tpu.vector_store %arg12[%swap3A_1543, %swap3A_1544], %add3A_1541 {strides = array<i32>} : memref<2x4096xi32, #tpu.memory_space<vmem>>, vector<16xi32>,
      %add3A_1546 = arith.constant 100000 : i32
      %add3A_1547 = vector.broadcast %add3A_1546 : i32 to vector<16xi32>
      %add3A_1548 = arith.addi %add3A_1492, %add3A_1547 : vector<16xi32>
      %swap3A_1549 = arith.constant 0 : i32
      %swap3A_1550 = arith.index_cast %swap3A_1549 : i32 to index
      %swap3A_1551 = arith.constant 3440 : index
      %swap3A_1552 = tpu.vector_load %arg12[%swap3A_1550, %swap3A_1551] {strides = array<i32>} : memref<2x4096xi32, #tpu.memory_space<vmem>>, vector<16xi32>,
      tpu.vector_store %arg12[%swap3A_1550, %swap3A_1551], %add3A_1548 {strides = array<i32>} : memref<2x4096xi32, #tpu.memory_space<vmem>>, vector<16xi32>,
      %add3A_1553 = arith.constant 100000 : i32
      %add3A_1554 = vector.broadcast %add3A_1553 : i32 to vector<16xi32>
      %add3A_1555 = arith.addi %add3A_1499, %add3A_1554 : vector<16xi32>
      %swap3A_1556 = arith.constant 0 : i32
      %swap3A_1557 = arith.index_cast %swap3A_1556 : i32 to index
      %swap3A_1558 = arith.constant 3456 : index
      %swap3A_1559 = tpu.vector_load %arg12[%swap3A_1557, %swap3A_1558] {strides = array<i32>} : memref<2x4096xi32, #tpu.memory_space<vmem>>, vector<16xi32>,
      tpu.vector_store %arg12[%swap3A_1557, %swap3A_1558], %add3A_1555 {strides = array<i32>} : memref<2x4096xi32, #tpu.memory_space<vmem>>, vector<16xi32>,
      %add3A_1560 = arith.constant 100000 : i32
      %add3A_1561 = vector.broadcast %add3A_1560 : i32 to vector<16xi32>
      %add3A_1562 = arith.addi %add3A_1506, %add3A_1561 : vector<16xi32>
      %swap3A_1563 = arith.constant 0 : i32
      %swap3A_1564 = arith.index_cast %swap3A_1563 : i32 to index
      %swap3A_1565 = arith.constant 3472 : index
      %swap3A_1566 = tpu.vector_load %arg12[%swap3A_1564, %swap3A_1565] {strides = array<i32>} : memref<2x4096xi32, #tpu.memory_space<vmem>>, vector<16xi32>,
      tpu.vector_store %arg12[%swap3A_1564, %swap3A_1565], %add3A_1562 {strides = array<i32>} : memref<2x4096xi32, #tpu.memory_space<vmem>>, vector<16xi32>,
      %add3A_1567 = arith.constant 100000 : i32
      %add3A_1568 = vector.broadcast %add3A_1567 : i32 to vector<16xi32>
      %add3A_1569 = arith.addi %add3A_1513, %add3A_1568 : vector<16xi32>
      %swap3A_1570 = arith.constant 0 : i32
      %swap3A_1571 = arith.index_cast %swap3A_1570 : i32 to index
      %swap3A_1572 = arith.constant 3488 : index
      %swap3A_1573 = tpu.vector_load %arg12[%swap3A_1571, %swap3A_1572] {strides = array<i32>} : memref<2x4096xi32, #tpu.memory_space<vmem>>, vector<16xi32>,
      tpu.vector_store %arg12[%swap3A_1571, %swap3A_1572], %add3A_1569 {strides = array<i32>} : memref<2x4096xi32, #tpu.memory_space<vmem>>, vector<16xi32>,
      %add3A_1574 = arith.constant 100000 : i32
      %add3A_1575 = vector.broadcast %add3A_1574 : i32 to vector<16xi32>
      %add3A_1576 = arith.addi %add3A_1520, %add3A_1575 : vector<16xi32>
      %swap3A_1577 = arith.constant 0 : i32
      %swap3A_1578 = arith.index_cast %swap3A_1577 : i32 to index
      %swap3A_1579 = arith.constant 3504 : index
      %swap3A_1580 = tpu.vector_load %arg12[%swap3A_1578, %swap3A_1579] {strides = array<i32>} : memref<2x4096xi32, #tpu.memory_space<vmem>>, vector<16xi32>,
      tpu.vector_store %arg12[%swap3A_1578, %swap3A_1579], %add3A_1576 {strides = array<i32>} : memref<2x4096xi32, #tpu.memory_space<vmem>>, vector<16xi32>,
      %add3A_1581 = arith.constant 100000 : i32
      %add3A_1582 = vector.broadcast %add3A_1581 : i32 to vector<16xi32>
      %add3A_1583 = arith.addi %add3A_1527, %add3A_1582 : vector<16xi32>
      %swap3A_1584 = arith.constant 0 : i32
      %swap3A_1585 = arith.index_cast %swap3A_1584 : i32 to index
      %swap3A_1586 = arith.constant 3520 : index
      %swap3A_1587 = tpu.vector_load %arg12[%swap3A_1585, %swap3A_1586] {strides = array<i32>} : memref<2x4096xi32, #tpu.memory_space<vmem>>, vector<16xi32>,
      tpu.vector_store %arg12[%swap3A_1585, %swap3A_1586], %add3A_1583 {strides = array<i32>} : memref<2x4096xi32, #tpu.memory_space<vmem>>, vector<16xi32>,
      %add3A_1588 = arith.constant 100000 : i32
      %add3A_1589 = vector.broadcast %add3A_1588 : i32 to vector<16xi32>
      %add3A_1590 = arith.addi %add3A_1534, %add3A_1589 : vector<16xi32>
      %swap3A_1591 = arith.constant 0 : i32
      %swap3A_1592 = arith.index_cast %swap3A_1591 : i32 to index
      %swap3A_1593 = arith.constant 3536 : index
      %swap3A_1594 = tpu.vector_load %arg12[%swap3A_1592, %swap3A_1593] {strides = array<i32>} : memref<2x4096xi32, #tpu.memory_space<vmem>>, vector<16xi32>,
      tpu.vector_store %arg12[%swap3A_1592, %swap3A_1593], %add3A_1590 {strides = array<i32>} : memref<2x4096xi32, #tpu.memory_space<vmem>>, vector<16xi32>,
      %add3A_1595 = arith.constant 100000 : i32
      %add3A_1596 = vector.broadcast %add3A_1595 : i32 to vector<16xi32>
      %add3A_1597 = arith.addi %add3A_1541, %add3A_1596 : vector<16xi32>
      %swap3A_1598 = arith.constant 0 : i32
      %swap3A_1599 = arith.index_cast %swap3A_1598 : i32 to index
      %swap3A_1600 = arith.constant 3552 : index
      %swap3A_1601 = tpu.vector_load %arg12[%swap3A_1599, %swap3A_1600] {strides = array<i32>} : memref<2x4096xi32, #tpu.memory_space<vmem>>, vector<16xi32>,
      tpu.vector_store %arg12[%swap3A_1599, %swap3A_1600], %add3A_1597 {strides = array<i32>} : memref<2x4096xi32, #tpu.memory_space<vmem>>, vector<16xi32>,
      %add3A_1602 = arith.constant 100000 : i32
      %add3A_1603 = vector.broadcast %add3A_1602 : i32 to vector<16xi32>
      %add3A_1604 = arith.addi %add3A_1548, %add3A_1603 : vector<16xi32>
      %swap3A_1605 = arith.constant 0 : i32
      %swap3A_1606 = arith.index_cast %swap3A_1605 : i32 to index
      %swap3A_1607 = arith.constant 3568 : index
      %swap3A_1608 = tpu.vector_load %arg12[%swap3A_1606, %swap3A_1607] {strides = array<i32>} : memref<2x4096xi32, #tpu.memory_space<vmem>>, vector<16xi32>,
      tpu.vector_store %arg12[%swap3A_1606, %swap3A_1607], %add3A_1604 {strides = array<i32>} : memref<2x4096xi32, #tpu.memory_space<vmem>>, vector<16xi32>,
      %add3A_1609 = arith.constant 100000 : i32
      %add3A_1610 = vector.broadcast %add3A_1609 : i32 to vector<16xi32>
      %add3A_1611 = arith.addi %add3A_1555, %add3A_1610 : vector<16xi32>
      %swap3A_1612 = arith.constant 0 : i32
      %swap3A_1613 = arith.index_cast %swap3A_1612 : i32 to index
      %swap3A_1614 = arith.constant 3584 : index
      %swap3A_1615 = tpu.vector_load %arg12[%swap3A_1613, %swap3A_1614] {strides = array<i32>} : memref<2x4096xi32, #tpu.memory_space<vmem>>, vector<16xi32>,
      tpu.vector_store %arg12[%swap3A_1613, %swap3A_1614], %add3A_1611 {strides = array<i32>} : memref<2x4096xi32, #tpu.memory_space<vmem>>, vector<16xi32>,
      %add3A_1616 = arith.constant 100000 : i32
      %add3A_1617 = vector.broadcast %add3A_1616 : i32 to vector<16xi32>
      %add3A_1618 = arith.addi %add3A_1562, %add3A_1617 : vector<16xi32>
      %swap3A_1619 = arith.constant 0 : i32
      %swap3A_1620 = arith.index_cast %swap3A_1619 : i32 to index
      %swap3A_1621 = arith.constant 3600 : index
      %swap3A_1622 = tpu.vector_load %arg12[%swap3A_1620, %swap3A_1621] {strides = array<i32>} : memref<2x4096xi32, #tpu.memory_space<vmem>>, vector<16xi32>,
      tpu.vector_store %arg12[%swap3A_1620, %swap3A_1621], %add3A_1618 {strides = array<i32>} : memref<2x4096xi32, #tpu.memory_space<vmem>>, vector<16xi32>,
      %add3A_1623 = arith.constant 100000 : i32
      %add3A_1624 = vector.broadcast %add3A_1623 : i32 to vector<16xi32>
      %add3A_1625 = arith.addi %add3A_1569, %add3A_1624 : vector<16xi32>
      %swap3A_1626 = arith.constant 0 : i32
      %swap3A_1627 = arith.index_cast %swap3A_1626 : i32 to index
      %swap3A_1628 = arith.constant 3616 : index
      %swap3A_1629 = tpu.vector_load %arg12[%swap3A_1627, %swap3A_1628] {strides = array<i32>} : memref<2x4096xi32, #tpu.memory_space<vmem>>, vector<16xi32>,
      tpu.vector_store %arg12[%swap3A_1627, %swap3A_1628], %add3A_1625 {strides = array<i32>} : memref<2x4096xi32, #tpu.memory_space<vmem>>, vector<16xi32>,
      %add3A_1630 = arith.constant 100000 : i32
      %add3A_1631 = vector.broadcast %add3A_1630 : i32 to vector<16xi32>
      %add3A_1632 = arith.addi %add3A_1576, %add3A_1631 : vector<16xi32>
      %swap3A_1633 = arith.constant 0 : i32
      %swap3A_1634 = arith.index_cast %swap3A_1633 : i32 to index
      %swap3A_1635 = arith.constant 3632 : index
      %swap3A_1636 = tpu.vector_load %arg12[%swap3A_1634, %swap3A_1635] {strides = array<i32>} : memref<2x4096xi32, #tpu.memory_space<vmem>>, vector<16xi32>,
      tpu.vector_store %arg12[%swap3A_1634, %swap3A_1635], %add3A_1632 {strides = array<i32>} : memref<2x4096xi32, #tpu.memory_space<vmem>>, vector<16xi32>,
      %add3A_1637 = arith.constant 100000 : i32
      %add3A_1638 = vector.broadcast %add3A_1637 : i32 to vector<16xi32>
      %add3A_1639 = arith.addi %add3A_1583, %add3A_1638 : vector<16xi32>
      %swap3A_1640 = arith.constant 0 : i32
      %swap3A_1641 = arith.index_cast %swap3A_1640 : i32 to index
      %swap3A_1642 = arith.constant 3648 : index
      %swap3A_1643 = tpu.vector_load %arg12[%swap3A_1641, %swap3A_1642] {strides = array<i32>} : memref<2x4096xi32, #tpu.memory_space<vmem>>, vector<16xi32>,
      tpu.vector_store %arg12[%swap3A_1641, %swap3A_1642], %add3A_1639 {strides = array<i32>} : memref<2x4096xi32, #tpu.memory_space<vmem>>, vector<16xi32>,
      %add3A_1644 = arith.constant 100000 : i32
      %add3A_1645 = vector.broadcast %add3A_1644 : i32 to vector<16xi32>
      %add3A_1646 = arith.addi %add3A_1590, %add3A_1645 : vector<16xi32>
      %swap3A_1647 = arith.constant 0 : i32
      %swap3A_1648 = arith.index_cast %swap3A_1647 : i32 to index
      %swap3A_1649 = arith.constant 3664 : index
      %swap3A_1650 = tpu.vector_load %arg12[%swap3A_1648, %swap3A_1649] {strides = array<i32>} : memref<2x4096xi32, #tpu.memory_space<vmem>>, vector<16xi32>,
      tpu.vector_store %arg12[%swap3A_1648, %swap3A_1649], %add3A_1646 {strides = array<i32>} : memref<2x4096xi32, #tpu.memory_space<vmem>>, vector<16xi32>,
      %add3A_1651 = arith.constant 100000 : i32
      %add3A_1652 = vector.broadcast %add3A_1651 : i32 to vector<16xi32>
      %add3A_1653 = arith.addi %add3A_1597, %add3A_1652 : vector<16xi32>
      %swap3A_1654 = arith.constant 0 : i32
      %swap3A_1655 = arith.index_cast %swap3A_1654 : i32 to index
      %swap3A_1656 = arith.constant 3680 : index
      %swap3A_1657 = tpu.vector_load %arg12[%swap3A_1655, %swap3A_1656] {strides = array<i32>} : memref<2x4096xi32, #tpu.memory_space<vmem>>, vector<16xi32>,
      tpu.vector_store %arg12[%swap3A_1655, %swap3A_1656], %add3A_1653 {strides = array<i32>} : memref<2x4096xi32, #tpu.memory_space<vmem>>, vector<16xi32>,
      %add3A_1658 = arith.constant 100000 : i32
      %add3A_1659 = vector.broadcast %add3A_1658 : i32 to vector<16xi32>
      %add3A_1660 = arith.addi %add3A_1604, %add3A_1659 : vector<16xi32>
      %swap3A_1661 = arith.constant 0 : i32
      %swap3A_1662 = arith.index_cast %swap3A_1661 : i32 to index
      %swap3A_1663 = arith.constant 3696 : index
      %swap3A_1664 = tpu.vector_load %arg12[%swap3A_1662, %swap3A_1663] {strides = array<i32>} : memref<2x4096xi32, #tpu.memory_space<vmem>>, vector<16xi32>,
      tpu.vector_store %arg12[%swap3A_1662, %swap3A_1663], %add3A_1660 {strides = array<i32>} : memref<2x4096xi32, #tpu.memory_space<vmem>>, vector<16xi32>,
      %add3A_1665 = arith.constant 100000 : i32
      %add3A_1666 = vector.broadcast %add3A_1665 : i32 to vector<16xi32>
      %add3A_1667 = arith.addi %add3A_1611, %add3A_1666 : vector<16xi32>
      %swap3A_1668 = arith.constant 0 : i32
      %swap3A_1669 = arith.index_cast %swap3A_1668 : i32 to index
      %swap3A_1670 = arith.constant 3712 : index
      %swap3A_1671 = tpu.vector_load %arg12[%swap3A_1669, %swap3A_1670] {strides = array<i32>} : memref<2x4096xi32, #tpu.memory_space<vmem>>, vector<16xi32>,
      tpu.vector_store %arg12[%swap3A_1669, %swap3A_1670], %add3A_1667 {strides = array<i32>} : memref<2x4096xi32, #tpu.memory_space<vmem>>, vector<16xi32>,
      %add3A_1672 = arith.constant 100000 : i32
      %add3A_1673 = vector.broadcast %add3A_1672 : i32 to vector<16xi32>
      %add3A_1674 = arith.addi %add3A_1618, %add3A_1673 : vector<16xi32>
      %swap3A_1675 = arith.constant 0 : i32
      %swap3A_1676 = arith.index_cast %swap3A_1675 : i32 to index
      %swap3A_1677 = arith.constant 3728 : index
      %swap3A_1678 = tpu.vector_load %arg12[%swap3A_1676, %swap3A_1677] {strides = array<i32>} : memref<2x4096xi32, #tpu.memory_space<vmem>>, vector<16xi32>,
      tpu.vector_store %arg12[%swap3A_1676, %swap3A_1677], %add3A_1674 {strides = array<i32>} : memref<2x4096xi32, #tpu.memory_space<vmem>>, vector<16xi32>,
      %add3A_1679 = arith.constant 100000 : i32
      %add3A_1680 = vector.broadcast %add3A_1679 : i32 to vector<16xi32>
      %add3A_1681 = arith.addi %add3A_1625, %add3A_1680 : vector<16xi32>
      %swap3A_1682 = arith.constant 0 : i32
      %swap3A_1683 = arith.index_cast %swap3A_1682 : i32 to index
      %swap3A_1684 = arith.constant 3744 : index
      %swap3A_1685 = tpu.vector_load %arg12[%swap3A_1683, %swap3A_1684] {strides = array<i32>} : memref<2x4096xi32, #tpu.memory_space<vmem>>, vector<16xi32>,
      tpu.vector_store %arg12[%swap3A_1683, %swap3A_1684], %add3A_1681 {strides = array<i32>} : memref<2x4096xi32, #tpu.memory_space<vmem>>, vector<16xi32>,
      %add3A_1686 = arith.constant 100000 : i32
      %add3A_1687 = vector.broadcast %add3A_1686 : i32 to vector<16xi32>
      %add3A_1688 = arith.addi %add3A_1632, %add3A_1687 : vector<16xi32>
      %swap3A_1689 = arith.constant 0 : i32
      %swap3A_1690 = arith.index_cast %swap3A_1689 : i32 to index
      %swap3A_1691 = arith.constant 3760 : index
      %swap3A_1692 = tpu.vector_load %arg12[%swap3A_1690, %swap3A_1691] {strides = array<i32>} : memref<2x4096xi32, #tpu.memory_space<vmem>>, vector<16xi32>,
      tpu.vector_store %arg12[%swap3A_1690, %swap3A_1691], %add3A_1688 {strides = array<i32>} : memref<2x4096xi32, #tpu.memory_space<vmem>>, vector<16xi32>,
      %add3A_1693 = arith.constant 100000 : i32
      %add3A_1694 = vector.broadcast %add3A_1693 : i32 to vector<16xi32>
      %add3A_1695 = arith.addi %add3A_1639, %add3A_1694 : vector<16xi32>
      %swap3A_1696 = arith.constant 0 : i32
      %swap3A_1697 = arith.index_cast %swap3A_1696 : i32 to index
      %swap3A_1698 = arith.constant 3776 : index
      %swap3A_1699 = tpu.vector_load %arg12[%swap3A_1697, %swap3A_1698] {strides = array<i32>} : memref<2x4096xi32, #tpu.memory_space<vmem>>, vector<16xi32>,
      tpu.vector_store %arg12[%swap3A_1697, %swap3A_1698], %add3A_1695 {strides = array<i32>} : memref<2x4096xi32, #tpu.memory_space<vmem>>, vector<16xi32>,
      %add3A_1700 = arith.constant 100000 : i32
      %add3A_1701 = vector.broadcast %add3A_1700 : i32 to vector<16xi32>
      %add3A_1702 = arith.addi %add3A_1646, %add3A_1701 : vector<16xi32>
      %swap3A_1703 = arith.constant 0 : i32
      %swap3A_1704 = arith.index_cast %swap3A_1703 : i32 to index
      %swap3A_1705 = arith.constant 3792 : index
      %swap3A_1706 = tpu.vector_load %arg12[%swap3A_1704, %swap3A_1705] {strides = array<i32>} : memref<2x4096xi32, #tpu.memory_space<vmem>>, vector<16xi32>,
      tpu.vector_store %arg12[%swap3A_1704, %swap3A_1705], %add3A_1702 {strides = array<i32>} : memref<2x4096xi32, #tpu.memory_space<vmem>>, vector<16xi32>,
      %add3A_1707 = arith.constant 100000 : i32
      %add3A_1708 = vector.broadcast %add3A_1707 : i32 to vector<16xi32>
      %add3A_1709 = arith.addi %add3A_1653, %add3A_1708 : vector<16xi32>
      %swap3A_1710 = arith.constant 0 : i32
      %swap3A_1711 = arith.index_cast %swap3A_1710 : i32 to index
      %swap3A_1712 = arith.constant 3808 : index
      %swap3A_1713 = tpu.vector_load %arg12[%swap3A_1711, %swap3A_1712] {strides = array<i32>} : memref<2x4096xi32, #tpu.memory_space<vmem>>, vector<16xi32>,
      tpu.vector_store %arg12[%swap3A_1711, %swap3A_1712], %add3A_1709 {strides = array<i32>} : memref<2x4096xi32, #tpu.memory_space<vmem>>, vector<16xi32>,
      %add3A_1714 = arith.constant 100000 : i32
      %add3A_1715 = vector.broadcast %add3A_1714 : i32 to vector<16xi32>
      %add3A_1716 = arith.addi %add3A_1660, %add3A_1715 : vector<16xi32>
      %swap3A_1717 = arith.constant 0 : i32
      %swap3A_1718 = arith.index_cast %swap3A_1717 : i32 to index
      %swap3A_1719 = arith.constant 3824 : index
      %swap3A_1720 = tpu.vector_load %arg12[%swap3A_1718, %swap3A_1719] {strides = array<i32>} : memref<2x4096xi32, #tpu.memory_space<vmem>>, vector<16xi32>,
      tpu.vector_store %arg12[%swap3A_1718, %swap3A_1719], %add3A_1716 {strides = array<i32>} : memref<2x4096xi32, #tpu.memory_space<vmem>>, vector<16xi32>,
      %add3A_1721 = arith.constant 100000 : i32
      %add3A_1722 = vector.broadcast %add3A_1721 : i32 to vector<16xi32>
      %add3A_1723 = arith.addi %add3A_1667, %add3A_1722 : vector<16xi32>
      %swap3A_1724 = arith.constant 0 : i32
      %swap3A_1725 = arith.index_cast %swap3A_1724 : i32 to index
      %swap3A_1726 = arith.constant 3840 : index
      %swap3A_1727 = tpu.vector_load %arg12[%swap3A_1725, %swap3A_1726] {strides = array<i32>} : memref<2x4096xi32, #tpu.memory_space<vmem>>, vector<16xi32>,
      tpu.vector_store %arg12[%swap3A_1725, %swap3A_1726], %add3A_1723 {strides = array<i32>} : memref<2x4096xi32, #tpu.memory_space<vmem>>, vector<16xi32>,
      %add3A_1728 = arith.constant 100000 : i32
      %add3A_1729 = vector.broadcast %add3A_1728 : i32 to vector<16xi32>
      %add3A_1730 = arith.addi %add3A_1674, %add3A_1729 : vector<16xi32>
      %swap3A_1731 = arith.constant 0 : i32
      %swap3A_1732 = arith.index_cast %swap3A_1731 : i32 to index
      %swap3A_1733 = arith.constant 3856 : index
      %swap3A_1734 = tpu.vector_load %arg12[%swap3A_1732, %swap3A_1733] {strides = array<i32>} : memref<2x4096xi32, #tpu.memory_space<vmem>>, vector<16xi32>,
      tpu.vector_store %arg12[%swap3A_1732, %swap3A_1733], %add3A_1730 {strides = array<i32>} : memref<2x4096xi32, #tpu.memory_space<vmem>>, vector<16xi32>,
      %add3A_1735 = arith.constant 100000 : i32
      %add3A_1736 = vector.broadcast %add3A_1735 : i32 to vector<16xi32>
      %add3A_1737 = arith.addi %add3A_1681, %add3A_1736 : vector<16xi32>
      %swap3A_1738 = arith.constant 0 : i32
      %swap3A_1739 = arith.index_cast %swap3A_1738 : i32 to index
      %swap3A_1740 = arith.constant 3872 : index
      %swap3A_1741 = tpu.vector_load %arg12[%swap3A_1739, %swap3A_1740] {strides = array<i32>} : memref<2x4096xi32, #tpu.memory_space<vmem>>, vector<16xi32>,
      tpu.vector_store %arg12[%swap3A_1739, %swap3A_1740], %add3A_1737 {strides = array<i32>} : memref<2x4096xi32, #tpu.memory_space<vmem>>, vector<16xi32>,
      %add3A_1742 = arith.constant 100000 : i32
      %add3A_1743 = vector.broadcast %add3A_1742 : i32 to vector<16xi32>
      %add3A_1744 = arith.addi %add3A_1688, %add3A_1743 : vector<16xi32>
      %swap3A_1745 = arith.constant 0 : i32
      %swap3A_1746 = arith.index_cast %swap3A_1745 : i32 to index
      %swap3A_1747 = arith.constant 3888 : index
      %swap3A_1748 = tpu.vector_load %arg12[%swap3A_1746, %swap3A_1747] {strides = array<i32>} : memref<2x4096xi32, #tpu.memory_space<vmem>>, vector<16xi32>,
      tpu.vector_store %arg12[%swap3A_1746, %swap3A_1747], %add3A_1744 {strides = array<i32>} : memref<2x4096xi32, #tpu.memory_space<vmem>>, vector<16xi32>,
      %add3A_1749 = arith.constant 100000 : i32
      %add3A_1750 = vector.broadcast %add3A_1749 : i32 to vector<16xi32>
      %add3A_1751 = arith.addi %add3A_1695, %add3A_1750 : vector<16xi32>
      %swap3A_1752 = arith.constant 0 : i32
      %swap3A_1753 = arith.index_cast %swap3A_1752 : i32 to index
      %swap3A_1754 = arith.constant 3904 : index
      %swap3A_1755 = tpu.vector_load %arg12[%swap3A_1753, %swap3A_1754] {strides = array<i32>} : memref<2x4096xi32, #tpu.memory_space<vmem>>, vector<16xi32>,
      tpu.vector_store %arg12[%swap3A_1753, %swap3A_1754], %add3A_1751 {strides = array<i32>} : memref<2x4096xi32, #tpu.memory_space<vmem>>, vector<16xi32>,
      %add3A_1756 = arith.constant 100000 : i32
      %add3A_1757 = vector.broadcast %add3A_1756 : i32 to vector<16xi32>
      %add3A_1758 = arith.addi %add3A_1702, %add3A_1757 : vector<16xi32>
      %swap3A_1759 = arith.constant 0 : i32
      %swap3A_1760 = arith.index_cast %swap3A_1759 : i32 to index
      %swap3A_1761 = arith.constant 3920 : index
      %swap3A_1762 = tpu.vector_load %arg12[%swap3A_1760, %swap3A_1761] {strides = array<i32>} : memref<2x4096xi32, #tpu.memory_space<vmem>>, vector<16xi32>,
      tpu.vector_store %arg12[%swap3A_1760, %swap3A_1761], %add3A_1758 {strides = array<i32>} : memref<2x4096xi32, #tpu.memory_space<vmem>>, vector<16xi32>,
      %add3A_1763 = arith.constant 100000 : i32
      %add3A_1764 = vector.broadcast %add3A_1763 : i32 to vector<16xi32>
      %add3A_1765 = arith.addi %add3A_1709, %add3A_1764 : vector<16xi32>
      %swap3A_1766 = arith.constant 0 : i32
      %swap3A_1767 = arith.index_cast %swap3A_1766 : i32 to index
      %swap3A_1768 = arith.constant 3936 : index
      %swap3A_1769 = tpu.vector_load %arg12[%swap3A_1767, %swap3A_1768] {strides = array<i32>} : memref<2x4096xi32, #tpu.memory_space<vmem>>, vector<16xi32>,
      tpu.vector_store %arg12[%swap3A_1767, %swap3A_1768], %add3A_1765 {strides = array<i32>} : memref<2x4096xi32, #tpu.memory_space<vmem>>, vector<16xi32>,
      %add3A_1770 = arith.constant 100000 : i32
      %add3A_1771 = vector.broadcast %add3A_1770 : i32 to vector<16xi32>
      %add3A_1772 = arith.addi %add3A_1716, %add3A_1771 : vector<16xi32>
      %swap3A_1773 = arith.constant 0 : i32
      %swap3A_1774 = arith.index_cast %swap3A_1773 : i32 to index
      %swap3A_1775 = arith.constant 3952 : index
      %swap3A_1776 = tpu.vector_load %arg12[%swap3A_1774, %swap3A_1775] {strides = array<i32>} : memref<2x4096xi32, #tpu.memory_space<vmem>>, vector<16xi32>,
      tpu.vector_store %arg12[%swap3A_1774, %swap3A_1775], %add3A_1772 {strides = array<i32>} : memref<2x4096xi32, #tpu.memory_space<vmem>>, vector<16xi32>,
      %add3A_1777 = arith.constant 100000 : i32
      %add3A_1778 = vector.broadcast %add3A_1777 : i32 to vector<16xi32>
      %add3A_1779 = arith.addi %add3A_1723, %add3A_1778 : vector<16xi32>
      %swap3A_1780 = arith.constant 0 : i32
      %swap3A_1781 = arith.index_cast %swap3A_1780 : i32 to index
      %swap3A_1782 = arith.constant 3968 : index
      %swap3A_1783 = tpu.vector_load %arg12[%swap3A_1781, %swap3A_1782] {strides = array<i32>} : memref<2x4096xi32, #tpu.memory_space<vmem>>, vector<16xi32>,
      tpu.vector_store %arg12[%swap3A_1781, %swap3A_1782], %add3A_1779 {strides = array<i32>} : memref<2x4096xi32, #tpu.memory_space<vmem>>, vector<16xi32>,
      %add3A_1784 = arith.constant 100000 : i32
      %add3A_1785 = vector.broadcast %add3A_1784 : i32 to vector<16xi32>
      %add3A_1786 = arith.addi %add3A_1730, %add3A_1785 : vector<16xi32>
      %swap3A_1787 = arith.constant 0 : i32
      %swap3A_1788 = arith.index_cast %swap3A_1787 : i32 to index
      %swap3A_1789 = arith.constant 3984 : index
      %swap3A_1790 = tpu.vector_load %arg12[%swap3A_1788, %swap3A_1789] {strides = array<i32>} : memref<2x4096xi32, #tpu.memory_space<vmem>>, vector<16xi32>,
      tpu.vector_store %arg12[%swap3A_1788, %swap3A_1789], %add3A_1786 {strides = array<i32>} : memref<2x4096xi32, #tpu.memory_space<vmem>>, vector<16xi32>,
      %add3A_1791 = arith.constant 100000 : i32
      %add3A_1792 = vector.broadcast %add3A_1791 : i32 to vector<16xi32>
      %add3A_1793 = arith.addi %add3A_1737, %add3A_1792 : vector<16xi32>
      %swap3A_1794 = arith.constant 0 : i32
      %swap3A_1795 = arith.index_cast %swap3A_1794 : i32 to index
      %swap3A_1796 = arith.constant 4000 : index
      %swap3A_1797 = tpu.vector_load %arg12[%swap3A_1795, %swap3A_1796] {strides = array<i32>} : memref<2x4096xi32, #tpu.memory_space<vmem>>, vector<16xi32>,
      tpu.vector_store %arg12[%swap3A_1795, %swap3A_1796], %add3A_1793 {strides = array<i32>} : memref<2x4096xi32, #tpu.memory_space<vmem>>, vector<16xi32>,
      %add3A_1798 = arith.constant 100000 : i32
      %add3A_1799 = vector.broadcast %add3A_1798 : i32 to vector<16xi32>
      %add3A_1800 = arith.addi %add3A_1744, %add3A_1799 : vector<16xi32>
      %swap3A_1801 = arith.constant 0 : i32
      %swap3A_1802 = arith.index_cast %swap3A_1801 : i32 to index
      %swap3A_1803 = arith.constant 4016 : index
      %swap3A_1804 = tpu.vector_load %arg12[%swap3A_1802, %swap3A_1803] {strides = array<i32>} : memref<2x4096xi32, #tpu.memory_space<vmem>>, vector<16xi32>,
      tpu.vector_store %arg12[%swap3A_1802, %swap3A_1803], %add3A_1800 {strides = array<i32>} : memref<2x4096xi32, #tpu.memory_space<vmem>>, vector<16xi32>,
      %add3A_1805 = arith.constant 100000 : i32
      %add3A_1806 = vector.broadcast %add3A_1805 : i32 to vector<16xi32>
      %add3A_1807 = arith.addi %add3A_1751, %add3A_1806 : vector<16xi32>
      %swap3A_1808 = arith.constant 0 : i32
      %swap3A_1809 = arith.index_cast %swap3A_1808 : i32 to index
      %swap3A_1810 = arith.constant 4032 : index
      %swap3A_1811 = tpu.vector_load %arg12[%swap3A_1809, %swap3A_1810] {strides = array<i32>} : memref<2x4096xi32, #tpu.memory_space<vmem>>, vector<16xi32>,
      tpu.vector_store %arg12[%swap3A_1809, %swap3A_1810], %add3A_1807 {strides = array<i32>} : memref<2x4096xi32, #tpu.memory_space<vmem>>, vector<16xi32>,
      %add3A_1812 = arith.constant 100000 : i32
      %add3A_1813 = vector.broadcast %add3A_1812 : i32 to vector<16xi32>
      %add3A_1814 = arith.addi %add3A_1758, %add3A_1813 : vector<16xi32>
      %swap3A_1815 = arith.constant 0 : i32
      %swap3A_1816 = arith.index_cast %swap3A_1815 : i32 to index
      %swap3A_1817 = arith.constant 4048 : index
      %swap3A_1818 = tpu.vector_load %arg12[%swap3A_1816, %swap3A_1817] {strides = array<i32>} : memref<2x4096xi32, #tpu.memory_space<vmem>>, vector<16xi32>,
      tpu.vector_store %arg12[%swap3A_1816, %swap3A_1817], %add3A_1814 {strides = array<i32>} : memref<2x4096xi32, #tpu.memory_space<vmem>>, vector<16xi32>,
      %add3A_1819 = arith.constant 100000 : i32
      %add3A_1820 = vector.broadcast %add3A_1819 : i32 to vector<16xi32>
      %add3A_1821 = arith.addi %add3A_1765, %add3A_1820 : vector<16xi32>
      %swap3A_1822 = arith.constant 0 : i32
      %swap3A_1823 = arith.index_cast %swap3A_1822 : i32 to index
      %swap3A_1824 = arith.constant 4064 : index
      %swap3A_1825 = tpu.vector_load %arg12[%swap3A_1823, %swap3A_1824] {strides = array<i32>} : memref<2x4096xi32, #tpu.memory_space<vmem>>, vector<16xi32>,
      tpu.vector_store %arg12[%swap3A_1823, %swap3A_1824], %add3A_1821 {strides = array<i32>} : memref<2x4096xi32, #tpu.memory_space<vmem>>, vector<16xi32>,
      %add3A_1826 = arith.constant 100000 : i32
      %add3A_1827 = vector.broadcast %add3A_1826 : i32 to vector<16xi32>
      %add3A_1828 = arith.addi %add3A_1772, %add3A_1827 : vector<16xi32>
      %swap3A_1829 = arith.constant 0 : i32
      %swap3A_1830 = arith.index_cast %swap3A_1829 : i32 to index
      %swap3A_1831 = arith.constant 4080 : index
      %swap3A_1832 = tpu.vector_load %arg12[%swap3A_1830, %swap3A_1831] {strides = array<i32>} : memref<2x4096xi32, #tpu.memory_space<vmem>>, vector<16xi32>,
      tpu.vector_store %arg12[%swap3A_1830, %swap3A_1831], %add3A_1828 {strides = array<i32>} : memref<2x4096xi32, #tpu.memory_space<vmem>>, vector<16xi32>,
      %dma_start3A = arith.constant 0 : i32
      %dma_start3A_1833 = arith.constant 0 : i32
      %dma_start3A_1834 = arith.constant 0 : i32
      %dma_start3A_1835 = arith.constant 0 : i32
      %dma_start3A_1836 = tpu.memref_slice %arg13[%dma_start3A_1833, %dma_start3A_1835] : memref<2x4096xf32, #tpu.memory_space<vmem>> -> memref<1x4096xf32, #tpu.memory_space<vmem>>
      %dma_start3A_1837 = tpu.memref_squeeze %dma_start3A_1836 : memref<1x4096xf32, #tpu.memory_space<vmem>> -> memref<4096xf32, #tpu.memory_space<vmem>>
      %dma_start3A_1838 = arith.constant 0 : i32
      %dma_start3A_1839 = tpu.memref_slice %arg12[%dma_start3A, %dma_start3A_1838] : memref<2x4096xi32, #tpu.memory_space<vmem>> -> memref<1x4096xi32, #tpu.memory_space<vmem>>
      %dma_start3A_1840 = tpu.memref_squeeze %dma_start3A_1839 : memref<1x4096xi32, #tpu.memory_space<vmem>> -> memref<4096xi32, #tpu.memory_space<vmem>>
      %dma_start3A_1841 = arith.constant 0 : i32
      %dma_start3A_1842 = tpu.memref_slice %arg5[%dma_start3A_1841] : memref<83200000xf32, #tpu.memory_space<hbm>> -> memref<83200000xf32, #tpu.memory_space<hbm>>
      %dma_start3A_1843 = tpu.memref_slice %arg16[%dma_start3A_1834] : memref<2x!tpu.dma_semaphore, #tpu.memory_space<semaphore_mem>> -> memref<1x!tpu.dma_semaphore, #tpu.memory_space<semaphore_mem>>
      %dma_start3A_1844 = tpu.memref_squeeze %dma_start3A_1843 : memref<1x!tpu.dma_semaphore, #tpu.memory_space<semaphore_mem>> -> memref<!tpu.dma_semaphore, #tpu.memory_space<semaphore_mem>>
      tpu.enqueue_indirect_dma source(%dma_start3A_1842 : memref<83200000xf32, #tpu.memory_space<hbm>>) target(%dma_start3A_1837 : memref<4096xf32, #tpu.memory_space<vmem>>) offsets(%dma_start3A_1840 : memref<4096xi32, #tpu.memory_space<vmem>>) semaphore(%dma_start3A_1844 : memref<!tpu.dma_semaphore, #tpu.memory_space<semaphore_mem>>)
      %dma_start3A_1845 = arith.constant 0 : i32
      %dma_start3A_1846 = arith.constant 0 : i32
      %dma_start3A_1847 = arith.constant 0 : i32
      %dma_start3A_1848 = arith.constant 0 : i32
      %dma_start3A_1849 = tpu.memref_slice %arg14[%dma_start3A_1845, %dma_start3A_1847, %dma_start3A_1848] : memref<2x128x32xf32, #tpu.memory_space<vmem>> -> memref<1x128x32xf32, #tpu.memory_space<vmem>>
      %dma_start3A_1850 = tpu.memref_squeeze %dma_start3A_1849 : memref<1x128x32xf32, #tpu.memory_space<vmem>> -> memref<128x32xf32, #tpu.memory_space<vmem>>
      %dma_start3A_1851 = arith.constant 0 : i32
      %dma_start3A_1852 = tpu.memref_slice %arg10[%mul3A_8, %dma_start3A_1851] : memref<26x128xi32, #tpu.memory_space<vmem>> -> memref<1x128xi32, #tpu.memory_space<vmem>>
      %dma_start3A_1853 = tpu.memref_squeeze %dma_start3A_1852 : memref<1x128xi32, #tpu.memory_space<vmem>> -> memref<128xi32, #tpu.memory_space<vmem>>
      %dma_start3A_1854 = arith.constant 0 : i32
      %dma_start3A_1855 = arith.constant 0 : i32
      %dma_start3A_1856 = tpu.memref_slice %arg6[%mul3A_8, %dma_start3A_1854, %dma_start3A_1855] : memref<26x3125x32xf32, #tpu.memory_space<hbm>> -> memref<1x3125x32xf32, #tpu.memory_space<hbm>>
      %dma_start3A_1857 = tpu.memref_squeeze %dma_start3A_1856 : memref<1x3125x32xf32, #tpu.memory_space<hbm>> -> memref<3125x32xf32, #tpu.memory_space<hbm>>
      %dma_start3A_1858 = arith.constant 0 : i32
      %dma_start3A_1859 = arith.constant 0 : i32
      %dma_start3A_1860 = tpu.memref_slice %dma_start3A_1857[%dma_start3A_1858, %dma_start3A_1859] : memref<3125x32xf32, #tpu.memory_space<hbm>> -> memref<3125x32xf32, #tpu.memory_space<hbm>>
      %dma_start3A_1861 = tpu.memref_slice %arg17[%dma_start3A_1846] : memref<2x!tpu.dma_semaphore, #tpu.memory_space<semaphore_mem>> -> memref<1x!tpu.dma_semaphore, #tpu.memory_space<semaphore_mem>>
      %dma_start3A_1862 = tpu.memref_squeeze %dma_start3A_1861 : memref<1x!tpu.dma_semaphore, #tpu.memory_space<semaphore_mem>> -> memref<!tpu.dma_semaphore, #tpu.memory_space<semaphore_mem>>
      tpu.enqueue_indirect_dma source(%dma_start3A_1860 : memref<3125x32xf32, #tpu.memory_space<hbm>>) target(%dma_start3A_1850 : memref<128x32xf32, #tpu.memory_space<vmem>>) offsets(%dma_start3A_1853 : memref<128xi32, #tpu.memory_space<vmem>>) semaphore(%dma_start3A_1862 : memref<!tpu.dma_semaphore, #tpu.memory_space<semaphore_mem>>)
      %get3A_1863 = arith.index_cast %add3A_10 : i32 to index
      %get3A_1864 = arith.constant 0 : index
      %get3A_1865 = tpu.vector_load %arg9[%get3A_1863, %get3A_1864] {strides = array<i32>} : memref<26x128xi32, #tpu.memory_space<vmem>>, vector<16xi32>,
      %mul3A_1866 = arith.constant 3200000 : i32
      %mul3A_1867 = arith.muli %add3A_10, %mul3A_1866 : i32
      %add3A_1868 = vector.broadcast %mul3A_1867 : i32 to vector<16xi32>
      %add3A_1869 = arith.addi %get3A_1865, %add3A_1868 : vector<16xi32>
      %get3A_1870 = arith.index_cast %add3A_10 : i32 to index
      %get3A_1871 = arith.constant 16 : index
      %get3A_1872 = tpu.vector_load %arg9[%get3A_1870, %get3A_1871] {strides = array<i32>} : memref<26x128xi32, #tpu.memory_space<vmem>>, vector<16xi32>,
      %mul3A_1873 = arith.constant 3200000 : i32
      %mul3A_1874 = arith.muli %add3A_10, %mul3A_1873 : i32
      %add3A_1875 = vector.broadcast %mul3A_1874 : i32 to vector<16xi32>
      %add3A_1876 = arith.addi %get3A_1872, %add3A_1875 : vector<16xi32>
      %get3A_1877 = arith.index_cast %add3A_10 : i32 to index
      %get3A_1878 = arith.constant 32 : index
      %get3A_1879 = tpu.vector_load %arg9[%get3A_1877, %get3A_1878] {strides = array<i32>} : memref<26x128xi32, #tpu.memory_space<vmem>>, vector<16xi32>,
      %mul3A_1880 = arith.constant 3200000 : i32
      %mul3A_1881 = arith.muli %add3A_10, %mul3A_1880 : i32
      %add3A_1882 = vector.broadcast %mul3A_1881 : i32 to vector<16xi32>
      %add3A_1883 = arith.addi %get3A_1879, %add3A_1882 : vector<16xi32>
      %get3A_1884 = arith.index_cast %add3A_10 : i32 to index
      %get3A_1885 = arith.constant 48 : index
      %get3A_1886 = tpu.vector_load %arg9[%get3A_1884, %get3A_1885] {strides = array<i32>} : memref<26x128xi32, #tpu.memory_space<vmem>>, vector<16xi32>,
      %mul3A_1887 = arith.constant 3200000 : i32
      %mul3A_1888 = arith.muli %add3A_10, %mul3A_1887 : i32
      %add3A_1889 = vector.broadcast %mul3A_1888 : i32 to vector<16xi32>
      %add3A_1890 = arith.addi %get3A_1886, %add3A_1889 : vector<16xi32>
      %get3A_1891 = arith.index_cast %add3A_10 : i32 to index
      %get3A_1892 = arith.constant 64 : index
      %get3A_1893 = tpu.vector_load %arg9[%get3A_1891, %get3A_1892] {strides = array<i32>} : memref<26x128xi32, #tpu.memory_space<vmem>>, vector<16xi32>,
      %mul3A_1894 = arith.constant 3200000 : i32
      %mul3A_1895 = arith.muli %add3A_10, %mul3A_1894 : i32
      %add3A_1896 = vector.broadcast %mul3A_1895 : i32 to vector<16xi32>
      %add3A_1897 = arith.addi %get3A_1893, %add3A_1896 : vector<16xi32>
      %get3A_1898 = arith.index_cast %add3A_10 : i32 to index
      %get3A_1899 = arith.constant 80 : index
      %get3A_1900 = tpu.vector_load %arg9[%get3A_1898, %get3A_1899] {strides = array<i32>} : memref<26x128xi32, #tpu.memory_space<vmem>>, vector<16xi32>,
      %mul3A_1901 = arith.constant 3200000 : i32
      %mul3A_1902 = arith.muli %add3A_10, %mul3A_1901 : i32
      %add3A_1903 = vector.broadcast %mul3A_1902 : i32 to vector<16xi32>
      %add3A_1904 = arith.addi %get3A_1900, %add3A_1903 : vector<16xi32>
      %get3A_1905 = arith.index_cast %add3A_10 : i32 to index
      %get3A_1906 = arith.constant 96 : index
      %get3A_1907 = tpu.vector_load %arg9[%get3A_1905, %get3A_1906] {strides = array<i32>} : memref<26x128xi32, #tpu.memory_space<vmem>>, vector<16xi32>,
      %mul3A_1908 = arith.constant 3200000 : i32
      %mul3A_1909 = arith.muli %add3A_10, %mul3A_1908 : i32
      %add3A_1910 = vector.broadcast %mul3A_1909 : i32 to vector<16xi32>
      %add3A_1911 = arith.addi %get3A_1907, %add3A_1910 : vector<16xi32>
      %get3A_1912 = arith.index_cast %add3A_10 : i32 to index
      %get3A_1913 = arith.constant 112 : index
      %get3A_1914 = tpu.vector_load %arg9[%get3A_1912, %get3A_1913] {strides = array<i32>} : memref<26x128xi32, #tpu.memory_space<vmem>>, vector<16xi32>,
      %mul3A_1915 = arith.constant 3200000 : i32
      %mul3A_1916 = arith.muli %add3A_10, %mul3A_1915 : i32
      %add3A_1917 = vector.broadcast %mul3A_1916 : i32 to vector<16xi32>
      %add3A_1918 = arith.addi %get3A_1914, %add3A_1917 : vector<16xi32>
      %swap3A_1919 = arith.constant 1 : i32
      %swap3A_1920 = arith.index_cast %swap3A_1919 : i32 to index
      %swap3A_1921 = arith.constant 0 : index
      %swap3A_1922 = tpu.vector_load %arg12[%swap3A_1920, %swap3A_1921] {strides = array<i32>} : memref<2x4096xi32, #tpu.memory_space<vmem>>, vector<16xi32>,
      tpu.vector_store %arg12[%swap3A_1920, %swap3A_1921], %add3A_1869 {strides = array<i32>} : memref<2x4096xi32, #tpu.memory_space<vmem>>, vector<16xi32>,
      %swap3A_1923 = arith.constant 1 : i32
      %swap3A_1924 = arith.index_cast %swap3A_1923 : i32 to index
      %swap3A_1925 = arith.constant 16 : index
      %swap3A_1926 = tpu.vector_load %arg12[%swap3A_1924, %swap3A_1925] {strides = array<i32>} : memref<2x4096xi32, #tpu.memory_space<vmem>>, vector<16xi32>,
      tpu.vector_store %arg12[%swap3A_1924, %swap3A_1925], %add3A_1876 {strides = array<i32>} : memref<2x4096xi32, #tpu.memory_space<vmem>>, vector<16xi32>,
      %swap3A_1927 = arith.constant 1 : i32
      %swap3A_1928 = arith.index_cast %swap3A_1927 : i32 to index
      %swap3A_1929 = arith.constant 32 : index
      %swap3A_1930 = tpu.vector_load %arg12[%swap3A_1928, %swap3A_1929] {strides = array<i32>} : memref<2x4096xi32, #tpu.memory_space<vmem>>, vector<16xi32>,
      tpu.vector_store %arg12[%swap3A_1928, %swap3A_1929], %add3A_1883 {strides = array<i32>} : memref<2x4096xi32, #tpu.memory_space<vmem>>, vector<16xi32>,
      %swap3A_1931 = arith.constant 1 : i32
      %swap3A_1932 = arith.index_cast %swap3A_1931 : i32 to index
      %swap3A_1933 = arith.constant 48 : index
      %swap3A_1934 = tpu.vector_load %arg12[%swap3A_1932, %swap3A_1933] {strides = array<i32>} : memref<2x4096xi32, #tpu.memory_space<vmem>>, vector<16xi32>,
      tpu.vector_store %arg12[%swap3A_1932, %swap3A_1933], %add3A_1890 {strides = array<i32>} : memref<2x4096xi32, #tpu.memory_space<vmem>>, vector<16xi32>,
      %swap3A_1935 = arith.constant 1 : i32
      %swap3A_1936 = arith.index_cast %swap3A_1935 : i32 to index
      %swap3A_1937 = arith.constant 64 : index
      %swap3A_1938 = tpu.vector_load %arg12[%swap3A_1936, %swap3A_1937] {strides = array<i32>} : memref<2x4096xi32, #tpu.memory_space<vmem>>, vector<16xi32>,
      tpu.vector_store %arg12[%swap3A_1936, %swap3A_1937], %add3A_1897 {strides = array<i32>} : memref<2x4096xi32, #tpu.memory_space<vmem>>, vector<16xi32>,
      %swap3A_1939 = arith.constant 1 : i32
      %swap3A_1940 = arith.index_cast %swap3A_1939 : i32 to index
      %swap3A_1941 = arith.constant 80 : index
      %swap3A_1942 = tpu.vector_load %arg12[%swap3A_1940, %swap3A_1941] {strides = array<i32>} : memref<2x4096xi32, #tpu.memory_space<vmem>>, vector<16xi32>,
      tpu.vector_store %arg12[%swap3A_1940, %swap3A_1941], %add3A_1904 {strides = array<i32>} : memref<2x4096xi32, #tpu.memory_space<vmem>>, vector<16xi32>,
      %swap3A_1943 = arith.constant 1 : i32
      %swap3A_1944 = arith.index_cast %swap3A_1943 : i32 to index
      %swap3A_1945 = arith.constant 96 : index
      %swap3A_1946 = tpu.vector_load %arg12[%swap3A_1944, %swap3A_1945] {strides = array<i32>} : memref<2x4096xi32, #tpu.memory_space<vmem>>, vector<16xi32>,
      tpu.vector_store %arg12[%swap3A_1944, %swap3A_1945], %add3A_1911 {strides = array<i32>} : memref<2x4096xi32, #tpu.memory_space<vmem>>, vector<16xi32>,
      %swap3A_1947 = arith.constant 1 : i32
      %swap3A_1948 = arith.index_cast %swap3A_1947 : i32 to index
      %swap3A_1949 = arith.constant 112 : index
      %swap3A_1950 = tpu.vector_load %arg12[%swap3A_1948, %swap3A_1949] {strides = array<i32>} : memref<2x4096xi32, #tpu.memory_space<vmem>>, vector<16xi32>,
      tpu.vector_store %arg12[%swap3A_1948, %swap3A_1949], %add3A_1918 {strides = array<i32>} : memref<2x4096xi32, #tpu.memory_space<vmem>>, vector<16xi32>,
      %add3A_1951 = arith.constant 100000 : i32
      %add3A_1952 = vector.broadcast %add3A_1951 : i32 to vector<16xi32>
      %add3A_1953 = arith.addi %add3A_1869, %add3A_1952 : vector<16xi32>
      %swap3A_1954 = arith.constant 1 : i32
      %swap3A_1955 = arith.index_cast %swap3A_1954 : i32 to index
      %swap3A_1956 = arith.constant 128 : index
      %swap3A_1957 = tpu.vector_load %arg12[%swap3A_1955, %swap3A_1956] {strides = array<i32>} : memref<2x4096xi32, #tpu.memory_space<vmem>>, vector<16xi32>,
      tpu.vector_store %arg12[%swap3A_1955, %swap3A_1956], %add3A_1953 {strides = array<i32>} : memref<2x4096xi32, #tpu.memory_space<vmem>>, vector<16xi32>,
      %add3A_1958 = arith.constant 100000 : i32
      %add3A_1959 = vector.broadcast %add3A_1958 : i32 to vector<16xi32>
      %add3A_1960 = arith.addi %add3A_1876, %add3A_1959 : vector<16xi32>
      %swap3A_1961 = arith.constant 1 : i32
      %swap3A_1962 = arith.index_cast %swap3A_1961 : i32 to index
      %swap3A_1963 = arith.constant 144 : index
      %swap3A_1964 = tpu.vector_load %arg12[%swap3A_1962, %swap3A_1963] {strides = array<i32>} : memref<2x4096xi32, #tpu.memory_space<vmem>>, vector<16xi32>,
      tpu.vector_store %arg12[%swap3A_1962, %swap3A_1963], %add3A_1960 {strides = array<i32>} : memref<2x4096xi32, #tpu.memory_space<vmem>>, vector<16xi32>,
      %add3A_1965 = arith.constant 100000 : i32
      %add3A_1966 = vector.broadcast %add3A_1965 : i32 to vector<16xi32>
      %add3A_1967 = arith.addi %add3A_1883, %add3A_1966 : vector<16xi32>
      %swap3A_1968 = arith.constant 1 : i32
      %swap3A_1969 = arith.index_cast %swap3A_1968 : i32 to index
      %swap3A_1970 = arith.constant 160 : index
      %swap3A_1971 = tpu.vector_load %arg12[%swap3A_1969, %swap3A_1970] {strides = array<i32>} : memref<2x4096xi32, #tpu.memory_space<vmem>>, vector<16xi32>,
      tpu.vector_store %arg12[%swap3A_1969, %swap3A_1970], %add3A_1967 {strides = array<i32>} : memref<2x4096xi32, #tpu.memory_space<vmem>>, vector<16xi32>,
      %add3A_1972 = arith.constant 100000 : i32
      %add3A_1973 = vector.broadcast %add3A_1972 : i32 to vector<16xi32>
      %add3A_1974 = arith.addi %add3A_1890, %add3A_1973 : vector<16xi32>
      %swap3A_1975 = arith.constant 1 : i32
      %swap3A_1976 = arith.index_cast %swap3A_1975 : i32 to index
      %swap3A_1977 = arith.constant 176 : index
      %swap3A_1978 = tpu.vector_load %arg12[%swap3A_1976, %swap3A_1977] {strides = array<i32>} : memref<2x4096xi32, #tpu.memory_space<vmem>>, vector<16xi32>,
      tpu.vector_store %arg12[%swap3A_1976, %swap3A_1977], %add3A_1974 {strides = array<i32>} : memref<2x4096xi32, #tpu.memory_space<vmem>>, vector<16xi32>,
      %add3A_1979 = arith.constant 100000 : i32
      %add3A_1980 = vector.broadcast %add3A_1979 : i32 to vector<16xi32>
      %add3A_1981 = arith.addi %add3A_1897, %add3A_1980 : vector<16xi32>
      %swap3A_1982 = arith.constant 1 : i32
      %swap3A_1983 = arith.index_cast %swap3A_1982 : i32 to index
      %swap3A_1984 = arith.constant 192 : index
      %swap3A_1985 = tpu.vector_load %arg12[%swap3A_1983, %swap3A_1984] {strides = array<i32>} : memref<2x4096xi32, #tpu.memory_space<vmem>>, vector<16xi32>,
      tpu.vector_store %arg12[%swap3A_1983, %swap3A_1984], %add3A_1981 {strides = array<i32>} : memref<2x4096xi32, #tpu.memory_space<vmem>>, vector<16xi32>,
      %add3A_1986 = arith.constant 100000 : i32
      %add3A_1987 = vector.broadcast %add3A_1986 : i32 to vector<16xi32>
      %add3A_1988 = arith.addi %add3A_1904, %add3A_1987 : vector<16xi32>
      %swap3A_1989 = arith.constant 1 : i32
      %swap3A_1990 = arith.index_cast %swap3A_1989 : i32 to index
      %swap3A_1991 = arith.constant 208 : index
      %swap3A_1992 = tpu.vector_load %arg12[%swap3A_1990, %swap3A_1991] {strides = array<i32>} : memref<2x4096xi32, #tpu.memory_space<vmem>>, vector<16xi32>,
      tpu.vector_store %arg12[%swap3A_1990, %swap3A_1991], %add3A_1988 {strides = array<i32>} : memref<2x4096xi32, #tpu.memory_space<vmem>>, vector<16xi32>,
      %add3A_1993 = arith.constant 100000 : i32
      %add3A_1994 = vector.broadcast %add3A_1993 : i32 to vector<16xi32>
      %add3A_1995 = arith.addi %add3A_1911, %add3A_1994 : vector<16xi32>
      %swap3A_1996 = arith.constant 1 : i32
      %swap3A_1997 = arith.index_cast %swap3A_1996 : i32 to index
      %swap3A_1998 = arith.constant 224 : index
      %swap3A_1999 = tpu.vector_load %arg12[%swap3A_1997, %swap3A_1998] {strides = array<i32>} : memref<2x4096xi32, #tpu.memory_space<vmem>>, vector<16xi32>,
      tpu.vector_store %arg12[%swap3A_1997, %swap3A_1998], %add3A_1995 {strides = array<i32>} : memref<2x4096xi32, #tpu.memory_space<vmem>>, vector<16xi32>,
      %add3A_2000 = arith.constant 100000 : i32
      %add3A_2001 = vector.broadcast %add3A_2000 : i32 to vector<16xi32>
      %add3A_2002 = arith.addi %add3A_1918, %add3A_2001 : vector<16xi32>
      %swap3A_2003 = arith.constant 1 : i32
      %swap3A_2004 = arith.index_cast %swap3A_2003 : i32 to index
      %swap3A_2005 = arith.constant 240 : index
      %swap3A_2006 = tpu.vector_load %arg12[%swap3A_2004, %swap3A_2005] {strides = array<i32>} : memref<2x4096xi32, #tpu.memory_space<vmem>>, vector<16xi32>,
      tpu.vector_store %arg12[%swap3A_2004, %swap3A_2005], %add3A_2002 {strides = array<i32>} : memref<2x4096xi32, #tpu.memory_space<vmem>>, vector<16xi32>,
      %add3A_2007 = arith.constant 100000 : i32
      %add3A_2008 = vector.broadcast %add3A_2007 : i32 to vector<16xi32>
      %add3A_2009 = arith.addi %add3A_1953, %add3A_2008 : vector<16xi32>
      %swap3A_2010 = arith.constant 1 : i32
      %swap3A_2011 = arith.index_cast %swap3A_2010 : i32 to index
      %swap3A_2012 = arith.constant 256 : index
      %swap3A_2013 = tpu.vector_load %arg12[%swap3A_2011, %swap3A_2012] {strides = array<i32>} : memref<2x4096xi32, #tpu.memory_space<vmem>>, vector<16xi32>,
      tpu.vector_store %arg12[%swap3A_2011, %swap3A_2012], %add3A_2009 {strides = array<i32>} : memref<2x4096xi32, #tpu.memory_space<vmem>>, vector<16xi32>,
      %add3A_2014 = arith.constant 100000 : i32
      %add3A_2015 = vector.broadcast %add3A_2014 : i32 to vector<16xi32>
      %add3A_2016 = arith.addi %add3A_1960, %add3A_2015 : vector<16xi32>
      %swap3A_2017 = arith.constant 1 : i32
      %swap3A_2018 = arith.index_cast %swap3A_2017 : i32 to index
      %swap3A_2019 = arith.constant 272 : index
      %swap3A_2020 = tpu.vector_load %arg12[%swap3A_2018, %swap3A_2019] {strides = array<i32>} : memref<2x4096xi32, #tpu.memory_space<vmem>>, vector<16xi32>,
      tpu.vector_store %arg12[%swap3A_2018, %swap3A_2019], %add3A_2016 {strides = array<i32>} : memref<2x4096xi32, #tpu.memory_space<vmem>>, vector<16xi32>,
      %add3A_2021 = arith.constant 100000 : i32
      %add3A_2022 = vector.broadcast %add3A_2021 : i32 to vector<16xi32>
      %add3A_2023 = arith.addi %add3A_1967, %add3A_2022 : vector<16xi32>
      %swap3A_2024 = arith.constant 1 : i32
      %swap3A_2025 = arith.index_cast %swap3A_2024 : i32 to index
      %swap3A_2026 = arith.constant 288 : index
      %swap3A_2027 = tpu.vector_load %arg12[%swap3A_2025, %swap3A_2026] {strides = array<i32>} : memref<2x4096xi32, #tpu.memory_space<vmem>>, vector<16xi32>,
      tpu.vector_store %arg12[%swap3A_2025, %swap3A_2026], %add3A_2023 {strides = array<i32>} : memref<2x4096xi32, #tpu.memory_space<vmem>>, vector<16xi32>,
      %add3A_2028 = arith.constant 100000 : i32
      %add3A_2029 = vector.broadcast %add3A_2028 : i32 to vector<16xi32>
      %add3A_2030 = arith.addi %add3A_1974, %add3A_2029 : vector<16xi32>
      %swap3A_2031 = arith.constant 1 : i32
      %swap3A_2032 = arith.index_cast %swap3A_2031 : i32 to index
      %swap3A_2033 = arith.constant 304 : index
      %swap3A_2034 = tpu.vector_load %arg12[%swap3A_2032, %swap3A_2033] {strides = array<i32>} : memref<2x4096xi32, #tpu.memory_space<vmem>>, vector<16xi32>,
      tpu.vector_store %arg12[%swap3A_2032, %swap3A_2033], %add3A_2030 {strides = array<i32>} : memref<2x4096xi32, #tpu.memory_space<vmem>>, vector<16xi32>,
      %add3A_2035 = arith.constant 100000 : i32
      %add3A_2036 = vector.broadcast %add3A_2035 : i32 to vector<16xi32>
      %add3A_2037 = arith.addi %add3A_1981, %add3A_2036 : vector<16xi32>
      %swap3A_2038 = arith.constant 1 : i32
      %swap3A_2039 = arith.index_cast %swap3A_2038 : i32 to index
      %swap3A_2040 = arith.constant 320 : index
      %swap3A_2041 = tpu.vector_load %arg12[%swap3A_2039, %swap3A_2040] {strides = array<i32>} : memref<2x4096xi32, #tpu.memory_space<vmem>>, vector<16xi32>,
      tpu.vector_store %arg12[%swap3A_2039, %swap3A_2040], %add3A_2037 {strides = array<i32>} : memref<2x4096xi32, #tpu.memory_space<vmem>>, vector<16xi32>,
      %add3A_2042 = arith.constant 100000 : i32
      %add3A_2043 = vector.broadcast %add3A_2042 : i32 to vector<16xi32>
      %add3A_2044 = arith.addi %add3A_1988, %add3A_2043 : vector<16xi32>
      %swap3A_2045 = arith.constant 1 : i32
      %swap3A_2046 = arith.index_cast %swap3A_2045 : i32 to index
      %swap3A_2047 = arith.constant 336 : index
      %swap3A_2048 = tpu.vector_load %arg12[%swap3A_2046, %swap3A_2047] {strides = array<i32>} : memref<2x4096xi32, #tpu.memory_space<vmem>>, vector<16xi32>,
      tpu.vector_store %arg12[%swap3A_2046, %swap3A_2047], %add3A_2044 {strides = array<i32>} : memref<2x4096xi32, #tpu.memory_space<vmem>>, vector<16xi32>,
      %add3A_2049 = arith.constant 100000 : i32
      %add3A_2050 = vector.broadcast %add3A_2049 : i32 to vector<16xi32>
      %add3A_2051 = arith.addi %add3A_1995, %add3A_2050 : vector<16xi32>
      %swap3A_2052 = arith.constant 1 : i32
      %swap3A_2053 = arith.index_cast %swap3A_2052 : i32 to index
      %swap3A_2054 = arith.constant 352 : index
      %swap3A_2055 = tpu.vector_load %arg12[%swap3A_2053, %swap3A_2054] {strides = array<i32>} : memref<2x4096xi32, #tpu.memory_space<vmem>>, vector<16xi32>,
      tpu.vector_store %arg12[%swap3A_2053, %swap3A_2054], %add3A_2051 {strides = array<i32>} : memref<2x4096xi32, #tpu.memory_space<vmem>>, vector<16xi32>,
      %add3A_2056 = arith.constant 100000 : i32
      %add3A_2057 = vector.broadcast %add3A_2056 : i32 to vector<16xi32>
      %add3A_2058 = arith.addi %add3A_2002, %add3A_2057 : vector<16xi32>
      %swap3A_2059 = arith.constant 1 : i32
      %swap3A_2060 = arith.index_cast %swap3A_2059 : i32 to index
      %swap3A_2061 = arith.constant 368 : index
      %swap3A_2062 = tpu.vector_load %arg12[%swap3A_2060, %swap3A_2061] {strides = array<i32>} : memref<2x4096xi32, #tpu.memory_space<vmem>>, vector<16xi32>,
      tpu.vector_store %arg12[%swap3A_2060, %swap3A_2061], %add3A_2058 {strides = array<i32>} : memref<2x4096xi32, #tpu.memory_space<vmem>>, vector<16xi32>,
      %add3A_2063 = arith.constant 100000 : i32
      %add3A_2064 = vector.broadcast %add3A_2063 : i32 to vector<16xi32>
      %add3A_2065 = arith.addi %add3A_2009, %add3A_2064 : vector<16xi32>
      %swap3A_2066 = arith.constant 1 : i32
      %swap3A_2067 = arith.index_cast %swap3A_2066 : i32 to index
      %swap3A_2068 = arith.constant 384 : index
      %swap3A_2069 = tpu.vector_load %arg12[%swap3A_2067, %swap3A_2068] {strides = array<i32>} : memref<2x4096xi32, #tpu.memory_space<vmem>>, vector<16xi32>,
      tpu.vector_store %arg12[%swap3A_2067, %swap3A_2068], %add3A_2065 {strides = array<i32>} : memref<2x4096xi32, #tpu.memory_space<vmem>>, vector<16xi32>,
      %add3A_2070 = arith.constant 100000 : i32
      %add3A_2071 = vector.broadcast %add3A_2070 : i32 to vector<16xi32>
      %add3A_2072 = arith.addi %add3A_2016, %add3A_2071 : vector<16xi32>
      %swap3A_2073 = arith.constant 1 : i32
      %swap3A_2074 = arith.index_cast %swap3A_2073 : i32 to index
      %swap3A_2075 = arith.constant 400 : index
      %swap3A_2076 = tpu.vector_load %arg12[%swap3A_2074, %swap3A_2075] {strides = array<i32>} : memref<2x4096xi32, #tpu.memory_space<vmem>>, vector<16xi32>,
      tpu.vector_store %arg12[%swap3A_2074, %swap3A_2075], %add3A_2072 {strides = array<i32>} : memref<2x4096xi32, #tpu.memory_space<vmem>>, vector<16xi32>,
      %add3A_2077 = arith.constant 100000 : i32
      %add3A_2078 = vector.broadcast %add3A_2077 : i32 to vector<16xi32>
      %add3A_2079 = arith.addi %add3A_2023, %add3A_2078 : vector<16xi32>
      %swap3A_2080 = arith.constant 1 : i32
      %swap3A_2081 = arith.index_cast %swap3A_2080 : i32 to index
      %swap3A_2082 = arith.constant 416 : index
      %swap3A_2083 = tpu.vector_load %arg12[%swap3A_2081, %swap3A_2082] {strides = array<i32>} : memref<2x4096xi32, #tpu.memory_space<vmem>>, vector<16xi32>,
      tpu.vector_store %arg12[%swap3A_2081, %swap3A_2082], %add3A_2079 {strides = array<i32>} : memref<2x4096xi32, #tpu.memory_space<vmem>>, vector<16xi32>,
      %add3A_2084 = arith.constant 100000 : i32
      %add3A_2085 = vector.broadcast %add3A_2084 : i32 to vector<16xi32>
      %add3A_2086 = arith.addi %add3A_2030, %add3A_2085 : vector<16xi32>
      %swap3A_2087 = arith.constant 1 : i32
      %swap3A_2088 = arith.index_cast %swap3A_2087 : i32 to index
      %swap3A_2089 = arith.constant 432 : index
      %swap3A_2090 = tpu.vector_load %arg12[%swap3A_2088, %swap3A_2089] {strides = array<i32>} : memref<2x4096xi32, #tpu.memory_space<vmem>>, vector<16xi32>,
      tpu.vector_store %arg12[%swap3A_2088, %swap3A_2089], %add3A_2086 {strides = array<i32>} : memref<2x4096xi32, #tpu.memory_space<vmem>>, vector<16xi32>,
      %add3A_2091 = arith.constant 100000 : i32
      %add3A_2092 = vector.broadcast %add3A_2091 : i32 to vector<16xi32>
      %add3A_2093 = arith.addi %add3A_2037, %add3A_2092 : vector<16xi32>
      %swap3A_2094 = arith.constant 1 : i32
      %swap3A_2095 = arith.index_cast %swap3A_2094 : i32 to index
      %swap3A_2096 = arith.constant 448 : index
      %swap3A_2097 = tpu.vector_load %arg12[%swap3A_2095, %swap3A_2096] {strides = array<i32>} : memref<2x4096xi32, #tpu.memory_space<vmem>>, vector<16xi32>,
      tpu.vector_store %arg12[%swap3A_2095, %swap3A_2096], %add3A_2093 {strides = array<i32>} : memref<2x4096xi32, #tpu.memory_space<vmem>>, vector<16xi32>,
      %add3A_2098 = arith.constant 100000 : i32
      %add3A_2099 = vector.broadcast %add3A_2098 : i32 to vector<16xi32>
      %add3A_2100 = arith.addi %add3A_2044, %add3A_2099 : vector<16xi32>
      %swap3A_2101 = arith.constant 1 : i32
      %swap3A_2102 = arith.index_cast %swap3A_2101 : i32 to index
      %swap3A_2103 = arith.constant 464 : index
      %swap3A_2104 = tpu.vector_load %arg12[%swap3A_2102, %swap3A_2103] {strides = array<i32>} : memref<2x4096xi32, #tpu.memory_space<vmem>>, vector<16xi32>,
      tpu.vector_store %arg12[%swap3A_2102, %swap3A_2103], %add3A_2100 {strides = array<i32>} : memref<2x4096xi32, #tpu.memory_space<vmem>>, vector<16xi32>,
      %add3A_2105 = arith.constant 100000 : i32
      %add3A_2106 = vector.broadcast %add3A_2105 : i32 to vector<16xi32>
      %add3A_2107 = arith.addi %add3A_2051, %add3A_2106 : vector<16xi32>
      %swap3A_2108 = arith.constant 1 : i32
      %swap3A_2109 = arith.index_cast %swap3A_2108 : i32 to index
      %swap3A_2110 = arith.constant 480 : index
      %swap3A_2111 = tpu.vector_load %arg12[%swap3A_2109, %swap3A_2110] {strides = array<i32>} : memref<2x4096xi32, #tpu.memory_space<vmem>>, vector<16xi32>,
      tpu.vector_store %arg12[%swap3A_2109, %swap3A_2110], %add3A_2107 {strides = array<i32>} : memref<2x4096xi32, #tpu.memory_space<vmem>>, vector<16xi32>,
      %add3A_2112 = arith.constant 100000 : i32
      %add3A_2113 = vector.broadcast %add3A_2112 : i32 to vector<16xi32>
      %add3A_2114 = arith.addi %add3A_2058, %add3A_2113 : vector<16xi32>
      %swap3A_2115 = arith.constant 1 : i32
      %swap3A_2116 = arith.index_cast %swap3A_2115 : i32 to index
      %swap3A_2117 = arith.constant 496 : index
      %swap3A_2118 = tpu.vector_load %arg12[%swap3A_2116, %swap3A_2117] {strides = array<i32>} : memref<2x4096xi32, #tpu.memory_space<vmem>>, vector<16xi32>,
      tpu.vector_store %arg12[%swap3A_2116, %swap3A_2117], %add3A_2114 {strides = array<i32>} : memref<2x4096xi32, #tpu.memory_space<vmem>>, vector<16xi32>,
      %add3A_2119 = arith.constant 100000 : i32
      %add3A_2120 = vector.broadcast %add3A_2119 : i32 to vector<16xi32>
      %add3A_2121 = arith.addi %add3A_2065, %add3A_2120 : vector<16xi32>
      %swap3A_2122 = arith.constant 1 : i32
      %swap3A_2123 = arith.index_cast %swap3A_2122 : i32 to index
      %swap3A_2124 = arith.constant 512 : index
      %swap3A_2125 = tpu.vector_load %arg12[%swap3A_2123, %swap3A_2124] {strides = array<i32>} : memref<2x4096xi32, #tpu.memory_space<vmem>>, vector<16xi32>,
      tpu.vector_store %arg12[%swap3A_2123, %swap3A_2124], %add3A_2121 {strides = array<i32>} : memref<2x4096xi32, #tpu.memory_space<vmem>>, vector<16xi32>,
      %add3A_2126 = arith.constant 100000 : i32
      %add3A_2127 = vector.broadcast %add3A_2126 : i32 to vector<16xi32>
      %add3A_2128 = arith.addi %add3A_2072, %add3A_2127 : vector<16xi32>
      %swap3A_2129 = arith.constant 1 : i32
      %swap3A_2130 = arith.index_cast %swap3A_2129 : i32 to index
      %swap3A_2131 = arith.constant 528 : index
      %swap3A_2132 = tpu.vector_load %arg12[%swap3A_2130, %swap3A_2131] {strides = array<i32>} : memref<2x4096xi32, #tpu.memory_space<vmem>>, vector<16xi32>,
      tpu.vector_store %arg12[%swap3A_2130, %swap3A_2131], %add3A_2128 {strides = array<i32>} : memref<2x4096xi32, #tpu.memory_space<vmem>>, vector<16xi32>,
      %add3A_2133 = arith.constant 100000 : i32
      %add3A_2134 = vector.broadcast %add3A_2133 : i32 to vector<16xi32>
      %add3A_2135 = arith.addi %add3A_2079, %add3A_2134 : vector<16xi32>
      %swap3A_2136 = arith.constant 1 : i32
      %swap3A_2137 = arith.index_cast %swap3A_2136 : i32 to index
      %swap3A_2138 = arith.constant 544 : index
      %swap3A_2139 = tpu.vector_load %arg12[%swap3A_2137, %swap3A_2138] {strides = array<i32>} : memref<2x4096xi32, #tpu.memory_space<vmem>>, vector<16xi32>,
      tpu.vector_store %arg12[%swap3A_2137, %swap3A_2138], %add3A_2135 {strides = array<i32>} : memref<2x4096xi32, #tpu.memory_space<vmem>>, vector<16xi32>,
      %add3A_2140 = arith.constant 100000 : i32
      %add3A_2141 = vector.broadcast %add3A_2140 : i32 to vector<16xi32>
      %add3A_2142 = arith.addi %add3A_2086, %add3A_2141 : vector<16xi32>
      %swap3A_2143 = arith.constant 1 : i32
      %swap3A_2144 = arith.index_cast %swap3A_2143 : i32 to index
      %swap3A_2145 = arith.constant 560 : index
      %swap3A_2146 = tpu.vector_load %arg12[%swap3A_2144, %swap3A_2145] {strides = array<i32>} : memref<2x4096xi32, #tpu.memory_space<vmem>>, vector<16xi32>,
      tpu.vector_store %arg12[%swap3A_2144, %swap3A_2145], %add3A_2142 {strides = array<i32>} : memref<2x4096xi32, #tpu.memory_space<vmem>>, vector<16xi32>,
      %add3A_2147 = arith.constant 100000 : i32
      %add3A_2148 = vector.broadcast %add3A_2147 : i32 to vector<16xi32>
      %add3A_2149 = arith.addi %add3A_2093, %add3A_2148 : vector<16xi32>
      %swap3A_2150 = arith.constant 1 : i32
      %swap3A_2151 = arith.index_cast %swap3A_2150 : i32 to index
      %swap3A_2152 = arith.constant 576 : index
      %swap3A_2153 = tpu.vector_load %arg12[%swap3A_2151, %swap3A_2152] {strides = array<i32>} : memref<2x4096xi32, #tpu.memory_space<vmem>>, vector<16xi32>,
      tpu.vector_store %arg12[%swap3A_2151, %swap3A_2152], %add3A_2149 {strides = array<i32>} : memref<2x4096xi32, #tpu.memory_space<vmem>>, vector<16xi32>,
      %add3A_2154 = arith.constant 100000 : i32
      %add3A_2155 = vector.broadcast %add3A_2154 : i32 to vector<16xi32>
      %add3A_2156 = arith.addi %add3A_2100, %add3A_2155 : vector<16xi32>
      %swap3A_2157 = arith.constant 1 : i32
      %swap3A_2158 = arith.index_cast %swap3A_2157 : i32 to index
      %swap3A_2159 = arith.constant 592 : index
      %swap3A_2160 = tpu.vector_load %arg12[%swap3A_2158, %swap3A_2159] {strides = array<i32>} : memref<2x4096xi32, #tpu.memory_space<vmem>>, vector<16xi32>,
      tpu.vector_store %arg12[%swap3A_2158, %swap3A_2159], %add3A_2156 {strides = array<i32>} : memref<2x4096xi32, #tpu.memory_space<vmem>>, vector<16xi32>,
      %add3A_2161 = arith.constant 100000 : i32
      %add3A_2162 = vector.broadcast %add3A_2161 : i32 to vector<16xi32>
      %add3A_2163 = arith.addi %add3A_2107, %add3A_2162 : vector<16xi32>
      %swap3A_2164 = arith.constant 1 : i32
      %swap3A_2165 = arith.index_cast %swap3A_2164 : i32 to index
      %swap3A_2166 = arith.constant 608 : index
      %swap3A_2167 = tpu.vector_load %arg12[%swap3A_2165, %swap3A_2166] {strides = array<i32>} : memref<2x4096xi32, #tpu.memory_space<vmem>>, vector<16xi32>,
      tpu.vector_store %arg12[%swap3A_2165, %swap3A_2166], %add3A_2163 {strides = array<i32>} : memref<2x4096xi32, #tpu.memory_space<vmem>>, vector<16xi32>,
      %add3A_2168 = arith.constant 100000 : i32
      %add3A_2169 = vector.broadcast %add3A_2168 : i32 to vector<16xi32>
      %add3A_2170 = arith.addi %add3A_2114, %add3A_2169 : vector<16xi32>
      %swap3A_2171 = arith.constant 1 : i32
      %swap3A_2172 = arith.index_cast %swap3A_2171 : i32 to index
      %swap3A_2173 = arith.constant 624 : index
      %swap3A_2174 = tpu.vector_load %arg12[%swap3A_2172, %swap3A_2173] {strides = array<i32>} : memref<2x4096xi32, #tpu.memory_space<vmem>>, vector<16xi32>,
      tpu.vector_store %arg12[%swap3A_2172, %swap3A_2173], %add3A_2170 {strides = array<i32>} : memref<2x4096xi32, #tpu.memory_space<vmem>>, vector<16xi32>,
      %add3A_2175 = arith.constant 100000 : i32
      %add3A_2176 = vector.broadcast %add3A_2175 : i32 to vector<16xi32>
      %add3A_2177 = arith.addi %add3A_2121, %add3A_2176 : vector<16xi32>
      %swap3A_2178 = arith.constant 1 : i32
      %swap3A_2179 = arith.index_cast %swap3A_2178 : i32 to index
      %swap3A_2180 = arith.constant 640 : index
      %swap3A_2181 = tpu.vector_load %arg12[%swap3A_2179, %swap3A_2180] {strides = array<i32>} : memref<2x4096xi32, #tpu.memory_space<vmem>>, vector<16xi32>,
      tpu.vector_store %arg12[%swap3A_2179, %swap3A_2180], %add3A_2177 {strides = array<i32>} : memref<2x4096xi32, #tpu.memory_space<vmem>>, vector<16xi32>,
      %add3A_2182 = arith.constant 100000 : i32
      %add3A_2183 = vector.broadcast %add3A_2182 : i32 to vector<16xi32>
      %add3A_2184 = arith.addi %add3A_2128, %add3A_2183 : vector<16xi32>
      %swap3A_2185 = arith.constant 1 : i32
      %swap3A_2186 = arith.index_cast %swap3A_2185 : i32 to index
      %swap3A_2187 = arith.constant 656 : index
      %swap3A_2188 = tpu.vector_load %arg12[%swap3A_2186, %swap3A_2187] {strides = array<i32>} : memref<2x4096xi32, #tpu.memory_space<vmem>>, vector<16xi32>,
      tpu.vector_store %arg12[%swap3A_2186, %swap3A_2187], %add3A_2184 {strides = array<i32>} : memref<2x4096xi32, #tpu.memory_space<vmem>>, vector<16xi32>,
      %add3A_2189 = arith.constant 100000 : i32
      %add3A_2190 = vector.broadcast %add3A_2189 : i32 to vector<16xi32>
      %add3A_2191 = arith.addi %add3A_2135, %add3A_2190 : vector<16xi32>
      %swap3A_2192 = arith.constant 1 : i32
      %swap3A_2193 = arith.index_cast %swap3A_2192 : i32 to index
      %swap3A_2194 = arith.constant 672 : index
      %swap3A_2195 = tpu.vector_load %arg12[%swap3A_2193, %swap3A_2194] {strides = array<i32>} : memref<2x4096xi32, #tpu.memory_space<vmem>>, vector<16xi32>,
      tpu.vector_store %arg12[%swap3A_2193, %swap3A_2194], %add3A_2191 {strides = array<i32>} : memref<2x4096xi32, #tpu.memory_space<vmem>>, vector<16xi32>,
      %add3A_2196 = arith.constant 100000 : i32
      %add3A_2197 = vector.broadcast %add3A_2196 : i32 to vector<16xi32>
      %add3A_2198 = arith.addi %add3A_2142, %add3A_2197 : vector<16xi32>
      %swap3A_2199 = arith.constant 1 : i32
      %swap3A_2200 = arith.index_cast %swap3A_2199 : i32 to index
      %swap3A_2201 = arith.constant 688 : index
      %swap3A_2202 = tpu.vector_load %arg12[%swap3A_2200, %swap3A_2201] {strides = array<i32>} : memref<2x4096xi32, #tpu.memory_space<vmem>>, vector<16xi32>,
      tpu.vector_store %arg12[%swap3A_2200, %swap3A_2201], %add3A_2198 {strides = array<i32>} : memref<2x4096xi32, #tpu.memory_space<vmem>>, vector<16xi32>,
      %add3A_2203 = arith.constant 100000 : i32
      %add3A_2204 = vector.broadcast %add3A_2203 : i32 to vector<16xi32>
      %add3A_2205 = arith.addi %add3A_2149, %add3A_2204 : vector<16xi32>
      %swap3A_2206 = arith.constant 1 : i32
      %swap3A_2207 = arith.index_cast %swap3A_2206 : i32 to index
      %swap3A_2208 = arith.constant 704 : index
      %swap3A_2209 = tpu.vector_load %arg12[%swap3A_2207, %swap3A_2208] {strides = array<i32>} : memref<2x4096xi32, #tpu.memory_space<vmem>>, vector<16xi32>,
      tpu.vector_store %arg12[%swap3A_2207, %swap3A_2208], %add3A_2205 {strides = array<i32>} : memref<2x4096xi32, #tpu.memory_space<vmem>>, vector<16xi32>,
      %add3A_2210 = arith.constant 100000 : i32
      %add3A_2211 = vector.broadcast %add3A_2210 : i32 to vector<16xi32>
      %add3A_2212 = arith.addi %add3A_2156, %add3A_2211 : vector<16xi32>
      %swap3A_2213 = arith.constant 1 : i32
      %swap3A_2214 = arith.index_cast %swap3A_2213 : i32 to index
      %swap3A_2215 = arith.constant 720 : index
      %swap3A_2216 = tpu.vector_load %arg12[%swap3A_2214, %swap3A_2215] {strides = array<i32>} : memref<2x4096xi32, #tpu.memory_space<vmem>>, vector<16xi32>,
      tpu.vector_store %arg12[%swap3A_2214, %swap3A_2215], %add3A_2212 {strides = array<i32>} : memref<2x4096xi32, #tpu.memory_space<vmem>>, vector<16xi32>,
      %add3A_2217 = arith.constant 100000 : i32
      %add3A_2218 = vector.broadcast %add3A_2217 : i32 to vector<16xi32>
      %add3A_2219 = arith.addi %add3A_2163, %add3A_2218 : vector<16xi32>
      %swap3A_2220 = arith.constant 1 : i32
      %swap3A_2221 = arith.index_cast %swap3A_2220 : i32 to index
      %swap3A_2222 = arith.constant 736 : index
      %swap3A_2223 = tpu.vector_load %arg12[%swap3A_2221, %swap3A_2222] {strides = array<i32>} : memref<2x4096xi32, #tpu.memory_space<vmem>>, vector<16xi32>,
      tpu.vector_store %arg12[%swap3A_2221, %swap3A_2222], %add3A_2219 {strides = array<i32>} : memref<2x4096xi32, #tpu.memory_space<vmem>>, vector<16xi32>,
      %add3A_2224 = arith.constant 100000 : i32
      %add3A_2225 = vector.broadcast %add3A_2224 : i32 to vector<16xi32>
      %add3A_2226 = arith.addi %add3A_2170, %add3A_2225 : vector<16xi32>
      %swap3A_2227 = arith.constant 1 : i32
      %swap3A_2228 = arith.index_cast %swap3A_2227 : i32 to index
      %swap3A_2229 = arith.constant 752 : index
      %swap3A_2230 = tpu.vector_load %arg12[%swap3A_2228, %swap3A_2229] {strides = array<i32>} : memref<2x4096xi32, #tpu.memory_space<vmem>>, vector<16xi32>,
      tpu.vector_store %arg12[%swap3A_2228, %swap3A_2229], %add3A_2226 {strides = array<i32>} : memref<2x4096xi32, #tpu.memory_space<vmem>>, vector<16xi32>,
      %add3A_2231 = arith.constant 100000 : i32
      %add3A_2232 = vector.broadcast %add3A_2231 : i32 to vector<16xi32>
      %add3A_2233 = arith.addi %add3A_2177, %add3A_2232 : vector<16xi32>
      %swap3A_2234 = arith.constant 1 : i32
      %swap3A_2235 = arith.index_cast %swap3A_2234 : i32 to index
      %swap3A_2236 = arith.constant 768 : index
      %swap3A_2237 = tpu.vector_load %arg12[%swap3A_2235, %swap3A_2236] {strides = array<i32>} : memref<2x4096xi32, #tpu.memory_space<vmem>>, vector<16xi32>,
      tpu.vector_store %arg12[%swap3A_2235, %swap3A_2236], %add3A_2233 {strides = array<i32>} : memref<2x4096xi32, #tpu.memory_space<vmem>>, vector<16xi32>,
      %add3A_2238 = arith.constant 100000 : i32
      %add3A_2239 = vector.broadcast %add3A_2238 : i32 to vector<16xi32>
      %add3A_2240 = arith.addi %add3A_2184, %add3A_2239 : vector<16xi32>
      %swap3A_2241 = arith.constant 1 : i32
      %swap3A_2242 = arith.index_cast %swap3A_2241 : i32 to index
      %swap3A_2243 = arith.constant 784 : index
      %swap3A_2244 = tpu.vector_load %arg12[%swap3A_2242, %swap3A_2243] {strides = array<i32>} : memref<2x4096xi32, #tpu.memory_space<vmem>>, vector<16xi32>,
      tpu.vector_store %arg12[%swap3A_2242, %swap3A_2243], %add3A_2240 {strides = array<i32>} : memref<2x4096xi32, #tpu.memory_space<vmem>>, vector<16xi32>,
      %add3A_2245 = arith.constant 100000 : i32
      %add3A_2246 = vector.broadcast %add3A_2245 : i32 to vector<16xi32>
      %add3A_2247 = arith.addi %add3A_2191, %add3A_2246 : vector<16xi32>
      %swap3A_2248 = arith.constant 1 : i32
      %swap3A_2249 = arith.index_cast %swap3A_2248 : i32 to index
      %swap3A_2250 = arith.constant 800 : index
      %swap3A_2251 = tpu.vector_load %arg12[%swap3A_2249, %swap3A_2250] {strides = array<i32>} : memref<2x4096xi32, #tpu.memory_space<vmem>>, vector<16xi32>,
      tpu.vector_store %arg12[%swap3A_2249, %swap3A_2250], %add3A_2247 {strides = array<i32>} : memref<2x4096xi32, #tpu.memory_space<vmem>>, vector<16xi32>,
      %add3A_2252 = arith.constant 100000 : i32
      %add3A_2253 = vector.broadcast %add3A_2252 : i32 to vector<16xi32>
      %add3A_2254 = arith.addi %add3A_2198, %add3A_2253 : vector<16xi32>
      %swap3A_2255 = arith.constant 1 : i32
      %swap3A_2256 = arith.index_cast %swap3A_2255 : i32 to index
      %swap3A_2257 = arith.constant 816 : index
      %swap3A_2258 = tpu.vector_load %arg12[%swap3A_2256, %swap3A_2257] {strides = array<i32>} : memref<2x4096xi32, #tpu.memory_space<vmem>>, vector<16xi32>,
      tpu.vector_store %arg12[%swap3A_2256, %swap3A_2257], %add3A_2254 {strides = array<i32>} : memref<2x4096xi32, #tpu.memory_space<vmem>>, vector<16xi32>,
      %add3A_2259 = arith.constant 100000 : i32
      %add3A_2260 = vector.broadcast %add3A_2259 : i32 to vector<16xi32>
      %add3A_2261 = arith.addi %add3A_2205, %add3A_2260 : vector<16xi32>
      %swap3A_2262 = arith.constant 1 : i32
      %swap3A_2263 = arith.index_cast %swap3A_2262 : i32 to index
      %swap3A_2264 = arith.constant 832 : index
      %swap3A_2265 = tpu.vector_load %arg12[%swap3A_2263, %swap3A_2264] {strides = array<i32>} : memref<2x4096xi32, #tpu.memory_space<vmem>>, vector<16xi32>,
      tpu.vector_store %arg12[%swap3A_2263, %swap3A_2264], %add3A_2261 {strides = array<i32>} : memref<2x4096xi32, #tpu.memory_space<vmem>>, vector<16xi32>,
      %add3A_2266 = arith.constant 100000 : i32
      %add3A_2267 = vector.broadcast %add3A_2266 : i32 to vector<16xi32>
      %add3A_2268 = arith.addi %add3A_2212, %add3A_2267 : vector<16xi32>
      %swap3A_2269 = arith.constant 1 : i32
      %swap3A_2270 = arith.index_cast %swap3A_2269 : i32 to index
      %swap3A_2271 = arith.constant 848 : index
      %swap3A_2272 = tpu.vector_load %arg12[%swap3A_2270, %swap3A_2271] {strides = array<i32>} : memref<2x4096xi32, #tpu.memory_space<vmem>>, vector<16xi32>,
      tpu.vector_store %arg12[%swap3A_2270, %swap3A_2271], %add3A_2268 {strides = array<i32>} : memref<2x4096xi32, #tpu.memory_space<vmem>>, vector<16xi32>,
      %add3A_2273 = arith.constant 100000 : i32
      %add3A_2274 = vector.broadcast %add3A_2273 : i32 to vector<16xi32>
      %add3A_2275 = arith.addi %add3A_2219, %add3A_2274 : vector<16xi32>
      %swap3A_2276 = arith.constant 1 : i32
      %swap3A_2277 = arith.index_cast %swap3A_2276 : i32 to index
      %swap3A_2278 = arith.constant 864 : index
      %swap3A_2279 = tpu.vector_load %arg12[%swap3A_2277, %swap3A_2278] {strides = array<i32>} : memref<2x4096xi32, #tpu.memory_space<vmem>>, vector<16xi32>,
      tpu.vector_store %arg12[%swap3A_2277, %swap3A_2278], %add3A_2275 {strides = array<i32>} : memref<2x4096xi32, #tpu.memory_space<vmem>>, vector<16xi32>,
      %add3A_2280 = arith.constant 100000 : i32
      %add3A_2281 = vector.broadcast %add3A_2280 : i32 to vector<16xi32>
      %add3A_2282 = arith.addi %add3A_2226, %add3A_2281 : vector<16xi32>
      %swap3A_2283 = arith.constant 1 : i32
      %swap3A_2284 = arith.index_cast %swap3A_2283 : i32 to index
      %swap3A_2285 = arith.constant 880 : index
      %swap3A_2286 = tpu.vector_load %arg12[%swap3A_2284, %swap3A_2285] {strides = array<i32>} : memref<2x4096xi32, #tpu.memory_space<vmem>>, vector<16xi32>,
      tpu.vector_store %arg12[%swap3A_2284, %swap3A_2285], %add3A_2282 {strides = array<i32>} : memref<2x4096xi32, #tpu.memory_space<vmem>>, vector<16xi32>,
      %add3A_2287 = arith.constant 100000 : i32
      %add3A_2288 = vector.broadcast %add3A_2287 : i32 to vector<16xi32>
      %add3A_2289 = arith.addi %add3A_2233, %add3A_2288 : vector<16xi32>
      %swap3A_2290 = arith.constant 1 : i32
      %swap3A_2291 = arith.index_cast %swap3A_2290 : i32 to index
      %swap3A_2292 = arith.constant 896 : index
      %swap3A_2293 = tpu.vector_load %arg12[%swap3A_2291, %swap3A_2292] {strides = array<i32>} : memref<2x4096xi32, #tpu.memory_space<vmem>>, vector<16xi32>,
      tpu.vector_store %arg12[%swap3A_2291, %swap3A_2292], %add3A_2289 {strides = array<i32>} : memref<2x4096xi32, #tpu.memory_space<vmem>>, vector<16xi32>,
      %add3A_2294 = arith.constant 100000 : i32
      %add3A_2295 = vector.broadcast %add3A_2294 : i32 to vector<16xi32>
      %add3A_2296 = arith.addi %add3A_2240, %add3A_2295 : vector<16xi32>
      %swap3A_2297 = arith.constant 1 : i32
      %swap3A_2298 = arith.index_cast %swap3A_2297 : i32 to index
      %swap3A_2299 = arith.constant 912 : index
      %swap3A_2300 = tpu.vector_load %arg12[%swap3A_2298, %swap3A_2299] {strides = array<i32>} : memref<2x4096xi32, #tpu.memory_space<vmem>>, vector<16xi32>,
      tpu.vector_store %arg12[%swap3A_2298, %swap3A_2299], %add3A_2296 {strides = array<i32>} : memref<2x4096xi32, #tpu.memory_space<vmem>>, vector<16xi32>,
      %add3A_2301 = arith.constant 100000 : i32
      %add3A_2302 = vector.broadcast %add3A_2301 : i32 to vector<16xi32>
      %add3A_2303 = arith.addi %add3A_2247, %add3A_2302 : vector<16xi32>
      %swap3A_2304 = arith.constant 1 : i32
      %swap3A_2305 = arith.index_cast %swap3A_2304 : i32 to index
      %swap3A_2306 = arith.constant 928 : index
      %swap3A_2307 = tpu.vector_load %arg12[%swap3A_2305, %swap3A_2306] {strides = array<i32>} : memref<2x4096xi32, #tpu.memory_space<vmem>>, vector<16xi32>,
      tpu.vector_store %arg12[%swap3A_2305, %swap3A_2306], %add3A_2303 {strides = array<i32>} : memref<2x4096xi32, #tpu.memory_space<vmem>>, vector<16xi32>,
      %add3A_2308 = arith.constant 100000 : i32
      %add3A_2309 = vector.broadcast %add3A_2308 : i32 to vector<16xi32>
      %add3A_2310 = arith.addi %add3A_2254, %add3A_2309 : vector<16xi32>
      %swap3A_2311 = arith.constant 1 : i32
      %swap3A_2312 = arith.index_cast %swap3A_2311 : i32 to index
      %swap3A_2313 = arith.constant 944 : index
      %swap3A_2314 = tpu.vector_load %arg12[%swap3A_2312, %swap3A_2313] {strides = array<i32>} : memref<2x4096xi32, #tpu.memory_space<vmem>>, vector<16xi32>,
      tpu.vector_store %arg12[%swap3A_2312, %swap3A_2313], %add3A_2310 {strides = array<i32>} : memref<2x4096xi32, #tpu.memory_space<vmem>>, vector<16xi32>,
      %add3A_2315 = arith.constant 100000 : i32
      %add3A_2316 = vector.broadcast %add3A_2315 : i32 to vector<16xi32>
      %add3A_2317 = arith.addi %add3A_2261, %add3A_2316 : vector<16xi32>
      %swap3A_2318 = arith.constant 1 : i32
      %swap3A_2319 = arith.index_cast %swap3A_2318 : i32 to index
      %swap3A_2320 = arith.constant 960 : index
      %swap3A_2321 = tpu.vector_load %arg12[%swap3A_2319, %swap3A_2320] {strides = array<i32>} : memref<2x4096xi32, #tpu.memory_space<vmem>>, vector<16xi32>,
      tpu.vector_store %arg12[%swap3A_2319, %swap3A_2320], %add3A_2317 {strides = array<i32>} : memref<2x4096xi32, #tpu.memory_space<vmem>>, vector<16xi32>,
      %add3A_2322 = arith.constant 100000 : i32
      %add3A_2323 = vector.broadcast %add3A_2322 : i32 to vector<16xi32>
      %add3A_2324 = arith.addi %add3A_2268, %add3A_2323 : vector<16xi32>
      %swap3A_2325 = arith.constant 1 : i32
      %swap3A_2326 = arith.index_cast %swap3A_2325 : i32 to index
      %swap3A_2327 = arith.constant 976 : index
      %swap3A_2328 = tpu.vector_load %arg12[%swap3A_2326, %swap3A_2327] {strides = array<i32>} : memref<2x4096xi32, #tpu.memory_space<vmem>>, vector<16xi32>,
      tpu.vector_store %arg12[%swap3A_2326, %swap3A_2327], %add3A_2324 {strides = array<i32>} : memref<2x4096xi32, #tpu.memory_space<vmem>>, vector<16xi32>,
      %add3A_2329 = arith.constant 100000 : i32
      %add3A_2330 = vector.broadcast %add3A_2329 : i32 to vector<16xi32>
      %add3A_2331 = arith.addi %add3A_2275, %add3A_2330 : vector<16xi32>
      %swap3A_2332 = arith.constant 1 : i32
      %swap3A_2333 = arith.index_cast %swap3A_2332 : i32 to index
      %swap3A_2334 = arith.constant 992 : index
      %swap3A_2335 = tpu.vector_load %arg12[%swap3A_2333, %swap3A_2334] {strides = array<i32>} : memref<2x4096xi32, #tpu.memory_space<vmem>>, vector<16xi32>,
      tpu.vector_store %arg12[%swap3A_2333, %swap3A_2334], %add3A_2331 {strides = array<i32>} : memref<2x4096xi32, #tpu.memory_space<vmem>>, vector<16xi32>,
      %add3A_2336 = arith.constant 100000 : i32
      %add3A_2337 = vector.broadcast %add3A_2336 : i32 to vector<16xi32>
      %add3A_2338 = arith.addi %add3A_2282, %add3A_2337 : vector<16xi32>
      %swap3A_2339 = arith.constant 1 : i32
      %swap3A_2340 = arith.index_cast %swap3A_2339 : i32 to index
      %swap3A_2341 = arith.constant 1008 : index
      %swap3A_2342 = tpu.vector_load %arg12[%swap3A_2340, %swap3A_2341] {strides = array<i32>} : memref<2x4096xi32, #tpu.memory_space<vmem>>, vector<16xi32>,
      tpu.vector_store %arg12[%swap3A_2340, %swap3A_2341], %add3A_2338 {strides = array<i32>} : memref<2x4096xi32, #tpu.memory_space<vmem>>, vector<16xi32>,
      %add3A_2343 = arith.constant 100000 : i32
      %add3A_2344 = vector.broadcast %add3A_2343 : i32 to vector<16xi32>
      %add3A_2345 = arith.addi %add3A_2289, %add3A_2344 : vector<16xi32>
      %swap3A_2346 = arith.constant 1 : i32
      %swap3A_2347 = arith.index_cast %swap3A_2346 : i32 to index
      %swap3A_2348 = arith.constant 1024 : index
      %swap3A_2349 = tpu.vector_load %arg12[%swap3A_2347, %swap3A_2348] {strides = array<i32>} : memref<2x4096xi32, #tpu.memory_space<vmem>>, vector<16xi32>,
      tpu.vector_store %arg12[%swap3A_2347, %swap3A_2348], %add3A_2345 {strides = array<i32>} : memref<2x4096xi32, #tpu.memory_space<vmem>>, vector<16xi32>,
      %add3A_2350 = arith.constant 100000 : i32
      %add3A_2351 = vector.broadcast %add3A_2350 : i32 to vector<16xi32>
      %add3A_2352 = arith.addi %add3A_2296, %add3A_2351 : vector<16xi32>
      %swap3A_2353 = arith.constant 1 : i32
      %swap3A_2354 = arith.index_cast %swap3A_2353 : i32 to index
      %swap3A_2355 = arith.constant 1040 : index
      %swap3A_2356 = tpu.vector_load %arg12[%swap3A_2354, %swap3A_2355] {strides = array<i32>} : memref<2x4096xi32, #tpu.memory_space<vmem>>, vector<16xi32>,
      tpu.vector_store %arg12[%swap3A_2354, %swap3A_2355], %add3A_2352 {strides = array<i32>} : memref<2x4096xi32, #tpu.memory_space<vmem>>, vector<16xi32>,
      %add3A_2357 = arith.constant 100000 : i32
      %add3A_2358 = vector.broadcast %add3A_2357 : i32 to vector<16xi32>
      %add3A_2359 = arith.addi %add3A_2303, %add3A_2358 : vector<16xi32>
      %swap3A_2360 = arith.constant 1 : i32
      %swap3A_2361 = arith.index_cast %swap3A_2360 : i32 to index
      %swap3A_2362 = arith.constant 1056 : index
      %swap3A_2363 = tpu.vector_load %arg12[%swap3A_2361, %swap3A_2362] {strides = array<i32>} : memref<2x4096xi32, #tpu.memory_space<vmem>>, vector<16xi32>,
      tpu.vector_store %arg12[%swap3A_2361, %swap3A_2362], %add3A_2359 {strides = array<i32>} : memref<2x4096xi32, #tpu.memory_space<vmem>>, vector<16xi32>,
      %add3A_2364 = arith.constant 100000 : i32
      %add3A_2365 = vector.broadcast %add3A_2364 : i32 to vector<16xi32>
      %add3A_2366 = arith.addi %add3A_2310, %add3A_2365 : vector<16xi32>
      %swap3A_2367 = arith.constant 1 : i32
      %swap3A_2368 = arith.index_cast %swap3A_2367 : i32 to index
      %swap3A_2369 = arith.constant 1072 : index
      %swap3A_2370 = tpu.vector_load %arg12[%swap3A_2368, %swap3A_2369] {strides = array<i32>} : memref<2x4096xi32, #tpu.memory_space<vmem>>, vector<16xi32>,
      tpu.vector_store %arg12[%swap3A_2368, %swap3A_2369], %add3A_2366 {strides = array<i32>} : memref<2x4096xi32, #tpu.memory_space<vmem>>, vector<16xi32>,
      %add3A_2371 = arith.constant 100000 : i32
      %add3A_2372 = vector.broadcast %add3A_2371 : i32 to vector<16xi32>
      %add3A_2373 = arith.addi %add3A_2317, %add3A_2372 : vector<16xi32>
      %swap3A_2374 = arith.constant 1 : i32
      %swap3A_2375 = arith.index_cast %swap3A_2374 : i32 to index
      %swap3A_2376 = arith.constant 1088 : index
      %swap3A_2377 = tpu.vector_load %arg12[%swap3A_2375, %swap3A_2376] {strides = array<i32>} : memref<2x4096xi32, #tpu.memory_space<vmem>>, vector<16xi32>,
      tpu.vector_store %arg12[%swap3A_2375, %swap3A_2376], %add3A_2373 {strides = array<i32>} : memref<2x4096xi32, #tpu.memory_space<vmem>>, vector<16xi32>,
      %add3A_2378 = arith.constant 100000 : i32
      %add3A_2379 = vector.broadcast %add3A_2378 : i32 to vector<16xi32>
      %add3A_2380 = arith.addi %add3A_2324, %add3A_2379 : vector<16xi32>
      %swap3A_2381 = arith.constant 1 : i32
      %swap3A_2382 = arith.index_cast %swap3A_2381 : i32 to index
      %swap3A_2383 = arith.constant 1104 : index
      %swap3A_2384 = tpu.vector_load %arg12[%swap3A_2382, %swap3A_2383] {strides = array<i32>} : memref<2x4096xi32, #tpu.memory_space<vmem>>, vector<16xi32>,
      tpu.vector_store %arg12[%swap3A_2382, %swap3A_2383], %add3A_2380 {strides = array<i32>} : memref<2x4096xi32, #tpu.memory_space<vmem>>, vector<16xi32>,
      %add3A_2385 = arith.constant 100000 : i32
      %add3A_2386 = vector.broadcast %add3A_2385 : i32 to vector<16xi32>
      %add3A_2387 = arith.addi %add3A_2331, %add3A_2386 : vector<16xi32>
      %swap3A_2388 = arith.constant 1 : i32
      %swap3A_2389 = arith.index_cast %swap3A_2388 : i32 to index
      %swap3A_2390 = arith.constant 1120 : index
      %swap3A_2391 = tpu.vector_load %arg12[%swap3A_2389, %swap3A_2390] {strides = array<i32>} : memref<2x4096xi32, #tpu.memory_space<vmem>>, vector<16xi32>,
      tpu.vector_store %arg12[%swap3A_2389, %swap3A_2390], %add3A_2387 {strides = array<i32>} : memref<2x4096xi32, #tpu.memory_space<vmem>>, vector<16xi32>,
      %add3A_2392 = arith.constant 100000 : i32
      %add3A_2393 = vector.broadcast %add3A_2392 : i32 to vector<16xi32>
      %add3A_2394 = arith.addi %add3A_2338, %add3A_2393 : vector<16xi32>
      %swap3A_2395 = arith.constant 1 : i32
      %swap3A_2396 = arith.index_cast %swap3A_2395 : i32 to index
      %swap3A_2397 = arith.constant 1136 : index
      %swap3A_2398 = tpu.vector_load %arg12[%swap3A_2396, %swap3A_2397] {strides = array<i32>} : memref<2x4096xi32, #tpu.memory_space<vmem>>, vector<16xi32>,
      tpu.vector_store %arg12[%swap3A_2396, %swap3A_2397], %add3A_2394 {strides = array<i32>} : memref<2x4096xi32, #tpu.memory_space<vmem>>, vector<16xi32>,
      %add3A_2399 = arith.constant 100000 : i32
      %add3A_2400 = vector.broadcast %add3A_2399 : i32 to vector<16xi32>
      %add3A_2401 = arith.addi %add3A_2345, %add3A_2400 : vector<16xi32>
      %swap3A_2402 = arith.constant 1 : i32
      %swap3A_2403 = arith.index_cast %swap3A_2402 : i32 to index
      %swap3A_2404 = arith.constant 1152 : index
      %swap3A_2405 = tpu.vector_load %arg12[%swap3A_2403, %swap3A_2404] {strides = array<i32>} : memref<2x4096xi32, #tpu.memory_space<vmem>>, vector<16xi32>,
      tpu.vector_store %arg12[%swap3A_2403, %swap3A_2404], %add3A_2401 {strides = array<i32>} : memref<2x4096xi32, #tpu.memory_space<vmem>>, vector<16xi32>,
      %add3A_2406 = arith.constant 100000 : i32
      %add3A_2407 = vector.broadcast %add3A_2406 : i32 to vector<16xi32>
      %add3A_2408 = arith.addi %add3A_2352, %add3A_2407 : vector<16xi32>
      %swap3A_2409 = arith.constant 1 : i32
      %swap3A_2410 = arith.index_cast %swap3A_2409 : i32 to index
      %swap3A_2411 = arith.constant 1168 : index
      %swap3A_2412 = tpu.vector_load %arg12[%swap3A_2410, %swap3A_2411] {strides = array<i32>} : memref<2x4096xi32, #tpu.memory_space<vmem>>, vector<16xi32>,
      tpu.vector_store %arg12[%swap3A_2410, %swap3A_2411], %add3A_2408 {strides = array<i32>} : memref<2x4096xi32, #tpu.memory_space<vmem>>, vector<16xi32>,
      %add3A_2413 = arith.constant 100000 : i32
      %add3A_2414 = vector.broadcast %add3A_2413 : i32 to vector<16xi32>
      %add3A_2415 = arith.addi %add3A_2359, %add3A_2414 : vector<16xi32>
      %swap3A_2416 = arith.constant 1 : i32
      %swap3A_2417 = arith.index_cast %swap3A_2416 : i32 to index
      %swap3A_2418 = arith.constant 1184 : index
      %swap3A_2419 = tpu.vector_load %arg12[%swap3A_2417, %swap3A_2418] {strides = array<i32>} : memref<2x4096xi32, #tpu.memory_space<vmem>>, vector<16xi32>,
      tpu.vector_store %arg12[%swap3A_2417, %swap3A_2418], %add3A_2415 {strides = array<i32>} : memref<2x4096xi32, #tpu.memory_space<vmem>>, vector<16xi32>,
      %add3A_2420 = arith.constant 100000 : i32
      %add3A_2421 = vector.broadcast %add3A_2420 : i32 to vector<16xi32>
      %add3A_2422 = arith.addi %add3A_2366, %add3A_2421 : vector<16xi32>
      %swap3A_2423 = arith.constant 1 : i32
      %swap3A_2424 = arith.index_cast %swap3A_2423 : i32 to index
      %swap3A_2425 = arith.constant 1200 : index
      %swap3A_2426 = tpu.vector_load %arg12[%swap3A_2424, %swap3A_2425] {strides = array<i32>} : memref<2x4096xi32, #tpu.memory_space<vmem>>, vector<16xi32>,
      tpu.vector_store %arg12[%swap3A_2424, %swap3A_2425], %add3A_2422 {strides = array<i32>} : memref<2x4096xi32, #tpu.memory_space<vmem>>, vector<16xi32>,
      %add3A_2427 = arith.constant 100000 : i32
      %add3A_2428 = vector.broadcast %add3A_2427 : i32 to vector<16xi32>
      %add3A_2429 = arith.addi %add3A_2373, %add3A_2428 : vector<16xi32>
      %swap3A_2430 = arith.constant 1 : i32
      %swap3A_2431 = arith.index_cast %swap3A_2430 : i32 to index
      %swap3A_2432 = arith.constant 1216 : index
      %swap3A_2433 = tpu.vector_load %arg12[%swap3A_2431, %swap3A_2432] {strides = array<i32>} : memref<2x4096xi32, #tpu.memory_space<vmem>>, vector<16xi32>,
      tpu.vector_store %arg12[%swap3A_2431, %swap3A_2432], %add3A_2429 {strides = array<i32>} : memref<2x4096xi32, #tpu.memory_space<vmem>>, vector<16xi32>,
      %add3A_2434 = arith.constant 100000 : i32
      %add3A_2435 = vector.broadcast %add3A_2434 : i32 to vector<16xi32>
      %add3A_2436 = arith.addi %add3A_2380, %add3A_2435 : vector<16xi32>
      %swap3A_2437 = arith.constant 1 : i32
      %swap3A_2438 = arith.index_cast %swap3A_2437 : i32 to index
      %swap3A_2439 = arith.constant 1232 : index
      %swap3A_2440 = tpu.vector_load %arg12[%swap3A_2438, %swap3A_2439] {strides = array<i32>} : memref<2x4096xi32, #tpu.memory_space<vmem>>, vector<16xi32>,
      tpu.vector_store %arg12[%swap3A_2438, %swap3A_2439], %add3A_2436 {strides = array<i32>} : memref<2x4096xi32, #tpu.memory_space<vmem>>, vector<16xi32>,
      %add3A_2441 = arith.constant 100000 : i32
      %add3A_2442 = vector.broadcast %add3A_2441 : i32 to vector<16xi32>
      %add3A_2443 = arith.addi %add3A_2387, %add3A_2442 : vector<16xi32>
      %swap3A_2444 = arith.constant 1 : i32
      %swap3A_2445 = arith.index_cast %swap3A_2444 : i32 to index
      %swap3A_2446 = arith.constant 1248 : index
      %swap3A_2447 = tpu.vector_load %arg12[%swap3A_2445, %swap3A_2446] {strides = array<i32>} : memref<2x4096xi32, #tpu.memory_space<vmem>>, vector<16xi32>,
      tpu.vector_store %arg12[%swap3A_2445, %swap3A_2446], %add3A_2443 {strides = array<i32>} : memref<2x4096xi32, #tpu.memory_space<vmem>>, vector<16xi32>,
      %add3A_2448 = arith.constant 100000 : i32
      %add3A_2449 = vector.broadcast %add3A_2448 : i32 to vector<16xi32>
      %add3A_2450 = arith.addi %add3A_2394, %add3A_2449 : vector<16xi32>
      %swap3A_2451 = arith.constant 1 : i32
      %swap3A_2452 = arith.index_cast %swap3A_2451 : i32 to index
      %swap3A_2453 = arith.constant 1264 : index
      %swap3A_2454 = tpu.vector_load %arg12[%swap3A_2452, %swap3A_2453] {strides = array<i32>} : memref<2x4096xi32, #tpu.memory_space<vmem>>, vector<16xi32>,
      tpu.vector_store %arg12[%swap3A_2452, %swap3A_2453], %add3A_2450 {strides = array<i32>} : memref<2x4096xi32, #tpu.memory_space<vmem>>, vector<16xi32>,
      %add3A_2455 = arith.constant 100000 : i32
      %add3A_2456 = vector.broadcast %add3A_2455 : i32 to vector<16xi32>
      %add3A_2457 = arith.addi %add3A_2401, %add3A_2456 : vector<16xi32>
      %swap3A_2458 = arith.constant 1 : i32
      %swap3A_2459 = arith.index_cast %swap3A_2458 : i32 to index
      %swap3A_2460 = arith.constant 1280 : index
      %swap3A_2461 = tpu.vector_load %arg12[%swap3A_2459, %swap3A_2460] {strides = array<i32>} : memref<2x4096xi32, #tpu.memory_space<vmem>>, vector<16xi32>,
      tpu.vector_store %arg12[%swap3A_2459, %swap3A_2460], %add3A_2457 {strides = array<i32>} : memref<2x4096xi32, #tpu.memory_space<vmem>>, vector<16xi32>,
      %add3A_2462 = arith.constant 100000 : i32
      %add3A_2463 = vector.broadcast %add3A_2462 : i32 to vector<16xi32>
      %add3A_2464 = arith.addi %add3A_2408, %add3A_2463 : vector<16xi32>
      %swap3A_2465 = arith.constant 1 : i32
      %swap3A_2466 = arith.index_cast %swap3A_2465 : i32 to index
      %swap3A_2467 = arith.constant 1296 : index
      %swap3A_2468 = tpu.vector_load %arg12[%swap3A_2466, %swap3A_2467] {strides = array<i32>} : memref<2x4096xi32, #tpu.memory_space<vmem>>, vector<16xi32>,
      tpu.vector_store %arg12[%swap3A_2466, %swap3A_2467], %add3A_2464 {strides = array<i32>} : memref<2x4096xi32, #tpu.memory_space<vmem>>, vector<16xi32>,
      %add3A_2469 = arith.constant 100000 : i32
      %add3A_2470 = vector.broadcast %add3A_2469 : i32 to vector<16xi32>
      %add3A_2471 = arith.addi %add3A_2415, %add3A_2470 : vector<16xi32>
      %swap3A_2472 = arith.constant 1 : i32
      %swap3A_2473 = arith.index_cast %swap3A_2472 : i32 to index
      %swap3A_2474 = arith.constant 1312 : index
      %swap3A_2475 = tpu.vector_load %arg12[%swap3A_2473, %swap3A_2474] {strides = array<i32>} : memref<2x4096xi32, #tpu.memory_space<vmem>>, vector<16xi32>,
      tpu.vector_store %arg12[%swap3A_2473, %swap3A_2474], %add3A_2471 {strides = array<i32>} : memref<2x4096xi32, #tpu.memory_space<vmem>>, vector<16xi32>,
      %add3A_2476 = arith.constant 100000 : i32
      %add3A_2477 = vector.broadcast %add3A_2476 : i32 to vector<16xi32>
      %add3A_2478 = arith.addi %add3A_2422, %add3A_2477 : vector<16xi32>
      %swap3A_2479 = arith.constant 1 : i32
      %swap3A_2480 = arith.index_cast %swap3A_2479 : i32 to index
      %swap3A_2481 = arith.constant 1328 : index
      %swap3A_2482 = tpu.vector_load %arg12[%swap3A_2480, %swap3A_2481] {strides = array<i32>} : memref<2x4096xi32, #tpu.memory_space<vmem>>, vector<16xi32>,
      tpu.vector_store %arg12[%swap3A_2480, %swap3A_2481], %add3A_2478 {strides = array<i32>} : memref<2x4096xi32, #tpu.memory_space<vmem>>, vector<16xi32>,
      %add3A_2483 = arith.constant 100000 : i32
      %add3A_2484 = vector.broadcast %add3A_2483 : i32 to vector<16xi32>
      %add3A_2485 = arith.addi %add3A_2429, %add3A_2484 : vector<16xi32>
      %swap3A_2486 = arith.constant 1 : i32
      %swap3A_2487 = arith.index_cast %swap3A_2486 : i32 to index
      %swap3A_2488 = arith.constant 1344 : index
      %swap3A_2489 = tpu.vector_load %arg12[%swap3A_2487, %swap3A_2488] {strides = array<i32>} : memref<2x4096xi32, #tpu.memory_space<vmem>>, vector<16xi32>,
      tpu.vector_store %arg12[%swap3A_2487, %swap3A_2488], %add3A_2485 {strides = array<i32>} : memref<2x4096xi32, #tpu.memory_space<vmem>>, vector<16xi32>,
      %add3A_2490 = arith.constant 100000 : i32
      %add3A_2491 = vector.broadcast %add3A_2490 : i32 to vector<16xi32>
      %add3A_2492 = arith.addi %add3A_2436, %add3A_2491 : vector<16xi32>
      %swap3A_2493 = arith.constant 1 : i32
      %swap3A_2494 = arith.index_cast %swap3A_2493 : i32 to index
      %swap3A_2495 = arith.constant 1360 : index
      %swap3A_2496 = tpu.vector_load %arg12[%swap3A_2494, %swap3A_2495] {strides = array<i32>} : memref<2x4096xi32, #tpu.memory_space<vmem>>, vector<16xi32>,
      tpu.vector_store %arg12[%swap3A_2494, %swap3A_2495], %add3A_2492 {strides = array<i32>} : memref<2x4096xi32, #tpu.memory_space<vmem>>, vector<16xi32>,
      %add3A_2497 = arith.constant 100000 : i32
      %add3A_2498 = vector.broadcast %add3A_2497 : i32 to vector<16xi32>
      %add3A_2499 = arith.addi %add3A_2443, %add3A_2498 : vector<16xi32>
      %swap3A_2500 = arith.constant 1 : i32
      %swap3A_2501 = arith.index_cast %swap3A_2500 : i32 to index
      %swap3A_2502 = arith.constant 1376 : index
      %swap3A_2503 = tpu.vector_load %arg12[%swap3A_2501, %swap3A_2502] {strides = array<i32>} : memref<2x4096xi32, #tpu.memory_space<vmem>>, vector<16xi32>,
      tpu.vector_store %arg12[%swap3A_2501, %swap3A_2502], %add3A_2499 {strides = array<i32>} : memref<2x4096xi32, #tpu.memory_space<vmem>>, vector<16xi32>,
      %add3A_2504 = arith.constant 100000 : i32
      %add3A_2505 = vector.broadcast %add3A_2504 : i32 to vector<16xi32>
      %add3A_2506 = arith.addi %add3A_2450, %add3A_2505 : vector<16xi32>
      %swap3A_2507 = arith.constant 1 : i32
      %swap3A_2508 = arith.index_cast %swap3A_2507 : i32 to index
      %swap3A_2509 = arith.constant 1392 : index
      %swap3A_2510 = tpu.vector_load %arg12[%swap3A_2508, %swap3A_2509] {strides = array<i32>} : memref<2x4096xi32, #tpu.memory_space<vmem>>, vector<16xi32>,
      tpu.vector_store %arg12[%swap3A_2508, %swap3A_2509], %add3A_2506 {strides = array<i32>} : memref<2x4096xi32, #tpu.memory_space<vmem>>, vector<16xi32>,
      %add3A_2511 = arith.constant 100000 : i32
      %add3A_2512 = vector.broadcast %add3A_2511 : i32 to vector<16xi32>
      %add3A_2513 = arith.addi %add3A_2457, %add3A_2512 : vector<16xi32>
      %swap3A_2514 = arith.constant 1 : i32
      %swap3A_2515 = arith.index_cast %swap3A_2514 : i32 to index
      %swap3A_2516 = arith.constant 1408 : index
      %swap3A_2517 = tpu.vector_load %arg12[%swap3A_2515, %swap3A_2516] {strides = array<i32>} : memref<2x4096xi32, #tpu.memory_space<vmem>>, vector<16xi32>,
      tpu.vector_store %arg12[%swap3A_2515, %swap3A_2516], %add3A_2513 {strides = array<i32>} : memref<2x4096xi32, #tpu.memory_space<vmem>>, vector<16xi32>,
      %add3A_2518 = arith.constant 100000 : i32
      %add3A_2519 = vector.broadcast %add3A_2518 : i32 to vector<16xi32>
      %add3A_2520 = arith.addi %add3A_2464, %add3A_2519 : vector<16xi32>
      %swap3A_2521 = arith.constant 1 : i32
      %swap3A_2522 = arith.index_cast %swap3A_2521 : i32 to index
      %swap3A_2523 = arith.constant 1424 : index
      %swap3A_2524 = tpu.vector_load %arg12[%swap3A_2522, %swap3A_2523] {strides = array<i32>} : memref<2x4096xi32, #tpu.memory_space<vmem>>, vector<16xi32>,
      tpu.vector_store %arg12[%swap3A_2522, %swap3A_2523], %add3A_2520 {strides = array<i32>} : memref<2x4096xi32, #tpu.memory_space<vmem>>, vector<16xi32>,
      %add3A_2525 = arith.constant 100000 : i32
      %add3A_2526 = vector.broadcast %add3A_2525 : i32 to vector<16xi32>
      %add3A_2527 = arith.addi %add3A_2471, %add3A_2526 : vector<16xi32>
      %swap3A_2528 = arith.constant 1 : i32
      %swap3A_2529 = arith.index_cast %swap3A_2528 : i32 to index
      %swap3A_2530 = arith.constant 1440 : index
      %swap3A_2531 = tpu.vector_load %arg12[%swap3A_2529, %swap3A_2530] {strides = array<i32>} : memref<2x4096xi32, #tpu.memory_space<vmem>>, vector<16xi32>,
      tpu.vector_store %arg12[%swap3A_2529, %swap3A_2530], %add3A_2527 {strides = array<i32>} : memref<2x4096xi32, #tpu.memory_space<vmem>>, vector<16xi32>,
      %add3A_2532 = arith.constant 100000 : i32
      %add3A_2533 = vector.broadcast %add3A_2532 : i32 to vector<16xi32>
      %add3A_2534 = arith.addi %add3A_2478, %add3A_2533 : vector<16xi32>
      %swap3A_2535 = arith.constant 1 : i32
      %swap3A_2536 = arith.index_cast %swap3A_2535 : i32 to index
      %swap3A_2537 = arith.constant 1456 : index
      %swap3A_2538 = tpu.vector_load %arg12[%swap3A_2536, %swap3A_2537] {strides = array<i32>} : memref<2x4096xi32, #tpu.memory_space<vmem>>, vector<16xi32>,
      tpu.vector_store %arg12[%swap3A_2536, %swap3A_2537], %add3A_2534 {strides = array<i32>} : memref<2x4096xi32, #tpu.memory_space<vmem>>, vector<16xi32>,
      %add3A_2539 = arith.constant 100000 : i32
      %add3A_2540 = vector.broadcast %add3A_2539 : i32 to vector<16xi32>
      %add3A_2541 = arith.addi %add3A_2485, %add3A_2540 : vector<16xi32>
      %swap3A_2542 = arith.constant 1 : i32
      %swap3A_2543 = arith.index_cast %swap3A_2542 : i32 to index
      %swap3A_2544 = arith.constant 1472 : index
      %swap3A_2545 = tpu.vector_load %arg12[%swap3A_2543, %swap3A_2544] {strides = array<i32>} : memref<2x4096xi32, #tpu.memory_space<vmem>>, vector<16xi32>,
      tpu.vector_store %arg12[%swap3A_2543, %swap3A_2544], %add3A_2541 {strides = array<i32>} : memref<2x4096xi32, #tpu.memory_space<vmem>>, vector<16xi32>,
      %add3A_2546 = arith.constant 100000 : i32
      %add3A_2547 = vector.broadcast %add3A_2546 : i32 to vector<16xi32>
      %add3A_2548 = arith.addi %add3A_2492, %add3A_2547 : vector<16xi32>
      %swap3A_2549 = arith.constant 1 : i32
      %swap3A_2550 = arith.index_cast %swap3A_2549 : i32 to index
      %swap3A_2551 = arith.constant 1488 : index
      %swap3A_2552 = tpu.vector_load %arg12[%swap3A_2550, %swap3A_2551] {strides = array<i32>} : memref<2x4096xi32, #tpu.memory_space<vmem>>, vector<16xi32>,
      tpu.vector_store %arg12[%swap3A_2550, %swap3A_2551], %add3A_2548 {strides = array<i32>} : memref<2x4096xi32, #tpu.memory_space<vmem>>, vector<16xi32>,
      %add3A_2553 = arith.constant 100000 : i32
      %add3A_2554 = vector.broadcast %add3A_2553 : i32 to vector<16xi32>
      %add3A_2555 = arith.addi %add3A_2499, %add3A_2554 : vector<16xi32>
      %swap3A_2556 = arith.constant 1 : i32
      %swap3A_2557 = arith.index_cast %swap3A_2556 : i32 to index
      %swap3A_2558 = arith.constant 1504 : index
      %swap3A_2559 = tpu.vector_load %arg12[%swap3A_2557, %swap3A_2558] {strides = array<i32>} : memref<2x4096xi32, #tpu.memory_space<vmem>>, vector<16xi32>,
      tpu.vector_store %arg12[%swap3A_2557, %swap3A_2558], %add3A_2555 {strides = array<i32>} : memref<2x4096xi32, #tpu.memory_space<vmem>>, vector<16xi32>,
      %add3A_2560 = arith.constant 100000 : i32
      %add3A_2561 = vector.broadcast %add3A_2560 : i32 to vector<16xi32>
      %add3A_2562 = arith.addi %add3A_2506, %add3A_2561 : vector<16xi32>
      %swap3A_2563 = arith.constant 1 : i32
      %swap3A_2564 = arith.index_cast %swap3A_2563 : i32 to index
      %swap3A_2565 = arith.constant 1520 : index
      %swap3A_2566 = tpu.vector_load %arg12[%swap3A_2564, %swap3A_2565] {strides = array<i32>} : memref<2x4096xi32, #tpu.memory_space<vmem>>, vector<16xi32>,
      tpu.vector_store %arg12[%swap3A_2564, %swap3A_2565], %add3A_2562 {strides = array<i32>} : memref<2x4096xi32, #tpu.memory_space<vmem>>, vector<16xi32>,
      %add3A_2567 = arith.constant 100000 : i32
      %add3A_2568 = vector.broadcast %add3A_2567 : i32 to vector<16xi32>
      %add3A_2569 = arith.addi %add3A_2513, %add3A_2568 : vector<16xi32>
      %swap3A_2570 = arith.constant 1 : i32
      %swap3A_2571 = arith.index_cast %swap3A_2570 : i32 to index
      %swap3A_2572 = arith.constant 1536 : index
      %swap3A_2573 = tpu.vector_load %arg12[%swap3A_2571, %swap3A_2572] {strides = array<i32>} : memref<2x4096xi32, #tpu.memory_space<vmem>>, vector<16xi32>,
      tpu.vector_store %arg12[%swap3A_2571, %swap3A_2572], %add3A_2569 {strides = array<i32>} : memref<2x4096xi32, #tpu.memory_space<vmem>>, vector<16xi32>,
      %add3A_2574 = arith.constant 100000 : i32
      %add3A_2575 = vector.broadcast %add3A_2574 : i32 to vector<16xi32>
      %add3A_2576 = arith.addi %add3A_2520, %add3A_2575 : vector<16xi32>
      %swap3A_2577 = arith.constant 1 : i32
      %swap3A_2578 = arith.index_cast %swap3A_2577 : i32 to index
      %swap3A_2579 = arith.constant 1552 : index
      %swap3A_2580 = tpu.vector_load %arg12[%swap3A_2578, %swap3A_2579] {strides = array<i32>} : memref<2x4096xi32, #tpu.memory_space<vmem>>, vector<16xi32>,
      tpu.vector_store %arg12[%swap3A_2578, %swap3A_2579], %add3A_2576 {strides = array<i32>} : memref<2x4096xi32, #tpu.memory_space<vmem>>, vector<16xi32>,
      %add3A_2581 = arith.constant 100000 : i32
      %add3A_2582 = vector.broadcast %add3A_2581 : i32 to vector<16xi32>
      %add3A_2583 = arith.addi %add3A_2527, %add3A_2582 : vector<16xi32>
      %swap3A_2584 = arith.constant 1 : i32
      %swap3A_2585 = arith.index_cast %swap3A_2584 : i32 to index
      %swap3A_2586 = arith.constant 1568 : index
      %swap3A_2587 = tpu.vector_load %arg12[%swap3A_2585, %swap3A_2586] {strides = array<i32>} : memref<2x4096xi32, #tpu.memory_space<vmem>>, vector<16xi32>,
      tpu.vector_store %arg12[%swap3A_2585, %swap3A_2586], %add3A_2583 {strides = array<i32>} : memref<2x4096xi32, #tpu.memory_space<vmem>>, vector<16xi32>,
      %add3A_2588 = arith.constant 100000 : i32
      %add3A_2589 = vector.broadcast %add3A_2588 : i32 to vector<16xi32>
      %add3A_2590 = arith.addi %add3A_2534, %add3A_2589 : vector<16xi32>
      %swap3A_2591 = arith.constant 1 : i32
      %swap3A_2592 = arith.index_cast %swap3A_2591 : i32 to index
      %swap3A_2593 = arith.constant 1584 : index
      %swap3A_2594 = tpu.vector_load %arg12[%swap3A_2592, %swap3A_2593] {strides = array<i32>} : memref<2x4096xi32, #tpu.memory_space<vmem>>, vector<16xi32>,
      tpu.vector_store %arg12[%swap3A_2592, %swap3A_2593], %add3A_2590 {strides = array<i32>} : memref<2x4096xi32, #tpu.memory_space<vmem>>, vector<16xi32>,
      %add3A_2595 = arith.constant 100000 : i32
      %add3A_2596 = vector.broadcast %add3A_2595 : i32 to vector<16xi32>
      %add3A_2597 = arith.addi %add3A_2541, %add3A_2596 : vector<16xi32>
      %swap3A_2598 = arith.constant 1 : i32
      %swap3A_2599 = arith.index_cast %swap3A_2598 : i32 to index
      %swap3A_2600 = arith.constant 1600 : index
      %swap3A_2601 = tpu.vector_load %arg12[%swap3A_2599, %swap3A_2600] {strides = array<i32>} : memref<2x4096xi32, #tpu.memory_space<vmem>>, vector<16xi32>,
      tpu.vector_store %arg12[%swap3A_2599, %swap3A_2600], %add3A_2597 {strides = array<i32>} : memref<2x4096xi32, #tpu.memory_space<vmem>>, vector<16xi32>,
      %add3A_2602 = arith.constant 100000 : i32
      %add3A_2603 = vector.broadcast %add3A_2602 : i32 to vector<16xi32>
      %add3A_2604 = arith.addi %add3A_2548, %add3A_2603 : vector<16xi32>
      %swap3A_2605 = arith.constant 1 : i32
      %swap3A_2606 = arith.index_cast %swap3A_2605 : i32 to index
      %swap3A_2607 = arith.constant 1616 : index
      %swap3A_2608 = tpu.vector_load %arg12[%swap3A_2606, %swap3A_2607] {strides = array<i32>} : memref<2x4096xi32, #tpu.memory_space<vmem>>, vector<16xi32>,
      tpu.vector_store %arg12[%swap3A_2606, %swap3A_2607], %add3A_2604 {strides = array<i32>} : memref<2x4096xi32, #tpu.memory_space<vmem>>, vector<16xi32>,
      %add3A_2609 = arith.constant 100000 : i32
      %add3A_2610 = vector.broadcast %add3A_2609 : i32 to vector<16xi32>
      %add3A_2611 = arith.addi %add3A_2555, %add3A_2610 : vector<16xi32>
      %swap3A_2612 = arith.constant 1 : i32
      %swap3A_2613 = arith.index_cast %swap3A_2612 : i32 to index
      %swap3A_2614 = arith.constant 1632 : index
      %swap3A_2615 = tpu.vector_load %arg12[%swap3A_2613, %swap3A_2614] {strides = array<i32>} : memref<2x4096xi32, #tpu.memory_space<vmem>>, vector<16xi32>,
      tpu.vector_store %arg12[%swap3A_2613, %swap3A_2614], %add3A_2611 {strides = array<i32>} : memref<2x4096xi32, #tpu.memory_space<vmem>>, vector<16xi32>,
      %add3A_2616 = arith.constant 100000 : i32
      %add3A_2617 = vector.broadcast %add3A_2616 : i32 to vector<16xi32>
      %add3A_2618 = arith.addi %add3A_2562, %add3A_2617 : vector<16xi32>
      %swap3A_2619 = arith.constant 1 : i32
      %swap3A_2620 = arith.index_cast %swap3A_2619 : i32 to index
      %swap3A_2621 = arith.constant 1648 : index
      %swap3A_2622 = tpu.vector_load %arg12[%swap3A_2620, %swap3A_2621] {strides = array<i32>} : memref<2x4096xi32, #tpu.memory_space<vmem>>, vector<16xi32>,
      tpu.vector_store %arg12[%swap3A_2620, %swap3A_2621], %add3A_2618 {strides = array<i32>} : memref<2x4096xi32, #tpu.memory_space<vmem>>, vector<16xi32>,
      %add3A_2623 = arith.constant 100000 : i32
      %add3A_2624 = vector.broadcast %add3A_2623 : i32 to vector<16xi32>
      %add3A_2625 = arith.addi %add3A_2569, %add3A_2624 : vector<16xi32>
      %swap3A_2626 = arith.constant 1 : i32
      %swap3A_2627 = arith.index_cast %swap3A_2626 : i32 to index
      %swap3A_2628 = arith.constant 1664 : index
      %swap3A_2629 = tpu.vector_load %arg12[%swap3A_2627, %swap3A_2628] {strides = array<i32>} : memref<2x4096xi32, #tpu.memory_space<vmem>>, vector<16xi32>,
      tpu.vector_store %arg12[%swap3A_2627, %swap3A_2628], %add3A_2625 {strides = array<i32>} : memref<2x4096xi32, #tpu.memory_space<vmem>>, vector<16xi32>,
      %add3A_2630 = arith.constant 100000 : i32
      %add3A_2631 = vector.broadcast %add3A_2630 : i32 to vector<16xi32>
      %add3A_2632 = arith.addi %add3A_2576, %add3A_2631 : vector<16xi32>
      %swap3A_2633 = arith.constant 1 : i32
      %swap3A_2634 = arith.index_cast %swap3A_2633 : i32 to index
      %swap3A_2635 = arith.constant 1680 : index
      %swap3A_2636 = tpu.vector_load %arg12[%swap3A_2634, %swap3A_2635] {strides = array<i32>} : memref<2x4096xi32, #tpu.memory_space<vmem>>, vector<16xi32>,
      tpu.vector_store %arg12[%swap3A_2634, %swap3A_2635], %add3A_2632 {strides = array<i32>} : memref<2x4096xi32, #tpu.memory_space<vmem>>, vector<16xi32>,
      %add3A_2637 = arith.constant 100000 : i32
      %add3A_2638 = vector.broadcast %add3A_2637 : i32 to vector<16xi32>
      %add3A_2639 = arith.addi %add3A_2583, %add3A_2638 : vector<16xi32>
      %swap3A_2640 = arith.constant 1 : i32
      %swap3A_2641 = arith.index_cast %swap3A_2640 : i32 to index
      %swap3A_2642 = arith.constant 1696 : index
      %swap3A_2643 = tpu.vector_load %arg12[%swap3A_2641, %swap3A_2642] {strides = array<i32>} : memref<2x4096xi32, #tpu.memory_space<vmem>>, vector<16xi32>,
      tpu.vector_store %arg12[%swap3A_2641, %swap3A_2642], %add3A_2639 {strides = array<i32>} : memref<2x4096xi32, #tpu.memory_space<vmem>>, vector<16xi32>,
      %add3A_2644 = arith.constant 100000 : i32
      %add3A_2645 = vector.broadcast %add3A_2644 : i32 to vector<16xi32>
      %add3A_2646 = arith.addi %add3A_2590, %add3A_2645 : vector<16xi32>
      %swap3A_2647 = arith.constant 1 : i32
      %swap3A_2648 = arith.index_cast %swap3A_2647 : i32 to index
      %swap3A_2649 = arith.constant 1712 : index
      %swap3A_2650 = tpu.vector_load %arg12[%swap3A_2648, %swap3A_2649] {strides = array<i32>} : memref<2x4096xi32, #tpu.memory_space<vmem>>, vector<16xi32>,
      tpu.vector_store %arg12[%swap3A_2648, %swap3A_2649], %add3A_2646 {strides = array<i32>} : memref<2x4096xi32, #tpu.memory_space<vmem>>, vector<16xi32>,
      %add3A_2651 = arith.constant 100000 : i32
      %add3A_2652 = vector.broadcast %add3A_2651 : i32 to vector<16xi32>
      %add3A_2653 = arith.addi %add3A_2597, %add3A_2652 : vector<16xi32>
      %swap3A_2654 = arith.constant 1 : i32
      %swap3A_2655 = arith.index_cast %swap3A_2654 : i32 to index
      %swap3A_2656 = arith.constant 1728 : index
      %swap3A_2657 = tpu.vector_load %arg12[%swap3A_2655, %swap3A_2656] {strides = array<i32>} : memref<2x4096xi32, #tpu.memory_space<vmem>>, vector<16xi32>,
      tpu.vector_store %arg12[%swap3A_2655, %swap3A_2656], %add3A_2653 {strides = array<i32>} : memref<2x4096xi32, #tpu.memory_space<vmem>>, vector<16xi32>,
      %add3A_2658 = arith.constant 100000 : i32
      %add3A_2659 = vector.broadcast %add3A_2658 : i32 to vector<16xi32>
      %add3A_2660 = arith.addi %add3A_2604, %add3A_2659 : vector<16xi32>
      %swap3A_2661 = arith.constant 1 : i32
      %swap3A_2662 = arith.index_cast %swap3A_2661 : i32 to index
      %swap3A_2663 = arith.constant 1744 : index
      %swap3A_2664 = tpu.vector_load %arg12[%swap3A_2662, %swap3A_2663] {strides = array<i32>} : memref<2x4096xi32, #tpu.memory_space<vmem>>, vector<16xi32>,
      tpu.vector_store %arg12[%swap3A_2662, %swap3A_2663], %add3A_2660 {strides = array<i32>} : memref<2x4096xi32, #tpu.memory_space<vmem>>, vector<16xi32>,
      %add3A_2665 = arith.constant 100000 : i32
      %add3A_2666 = vector.broadcast %add3A_2665 : i32 to vector<16xi32>
      %add3A_2667 = arith.addi %add3A_2611, %add3A_2666 : vector<16xi32>
      %swap3A_2668 = arith.constant 1 : i32
      %swap3A_2669 = arith.index_cast %swap3A_2668 : i32 to index
      %swap3A_2670 = arith.constant 1760 : index
      %swap3A_2671 = tpu.vector_load %arg12[%swap3A_2669, %swap3A_2670] {strides = array<i32>} : memref<2x4096xi32, #tpu.memory_space<vmem>>, vector<16xi32>,
      tpu.vector_store %arg12[%swap3A_2669, %swap3A_2670], %add3A_2667 {strides = array<i32>} : memref<2x4096xi32, #tpu.memory_space<vmem>>, vector<16xi32>,
      %add3A_2672 = arith.constant 100000 : i32
      %add3A_2673 = vector.broadcast %add3A_2672 : i32 to vector<16xi32>
      %add3A_2674 = arith.addi %add3A_2618, %add3A_2673 : vector<16xi32>
      %swap3A_2675 = arith.constant 1 : i32
      %swap3A_2676 = arith.index_cast %swap3A_2675 : i32 to index
      %swap3A_2677 = arith.constant 1776 : index
      %swap3A_2678 = tpu.vector_load %arg12[%swap3A_2676, %swap3A_2677] {strides = array<i32>} : memref<2x4096xi32, #tpu.memory_space<vmem>>, vector<16xi32>,
      tpu.vector_store %arg12[%swap3A_2676, %swap3A_2677], %add3A_2674 {strides = array<i32>} : memref<2x4096xi32, #tpu.memory_space<vmem>>, vector<16xi32>,
      %add3A_2679 = arith.constant 100000 : i32
      %add3A_2680 = vector.broadcast %add3A_2679 : i32 to vector<16xi32>
      %add3A_2681 = arith.addi %add3A_2625, %add3A_2680 : vector<16xi32>
      %swap3A_2682 = arith.constant 1 : i32
      %swap3A_2683 = arith.index_cast %swap3A_2682 : i32 to index
      %swap3A_2684 = arith.constant 1792 : index
      %swap3A_2685 = tpu.vector_load %arg12[%swap3A_2683, %swap3A_2684] {strides = array<i32>} : memref<2x4096xi32, #tpu.memory_space<vmem>>, vector<16xi32>,
      tpu.vector_store %arg12[%swap3A_2683, %swap3A_2684], %add3A_2681 {strides = array<i32>} : memref<2x4096xi32, #tpu.memory_space<vmem>>, vector<16xi32>,
      %add3A_2686 = arith.constant 100000 : i32
      %add3A_2687 = vector.broadcast %add3A_2686 : i32 to vector<16xi32>
      %add3A_2688 = arith.addi %add3A_2632, %add3A_2687 : vector<16xi32>
      %swap3A_2689 = arith.constant 1 : i32
      %swap3A_2690 = arith.index_cast %swap3A_2689 : i32 to index
      %swap3A_2691 = arith.constant 1808 : index
      %swap3A_2692 = tpu.vector_load %arg12[%swap3A_2690, %swap3A_2691] {strides = array<i32>} : memref<2x4096xi32, #tpu.memory_space<vmem>>, vector<16xi32>,
      tpu.vector_store %arg12[%swap3A_2690, %swap3A_2691], %add3A_2688 {strides = array<i32>} : memref<2x4096xi32, #tpu.memory_space<vmem>>, vector<16xi32>,
      %add3A_2693 = arith.constant 100000 : i32
      %add3A_2694 = vector.broadcast %add3A_2693 : i32 to vector<16xi32>
      %add3A_2695 = arith.addi %add3A_2639, %add3A_2694 : vector<16xi32>
      %swap3A_2696 = arith.constant 1 : i32
      %swap3A_2697 = arith.index_cast %swap3A_2696 : i32 to index
      %swap3A_2698 = arith.constant 1824 : index
      %swap3A_2699 = tpu.vector_load %arg12[%swap3A_2697, %swap3A_2698] {strides = array<i32>} : memref<2x4096xi32, #tpu.memory_space<vmem>>, vector<16xi32>,
      tpu.vector_store %arg12[%swap3A_2697, %swap3A_2698], %add3A_2695 {strides = array<i32>} : memref<2x4096xi32, #tpu.memory_space<vmem>>, vector<16xi32>,
      %add3A_2700 = arith.constant 100000 : i32
      %add3A_2701 = vector.broadcast %add3A_2700 : i32 to vector<16xi32>
      %add3A_2702 = arith.addi %add3A_2646, %add3A_2701 : vector<16xi32>
      %swap3A_2703 = arith.constant 1 : i32
      %swap3A_2704 = arith.index_cast %swap3A_2703 : i32 to index
      %swap3A_2705 = arith.constant 1840 : index
      %swap3A_2706 = tpu.vector_load %arg12[%swap3A_2704, %swap3A_2705] {strides = array<i32>} : memref<2x4096xi32, #tpu.memory_space<vmem>>, vector<16xi32>,
      tpu.vector_store %arg12[%swap3A_2704, %swap3A_2705], %add3A_2702 {strides = array<i32>} : memref<2x4096xi32, #tpu.memory_space<vmem>>, vector<16xi32>,
      %add3A_2707 = arith.constant 100000 : i32
      %add3A_2708 = vector.broadcast %add3A_2707 : i32 to vector<16xi32>
      %add3A_2709 = arith.addi %add3A_2653, %add3A_2708 : vector<16xi32>
      %swap3A_2710 = arith.constant 1 : i32
      %swap3A_2711 = arith.index_cast %swap3A_2710 : i32 to index
      %swap3A_2712 = arith.constant 1856 : index
      %swap3A_2713 = tpu.vector_load %arg12[%swap3A_2711, %swap3A_2712] {strides = array<i32>} : memref<2x4096xi32, #tpu.memory_space<vmem>>, vector<16xi32>,
      tpu.vector_store %arg12[%swap3A_2711, %swap3A_2712], %add3A_2709 {strides = array<i32>} : memref<2x4096xi32, #tpu.memory_space<vmem>>, vector<16xi32>,
      %add3A_2714 = arith.constant 100000 : i32
      %add3A_2715 = vector.broadcast %add3A_2714 : i32 to vector<16xi32>
      %add3A_2716 = arith.addi %add3A_2660, %add3A_2715 : vector<16xi32>
      %swap3A_2717 = arith.constant 1 : i32
      %swap3A_2718 = arith.index_cast %swap3A_2717 : i32 to index
      %swap3A_2719 = arith.constant 1872 : index
      %swap3A_2720 = tpu.vector_load %arg12[%swap3A_2718, %swap3A_2719] {strides = array<i32>} : memref<2x4096xi32, #tpu.memory_space<vmem>>, vector<16xi32>,
      tpu.vector_store %arg12[%swap3A_2718, %swap3A_2719], %add3A_2716 {strides = array<i32>} : memref<2x4096xi32, #tpu.memory_space<vmem>>, vector<16xi32>,
      %add3A_2721 = arith.constant 100000 : i32
      %add3A_2722 = vector.broadcast %add3A_2721 : i32 to vector<16xi32>
      %add3A_2723 = arith.addi %add3A_2667, %add3A_2722 : vector<16xi32>
      %swap3A_2724 = arith.constant 1 : i32
      %swap3A_2725 = arith.index_cast %swap3A_2724 : i32 to index
      %swap3A_2726 = arith.constant 1888 : index
      %swap3A_2727 = tpu.vector_load %arg12[%swap3A_2725, %swap3A_2726] {strides = array<i32>} : memref<2x4096xi32, #tpu.memory_space<vmem>>, vector<16xi32>,
      tpu.vector_store %arg12[%swap3A_2725, %swap3A_2726], %add3A_2723 {strides = array<i32>} : memref<2x4096xi32, #tpu.memory_space<vmem>>, vector<16xi32>,
      %add3A_2728 = arith.constant 100000 : i32
      %add3A_2729 = vector.broadcast %add3A_2728 : i32 to vector<16xi32>
      %add3A_2730 = arith.addi %add3A_2674, %add3A_2729 : vector<16xi32>
      %swap3A_2731 = arith.constant 1 : i32
      %swap3A_2732 = arith.index_cast %swap3A_2731 : i32 to index
      %swap3A_2733 = arith.constant 1904 : index
      %swap3A_2734 = tpu.vector_load %arg12[%swap3A_2732, %swap3A_2733] {strides = array<i32>} : memref<2x4096xi32, #tpu.memory_space<vmem>>, vector<16xi32>,
      tpu.vector_store %arg12[%swap3A_2732, %swap3A_2733], %add3A_2730 {strides = array<i32>} : memref<2x4096xi32, #tpu.memory_space<vmem>>, vector<16xi32>,
      %add3A_2735 = arith.constant 100000 : i32
      %add3A_2736 = vector.broadcast %add3A_2735 : i32 to vector<16xi32>
      %add3A_2737 = arith.addi %add3A_2681, %add3A_2736 : vector<16xi32>
      %swap3A_2738 = arith.constant 1 : i32
      %swap3A_2739 = arith.index_cast %swap3A_2738 : i32 to index
      %swap3A_2740 = arith.constant 1920 : index
      %swap3A_2741 = tpu.vector_load %arg12[%swap3A_2739, %swap3A_2740] {strides = array<i32>} : memref<2x4096xi32, #tpu.memory_space<vmem>>, vector<16xi32>,
      tpu.vector_store %arg12[%swap3A_2739, %swap3A_2740], %add3A_2737 {strides = array<i32>} : memref<2x4096xi32, #tpu.memory_space<vmem>>, vector<16xi32>,
      %add3A_2742 = arith.constant 100000 : i32
      %add3A_2743 = vector.broadcast %add3A_2742 : i32 to vector<16xi32>
      %add3A_2744 = arith.addi %add3A_2688, %add3A_2743 : vector<16xi32>
      %swap3A_2745 = arith.constant 1 : i32
      %swap3A_2746 = arith.index_cast %swap3A_2745 : i32 to index
      %swap3A_2747 = arith.constant 1936 : index
      %swap3A_2748 = tpu.vector_load %arg12[%swap3A_2746, %swap3A_2747] {strides = array<i32>} : memref<2x4096xi32, #tpu.memory_space<vmem>>, vector<16xi32>,
      tpu.vector_store %arg12[%swap3A_2746, %swap3A_2747], %add3A_2744 {strides = array<i32>} : memref<2x4096xi32, #tpu.memory_space<vmem>>, vector<16xi32>,
      %add3A_2749 = arith.constant 100000 : i32
      %add3A_2750 = vector.broadcast %add3A_2749 : i32 to vector<16xi32>
      %add3A_2751 = arith.addi %add3A_2695, %add3A_2750 : vector<16xi32>
      %swap3A_2752 = arith.constant 1 : i32
      %swap3A_2753 = arith.index_cast %swap3A_2752 : i32 to index
      %swap3A_2754 = arith.constant 1952 : index
      %swap3A_2755 = tpu.vector_load %arg12[%swap3A_2753, %swap3A_2754] {strides = array<i32>} : memref<2x4096xi32, #tpu.memory_space<vmem>>, vector<16xi32>,
      tpu.vector_store %arg12[%swap3A_2753, %swap3A_2754], %add3A_2751 {strides = array<i32>} : memref<2x4096xi32, #tpu.memory_space<vmem>>, vector<16xi32>,
      %add3A_2756 = arith.constant 100000 : i32
      %add3A_2757 = vector.broadcast %add3A_2756 : i32 to vector<16xi32>
      %add3A_2758 = arith.addi %add3A_2702, %add3A_2757 : vector<16xi32>
      %swap3A_2759 = arith.constant 1 : i32
      %swap3A_2760 = arith.index_cast %swap3A_2759 : i32 to index
      %swap3A_2761 = arith.constant 1968 : index
      %swap3A_2762 = tpu.vector_load %arg12[%swap3A_2760, %swap3A_2761] {strides = array<i32>} : memref<2x4096xi32, #tpu.memory_space<vmem>>, vector<16xi32>,
      tpu.vector_store %arg12[%swap3A_2760, %swap3A_2761], %add3A_2758 {strides = array<i32>} : memref<2x4096xi32, #tpu.memory_space<vmem>>, vector<16xi32>,
      %add3A_2763 = arith.constant 100000 : i32
      %add3A_2764 = vector.broadcast %add3A_2763 : i32 to vector<16xi32>
      %add3A_2765 = arith.addi %add3A_2709, %add3A_2764 : vector<16xi32>
      %swap3A_2766 = arith.constant 1 : i32
      %swap3A_2767 = arith.index_cast %swap3A_2766 : i32 to index
      %swap3A_2768 = arith.constant 1984 : index
      %swap3A_2769 = tpu.vector_load %arg12[%swap3A_2767, %swap3A_2768] {strides = array<i32>} : memref<2x4096xi32, #tpu.memory_space<vmem>>, vector<16xi32>,
      tpu.vector_store %arg12[%swap3A_2767, %swap3A_2768], %add3A_2765 {strides = array<i32>} : memref<2x4096xi32, #tpu.memory_space<vmem>>, vector<16xi32>,
      %add3A_2770 = arith.constant 100000 : i32
      %add3A_2771 = vector.broadcast %add3A_2770 : i32 to vector<16xi32>
      %add3A_2772 = arith.addi %add3A_2716, %add3A_2771 : vector<16xi32>
      %swap3A_2773 = arith.constant 1 : i32
      %swap3A_2774 = arith.index_cast %swap3A_2773 : i32 to index
      %swap3A_2775 = arith.constant 2000 : index
      %swap3A_2776 = tpu.vector_load %arg12[%swap3A_2774, %swap3A_2775] {strides = array<i32>} : memref<2x4096xi32, #tpu.memory_space<vmem>>, vector<16xi32>,
      tpu.vector_store %arg12[%swap3A_2774, %swap3A_2775], %add3A_2772 {strides = array<i32>} : memref<2x4096xi32, #tpu.memory_space<vmem>>, vector<16xi32>,
      %add3A_2777 = arith.constant 100000 : i32
      %add3A_2778 = vector.broadcast %add3A_2777 : i32 to vector<16xi32>
      %add3A_2779 = arith.addi %add3A_2723, %add3A_2778 : vector<16xi32>
      %swap3A_2780 = arith.constant 1 : i32
      %swap3A_2781 = arith.index_cast %swap3A_2780 : i32 to index
      %swap3A_2782 = arith.constant 2016 : index
      %swap3A_2783 = tpu.vector_load %arg12[%swap3A_2781, %swap3A_2782] {strides = array<i32>} : memref<2x4096xi32, #tpu.memory_space<vmem>>, vector<16xi32>,
      tpu.vector_store %arg12[%swap3A_2781, %swap3A_2782], %add3A_2779 {strides = array<i32>} : memref<2x4096xi32, #tpu.memory_space<vmem>>, vector<16xi32>,
      %add3A_2784 = arith.constant 100000 : i32
      %add3A_2785 = vector.broadcast %add3A_2784 : i32 to vector<16xi32>
      %add3A_2786 = arith.addi %add3A_2730, %add3A_2785 : vector<16xi32>
      %swap3A_2787 = arith.constant 1 : i32
      %swap3A_2788 = arith.index_cast %swap3A_2787 : i32 to index
      %swap3A_2789 = arith.constant 2032 : index
      %swap3A_2790 = tpu.vector_load %arg12[%swap3A_2788, %swap3A_2789] {strides = array<i32>} : memref<2x4096xi32, #tpu.memory_space<vmem>>, vector<16xi32>,
      tpu.vector_store %arg12[%swap3A_2788, %swap3A_2789], %add3A_2786 {strides = array<i32>} : memref<2x4096xi32, #tpu.memory_space<vmem>>, vector<16xi32>,
      %add3A_2791 = arith.constant 100000 : i32
      %add3A_2792 = vector.broadcast %add3A_2791 : i32 to vector<16xi32>
      %add3A_2793 = arith.addi %add3A_2737, %add3A_2792 : vector<16xi32>
      %swap3A_2794 = arith.constant 1 : i32
      %swap3A_2795 = arith.index_cast %swap3A_2794 : i32 to index
      %swap3A_2796 = arith.constant 2048 : index
      %swap3A_2797 = tpu.vector_load %arg12[%swap3A_2795, %swap3A_2796] {strides = array<i32>} : memref<2x4096xi32, #tpu.memory_space<vmem>>, vector<16xi32>,
      tpu.vector_store %arg12[%swap3A_2795, %swap3A_2796], %add3A_2793 {strides = array<i32>} : memref<2x4096xi32, #tpu.memory_space<vmem>>, vector<16xi32>,
      %add3A_2798 = arith.constant 100000 : i32
      %add3A_2799 = vector.broadcast %add3A_2798 : i32 to vector<16xi32>
      %add3A_2800 = arith.addi %add3A_2744, %add3A_2799 : vector<16xi32>
      %swap3A_2801 = arith.constant 1 : i32
      %swap3A_2802 = arith.index_cast %swap3A_2801 : i32 to index
      %swap3A_2803 = arith.constant 2064 : index
      %swap3A_2804 = tpu.vector_load %arg12[%swap3A_2802, %swap3A_2803] {strides = array<i32>} : memref<2x4096xi32, #tpu.memory_space<vmem>>, vector<16xi32>,
      tpu.vector_store %arg12[%swap3A_2802, %swap3A_2803], %add3A_2800 {strides = array<i32>} : memref<2x4096xi32, #tpu.memory_space<vmem>>, vector<16xi32>,
      %add3A_2805 = arith.constant 100000 : i32
      %add3A_2806 = vector.broadcast %add3A_2805 : i32 to vector<16xi32>
      %add3A_2807 = arith.addi %add3A_2751, %add3A_2806 : vector<16xi32>
      %swap3A_2808 = arith.constant 1 : i32
      %swap3A_2809 = arith.index_cast %swap3A_2808 : i32 to index
      %swap3A_2810 = arith.constant 2080 : index
      %swap3A_2811 = tpu.vector_load %arg12[%swap3A_2809, %swap3A_2810] {strides = array<i32>} : memref<2x4096xi32, #tpu.memory_space<vmem>>, vector<16xi32>,
      tpu.vector_store %arg12[%swap3A_2809, %swap3A_2810], %add3A_2807 {strides = array<i32>} : memref<2x4096xi32, #tpu.memory_space<vmem>>, vector<16xi32>,
      %add3A_2812 = arith.constant 100000 : i32
      %add3A_2813 = vector.broadcast %add3A_2812 : i32 to vector<16xi32>
      %add3A_2814 = arith.addi %add3A_2758, %add3A_2813 : vector<16xi32>
      %swap3A_2815 = arith.constant 1 : i32
      %swap3A_2816 = arith.index_cast %swap3A_2815 : i32 to index
      %swap3A_2817 = arith.constant 2096 : index
      %swap3A_2818 = tpu.vector_load %arg12[%swap3A_2816, %swap3A_2817] {strides = array<i32>} : memref<2x4096xi32, #tpu.memory_space<vmem>>, vector<16xi32>,
      tpu.vector_store %arg12[%swap3A_2816, %swap3A_2817], %add3A_2814 {strides = array<i32>} : memref<2x4096xi32, #tpu.memory_space<vmem>>, vector<16xi32>,
      %add3A_2819 = arith.constant 100000 : i32
      %add3A_2820 = vector.broadcast %add3A_2819 : i32 to vector<16xi32>
      %add3A_2821 = arith.addi %add3A_2765, %add3A_2820 : vector<16xi32>
      %swap3A_2822 = arith.constant 1 : i32
      %swap3A_2823 = arith.index_cast %swap3A_2822 : i32 to index
      %swap3A_2824 = arith.constant 2112 : index
      %swap3A_2825 = tpu.vector_load %arg12[%swap3A_2823, %swap3A_2824] {strides = array<i32>} : memref<2x4096xi32, #tpu.memory_space<vmem>>, vector<16xi32>,
      tpu.vector_store %arg12[%swap3A_2823, %swap3A_2824], %add3A_2821 {strides = array<i32>} : memref<2x4096xi32, #tpu.memory_space<vmem>>, vector<16xi32>,
      %add3A_2826 = arith.constant 100000 : i32
      %add3A_2827 = vector.broadcast %add3A_2826 : i32 to vector<16xi32>
      %add3A_2828 = arith.addi %add3A_2772, %add3A_2827 : vector<16xi32>
      %swap3A_2829 = arith.constant 1 : i32
      %swap3A_2830 = arith.index_cast %swap3A_2829 : i32 to index
      %swap3A_2831 = arith.constant 2128 : index
      %swap3A_2832 = tpu.vector_load %arg12[%swap3A_2830, %swap3A_2831] {strides = array<i32>} : memref<2x4096xi32, #tpu.memory_space<vmem>>, vector<16xi32>,
      tpu.vector_store %arg12[%swap3A_2830, %swap3A_2831], %add3A_2828 {strides = array<i32>} : memref<2x4096xi32, #tpu.memory_space<vmem>>, vector<16xi32>,
      %add3A_2833 = arith.constant 100000 : i32
      %add3A_2834 = vector.broadcast %add3A_2833 : i32 to vector<16xi32>
      %add3A_2835 = arith.addi %add3A_2779, %add3A_2834 : vector<16xi32>
      %swap3A_2836 = arith.constant 1 : i32
      %swap3A_2837 = arith.index_cast %swap3A_2836 : i32 to index
      %swap3A_2838 = arith.constant 2144 : index
      %swap3A_2839 = tpu.vector_load %arg12[%swap3A_2837, %swap3A_2838] {strides = array<i32>} : memref<2x4096xi32, #tpu.memory_space<vmem>>, vector<16xi32>,
      tpu.vector_store %arg12[%swap3A_2837, %swap3A_2838], %add3A_2835 {strides = array<i32>} : memref<2x4096xi32, #tpu.memory_space<vmem>>, vector<16xi32>,
      %add3A_2840 = arith.constant 100000 : i32
      %add3A_2841 = vector.broadcast %add3A_2840 : i32 to vector<16xi32>
      %add3A_2842 = arith.addi %add3A_2786, %add3A_2841 : vector<16xi32>
      %swap3A_2843 = arith.constant 1 : i32
      %swap3A_2844 = arith.index_cast %swap3A_2843 : i32 to index
      %swap3A_2845 = arith.constant 2160 : index
      %swap3A_2846 = tpu.vector_load %arg12[%swap3A_2844, %swap3A_2845] {strides = array<i32>} : memref<2x4096xi32, #tpu.memory_space<vmem>>, vector<16xi32>,
      tpu.vector_store %arg12[%swap3A_2844, %swap3A_2845], %add3A_2842 {strides = array<i32>} : memref<2x4096xi32, #tpu.memory_space<vmem>>, vector<16xi32>,
      %add3A_2847 = arith.constant 100000 : i32
      %add3A_2848 = vector.broadcast %add3A_2847 : i32 to vector<16xi32>
      %add3A_2849 = arith.addi %add3A_2793, %add3A_2848 : vector<16xi32>
      %swap3A_2850 = arith.constant 1 : i32
      %swap3A_2851 = arith.index_cast %swap3A_2850 : i32 to index
      %swap3A_2852 = arith.constant 2176 : index
      %swap3A_2853 = tpu.vector_load %arg12[%swap3A_2851, %swap3A_2852] {strides = array<i32>} : memref<2x4096xi32, #tpu.memory_space<vmem>>, vector<16xi32>,
      tpu.vector_store %arg12[%swap3A_2851, %swap3A_2852], %add3A_2849 {strides = array<i32>} : memref<2x4096xi32, #tpu.memory_space<vmem>>, vector<16xi32>,
      %add3A_2854 = arith.constant 100000 : i32
      %add3A_2855 = vector.broadcast %add3A_2854 : i32 to vector<16xi32>
      %add3A_2856 = arith.addi %add3A_2800, %add3A_2855 : vector<16xi32>
      %swap3A_2857 = arith.constant 1 : i32
      %swap3A_2858 = arith.index_cast %swap3A_2857 : i32 to index
      %swap3A_2859 = arith.constant 2192 : index
      %swap3A_2860 = tpu.vector_load %arg12[%swap3A_2858, %swap3A_2859] {strides = array<i32>} : memref<2x4096xi32, #tpu.memory_space<vmem>>, vector<16xi32>,
      tpu.vector_store %arg12[%swap3A_2858, %swap3A_2859], %add3A_2856 {strides = array<i32>} : memref<2x4096xi32, #tpu.memory_space<vmem>>, vector<16xi32>,
      %add3A_2861 = arith.constant 100000 : i32
      %add3A_2862 = vector.broadcast %add3A_2861 : i32 to vector<16xi32>
      %add3A_2863 = arith.addi %add3A_2807, %add3A_2862 : vector<16xi32>
      %swap3A_2864 = arith.constant 1 : i32
      %swap3A_2865 = arith.index_cast %swap3A_2864 : i32 to index
      %swap3A_2866 = arith.constant 2208 : index
      %swap3A_2867 = tpu.vector_load %arg12[%swap3A_2865, %swap3A_2866] {strides = array<i32>} : memref<2x4096xi32, #tpu.memory_space<vmem>>, vector<16xi32>,
      tpu.vector_store %arg12[%swap3A_2865, %swap3A_2866], %add3A_2863 {strides = array<i32>} : memref<2x4096xi32, #tpu.memory_space<vmem>>, vector<16xi32>,
      %add3A_2868 = arith.constant 100000 : i32
      %add3A_2869 = vector.broadcast %add3A_2868 : i32 to vector<16xi32>
      %add3A_2870 = arith.addi %add3A_2814, %add3A_2869 : vector<16xi32>
      %swap3A_2871 = arith.constant 1 : i32
      %swap3A_2872 = arith.index_cast %swap3A_2871 : i32 to index
      %swap3A_2873 = arith.constant 2224 : index
      %swap3A_2874 = tpu.vector_load %arg12[%swap3A_2872, %swap3A_2873] {strides = array<i32>} : memref<2x4096xi32, #tpu.memory_space<vmem>>, vector<16xi32>,
      tpu.vector_store %arg12[%swap3A_2872, %swap3A_2873], %add3A_2870 {strides = array<i32>} : memref<2x4096xi32, #tpu.memory_space<vmem>>, vector<16xi32>,
      %add3A_2875 = arith.constant 100000 : i32
      %add3A_2876 = vector.broadcast %add3A_2875 : i32 to vector<16xi32>
      %add3A_2877 = arith.addi %add3A_2821, %add3A_2876 : vector<16xi32>
      %swap3A_2878 = arith.constant 1 : i32
      %swap3A_2879 = arith.index_cast %swap3A_2878 : i32 to index
      %swap3A_2880 = arith.constant 2240 : index
      %swap3A_2881 = tpu.vector_load %arg12[%swap3A_2879, %swap3A_2880] {strides = array<i32>} : memref<2x4096xi32, #tpu.memory_space<vmem>>, vector<16xi32>,
      tpu.vector_store %arg12[%swap3A_2879, %swap3A_2880], %add3A_2877 {strides = array<i32>} : memref<2x4096xi32, #tpu.memory_space<vmem>>, vector<16xi32>,
      %add3A_2882 = arith.constant 100000 : i32
      %add3A_2883 = vector.broadcast %add3A_2882 : i32 to vector<16xi32>
      %add3A_2884 = arith.addi %add3A_2828, %add3A_2883 : vector<16xi32>
      %swap3A_2885 = arith.constant 1 : i32
      %swap3A_2886 = arith.index_cast %swap3A_2885 : i32 to index
      %swap3A_2887 = arith.constant 2256 : index
      %swap3A_2888 = tpu.vector_load %arg12[%swap3A_2886, %swap3A_2887] {strides = array<i32>} : memref<2x4096xi32, #tpu.memory_space<vmem>>, vector<16xi32>,
      tpu.vector_store %arg12[%swap3A_2886, %swap3A_2887], %add3A_2884 {strides = array<i32>} : memref<2x4096xi32, #tpu.memory_space<vmem>>, vector<16xi32>,
      %add3A_2889 = arith.constant 100000 : i32
      %add3A_2890 = vector.broadcast %add3A_2889 : i32 to vector<16xi32>
      %add3A_2891 = arith.addi %add3A_2835, %add3A_2890 : vector<16xi32>
      %swap3A_2892 = arith.constant 1 : i32
      %swap3A_2893 = arith.index_cast %swap3A_2892 : i32 to index
      %swap3A_2894 = arith.constant 2272 : index
      %swap3A_2895 = tpu.vector_load %arg12[%swap3A_2893, %swap3A_2894] {strides = array<i32>} : memref<2x4096xi32, #tpu.memory_space<vmem>>, vector<16xi32>,
      tpu.vector_store %arg12[%swap3A_2893, %swap3A_2894], %add3A_2891 {strides = array<i32>} : memref<2x4096xi32, #tpu.memory_space<vmem>>, vector<16xi32>,
      %add3A_2896 = arith.constant 100000 : i32
      %add3A_2897 = vector.broadcast %add3A_2896 : i32 to vector<16xi32>
      %add3A_2898 = arith.addi %add3A_2842, %add3A_2897 : vector<16xi32>
      %swap3A_2899 = arith.constant 1 : i32
      %swap3A_2900 = arith.index_cast %swap3A_2899 : i32 to index
      %swap3A_2901 = arith.constant 2288 : index
      %swap3A_2902 = tpu.vector_load %arg12[%swap3A_2900, %swap3A_2901] {strides = array<i32>} : memref<2x4096xi32, #tpu.memory_space<vmem>>, vector<16xi32>,
      tpu.vector_store %arg12[%swap3A_2900, %swap3A_2901], %add3A_2898 {strides = array<i32>} : memref<2x4096xi32, #tpu.memory_space<vmem>>, vector<16xi32>,
      %add3A_2903 = arith.constant 100000 : i32
      %add3A_2904 = vector.broadcast %add3A_2903 : i32 to vector<16xi32>
      %add3A_2905 = arith.addi %add3A_2849, %add3A_2904 : vector<16xi32>
      %swap3A_2906 = arith.constant 1 : i32
      %swap3A_2907 = arith.index_cast %swap3A_2906 : i32 to index
      %swap3A_2908 = arith.constant 2304 : index
      %swap3A_2909 = tpu.vector_load %arg12[%swap3A_2907, %swap3A_2908] {strides = array<i32>} : memref<2x4096xi32, #tpu.memory_space<vmem>>, vector<16xi32>,
      tpu.vector_store %arg12[%swap3A_2907, %swap3A_2908], %add3A_2905 {strides = array<i32>} : memref<2x4096xi32, #tpu.memory_space<vmem>>, vector<16xi32>,
      %add3A_2910 = arith.constant 100000 : i32
      %add3A_2911 = vector.broadcast %add3A_2910 : i32 to vector<16xi32>
      %add3A_2912 = arith.addi %add3A_2856, %add3A_2911 : vector<16xi32>
      %swap3A_2913 = arith.constant 1 : i32
      %swap3A_2914 = arith.index_cast %swap3A_2913 : i32 to index
      %swap3A_2915 = arith.constant 2320 : index
      %swap3A_2916 = tpu.vector_load %arg12[%swap3A_2914, %swap3A_2915] {strides = array<i32>} : memref<2x4096xi32, #tpu.memory_space<vmem>>, vector<16xi32>,
      tpu.vector_store %arg12[%swap3A_2914, %swap3A_2915], %add3A_2912 {strides = array<i32>} : memref<2x4096xi32, #tpu.memory_space<vmem>>, vector<16xi32>,
      %add3A_2917 = arith.constant 100000 : i32
      %add3A_2918 = vector.broadcast %add3A_2917 : i32 to vector<16xi32>
      %add3A_2919 = arith.addi %add3A_2863, %add3A_2918 : vector<16xi32>
      %swap3A_2920 = arith.constant 1 : i32
      %swap3A_2921 = arith.index_cast %swap3A_2920 : i32 to index
      %swap3A_2922 = arith.constant 2336 : index
      %swap3A_2923 = tpu.vector_load %arg12[%swap3A_2921, %swap3A_2922] {strides = array<i32>} : memref<2x4096xi32, #tpu.memory_space<vmem>>, vector<16xi32>,
      tpu.vector_store %arg12[%swap3A_2921, %swap3A_2922], %add3A_2919 {strides = array<i32>} : memref<2x4096xi32, #tpu.memory_space<vmem>>, vector<16xi32>,
      %add3A_2924 = arith.constant 100000 : i32
      %add3A_2925 = vector.broadcast %add3A_2924 : i32 to vector<16xi32>
      %add3A_2926 = arith.addi %add3A_2870, %add3A_2925 : vector<16xi32>
      %swap3A_2927 = arith.constant 1 : i32
      %swap3A_2928 = arith.index_cast %swap3A_2927 : i32 to index
      %swap3A_2929 = arith.constant 2352 : index
      %swap3A_2930 = tpu.vector_load %arg12[%swap3A_2928, %swap3A_2929] {strides = array<i32>} : memref<2x4096xi32, #tpu.memory_space<vmem>>, vector<16xi32>,
      tpu.vector_store %arg12[%swap3A_2928, %swap3A_2929], %add3A_2926 {strides = array<i32>} : memref<2x4096xi32, #tpu.memory_space<vmem>>, vector<16xi32>,
      %add3A_2931 = arith.constant 100000 : i32
      %add3A_2932 = vector.broadcast %add3A_2931 : i32 to vector<16xi32>
      %add3A_2933 = arith.addi %add3A_2877, %add3A_2932 : vector<16xi32>
      %swap3A_2934 = arith.constant 1 : i32
      %swap3A_2935 = arith.index_cast %swap3A_2934 : i32 to index
      %swap3A_2936 = arith.constant 2368 : index
      %swap3A_2937 = tpu.vector_load %arg12[%swap3A_2935, %swap3A_2936] {strides = array<i32>} : memref<2x4096xi32, #tpu.memory_space<vmem>>, vector<16xi32>,
      tpu.vector_store %arg12[%swap3A_2935, %swap3A_2936], %add3A_2933 {strides = array<i32>} : memref<2x4096xi32, #tpu.memory_space<vmem>>, vector<16xi32>,
      %add3A_2938 = arith.constant 100000 : i32
      %add3A_2939 = vector.broadcast %add3A_2938 : i32 to vector<16xi32>
      %add3A_2940 = arith.addi %add3A_2884, %add3A_2939 : vector<16xi32>
      %swap3A_2941 = arith.constant 1 : i32
      %swap3A_2942 = arith.index_cast %swap3A_2941 : i32 to index
      %swap3A_2943 = arith.constant 2384 : index
      %swap3A_2944 = tpu.vector_load %arg12[%swap3A_2942, %swap3A_2943] {strides = array<i32>} : memref<2x4096xi32, #tpu.memory_space<vmem>>, vector<16xi32>,
      tpu.vector_store %arg12[%swap3A_2942, %swap3A_2943], %add3A_2940 {strides = array<i32>} : memref<2x4096xi32, #tpu.memory_space<vmem>>, vector<16xi32>,
      %add3A_2945 = arith.constant 100000 : i32
      %add3A_2946 = vector.broadcast %add3A_2945 : i32 to vector<16xi32>
      %add3A_2947 = arith.addi %add3A_2891, %add3A_2946 : vector<16xi32>
      %swap3A_2948 = arith.constant 1 : i32
      %swap3A_2949 = arith.index_cast %swap3A_2948 : i32 to index
      %swap3A_2950 = arith.constant 2400 : index
      %swap3A_2951 = tpu.vector_load %arg12[%swap3A_2949, %swap3A_2950] {strides = array<i32>} : memref<2x4096xi32, #tpu.memory_space<vmem>>, vector<16xi32>,
      tpu.vector_store %arg12[%swap3A_2949, %swap3A_2950], %add3A_2947 {strides = array<i32>} : memref<2x4096xi32, #tpu.memory_space<vmem>>, vector<16xi32>,
      %add3A_2952 = arith.constant 100000 : i32
      %add3A_2953 = vector.broadcast %add3A_2952 : i32 to vector<16xi32>
      %add3A_2954 = arith.addi %add3A_2898, %add3A_2953 : vector<16xi32>
      %swap3A_2955 = arith.constant 1 : i32
      %swap3A_2956 = arith.index_cast %swap3A_2955 : i32 to index
      %swap3A_2957 = arith.constant 2416 : index
      %swap3A_2958 = tpu.vector_load %arg12[%swap3A_2956, %swap3A_2957] {strides = array<i32>} : memref<2x4096xi32, #tpu.memory_space<vmem>>, vector<16xi32>,
      tpu.vector_store %arg12[%swap3A_2956, %swap3A_2957], %add3A_2954 {strides = array<i32>} : memref<2x4096xi32, #tpu.memory_space<vmem>>, vector<16xi32>,
      %add3A_2959 = arith.constant 100000 : i32
      %add3A_2960 = vector.broadcast %add3A_2959 : i32 to vector<16xi32>
      %add3A_2961 = arith.addi %add3A_2905, %add3A_2960 : vector<16xi32>
      %swap3A_2962 = arith.constant 1 : i32
      %swap3A_2963 = arith.index_cast %swap3A_2962 : i32 to index
      %swap3A_2964 = arith.constant 2432 : index
      %swap3A_2965 = tpu.vector_load %arg12[%swap3A_2963, %swap3A_2964] {strides = array<i32>} : memref<2x4096xi32, #tpu.memory_space<vmem>>, vector<16xi32>,
      tpu.vector_store %arg12[%swap3A_2963, %swap3A_2964], %add3A_2961 {strides = array<i32>} : memref<2x4096xi32, #tpu.memory_space<vmem>>, vector<16xi32>,
      %add3A_2966 = arith.constant 100000 : i32
      %add3A_2967 = vector.broadcast %add3A_2966 : i32 to vector<16xi32>
      %add3A_2968 = arith.addi %add3A_2912, %add3A_2967 : vector<16xi32>
      %swap3A_2969 = arith.constant 1 : i32
      %swap3A_2970 = arith.index_cast %swap3A_2969 : i32 to index
      %swap3A_2971 = arith.constant 2448 : index
      %swap3A_2972 = tpu.vector_load %arg12[%swap3A_2970, %swap3A_2971] {strides = array<i32>} : memref<2x4096xi32, #tpu.memory_space<vmem>>, vector<16xi32>,
      tpu.vector_store %arg12[%swap3A_2970, %swap3A_2971], %add3A_2968 {strides = array<i32>} : memref<2x4096xi32, #tpu.memory_space<vmem>>, vector<16xi32>,
      %add3A_2973 = arith.constant 100000 : i32
      %add3A_2974 = vector.broadcast %add3A_2973 : i32 to vector<16xi32>
      %add3A_2975 = arith.addi %add3A_2919, %add3A_2974 : vector<16xi32>
      %swap3A_2976 = arith.constant 1 : i32
      %swap3A_2977 = arith.index_cast %swap3A_2976 : i32 to index
      %swap3A_2978 = arith.constant 2464 : index
      %swap3A_2979 = tpu.vector_load %arg12[%swap3A_2977, %swap3A_2978] {strides = array<i32>} : memref<2x4096xi32, #tpu.memory_space<vmem>>, vector<16xi32>,
      tpu.vector_store %arg12[%swap3A_2977, %swap3A_2978], %add3A_2975 {strides = array<i32>} : memref<2x4096xi32, #tpu.memory_space<vmem>>, vector<16xi32>,
      %add3A_2980 = arith.constant 100000 : i32
      %add3A_2981 = vector.broadcast %add3A_2980 : i32 to vector<16xi32>
      %add3A_2982 = arith.addi %add3A_2926, %add3A_2981 : vector<16xi32>
      %swap3A_2983 = arith.constant 1 : i32
      %swap3A_2984 = arith.index_cast %swap3A_2983 : i32 to index
      %swap3A_2985 = arith.constant 2480 : index
      %swap3A_2986 = tpu.vector_load %arg12[%swap3A_2984, %swap3A_2985] {strides = array<i32>} : memref<2x4096xi32, #tpu.memory_space<vmem>>, vector<16xi32>,
      tpu.vector_store %arg12[%swap3A_2984, %swap3A_2985], %add3A_2982 {strides = array<i32>} : memref<2x4096xi32, #tpu.memory_space<vmem>>, vector<16xi32>,
      %add3A_2987 = arith.constant 100000 : i32
      %add3A_2988 = vector.broadcast %add3A_2987 : i32 to vector<16xi32>
      %add3A_2989 = arith.addi %add3A_2933, %add3A_2988 : vector<16xi32>
      %swap3A_2990 = arith.constant 1 : i32
      %swap3A_2991 = arith.index_cast %swap3A_2990 : i32 to index
      %swap3A_2992 = arith.constant 2496 : index
      %swap3A_2993 = tpu.vector_load %arg12[%swap3A_2991, %swap3A_2992] {strides = array<i32>} : memref<2x4096xi32, #tpu.memory_space<vmem>>, vector<16xi32>,
      tpu.vector_store %arg12[%swap3A_2991, %swap3A_2992], %add3A_2989 {strides = array<i32>} : memref<2x4096xi32, #tpu.memory_space<vmem>>, vector<16xi32>,
      %add3A_2994 = arith.constant 100000 : i32
      %add3A_2995 = vector.broadcast %add3A_2994 : i32 to vector<16xi32>
      %add3A_2996 = arith.addi %add3A_2940, %add3A_2995 : vector<16xi32>
      %swap3A_2997 = arith.constant 1 : i32
      %swap3A_2998 = arith.index_cast %swap3A_2997 : i32 to index
      %swap3A_2999 = arith.constant 2512 : index
      %swap3A_3000 = tpu.vector_load %arg12[%swap3A_2998, %swap3A_2999] {strides = array<i32>} : memref<2x4096xi32, #tpu.memory_space<vmem>>, vector<16xi32>,
      tpu.vector_store %arg12[%swap3A_2998, %swap3A_2999], %add3A_2996 {strides = array<i32>} : memref<2x4096xi32, #tpu.memory_space<vmem>>, vector<16xi32>,
      %add3A_3001 = arith.constant 100000 : i32
      %add3A_3002 = vector.broadcast %add3A_3001 : i32 to vector<16xi32>
      %add3A_3003 = arith.addi %add3A_2947, %add3A_3002 : vector<16xi32>
      %swap3A_3004 = arith.constant 1 : i32
      %swap3A_3005 = arith.index_cast %swap3A_3004 : i32 to index
      %swap3A_3006 = arith.constant 2528 : index
      %swap3A_3007 = tpu.vector_load %arg12[%swap3A_3005, %swap3A_3006] {strides = array<i32>} : memref<2x4096xi32, #tpu.memory_space<vmem>>, vector<16xi32>,
      tpu.vector_store %arg12[%swap3A_3005, %swap3A_3006], %add3A_3003 {strides = array<i32>} : memref<2x4096xi32, #tpu.memory_space<vmem>>, vector<16xi32>,
      %add3A_3008 = arith.constant 100000 : i32
      %add3A_3009 = vector.broadcast %add3A_3008 : i32 to vector<16xi32>
      %add3A_3010 = arith.addi %add3A_2954, %add3A_3009 : vector<16xi32>
      %swap3A_3011 = arith.constant 1 : i32
      %swap3A_3012 = arith.index_cast %swap3A_3011 : i32 to index
      %swap3A_3013 = arith.constant 2544 : index
      %swap3A_3014 = tpu.vector_load %arg12[%swap3A_3012, %swap3A_3013] {strides = array<i32>} : memref<2x4096xi32, #tpu.memory_space<vmem>>, vector<16xi32>,
      tpu.vector_store %arg12[%swap3A_3012, %swap3A_3013], %add3A_3010 {strides = array<i32>} : memref<2x4096xi32, #tpu.memory_space<vmem>>, vector<16xi32>,
      %add3A_3015 = arith.constant 100000 : i32
      %add3A_3016 = vector.broadcast %add3A_3015 : i32 to vector<16xi32>
      %add3A_3017 = arith.addi %add3A_2961, %add3A_3016 : vector<16xi32>
      %swap3A_3018 = arith.constant 1 : i32
      %swap3A_3019 = arith.index_cast %swap3A_3018 : i32 to index
      %swap3A_3020 = arith.constant 2560 : index
      %swap3A_3021 = tpu.vector_load %arg12[%swap3A_3019, %swap3A_3020] {strides = array<i32>} : memref<2x4096xi32, #tpu.memory_space<vmem>>, vector<16xi32>,
      tpu.vector_store %arg12[%swap3A_3019, %swap3A_3020], %add3A_3017 {strides = array<i32>} : memref<2x4096xi32, #tpu.memory_space<vmem>>, vector<16xi32>,
      %add3A_3022 = arith.constant 100000 : i32
      %add3A_3023 = vector.broadcast %add3A_3022 : i32 to vector<16xi32>
      %add3A_3024 = arith.addi %add3A_2968, %add3A_3023 : vector<16xi32>
      %swap3A_3025 = arith.constant 1 : i32
      %swap3A_3026 = arith.index_cast %swap3A_3025 : i32 to index
      %swap3A_3027 = arith.constant 2576 : index
      %swap3A_3028 = tpu.vector_load %arg12[%swap3A_3026, %swap3A_3027] {strides = array<i32>} : memref<2x4096xi32, #tpu.memory_space<vmem>>, vector<16xi32>,
      tpu.vector_store %arg12[%swap3A_3026, %swap3A_3027], %add3A_3024 {strides = array<i32>} : memref<2x4096xi32, #tpu.memory_space<vmem>>, vector<16xi32>,
      %add3A_3029 = arith.constant 100000 : i32
      %add3A_3030 = vector.broadcast %add3A_3029 : i32 to vector<16xi32>
      %add3A_3031 = arith.addi %add3A_2975, %add3A_3030 : vector<16xi32>
      %swap3A_3032 = arith.constant 1 : i32
      %swap3A_3033 = arith.index_cast %swap3A_3032 : i32 to index
      %swap3A_3034 = arith.constant 2592 : index
      %swap3A_3035 = tpu.vector_load %arg12[%swap3A_3033, %swap3A_3034] {strides = array<i32>} : memref<2x4096xi32, #tpu.memory_space<vmem>>, vector<16xi32>,
      tpu.vector_store %arg12[%swap3A_3033, %swap3A_3034], %add3A_3031 {strides = array<i32>} : memref<2x4096xi32, #tpu.memory_space<vmem>>, vector<16xi32>,
      %add3A_3036 = arith.constant 100000 : i32
      %add3A_3037 = vector.broadcast %add3A_3036 : i32 to vector<16xi32>
      %add3A_3038 = arith.addi %add3A_2982, %add3A_3037 : vector<16xi32>
      %swap3A_3039 = arith.constant 1 : i32
      %swap3A_3040 = arith.index_cast %swap3A_3039 : i32 to index
      %swap3A_3041 = arith.constant 2608 : index
      %swap3A_3042 = tpu.vector_load %arg12[%swap3A_3040, %swap3A_3041] {strides = array<i32>} : memref<2x4096xi32, #tpu.memory_space<vmem>>, vector<16xi32>,
      tpu.vector_store %arg12[%swap3A_3040, %swap3A_3041], %add3A_3038 {strides = array<i32>} : memref<2x4096xi32, #tpu.memory_space<vmem>>, vector<16xi32>,
      %add3A_3043 = arith.constant 100000 : i32
      %add3A_3044 = vector.broadcast %add3A_3043 : i32 to vector<16xi32>
      %add3A_3045 = arith.addi %add3A_2989, %add3A_3044 : vector<16xi32>
      %swap3A_3046 = arith.constant 1 : i32
      %swap3A_3047 = arith.index_cast %swap3A_3046 : i32 to index
      %swap3A_3048 = arith.constant 2624 : index
      %swap3A_3049 = tpu.vector_load %arg12[%swap3A_3047, %swap3A_3048] {strides = array<i32>} : memref<2x4096xi32, #tpu.memory_space<vmem>>, vector<16xi32>,
      tpu.vector_store %arg12[%swap3A_3047, %swap3A_3048], %add3A_3045 {strides = array<i32>} : memref<2x4096xi32, #tpu.memory_space<vmem>>, vector<16xi32>,
      %add3A_3050 = arith.constant 100000 : i32
      %add3A_3051 = vector.broadcast %add3A_3050 : i32 to vector<16xi32>
      %add3A_3052 = arith.addi %add3A_2996, %add3A_3051 : vector<16xi32>
      %swap3A_3053 = arith.constant 1 : i32
      %swap3A_3054 = arith.index_cast %swap3A_3053 : i32 to index
      %swap3A_3055 = arith.constant 2640 : index
      %swap3A_3056 = tpu.vector_load %arg12[%swap3A_3054, %swap3A_3055] {strides = array<i32>} : memref<2x4096xi32, #tpu.memory_space<vmem>>, vector<16xi32>,
      tpu.vector_store %arg12[%swap3A_3054, %swap3A_3055], %add3A_3052 {strides = array<i32>} : memref<2x4096xi32, #tpu.memory_space<vmem>>, vector<16xi32>,
      %add3A_3057 = arith.constant 100000 : i32
      %add3A_3058 = vector.broadcast %add3A_3057 : i32 to vector<16xi32>
      %add3A_3059 = arith.addi %add3A_3003, %add3A_3058 : vector<16xi32>
      %swap3A_3060 = arith.constant 1 : i32
      %swap3A_3061 = arith.index_cast %swap3A_3060 : i32 to index
      %swap3A_3062 = arith.constant 2656 : index
      %swap3A_3063 = tpu.vector_load %arg12[%swap3A_3061, %swap3A_3062] {strides = array<i32>} : memref<2x4096xi32, #tpu.memory_space<vmem>>, vector<16xi32>,
      tpu.vector_store %arg12[%swap3A_3061, %swap3A_3062], %add3A_3059 {strides = array<i32>} : memref<2x4096xi32, #tpu.memory_space<vmem>>, vector<16xi32>,
      %add3A_3064 = arith.constant 100000 : i32
      %add3A_3065 = vector.broadcast %add3A_3064 : i32 to vector<16xi32>
      %add3A_3066 = arith.addi %add3A_3010, %add3A_3065 : vector<16xi32>
      %swap3A_3067 = arith.constant 1 : i32
      %swap3A_3068 = arith.index_cast %swap3A_3067 : i32 to index
      %swap3A_3069 = arith.constant 2672 : index
      %swap3A_3070 = tpu.vector_load %arg12[%swap3A_3068, %swap3A_3069] {strides = array<i32>} : memref<2x4096xi32, #tpu.memory_space<vmem>>, vector<16xi32>,
      tpu.vector_store %arg12[%swap3A_3068, %swap3A_3069], %add3A_3066 {strides = array<i32>} : memref<2x4096xi32, #tpu.memory_space<vmem>>, vector<16xi32>,
      %add3A_3071 = arith.constant 100000 : i32
      %add3A_3072 = vector.broadcast %add3A_3071 : i32 to vector<16xi32>
      %add3A_3073 = arith.addi %add3A_3017, %add3A_3072 : vector<16xi32>
      %swap3A_3074 = arith.constant 1 : i32
      %swap3A_3075 = arith.index_cast %swap3A_3074 : i32 to index
      %swap3A_3076 = arith.constant 2688 : index
      %swap3A_3077 = tpu.vector_load %arg12[%swap3A_3075, %swap3A_3076] {strides = array<i32>} : memref<2x4096xi32, #tpu.memory_space<vmem>>, vector<16xi32>,
      tpu.vector_store %arg12[%swap3A_3075, %swap3A_3076], %add3A_3073 {strides = array<i32>} : memref<2x4096xi32, #tpu.memory_space<vmem>>, vector<16xi32>,
      %add3A_3078 = arith.constant 100000 : i32
      %add3A_3079 = vector.broadcast %add3A_3078 : i32 to vector<16xi32>
      %add3A_3080 = arith.addi %add3A_3024, %add3A_3079 : vector<16xi32>
      %swap3A_3081 = arith.constant 1 : i32
      %swap3A_3082 = arith.index_cast %swap3A_3081 : i32 to index
      %swap3A_3083 = arith.constant 2704 : index
      %swap3A_3084 = tpu.vector_load %arg12[%swap3A_3082, %swap3A_3083] {strides = array<i32>} : memref<2x4096xi32, #tpu.memory_space<vmem>>, vector<16xi32>,
      tpu.vector_store %arg12[%swap3A_3082, %swap3A_3083], %add3A_3080 {strides = array<i32>} : memref<2x4096xi32, #tpu.memory_space<vmem>>, vector<16xi32>,
      %add3A_3085 = arith.constant 100000 : i32
      %add3A_3086 = vector.broadcast %add3A_3085 : i32 to vector<16xi32>
      %add3A_3087 = arith.addi %add3A_3031, %add3A_3086 : vector<16xi32>
      %swap3A_3088 = arith.constant 1 : i32
      %swap3A_3089 = arith.index_cast %swap3A_3088 : i32 to index
      %swap3A_3090 = arith.constant 2720 : index
      %swap3A_3091 = tpu.vector_load %arg12[%swap3A_3089, %swap3A_3090] {strides = array<i32>} : memref<2x4096xi32, #tpu.memory_space<vmem>>, vector<16xi32>,
      tpu.vector_store %arg12[%swap3A_3089, %swap3A_3090], %add3A_3087 {strides = array<i32>} : memref<2x4096xi32, #tpu.memory_space<vmem>>, vector<16xi32>,
      %add3A_3092 = arith.constant 100000 : i32
      %add3A_3093 = vector.broadcast %add3A_3092 : i32 to vector<16xi32>
      %add3A_3094 = arith.addi %add3A_3038, %add3A_3093 : vector<16xi32>
      %swap3A_3095 = arith.constant 1 : i32
      %swap3A_3096 = arith.index_cast %swap3A_3095 : i32 to index
      %swap3A_3097 = arith.constant 2736 : index
      %swap3A_3098 = tpu.vector_load %arg12[%swap3A_3096, %swap3A_3097] {strides = array<i32>} : memref<2x4096xi32, #tpu.memory_space<vmem>>, vector<16xi32>,
      tpu.vector_store %arg12[%swap3A_3096, %swap3A_3097], %add3A_3094 {strides = array<i32>} : memref<2x4096xi32, #tpu.memory_space<vmem>>, vector<16xi32>,
      %add3A_3099 = arith.constant 100000 : i32
      %add3A_3100 = vector.broadcast %add3A_3099 : i32 to vector<16xi32>
      %add3A_3101 = arith.addi %add3A_3045, %add3A_3100 : vector<16xi32>
      %swap3A_3102 = arith.constant 1 : i32
      %swap3A_3103 = arith.index_cast %swap3A_3102 : i32 to index
      %swap3A_3104 = arith.constant 2752 : index
      %swap3A_3105 = tpu.vector_load %arg12[%swap3A_3103, %swap3A_3104] {strides = array<i32>} : memref<2x4096xi32, #tpu.memory_space<vmem>>, vector<16xi32>,
      tpu.vector_store %arg12[%swap3A_3103, %swap3A_3104], %add3A_3101 {strides = array<i32>} : memref<2x4096xi32, #tpu.memory_space<vmem>>, vector<16xi32>,
      %add3A_3106 = arith.constant 100000 : i32
      %add3A_3107 = vector.broadcast %add3A_3106 : i32 to vector<16xi32>
      %add3A_3108 = arith.addi %add3A_3052, %add3A_3107 : vector<16xi32>
      %swap3A_3109 = arith.constant 1 : i32
      %swap3A_3110 = arith.index_cast %swap3A_3109 : i32 to index
      %swap3A_3111 = arith.constant 2768 : index
      %swap3A_3112 = tpu.vector_load %arg12[%swap3A_3110, %swap3A_3111] {strides = array<i32>} : memref<2x4096xi32, #tpu.memory_space<vmem>>, vector<16xi32>,
      tpu.vector_store %arg12[%swap3A_3110, %swap3A_3111], %add3A_3108 {strides = array<i32>} : memref<2x4096xi32, #tpu.memory_space<vmem>>, vector<16xi32>,
      %add3A_3113 = arith.constant 100000 : i32
      %add3A_3114 = vector.broadcast %add3A_3113 : i32 to vector<16xi32>
      %add3A_3115 = arith.addi %add3A_3059, %add3A_3114 : vector<16xi32>
      %swap3A_3116 = arith.constant 1 : i32
      %swap3A_3117 = arith.index_cast %swap3A_3116 : i32 to index
      %swap3A_3118 = arith.constant 2784 : index
      %swap3A_3119 = tpu.vector_load %arg12[%swap3A_3117, %swap3A_3118] {strides = array<i32>} : memref<2x4096xi32, #tpu.memory_space<vmem>>, vector<16xi32>,
      tpu.vector_store %arg12[%swap3A_3117, %swap3A_3118], %add3A_3115 {strides = array<i32>} : memref<2x4096xi32, #tpu.memory_space<vmem>>, vector<16xi32>,
      %add3A_3120 = arith.constant 100000 : i32
      %add3A_3121 = vector.broadcast %add3A_3120 : i32 to vector<16xi32>
      %add3A_3122 = arith.addi %add3A_3066, %add3A_3121 : vector<16xi32>
      %swap3A_3123 = arith.constant 1 : i32
      %swap3A_3124 = arith.index_cast %swap3A_3123 : i32 to index
      %swap3A_3125 = arith.constant 2800 : index
      %swap3A_3126 = tpu.vector_load %arg12[%swap3A_3124, %swap3A_3125] {strides = array<i32>} : memref<2x4096xi32, #tpu.memory_space<vmem>>, vector<16xi32>,
      tpu.vector_store %arg12[%swap3A_3124, %swap3A_3125], %add3A_3122 {strides = array<i32>} : memref<2x4096xi32, #tpu.memory_space<vmem>>, vector<16xi32>,
      %add3A_3127 = arith.constant 100000 : i32
      %add3A_3128 = vector.broadcast %add3A_3127 : i32 to vector<16xi32>
      %add3A_3129 = arith.addi %add3A_3073, %add3A_3128 : vector<16xi32>
      %swap3A_3130 = arith.constant 1 : i32
      %swap3A_3131 = arith.index_cast %swap3A_3130 : i32 to index
      %swap3A_3132 = arith.constant 2816 : index
      %swap3A_3133 = tpu.vector_load %arg12[%swap3A_3131, %swap3A_3132] {strides = array<i32>} : memref<2x4096xi32, #tpu.memory_space<vmem>>, vector<16xi32>,
      tpu.vector_store %arg12[%swap3A_3131, %swap3A_3132], %add3A_3129 {strides = array<i32>} : memref<2x4096xi32, #tpu.memory_space<vmem>>, vector<16xi32>,
      %add3A_3134 = arith.constant 100000 : i32
      %add3A_3135 = vector.broadcast %add3A_3134 : i32 to vector<16xi32>
      %add3A_3136 = arith.addi %add3A_3080, %add3A_3135 : vector<16xi32>
      %swap3A_3137 = arith.constant 1 : i32
      %swap3A_3138 = arith.index_cast %swap3A_3137 : i32 to index
      %swap3A_3139 = arith.constant 2832 : index
      %swap3A_3140 = tpu.vector_load %arg12[%swap3A_3138, %swap3A_3139] {strides = array<i32>} : memref<2x4096xi32, #tpu.memory_space<vmem>>, vector<16xi32>,
      tpu.vector_store %arg12[%swap3A_3138, %swap3A_3139], %add3A_3136 {strides = array<i32>} : memref<2x4096xi32, #tpu.memory_space<vmem>>, vector<16xi32>,
      %add3A_3141 = arith.constant 100000 : i32
      %add3A_3142 = vector.broadcast %add3A_3141 : i32 to vector<16xi32>
      %add3A_3143 = arith.addi %add3A_3087, %add3A_3142 : vector<16xi32>
      %swap3A_3144 = arith.constant 1 : i32
      %swap3A_3145 = arith.index_cast %swap3A_3144 : i32 to index
      %swap3A_3146 = arith.constant 2848 : index
      %swap3A_3147 = tpu.vector_load %arg12[%swap3A_3145, %swap3A_3146] {strides = array<i32>} : memref<2x4096xi32, #tpu.memory_space<vmem>>, vector<16xi32>,
      tpu.vector_store %arg12[%swap3A_3145, %swap3A_3146], %add3A_3143 {strides = array<i32>} : memref<2x4096xi32, #tpu.memory_space<vmem>>, vector<16xi32>,
      %add3A_3148 = arith.constant 100000 : i32
      %add3A_3149 = vector.broadcast %add3A_3148 : i32 to vector<16xi32>
      %add3A_3150 = arith.addi %add3A_3094, %add3A_3149 : vector<16xi32>
      %swap3A_3151 = arith.constant 1 : i32
      %swap3A_3152 = arith.index_cast %swap3A_3151 : i32 to index
      %swap3A_3153 = arith.constant 2864 : index
      %swap3A_3154 = tpu.vector_load %arg12[%swap3A_3152, %swap3A_3153] {strides = array<i32>} : memref<2x4096xi32, #tpu.memory_space<vmem>>, vector<16xi32>,
      tpu.vector_store %arg12[%swap3A_3152, %swap3A_3153], %add3A_3150 {strides = array<i32>} : memref<2x4096xi32, #tpu.memory_space<vmem>>, vector<16xi32>,
      %add3A_3155 = arith.constant 100000 : i32
      %add3A_3156 = vector.broadcast %add3A_3155 : i32 to vector<16xi32>
      %add3A_3157 = arith.addi %add3A_3101, %add3A_3156 : vector<16xi32>
      %swap3A_3158 = arith.constant 1 : i32
      %swap3A_3159 = arith.index_cast %swap3A_3158 : i32 to index
      %swap3A_3160 = arith.constant 2880 : index
      %swap3A_3161 = tpu.vector_load %arg12[%swap3A_3159, %swap3A_3160] {strides = array<i32>} : memref<2x4096xi32, #tpu.memory_space<vmem>>, vector<16xi32>,
      tpu.vector_store %arg12[%swap3A_3159, %swap3A_3160], %add3A_3157 {strides = array<i32>} : memref<2x4096xi32, #tpu.memory_space<vmem>>, vector<16xi32>,
      %add3A_3162 = arith.constant 100000 : i32
      %add3A_3163 = vector.broadcast %add3A_3162 : i32 to vector<16xi32>
      %add3A_3164 = arith.addi %add3A_3108, %add3A_3163 : vector<16xi32>
      %swap3A_3165 = arith.constant 1 : i32
      %swap3A_3166 = arith.index_cast %swap3A_3165 : i32 to index
      %swap3A_3167 = arith.constant 2896 : index
      %swap3A_3168 = tpu.vector_load %arg12[%swap3A_3166, %swap3A_3167] {strides = array<i32>} : memref<2x4096xi32, #tpu.memory_space<vmem>>, vector<16xi32>,
      tpu.vector_store %arg12[%swap3A_3166, %swap3A_3167], %add3A_3164 {strides = array<i32>} : memref<2x4096xi32, #tpu.memory_space<vmem>>, vector<16xi32>,
      %add3A_3169 = arith.constant 100000 : i32
      %add3A_3170 = vector.broadcast %add3A_3169 : i32 to vector<16xi32>
      %add3A_3171 = arith.addi %add3A_3115, %add3A_3170 : vector<16xi32>
      %swap3A_3172 = arith.constant 1 : i32
      %swap3A_3173 = arith.index_cast %swap3A_3172 : i32 to index
      %swap3A_3174 = arith.constant 2912 : index
      %swap3A_3175 = tpu.vector_load %arg12[%swap3A_3173, %swap3A_3174] {strides = array<i32>} : memref<2x4096xi32, #tpu.memory_space<vmem>>, vector<16xi32>,
      tpu.vector_store %arg12[%swap3A_3173, %swap3A_3174], %add3A_3171 {strides = array<i32>} : memref<2x4096xi32, #tpu.memory_space<vmem>>, vector<16xi32>,
      %add3A_3176 = arith.constant 100000 : i32
      %add3A_3177 = vector.broadcast %add3A_3176 : i32 to vector<16xi32>
      %add3A_3178 = arith.addi %add3A_3122, %add3A_3177 : vector<16xi32>
      %swap3A_3179 = arith.constant 1 : i32
      %swap3A_3180 = arith.index_cast %swap3A_3179 : i32 to index
      %swap3A_3181 = arith.constant 2928 : index
      %swap3A_3182 = tpu.vector_load %arg12[%swap3A_3180, %swap3A_3181] {strides = array<i32>} : memref<2x4096xi32, #tpu.memory_space<vmem>>, vector<16xi32>,
      tpu.vector_store %arg12[%swap3A_3180, %swap3A_3181], %add3A_3178 {strides = array<i32>} : memref<2x4096xi32, #tpu.memory_space<vmem>>, vector<16xi32>,
      %add3A_3183 = arith.constant 100000 : i32
      %add3A_3184 = vector.broadcast %add3A_3183 : i32 to vector<16xi32>
      %add3A_3185 = arith.addi %add3A_3129, %add3A_3184 : vector<16xi32>
      %swap3A_3186 = arith.constant 1 : i32
      %swap3A_3187 = arith.index_cast %swap3A_3186 : i32 to index
      %swap3A_3188 = arith.constant 2944 : index
      %swap3A_3189 = tpu.vector_load %arg12[%swap3A_3187, %swap3A_3188] {strides = array<i32>} : memref<2x4096xi32, #tpu.memory_space<vmem>>, vector<16xi32>,
      tpu.vector_store %arg12[%swap3A_3187, %swap3A_3188], %add3A_3185 {strides = array<i32>} : memref<2x4096xi32, #tpu.memory_space<vmem>>, vector<16xi32>,
      %add3A_3190 = arith.constant 100000 : i32
      %add3A_3191 = vector.broadcast %add3A_3190 : i32 to vector<16xi32>
      %add3A_3192 = arith.addi %add3A_3136, %add3A_3191 : vector<16xi32>
      %swap3A_3193 = arith.constant 1 : i32
      %swap3A_3194 = arith.index_cast %swap3A_3193 : i32 to index
      %swap3A_3195 = arith.constant 2960 : index
      %swap3A_3196 = tpu.vector_load %arg12[%swap3A_3194, %swap3A_3195] {strides = array<i32>} : memref<2x4096xi32, #tpu.memory_space<vmem>>, vector<16xi32>,
      tpu.vector_store %arg12[%swap3A_3194, %swap3A_3195], %add3A_3192 {strides = array<i32>} : memref<2x4096xi32, #tpu.memory_space<vmem>>, vector<16xi32>,
      %add3A_3197 = arith.constant 100000 : i32
      %add3A_3198 = vector.broadcast %add3A_3197 : i32 to vector<16xi32>
      %add3A_3199 = arith.addi %add3A_3143, %add3A_3198 : vector<16xi32>
      %swap3A_3200 = arith.constant 1 : i32
      %swap3A_3201 = arith.index_cast %swap3A_3200 : i32 to index
      %swap3A_3202 = arith.constant 2976 : index
      %swap3A_3203 = tpu.vector_load %arg12[%swap3A_3201, %swap3A_3202] {strides = array<i32>} : memref<2x4096xi32, #tpu.memory_space<vmem>>, vector<16xi32>,
      tpu.vector_store %arg12[%swap3A_3201, %swap3A_3202], %add3A_3199 {strides = array<i32>} : memref<2x4096xi32, #tpu.memory_space<vmem>>, vector<16xi32>,
      %add3A_3204 = arith.constant 100000 : i32
      %add3A_3205 = vector.broadcast %add3A_3204 : i32 to vector<16xi32>
      %add3A_3206 = arith.addi %add3A_3150, %add3A_3205 : vector<16xi32>
      %swap3A_3207 = arith.constant 1 : i32
      %swap3A_3208 = arith.index_cast %swap3A_3207 : i32 to index
      %swap3A_3209 = arith.constant 2992 : index
      %swap3A_3210 = tpu.vector_load %arg12[%swap3A_3208, %swap3A_3209] {strides = array<i32>} : memref<2x4096xi32, #tpu.memory_space<vmem>>, vector<16xi32>,
      tpu.vector_store %arg12[%swap3A_3208, %swap3A_3209], %add3A_3206 {strides = array<i32>} : memref<2x4096xi32, #tpu.memory_space<vmem>>, vector<16xi32>,
      %add3A_3211 = arith.constant 100000 : i32
      %add3A_3212 = vector.broadcast %add3A_3211 : i32 to vector<16xi32>
      %add3A_3213 = arith.addi %add3A_3157, %add3A_3212 : vector<16xi32>
      %swap3A_3214 = arith.constant 1 : i32
      %swap3A_3215 = arith.index_cast %swap3A_3214 : i32 to index
      %swap3A_3216 = arith.constant 3008 : index
      %swap3A_3217 = tpu.vector_load %arg12[%swap3A_3215, %swap3A_3216] {strides = array<i32>} : memref<2x4096xi32, #tpu.memory_space<vmem>>, vector<16xi32>,
      tpu.vector_store %arg12[%swap3A_3215, %swap3A_3216], %add3A_3213 {strides = array<i32>} : memref<2x4096xi32, #tpu.memory_space<vmem>>, vector<16xi32>,
      %add3A_3218 = arith.constant 100000 : i32
      %add3A_3219 = vector.broadcast %add3A_3218 : i32 to vector<16xi32>
      %add3A_3220 = arith.addi %add3A_3164, %add3A_3219 : vector<16xi32>
      %swap3A_3221 = arith.constant 1 : i32
      %swap3A_3222 = arith.index_cast %swap3A_3221 : i32 to index
      %swap3A_3223 = arith.constant 3024 : index
      %swap3A_3224 = tpu.vector_load %arg12[%swap3A_3222, %swap3A_3223] {strides = array<i32>} : memref<2x4096xi32, #tpu.memory_space<vmem>>, vector<16xi32>,
      tpu.vector_store %arg12[%swap3A_3222, %swap3A_3223], %add3A_3220 {strides = array<i32>} : memref<2x4096xi32, #tpu.memory_space<vmem>>, vector<16xi32>,
      %add3A_3225 = arith.constant 100000 : i32
      %add3A_3226 = vector.broadcast %add3A_3225 : i32 to vector<16xi32>
      %add3A_3227 = arith.addi %add3A_3171, %add3A_3226 : vector<16xi32>
      %swap3A_3228 = arith.constant 1 : i32
      %swap3A_3229 = arith.index_cast %swap3A_3228 : i32 to index
      %swap3A_3230 = arith.constant 3040 : index
      %swap3A_3231 = tpu.vector_load %arg12[%swap3A_3229, %swap3A_3230] {strides = array<i32>} : memref<2x4096xi32, #tpu.memory_space<vmem>>, vector<16xi32>,
      tpu.vector_store %arg12[%swap3A_3229, %swap3A_3230], %add3A_3227 {strides = array<i32>} : memref<2x4096xi32, #tpu.memory_space<vmem>>, vector<16xi32>,
      %add3A_3232 = arith.constant 100000 : i32
      %add3A_3233 = vector.broadcast %add3A_3232 : i32 to vector<16xi32>
      %add3A_3234 = arith.addi %add3A_3178, %add3A_3233 : vector<16xi32>
      %swap3A_3235 = arith.constant 1 : i32
      %swap3A_3236 = arith.index_cast %swap3A_3235 : i32 to index
      %swap3A_3237 = arith.constant 3056 : index
      %swap3A_3238 = tpu.vector_load %arg12[%swap3A_3236, %swap3A_3237] {strides = array<i32>} : memref<2x4096xi32, #tpu.memory_space<vmem>>, vector<16xi32>,
      tpu.vector_store %arg12[%swap3A_3236, %swap3A_3237], %add3A_3234 {strides = array<i32>} : memref<2x4096xi32, #tpu.memory_space<vmem>>, vector<16xi32>,
      %add3A_3239 = arith.constant 100000 : i32
      %add3A_3240 = vector.broadcast %add3A_3239 : i32 to vector<16xi32>
      %add3A_3241 = arith.addi %add3A_3185, %add3A_3240 : vector<16xi32>
      %swap3A_3242 = arith.constant 1 : i32
      %swap3A_3243 = arith.index_cast %swap3A_3242 : i32 to index
      %swap3A_3244 = arith.constant 3072 : index
      %swap3A_3245 = tpu.vector_load %arg12[%swap3A_3243, %swap3A_3244] {strides = array<i32>} : memref<2x4096xi32, #tpu.memory_space<vmem>>, vector<16xi32>,
      tpu.vector_store %arg12[%swap3A_3243, %swap3A_3244], %add3A_3241 {strides = array<i32>} : memref<2x4096xi32, #tpu.memory_space<vmem>>, vector<16xi32>,
      %add3A_3246 = arith.constant 100000 : i32
      %add3A_3247 = vector.broadcast %add3A_3246 : i32 to vector<16xi32>
      %add3A_3248 = arith.addi %add3A_3192, %add3A_3247 : vector<16xi32>
      %swap3A_3249 = arith.constant 1 : i32
      %swap3A_3250 = arith.index_cast %swap3A_3249 : i32 to index
      %swap3A_3251 = arith.constant 3088 : index
      %swap3A_3252 = tpu.vector_load %arg12[%swap3A_3250, %swap3A_3251] {strides = array<i32>} : memref<2x4096xi32, #tpu.memory_space<vmem>>, vector<16xi32>,
      tpu.vector_store %arg12[%swap3A_3250, %swap3A_3251], %add3A_3248 {strides = array<i32>} : memref<2x4096xi32, #tpu.memory_space<vmem>>, vector<16xi32>,
      %add3A_3253 = arith.constant 100000 : i32
      %add3A_3254 = vector.broadcast %add3A_3253 : i32 to vector<16xi32>
      %add3A_3255 = arith.addi %add3A_3199, %add3A_3254 : vector<16xi32>
      %swap3A_3256 = arith.constant 1 : i32
      %swap3A_3257 = arith.index_cast %swap3A_3256 : i32 to index
      %swap3A_3258 = arith.constant 3104 : index
      %swap3A_3259 = tpu.vector_load %arg12[%swap3A_3257, %swap3A_3258] {strides = array<i32>} : memref<2x4096xi32, #tpu.memory_space<vmem>>, vector<16xi32>,
      tpu.vector_store %arg12[%swap3A_3257, %swap3A_3258], %add3A_3255 {strides = array<i32>} : memref<2x4096xi32, #tpu.memory_space<vmem>>, vector<16xi32>,
      %add3A_3260 = arith.constant 100000 : i32
      %add3A_3261 = vector.broadcast %add3A_3260 : i32 to vector<16xi32>
      %add3A_3262 = arith.addi %add3A_3206, %add3A_3261 : vector<16xi32>
      %swap3A_3263 = arith.constant 1 : i32
      %swap3A_3264 = arith.index_cast %swap3A_3263 : i32 to index
      %swap3A_3265 = arith.constant 3120 : index
      %swap3A_3266 = tpu.vector_load %arg12[%swap3A_3264, %swap3A_3265] {strides = array<i32>} : memref<2x4096xi32, #tpu.memory_space<vmem>>, vector<16xi32>,
      tpu.vector_store %arg12[%swap3A_3264, %swap3A_3265], %add3A_3262 {strides = array<i32>} : memref<2x4096xi32, #tpu.memory_space<vmem>>, vector<16xi32>,
      %add3A_3267 = arith.constant 100000 : i32
      %add3A_3268 = vector.broadcast %add3A_3267 : i32 to vector<16xi32>
      %add3A_3269 = arith.addi %add3A_3213, %add3A_3268 : vector<16xi32>
      %swap3A_3270 = arith.constant 1 : i32
      %swap3A_3271 = arith.index_cast %swap3A_3270 : i32 to index
      %swap3A_3272 = arith.constant 3136 : index
      %swap3A_3273 = tpu.vector_load %arg12[%swap3A_3271, %swap3A_3272] {strides = array<i32>} : memref<2x4096xi32, #tpu.memory_space<vmem>>, vector<16xi32>,
      tpu.vector_store %arg12[%swap3A_3271, %swap3A_3272], %add3A_3269 {strides = array<i32>} : memref<2x4096xi32, #tpu.memory_space<vmem>>, vector<16xi32>,
      %add3A_3274 = arith.constant 100000 : i32
      %add3A_3275 = vector.broadcast %add3A_3274 : i32 to vector<16xi32>
      %add3A_3276 = arith.addi %add3A_3220, %add3A_3275 : vector<16xi32>
      %swap3A_3277 = arith.constant 1 : i32
      %swap3A_3278 = arith.index_cast %swap3A_3277 : i32 to index
      %swap3A_3279 = arith.constant 3152 : index
      %swap3A_3280 = tpu.vector_load %arg12[%swap3A_3278, %swap3A_3279] {strides = array<i32>} : memref<2x4096xi32, #tpu.memory_space<vmem>>, vector<16xi32>,
      tpu.vector_store %arg12[%swap3A_3278, %swap3A_3279], %add3A_3276 {strides = array<i32>} : memref<2x4096xi32, #tpu.memory_space<vmem>>, vector<16xi32>,
      %add3A_3281 = arith.constant 100000 : i32
      %add3A_3282 = vector.broadcast %add3A_3281 : i32 to vector<16xi32>
      %add3A_3283 = arith.addi %add3A_3227, %add3A_3282 : vector<16xi32>
      %swap3A_3284 = arith.constant 1 : i32
      %swap3A_3285 = arith.index_cast %swap3A_3284 : i32 to index
      %swap3A_3286 = arith.constant 3168 : index
      %swap3A_3287 = tpu.vector_load %arg12[%swap3A_3285, %swap3A_3286] {strides = array<i32>} : memref<2x4096xi32, #tpu.memory_space<vmem>>, vector<16xi32>,
      tpu.vector_store %arg12[%swap3A_3285, %swap3A_3286], %add3A_3283 {strides = array<i32>} : memref<2x4096xi32, #tpu.memory_space<vmem>>, vector<16xi32>,
      %add3A_3288 = arith.constant 100000 : i32
      %add3A_3289 = vector.broadcast %add3A_3288 : i32 to vector<16xi32>
      %add3A_3290 = arith.addi %add3A_3234, %add3A_3289 : vector<16xi32>
      %swap3A_3291 = arith.constant 1 : i32
      %swap3A_3292 = arith.index_cast %swap3A_3291 : i32 to index
      %swap3A_3293 = arith.constant 3184 : index
      %swap3A_3294 = tpu.vector_load %arg12[%swap3A_3292, %swap3A_3293] {strides = array<i32>} : memref<2x4096xi32, #tpu.memory_space<vmem>>, vector<16xi32>,
      tpu.vector_store %arg12[%swap3A_3292, %swap3A_3293], %add3A_3290 {strides = array<i32>} : memref<2x4096xi32, #tpu.memory_space<vmem>>, vector<16xi32>,
      %add3A_3295 = arith.constant 100000 : i32
      %add3A_3296 = vector.broadcast %add3A_3295 : i32 to vector<16xi32>
      %add3A_3297 = arith.addi %add3A_3241, %add3A_3296 : vector<16xi32>
      %swap3A_3298 = arith.constant 1 : i32
      %swap3A_3299 = arith.index_cast %swap3A_3298 : i32 to index
      %swap3A_3300 = arith.constant 3200 : index
      %swap3A_3301 = tpu.vector_load %arg12[%swap3A_3299, %swap3A_3300] {strides = array<i32>} : memref<2x4096xi32, #tpu.memory_space<vmem>>, vector<16xi32>,
      tpu.vector_store %arg12[%swap3A_3299, %swap3A_3300], %add3A_3297 {strides = array<i32>} : memref<2x4096xi32, #tpu.memory_space<vmem>>, vector<16xi32>,
      %add3A_3302 = arith.constant 100000 : i32
      %add3A_3303 = vector.broadcast %add3A_3302 : i32 to vector<16xi32>
      %add3A_3304 = arith.addi %add3A_3248, %add3A_3303 : vector<16xi32>
      %swap3A_3305 = arith.constant 1 : i32
      %swap3A_3306 = arith.index_cast %swap3A_3305 : i32 to index
      %swap3A_3307 = arith.constant 3216 : index
      %swap3A_3308 = tpu.vector_load %arg12[%swap3A_3306, %swap3A_3307] {strides = array<i32>} : memref<2x4096xi32, #tpu.memory_space<vmem>>, vector<16xi32>,
      tpu.vector_store %arg12[%swap3A_3306, %swap3A_3307], %add3A_3304 {strides = array<i32>} : memref<2x4096xi32, #tpu.memory_space<vmem>>, vector<16xi32>,
      %add3A_3309 = arith.constant 100000 : i32
      %add3A_3310 = vector.broadcast %add3A_3309 : i32 to vector<16xi32>
      %add3A_3311 = arith.addi %add3A_3255, %add3A_3310 : vector<16xi32>
      %swap3A_3312 = arith.constant 1 : i32
      %swap3A_3313 = arith.index_cast %swap3A_3312 : i32 to index
      %swap3A_3314 = arith.constant 3232 : index
      %swap3A_3315 = tpu.vector_load %arg12[%swap3A_3313, %swap3A_3314] {strides = array<i32>} : memref<2x4096xi32, #tpu.memory_space<vmem>>, vector<16xi32>,
      tpu.vector_store %arg12[%swap3A_3313, %swap3A_3314], %add3A_3311 {strides = array<i32>} : memref<2x4096xi32, #tpu.memory_space<vmem>>, vector<16xi32>,
      %add3A_3316 = arith.constant 100000 : i32
      %add3A_3317 = vector.broadcast %add3A_3316 : i32 to vector<16xi32>
      %add3A_3318 = arith.addi %add3A_3262, %add3A_3317 : vector<16xi32>
      %swap3A_3319 = arith.constant 1 : i32
      %swap3A_3320 = arith.index_cast %swap3A_3319 : i32 to index
      %swap3A_3321 = arith.constant 3248 : index
      %swap3A_3322 = tpu.vector_load %arg12[%swap3A_3320, %swap3A_3321] {strides = array<i32>} : memref<2x4096xi32, #tpu.memory_space<vmem>>, vector<16xi32>,
      tpu.vector_store %arg12[%swap3A_3320, %swap3A_3321], %add3A_3318 {strides = array<i32>} : memref<2x4096xi32, #tpu.memory_space<vmem>>, vector<16xi32>,
      %add3A_3323 = arith.constant 100000 : i32
      %add3A_3324 = vector.broadcast %add3A_3323 : i32 to vector<16xi32>
      %add3A_3325 = arith.addi %add3A_3269, %add3A_3324 : vector<16xi32>
      %swap3A_3326 = arith.constant 1 : i32
      %swap3A_3327 = arith.index_cast %swap3A_3326 : i32 to index
      %swap3A_3328 = arith.constant 3264 : index
      %swap3A_3329 = tpu.vector_load %arg12[%swap3A_3327, %swap3A_3328] {strides = array<i32>} : memref<2x4096xi32, #tpu.memory_space<vmem>>, vector<16xi32>,
      tpu.vector_store %arg12[%swap3A_3327, %swap3A_3328], %add3A_3325 {strides = array<i32>} : memref<2x4096xi32, #tpu.memory_space<vmem>>, vector<16xi32>,
      %add3A_3330 = arith.constant 100000 : i32
      %add3A_3331 = vector.broadcast %add3A_3330 : i32 to vector<16xi32>
      %add3A_3332 = arith.addi %add3A_3276, %add3A_3331 : vector<16xi32>
      %swap3A_3333 = arith.constant 1 : i32
      %swap3A_3334 = arith.index_cast %swap3A_3333 : i32 to index
      %swap3A_3335 = arith.constant 3280 : index
      %swap3A_3336 = tpu.vector_load %arg12[%swap3A_3334, %swap3A_3335] {strides = array<i32>} : memref<2x4096xi32, #tpu.memory_space<vmem>>, vector<16xi32>,
      tpu.vector_store %arg12[%swap3A_3334, %swap3A_3335], %add3A_3332 {strides = array<i32>} : memref<2x4096xi32, #tpu.memory_space<vmem>>, vector<16xi32>,
      %add3A_3337 = arith.constant 100000 : i32
      %add3A_3338 = vector.broadcast %add3A_3337 : i32 to vector<16xi32>
      %add3A_3339 = arith.addi %add3A_3283, %add3A_3338 : vector<16xi32>
      %swap3A_3340 = arith.constant 1 : i32
      %swap3A_3341 = arith.index_cast %swap3A_3340 : i32 to index
      %swap3A_3342 = arith.constant 3296 : index
      %swap3A_3343 = tpu.vector_load %arg12[%swap3A_3341, %swap3A_3342] {strides = array<i32>} : memref<2x4096xi32, #tpu.memory_space<vmem>>, vector<16xi32>,
      tpu.vector_store %arg12[%swap3A_3341, %swap3A_3342], %add3A_3339 {strides = array<i32>} : memref<2x4096xi32, #tpu.memory_space<vmem>>, vector<16xi32>,
      %add3A_3344 = arith.constant 100000 : i32
      %add3A_3345 = vector.broadcast %add3A_3344 : i32 to vector<16xi32>
      %add3A_3346 = arith.addi %add3A_3290, %add3A_3345 : vector<16xi32>
      %swap3A_3347 = arith.constant 1 : i32
      %swap3A_3348 = arith.index_cast %swap3A_3347 : i32 to index
      %swap3A_3349 = arith.constant 3312 : index
      %swap3A_3350 = tpu.vector_load %arg12[%swap3A_3348, %swap3A_3349] {strides = array<i32>} : memref<2x4096xi32, #tpu.memory_space<vmem>>, vector<16xi32>,
      tpu.vector_store %arg12[%swap3A_3348, %swap3A_3349], %add3A_3346 {strides = array<i32>} : memref<2x4096xi32, #tpu.memory_space<vmem>>, vector<16xi32>,
      %add3A_3351 = arith.constant 100000 : i32
      %add3A_3352 = vector.broadcast %add3A_3351 : i32 to vector<16xi32>
      %add3A_3353 = arith.addi %add3A_3297, %add3A_3352 : vector<16xi32>
      %swap3A_3354 = arith.constant 1 : i32
      %swap3A_3355 = arith.index_cast %swap3A_3354 : i32 to index
      %swap3A_3356 = arith.constant 3328 : index
      %swap3A_3357 = tpu.vector_load %arg12[%swap3A_3355, %swap3A_3356] {strides = array<i32>} : memref<2x4096xi32, #tpu.memory_space<vmem>>, vector<16xi32>,
      tpu.vector_store %arg12[%swap3A_3355, %swap3A_3356], %add3A_3353 {strides = array<i32>} : memref<2x4096xi32, #tpu.memory_space<vmem>>, vector<16xi32>,
      %add3A_3358 = arith.constant 100000 : i32
      %add3A_3359 = vector.broadcast %add3A_3358 : i32 to vector<16xi32>
      %add3A_3360 = arith.addi %add3A_3304, %add3A_3359 : vector<16xi32>
      %swap3A_3361 = arith.constant 1 : i32
      %swap3A_3362 = arith.index_cast %swap3A_3361 : i32 to index
      %swap3A_3363 = arith.constant 3344 : index
      %swap3A_3364 = tpu.vector_load %arg12[%swap3A_3362, %swap3A_3363] {strides = array<i32>} : memref<2x4096xi32, #tpu.memory_space<vmem>>, vector<16xi32>,
      tpu.vector_store %arg12[%swap3A_3362, %swap3A_3363], %add3A_3360 {strides = array<i32>} : memref<2x4096xi32, #tpu.memory_space<vmem>>, vector<16xi32>,
      %add3A_3365 = arith.constant 100000 : i32
      %add3A_3366 = vector.broadcast %add3A_3365 : i32 to vector<16xi32>
      %add3A_3367 = arith.addi %add3A_3311, %add3A_3366 : vector<16xi32>
      %swap3A_3368 = arith.constant 1 : i32
      %swap3A_3369 = arith.index_cast %swap3A_3368 : i32 to index
      %swap3A_3370 = arith.constant 3360 : index
      %swap3A_3371 = tpu.vector_load %arg12[%swap3A_3369, %swap3A_3370] {strides = array<i32>} : memref<2x4096xi32, #tpu.memory_space<vmem>>, vector<16xi32>,
      tpu.vector_store %arg12[%swap3A_3369, %swap3A_3370], %add3A_3367 {strides = array<i32>} : memref<2x4096xi32, #tpu.memory_space<vmem>>, vector<16xi32>,
      %add3A_3372 = arith.constant 100000 : i32
      %add3A_3373 = vector.broadcast %add3A_3372 : i32 to vector<16xi32>
      %add3A_3374 = arith.addi %add3A_3318, %add3A_3373 : vector<16xi32>
      %swap3A_3375 = arith.constant 1 : i32
      %swap3A_3376 = arith.index_cast %swap3A_3375 : i32 to index
      %swap3A_3377 = arith.constant 3376 : index
      %swap3A_3378 = tpu.vector_load %arg12[%swap3A_3376, %swap3A_3377] {strides = array<i32>} : memref<2x4096xi32, #tpu.memory_space<vmem>>, vector<16xi32>,
      tpu.vector_store %arg12[%swap3A_3376, %swap3A_3377], %add3A_3374 {strides = array<i32>} : memref<2x4096xi32, #tpu.memory_space<vmem>>, vector<16xi32>,
      %add3A_3379 = arith.constant 100000 : i32
      %add3A_3380 = vector.broadcast %add3A_3379 : i32 to vector<16xi32>
      %add3A_3381 = arith.addi %add3A_3325, %add3A_3380 : vector<16xi32>
      %swap3A_3382 = arith.constant 1 : i32
      %swap3A_3383 = arith.index_cast %swap3A_3382 : i32 to index
      %swap3A_3384 = arith.constant 3392 : index
      %swap3A_3385 = tpu.vector_load %arg12[%swap3A_3383, %swap3A_3384] {strides = array<i32>} : memref<2x4096xi32, #tpu.memory_space<vmem>>, vector<16xi32>,
      tpu.vector_store %arg12[%swap3A_3383, %swap3A_3384], %add3A_3381 {strides = array<i32>} : memref<2x4096xi32, #tpu.memory_space<vmem>>, vector<16xi32>,
      %add3A_3386 = arith.constant 100000 : i32
      %add3A_3387 = vector.broadcast %add3A_3386 : i32 to vector<16xi32>
      %add3A_3388 = arith.addi %add3A_3332, %add3A_3387 : vector<16xi32>
      %swap3A_3389 = arith.constant 1 : i32
      %swap3A_3390 = arith.index_cast %swap3A_3389 : i32 to index
      %swap3A_3391 = arith.constant 3408 : index
      %swap3A_3392 = tpu.vector_load %arg12[%swap3A_3390, %swap3A_3391] {strides = array<i32>} : memref<2x4096xi32, #tpu.memory_space<vmem>>, vector<16xi32>,
      tpu.vector_store %arg12[%swap3A_3390, %swap3A_3391], %add3A_3388 {strides = array<i32>} : memref<2x4096xi32, #tpu.memory_space<vmem>>, vector<16xi32>,
      %add3A_3393 = arith.constant 100000 : i32
      %add3A_3394 = vector.broadcast %add3A_3393 : i32 to vector<16xi32>
      %add3A_3395 = arith.addi %add3A_3339, %add3A_3394 : vector<16xi32>
      %swap3A_3396 = arith.constant 1 : i32
      %swap3A_3397 = arith.index_cast %swap3A_3396 : i32 to index
      %swap3A_3398 = arith.constant 3424 : index
      %swap3A_3399 = tpu.vector_load %arg12[%swap3A_3397, %swap3A_3398] {strides = array<i32>} : memref<2x4096xi32, #tpu.memory_space<vmem>>, vector<16xi32>,
      tpu.vector_store %arg12[%swap3A_3397, %swap3A_3398], %add3A_3395 {strides = array<i32>} : memref<2x4096xi32, #tpu.memory_space<vmem>>, vector<16xi32>,
      %add3A_3400 = arith.constant 100000 : i32
      %add3A_3401 = vector.broadcast %add3A_3400 : i32 to vector<16xi32>
      %add3A_3402 = arith.addi %add3A_3346, %add3A_3401 : vector<16xi32>
      %swap3A_3403 = arith.constant 1 : i32
      %swap3A_3404 = arith.index_cast %swap3A_3403 : i32 to index
      %swap3A_3405 = arith.constant 3440 : index
      %swap3A_3406 = tpu.vector_load %arg12[%swap3A_3404, %swap3A_3405] {strides = array<i32>} : memref<2x4096xi32, #tpu.memory_space<vmem>>, vector<16xi32>,
      tpu.vector_store %arg12[%swap3A_3404, %swap3A_3405], %add3A_3402 {strides = array<i32>} : memref<2x4096xi32, #tpu.memory_space<vmem>>, vector<16xi32>,
      %add3A_3407 = arith.constant 100000 : i32
      %add3A_3408 = vector.broadcast %add3A_3407 : i32 to vector<16xi32>
      %add3A_3409 = arith.addi %add3A_3353, %add3A_3408 : vector<16xi32>
      %swap3A_3410 = arith.constant 1 : i32
      %swap3A_3411 = arith.index_cast %swap3A_3410 : i32 to index
      %swap3A_3412 = arith.constant 3456 : index
      %swap3A_3413 = tpu.vector_load %arg12[%swap3A_3411, %swap3A_3412] {strides = array<i32>} : memref<2x4096xi32, #tpu.memory_space<vmem>>, vector<16xi32>,
      tpu.vector_store %arg12[%swap3A_3411, %swap3A_3412], %add3A_3409 {strides = array<i32>} : memref<2x4096xi32, #tpu.memory_space<vmem>>, vector<16xi32>,
      %add3A_3414 = arith.constant 100000 : i32
      %add3A_3415 = vector.broadcast %add3A_3414 : i32 to vector<16xi32>
      %add3A_3416 = arith.addi %add3A_3360, %add3A_3415 : vector<16xi32>
      %swap3A_3417 = arith.constant 1 : i32
      %swap3A_3418 = arith.index_cast %swap3A_3417 : i32 to index
      %swap3A_3419 = arith.constant 3472 : index
      %swap3A_3420 = tpu.vector_load %arg12[%swap3A_3418, %swap3A_3419] {strides = array<i32>} : memref<2x4096xi32, #tpu.memory_space<vmem>>, vector<16xi32>,
      tpu.vector_store %arg12[%swap3A_3418, %swap3A_3419], %add3A_3416 {strides = array<i32>} : memref<2x4096xi32, #tpu.memory_space<vmem>>, vector<16xi32>,
      %add3A_3421 = arith.constant 100000 : i32
      %add3A_3422 = vector.broadcast %add3A_3421 : i32 to vector<16xi32>
      %add3A_3423 = arith.addi %add3A_3367, %add3A_3422 : vector<16xi32>
      %swap3A_3424 = arith.constant 1 : i32
      %swap3A_3425 = arith.index_cast %swap3A_3424 : i32 to index
      %swap3A_3426 = arith.constant 3488 : index
      %swap3A_3427 = tpu.vector_load %arg12[%swap3A_3425, %swap3A_3426] {strides = array<i32>} : memref<2x4096xi32, #tpu.memory_space<vmem>>, vector<16xi32>,
      tpu.vector_store %arg12[%swap3A_3425, %swap3A_3426], %add3A_3423 {strides = array<i32>} : memref<2x4096xi32, #tpu.memory_space<vmem>>, vector<16xi32>,
      %add3A_3428 = arith.constant 100000 : i32
      %add3A_3429 = vector.broadcast %add3A_3428 : i32 to vector<16xi32>
      %add3A_3430 = arith.addi %add3A_3374, %add3A_3429 : vector<16xi32>
      %swap3A_3431 = arith.constant 1 : i32
      %swap3A_3432 = arith.index_cast %swap3A_3431 : i32 to index
      %swap3A_3433 = arith.constant 3504 : index
      %swap3A_3434 = tpu.vector_load %arg12[%swap3A_3432, %swap3A_3433] {strides = array<i32>} : memref<2x4096xi32, #tpu.memory_space<vmem>>, vector<16xi32>,
      tpu.vector_store %arg12[%swap3A_3432, %swap3A_3433], %add3A_3430 {strides = array<i32>} : memref<2x4096xi32, #tpu.memory_space<vmem>>, vector<16xi32>,
      %add3A_3435 = arith.constant 100000 : i32
      %add3A_3436 = vector.broadcast %add3A_3435 : i32 to vector<16xi32>
      %add3A_3437 = arith.addi %add3A_3381, %add3A_3436 : vector<16xi32>
      %swap3A_3438 = arith.constant 1 : i32
      %swap3A_3439 = arith.index_cast %swap3A_3438 : i32 to index
      %swap3A_3440 = arith.constant 3520 : index
      %swap3A_3441 = tpu.vector_load %arg12[%swap3A_3439, %swap3A_3440] {strides = array<i32>} : memref<2x4096xi32, #tpu.memory_space<vmem>>, vector<16xi32>,
      tpu.vector_store %arg12[%swap3A_3439, %swap3A_3440], %add3A_3437 {strides = array<i32>} : memref<2x4096xi32, #tpu.memory_space<vmem>>, vector<16xi32>,
      %add3A_3442 = arith.constant 100000 : i32
      %add3A_3443 = vector.broadcast %add3A_3442 : i32 to vector<16xi32>
      %add3A_3444 = arith.addi %add3A_3388, %add3A_3443 : vector<16xi32>
      %swap3A_3445 = arith.constant 1 : i32
      %swap3A_3446 = arith.index_cast %swap3A_3445 : i32 to index
      %swap3A_3447 = arith.constant 3536 : index
      %swap3A_3448 = tpu.vector_load %arg12[%swap3A_3446, %swap3A_3447] {strides = array<i32>} : memref<2x4096xi32, #tpu.memory_space<vmem>>, vector<16xi32>,
      tpu.vector_store %arg12[%swap3A_3446, %swap3A_3447], %add3A_3444 {strides = array<i32>} : memref<2x4096xi32, #tpu.memory_space<vmem>>, vector<16xi32>,
      %add3A_3449 = arith.constant 100000 : i32
      %add3A_3450 = vector.broadcast %add3A_3449 : i32 to vector<16xi32>
      %add3A_3451 = arith.addi %add3A_3395, %add3A_3450 : vector<16xi32>
      %swap3A_3452 = arith.constant 1 : i32
      %swap3A_3453 = arith.index_cast %swap3A_3452 : i32 to index
      %swap3A_3454 = arith.constant 3552 : index
      %swap3A_3455 = tpu.vector_load %arg12[%swap3A_3453, %swap3A_3454] {strides = array<i32>} : memref<2x4096xi32, #tpu.memory_space<vmem>>, vector<16xi32>,
      tpu.vector_store %arg12[%swap3A_3453, %swap3A_3454], %add3A_3451 {strides = array<i32>} : memref<2x4096xi32, #tpu.memory_space<vmem>>, vector<16xi32>,
      %add3A_3456 = arith.constant 100000 : i32
      %add3A_3457 = vector.broadcast %add3A_3456 : i32 to vector<16xi32>
      %add3A_3458 = arith.addi %add3A_3402, %add3A_3457 : vector<16xi32>
      %swap3A_3459 = arith.constant 1 : i32
      %swap3A_3460 = arith.index_cast %swap3A_3459 : i32 to index
      %swap3A_3461 = arith.constant 3568 : index
      %swap3A_3462 = tpu.vector_load %arg12[%swap3A_3460, %swap3A_3461] {strides = array<i32>} : memref<2x4096xi32, #tpu.memory_space<vmem>>, vector<16xi32>,
      tpu.vector_store %arg12[%swap3A_3460, %swap3A_3461], %add3A_3458 {strides = array<i32>} : memref<2x4096xi32, #tpu.memory_space<vmem>>, vector<16xi32>,
      %add3A_3463 = arith.constant 100000 : i32
      %add3A_3464 = vector.broadcast %add3A_3463 : i32 to vector<16xi32>
      %add3A_3465 = arith.addi %add3A_3409, %add3A_3464 : vector<16xi32>
      %swap3A_3466 = arith.constant 1 : i32
      %swap3A_3467 = arith.index_cast %swap3A_3466 : i32 to index
      %swap3A_3468 = arith.constant 3584 : index
      %swap3A_3469 = tpu.vector_load %arg12[%swap3A_3467, %swap3A_3468] {strides = array<i32>} : memref<2x4096xi32, #tpu.memory_space<vmem>>, vector<16xi32>,
      tpu.vector_store %arg12[%swap3A_3467, %swap3A_3468], %add3A_3465 {strides = array<i32>} : memref<2x4096xi32, #tpu.memory_space<vmem>>, vector<16xi32>,
      %add3A_3470 = arith.constant 100000 : i32
      %add3A_3471 = vector.broadcast %add3A_3470 : i32 to vector<16xi32>
      %add3A_3472 = arith.addi %add3A_3416, %add3A_3471 : vector<16xi32>
      %swap3A_3473 = arith.constant 1 : i32
      %swap3A_3474 = arith.index_cast %swap3A_3473 : i32 to index
      %swap3A_3475 = arith.constant 3600 : index
      %swap3A_3476 = tpu.vector_load %arg12[%swap3A_3474, %swap3A_3475] {strides = array<i32>} : memref<2x4096xi32, #tpu.memory_space<vmem>>, vector<16xi32>,
      tpu.vector_store %arg12[%swap3A_3474, %swap3A_3475], %add3A_3472 {strides = array<i32>} : memref<2x4096xi32, #tpu.memory_space<vmem>>, vector<16xi32>,
      %add3A_3477 = arith.constant 100000 : i32
      %add3A_3478 = vector.broadcast %add3A_3477 : i32 to vector<16xi32>
      %add3A_3479 = arith.addi %add3A_3423, %add3A_3478 : vector<16xi32>
      %swap3A_3480 = arith.constant 1 : i32
      %swap3A_3481 = arith.index_cast %swap3A_3480 : i32 to index
      %swap3A_3482 = arith.constant 3616 : index
      %swap3A_3483 = tpu.vector_load %arg12[%swap3A_3481, %swap3A_3482] {strides = array<i32>} : memref<2x4096xi32, #tpu.memory_space<vmem>>, vector<16xi32>,
      tpu.vector_store %arg12[%swap3A_3481, %swap3A_3482], %add3A_3479 {strides = array<i32>} : memref<2x4096xi32, #tpu.memory_space<vmem>>, vector<16xi32>,
      %add3A_3484 = arith.constant 100000 : i32
      %add3A_3485 = vector.broadcast %add3A_3484 : i32 to vector<16xi32>
      %add3A_3486 = arith.addi %add3A_3430, %add3A_3485 : vector<16xi32>
      %swap3A_3487 = arith.constant 1 : i32
      %swap3A_3488 = arith.index_cast %swap3A_3487 : i32 to index
      %swap3A_3489 = arith.constant 3632 : index
      %swap3A_3490 = tpu.vector_load %arg12[%swap3A_3488, %swap3A_3489] {strides = array<i32>} : memref<2x4096xi32, #tpu.memory_space<vmem>>, vector<16xi32>,
      tpu.vector_store %arg12[%swap3A_3488, %swap3A_3489], %add3A_3486 {strides = array<i32>} : memref<2x4096xi32, #tpu.memory_space<vmem>>, vector<16xi32>,
      %add3A_3491 = arith.constant 100000 : i32
      %add3A_3492 = vector.broadcast %add3A_3491 : i32 to vector<16xi32>
      %add3A_3493 = arith.addi %add3A_3437, %add3A_3492 : vector<16xi32>
      %swap3A_3494 = arith.constant 1 : i32
      %swap3A_3495 = arith.index_cast %swap3A_3494 : i32 to index
      %swap3A_3496 = arith.constant 3648 : index
      %swap3A_3497 = tpu.vector_load %arg12[%swap3A_3495, %swap3A_3496] {strides = array<i32>} : memref<2x4096xi32, #tpu.memory_space<vmem>>, vector<16xi32>,
      tpu.vector_store %arg12[%swap3A_3495, %swap3A_3496], %add3A_3493 {strides = array<i32>} : memref<2x4096xi32, #tpu.memory_space<vmem>>, vector<16xi32>,
      %add3A_3498 = arith.constant 100000 : i32
      %add3A_3499 = vector.broadcast %add3A_3498 : i32 to vector<16xi32>
      %add3A_3500 = arith.addi %add3A_3444, %add3A_3499 : vector<16xi32>
      %swap3A_3501 = arith.constant 1 : i32
      %swap3A_3502 = arith.index_cast %swap3A_3501 : i32 to index
      %swap3A_3503 = arith.constant 3664 : index
      %swap3A_3504 = tpu.vector_load %arg12[%swap3A_3502, %swap3A_3503] {strides = array<i32>} : memref<2x4096xi32, #tpu.memory_space<vmem>>, vector<16xi32>,
      tpu.vector_store %arg12[%swap3A_3502, %swap3A_3503], %add3A_3500 {strides = array<i32>} : memref<2x4096xi32, #tpu.memory_space<vmem>>, vector<16xi32>,
      %add3A_3505 = arith.constant 100000 : i32
      %add3A_3506 = vector.broadcast %add3A_3505 : i32 to vector<16xi32>
      %add3A_3507 = arith.addi %add3A_3451, %add3A_3506 : vector<16xi32>
      %swap3A_3508 = arith.constant 1 : i32
      %swap3A_3509 = arith.index_cast %swap3A_3508 : i32 to index
      %swap3A_3510 = arith.constant 3680 : index
      %swap3A_3511 = tpu.vector_load %arg12[%swap3A_3509, %swap3A_3510] {strides = array<i32>} : memref<2x4096xi32, #tpu.memory_space<vmem>>, vector<16xi32>,
      tpu.vector_store %arg12[%swap3A_3509, %swap3A_3510], %add3A_3507 {strides = array<i32>} : memref<2x4096xi32, #tpu.memory_space<vmem>>, vector<16xi32>,
      %add3A_3512 = arith.constant 100000 : i32
      %add3A_3513 = vector.broadcast %add3A_3512 : i32 to vector<16xi32>
      %add3A_3514 = arith.addi %add3A_3458, %add3A_3513 : vector<16xi32>
      %swap3A_3515 = arith.constant 1 : i32
      %swap3A_3516 = arith.index_cast %swap3A_3515 : i32 to index
      %swap3A_3517 = arith.constant 3696 : index
      %swap3A_3518 = tpu.vector_load %arg12[%swap3A_3516, %swap3A_3517] {strides = array<i32>} : memref<2x4096xi32, #tpu.memory_space<vmem>>, vector<16xi32>,
      tpu.vector_store %arg12[%swap3A_3516, %swap3A_3517], %add3A_3514 {strides = array<i32>} : memref<2x4096xi32, #tpu.memory_space<vmem>>, vector<16xi32>,
      %add3A_3519 = arith.constant 100000 : i32
      %add3A_3520 = vector.broadcast %add3A_3519 : i32 to vector<16xi32>
      %add3A_3521 = arith.addi %add3A_3465, %add3A_3520 : vector<16xi32>
      %swap3A_3522 = arith.constant 1 : i32
      %swap3A_3523 = arith.index_cast %swap3A_3522 : i32 to index
      %swap3A_3524 = arith.constant 3712 : index
      %swap3A_3525 = tpu.vector_load %arg12[%swap3A_3523, %swap3A_3524] {strides = array<i32>} : memref<2x4096xi32, #tpu.memory_space<vmem>>, vector<16xi32>,
      tpu.vector_store %arg12[%swap3A_3523, %swap3A_3524], %add3A_3521 {strides = array<i32>} : memref<2x4096xi32, #tpu.memory_space<vmem>>, vector<16xi32>,
      %add3A_3526 = arith.constant 100000 : i32
      %add3A_3527 = vector.broadcast %add3A_3526 : i32 to vector<16xi32>
      %add3A_3528 = arith.addi %add3A_3472, %add3A_3527 : vector<16xi32>
      %swap3A_3529 = arith.constant 1 : i32
      %swap3A_3530 = arith.index_cast %swap3A_3529 : i32 to index
      %swap3A_3531 = arith.constant 3728 : index
      %swap3A_3532 = tpu.vector_load %arg12[%swap3A_3530, %swap3A_3531] {strides = array<i32>} : memref<2x4096xi32, #tpu.memory_space<vmem>>, vector<16xi32>,
      tpu.vector_store %arg12[%swap3A_3530, %swap3A_3531], %add3A_3528 {strides = array<i32>} : memref<2x4096xi32, #tpu.memory_space<vmem>>, vector<16xi32>,
      %add3A_3533 = arith.constant 100000 : i32
      %add3A_3534 = vector.broadcast %add3A_3533 : i32 to vector<16xi32>
      %add3A_3535 = arith.addi %add3A_3479, %add3A_3534 : vector<16xi32>
      %swap3A_3536 = arith.constant 1 : i32
      %swap3A_3537 = arith.index_cast %swap3A_3536 : i32 to index
      %swap3A_3538 = arith.constant 3744 : index
      %swap3A_3539 = tpu.vector_load %arg12[%swap3A_3537, %swap3A_3538] {strides = array<i32>} : memref<2x4096xi32, #tpu.memory_space<vmem>>, vector<16xi32>,
      tpu.vector_store %arg12[%swap3A_3537, %swap3A_3538], %add3A_3535 {strides = array<i32>} : memref<2x4096xi32, #tpu.memory_space<vmem>>, vector<16xi32>,
      %add3A_3540 = arith.constant 100000 : i32
      %add3A_3541 = vector.broadcast %add3A_3540 : i32 to vector<16xi32>
      %add3A_3542 = arith.addi %add3A_3486, %add3A_3541 : vector<16xi32>
      %swap3A_3543 = arith.constant 1 : i32
      %swap3A_3544 = arith.index_cast %swap3A_3543 : i32 to index
      %swap3A_3545 = arith.constant 3760 : index
      %swap3A_3546 = tpu.vector_load %arg12[%swap3A_3544, %swap3A_3545] {strides = array<i32>} : memref<2x4096xi32, #tpu.memory_space<vmem>>, vector<16xi32>,
      tpu.vector_store %arg12[%swap3A_3544, %swap3A_3545], %add3A_3542 {strides = array<i32>} : memref<2x4096xi32, #tpu.memory_space<vmem>>, vector<16xi32>,
      %add3A_3547 = arith.constant 100000 : i32
      %add3A_3548 = vector.broadcast %add3A_3547 : i32 to vector<16xi32>
      %add3A_3549 = arith.addi %add3A_3493, %add3A_3548 : vector<16xi32>
      %swap3A_3550 = arith.constant 1 : i32
      %swap3A_3551 = arith.index_cast %swap3A_3550 : i32 to index
      %swap3A_3552 = arith.constant 3776 : index
      %swap3A_3553 = tpu.vector_load %arg12[%swap3A_3551, %swap3A_3552] {strides = array<i32>} : memref<2x4096xi32, #tpu.memory_space<vmem>>, vector<16xi32>,
      tpu.vector_store %arg12[%swap3A_3551, %swap3A_3552], %add3A_3549 {strides = array<i32>} : memref<2x4096xi32, #tpu.memory_space<vmem>>, vector<16xi32>,
      %add3A_3554 = arith.constant 100000 : i32
      %add3A_3555 = vector.broadcast %add3A_3554 : i32 to vector<16xi32>
      %add3A_3556 = arith.addi %add3A_3500, %add3A_3555 : vector<16xi32>
      %swap3A_3557 = arith.constant 1 : i32
      %swap3A_3558 = arith.index_cast %swap3A_3557 : i32 to index
      %swap3A_3559 = arith.constant 3792 : index
      %swap3A_3560 = tpu.vector_load %arg12[%swap3A_3558, %swap3A_3559] {strides = array<i32>} : memref<2x4096xi32, #tpu.memory_space<vmem>>, vector<16xi32>,
      tpu.vector_store %arg12[%swap3A_3558, %swap3A_3559], %add3A_3556 {strides = array<i32>} : memref<2x4096xi32, #tpu.memory_space<vmem>>, vector<16xi32>,
      %add3A_3561 = arith.constant 100000 : i32
      %add3A_3562 = vector.broadcast %add3A_3561 : i32 to vector<16xi32>
      %add3A_3563 = arith.addi %add3A_3507, %add3A_3562 : vector<16xi32>
      %swap3A_3564 = arith.constant 1 : i32
      %swap3A_3565 = arith.index_cast %swap3A_3564 : i32 to index
      %swap3A_3566 = arith.constant 3808 : index
      %swap3A_3567 = tpu.vector_load %arg12[%swap3A_3565, %swap3A_3566] {strides = array<i32>} : memref<2x4096xi32, #tpu.memory_space<vmem>>, vector<16xi32>,
      tpu.vector_store %arg12[%swap3A_3565, %swap3A_3566], %add3A_3563 {strides = array<i32>} : memref<2x4096xi32, #tpu.memory_space<vmem>>, vector<16xi32>,
      %add3A_3568 = arith.constant 100000 : i32
      %add3A_3569 = vector.broadcast %add3A_3568 : i32 to vector<16xi32>
      %add3A_3570 = arith.addi %add3A_3514, %add3A_3569 : vector<16xi32>
      %swap3A_3571 = arith.constant 1 : i32
      %swap3A_3572 = arith.index_cast %swap3A_3571 : i32 to index
      %swap3A_3573 = arith.constant 3824 : index
      %swap3A_3574 = tpu.vector_load %arg12[%swap3A_3572, %swap3A_3573] {strides = array<i32>} : memref<2x4096xi32, #tpu.memory_space<vmem>>, vector<16xi32>,
      tpu.vector_store %arg12[%swap3A_3572, %swap3A_3573], %add3A_3570 {strides = array<i32>} : memref<2x4096xi32, #tpu.memory_space<vmem>>, vector<16xi32>,
      %add3A_3575 = arith.constant 100000 : i32
      %add3A_3576 = vector.broadcast %add3A_3575 : i32 to vector<16xi32>
      %add3A_3577 = arith.addi %add3A_3521, %add3A_3576 : vector<16xi32>
      %swap3A_3578 = arith.constant 1 : i32
      %swap3A_3579 = arith.index_cast %swap3A_3578 : i32 to index
      %swap3A_3580 = arith.constant 3840 : index
      %swap3A_3581 = tpu.vector_load %arg12[%swap3A_3579, %swap3A_3580] {strides = array<i32>} : memref<2x4096xi32, #tpu.memory_space<vmem>>, vector<16xi32>,
      tpu.vector_store %arg12[%swap3A_3579, %swap3A_3580], %add3A_3577 {strides = array<i32>} : memref<2x4096xi32, #tpu.memory_space<vmem>>, vector<16xi32>,
      %add3A_3582 = arith.constant 100000 : i32
      %add3A_3583 = vector.broadcast %add3A_3582 : i32 to vector<16xi32>
      %add3A_3584 = arith.addi %add3A_3528, %add3A_3583 : vector<16xi32>
      %swap3A_3585 = arith.constant 1 : i32
      %swap3A_3586 = arith.index_cast %swap3A_3585 : i32 to index
      %swap3A_3587 = arith.constant 3856 : index
      %swap3A_3588 = tpu.vector_load %arg12[%swap3A_3586, %swap3A_3587] {strides = array<i32>} : memref<2x4096xi32, #tpu.memory_space<vmem>>, vector<16xi32>,
      tpu.vector_store %arg12[%swap3A_3586, %swap3A_3587], %add3A_3584 {strides = array<i32>} : memref<2x4096xi32, #tpu.memory_space<vmem>>, vector<16xi32>,
      %add3A_3589 = arith.constant 100000 : i32
      %add3A_3590 = vector.broadcast %add3A_3589 : i32 to vector<16xi32>
      %add3A_3591 = arith.addi %add3A_3535, %add3A_3590 : vector<16xi32>
      %swap3A_3592 = arith.constant 1 : i32
      %swap3A_3593 = arith.index_cast %swap3A_3592 : i32 to index
      %swap3A_3594 = arith.constant 3872 : index
      %swap3A_3595 = tpu.vector_load %arg12[%swap3A_3593, %swap3A_3594] {strides = array<i32>} : memref<2x4096xi32, #tpu.memory_space<vmem>>, vector<16xi32>,
      tpu.vector_store %arg12[%swap3A_3593, %swap3A_3594], %add3A_3591 {strides = array<i32>} : memref<2x4096xi32, #tpu.memory_space<vmem>>, vector<16xi32>,
      %add3A_3596 = arith.constant 100000 : i32
      %add3A_3597 = vector.broadcast %add3A_3596 : i32 to vector<16xi32>
      %add3A_3598 = arith.addi %add3A_3542, %add3A_3597 : vector<16xi32>
      %swap3A_3599 = arith.constant 1 : i32
      %swap3A_3600 = arith.index_cast %swap3A_3599 : i32 to index
      %swap3A_3601 = arith.constant 3888 : index
      %swap3A_3602 = tpu.vector_load %arg12[%swap3A_3600, %swap3A_3601] {strides = array<i32>} : memref<2x4096xi32, #tpu.memory_space<vmem>>, vector<16xi32>,
      tpu.vector_store %arg12[%swap3A_3600, %swap3A_3601], %add3A_3598 {strides = array<i32>} : memref<2x4096xi32, #tpu.memory_space<vmem>>, vector<16xi32>,
      %add3A_3603 = arith.constant 100000 : i32
      %add3A_3604 = vector.broadcast %add3A_3603 : i32 to vector<16xi32>
      %add3A_3605 = arith.addi %add3A_3549, %add3A_3604 : vector<16xi32>
      %swap3A_3606 = arith.constant 1 : i32
      %swap3A_3607 = arith.index_cast %swap3A_3606 : i32 to index
      %swap3A_3608 = arith.constant 3904 : index
      %swap3A_3609 = tpu.vector_load %arg12[%swap3A_3607, %swap3A_3608] {strides = array<i32>} : memref<2x4096xi32, #tpu.memory_space<vmem>>, vector<16xi32>,
      tpu.vector_store %arg12[%swap3A_3607, %swap3A_3608], %add3A_3605 {strides = array<i32>} : memref<2x4096xi32, #tpu.memory_space<vmem>>, vector<16xi32>,
      %add3A_3610 = arith.constant 100000 : i32
      %add3A_3611 = vector.broadcast %add3A_3610 : i32 to vector<16xi32>
      %add3A_3612 = arith.addi %add3A_3556, %add3A_3611 : vector<16xi32>
      %swap3A_3613 = arith.constant 1 : i32
      %swap3A_3614 = arith.index_cast %swap3A_3613 : i32 to index
      %swap3A_3615 = arith.constant 3920 : index
      %swap3A_3616 = tpu.vector_load %arg12[%swap3A_3614, %swap3A_3615] {strides = array<i32>} : memref<2x4096xi32, #tpu.memory_space<vmem>>, vector<16xi32>,
      tpu.vector_store %arg12[%swap3A_3614, %swap3A_3615], %add3A_3612 {strides = array<i32>} : memref<2x4096xi32, #tpu.memory_space<vmem>>, vector<16xi32>,
      %add3A_3617 = arith.constant 100000 : i32
      %add3A_3618 = vector.broadcast %add3A_3617 : i32 to vector<16xi32>
      %add3A_3619 = arith.addi %add3A_3563, %add3A_3618 : vector<16xi32>
      %swap3A_3620 = arith.constant 1 : i32
      %swap3A_3621 = arith.index_cast %swap3A_3620 : i32 to index
      %swap3A_3622 = arith.constant 3936 : index
      %swap3A_3623 = tpu.vector_load %arg12[%swap3A_3621, %swap3A_3622] {strides = array<i32>} : memref<2x4096xi32, #tpu.memory_space<vmem>>, vector<16xi32>,
      tpu.vector_store %arg12[%swap3A_3621, %swap3A_3622], %add3A_3619 {strides = array<i32>} : memref<2x4096xi32, #tpu.memory_space<vmem>>, vector<16xi32>,
      %add3A_3624 = arith.constant 100000 : i32
      %add3A_3625 = vector.broadcast %add3A_3624 : i32 to vector<16xi32>
      %add3A_3626 = arith.addi %add3A_3570, %add3A_3625 : vector<16xi32>
      %swap3A_3627 = arith.constant 1 : i32
      %swap3A_3628 = arith.index_cast %swap3A_3627 : i32 to index
      %swap3A_3629 = arith.constant 3952 : index
      %swap3A_3630 = tpu.vector_load %arg12[%swap3A_3628, %swap3A_3629] {strides = array<i32>} : memref<2x4096xi32, #tpu.memory_space<vmem>>, vector<16xi32>,
      tpu.vector_store %arg12[%swap3A_3628, %swap3A_3629], %add3A_3626 {strides = array<i32>} : memref<2x4096xi32, #tpu.memory_space<vmem>>, vector<16xi32>,
      %add3A_3631 = arith.constant 100000 : i32
      %add3A_3632 = vector.broadcast %add3A_3631 : i32 to vector<16xi32>
      %add3A_3633 = arith.addi %add3A_3577, %add3A_3632 : vector<16xi32>
      %swap3A_3634 = arith.constant 1 : i32
      %swap3A_3635 = arith.index_cast %swap3A_3634 : i32 to index
      %swap3A_3636 = arith.constant 3968 : index
      %swap3A_3637 = tpu.vector_load %arg12[%swap3A_3635, %swap3A_3636] {strides = array<i32>} : memref<2x4096xi32, #tpu.memory_space<vmem>>, vector<16xi32>,
      tpu.vector_store %arg12[%swap3A_3635, %swap3A_3636], %add3A_3633 {strides = array<i32>} : memref<2x4096xi32, #tpu.memory_space<vmem>>, vector<16xi32>,
      %add3A_3638 = arith.constant 100000 : i32
      %add3A_3639 = vector.broadcast %add3A_3638 : i32 to vector<16xi32>
      %add3A_3640 = arith.addi %add3A_3584, %add3A_3639 : vector<16xi32>
      %swap3A_3641 = arith.constant 1 : i32
      %swap3A_3642 = arith.index_cast %swap3A_3641 : i32 to index
      %swap3A_3643 = arith.constant 3984 : index
      %swap3A_3644 = tpu.vector_load %arg12[%swap3A_3642, %swap3A_3643] {strides = array<i32>} : memref<2x4096xi32, #tpu.memory_space<vmem>>, vector<16xi32>,
      tpu.vector_store %arg12[%swap3A_3642, %swap3A_3643], %add3A_3640 {strides = array<i32>} : memref<2x4096xi32, #tpu.memory_space<vmem>>, vector<16xi32>,
      %add3A_3645 = arith.constant 100000 : i32
      %add3A_3646 = vector.broadcast %add3A_3645 : i32 to vector<16xi32>
      %add3A_3647 = arith.addi %add3A_3591, %add3A_3646 : vector<16xi32>
      %swap3A_3648 = arith.constant 1 : i32
      %swap3A_3649 = arith.index_cast %swap3A_3648 : i32 to index
      %swap3A_3650 = arith.constant 4000 : index
      %swap3A_3651 = tpu.vector_load %arg12[%swap3A_3649, %swap3A_3650] {strides = array<i32>} : memref<2x4096xi32, #tpu.memory_space<vmem>>, vector<16xi32>,
      tpu.vector_store %arg12[%swap3A_3649, %swap3A_3650], %add3A_3647 {strides = array<i32>} : memref<2x4096xi32, #tpu.memory_space<vmem>>, vector<16xi32>,
      %add3A_3652 = arith.constant 100000 : i32
      %add3A_3653 = vector.broadcast %add3A_3652 : i32 to vector<16xi32>
      %add3A_3654 = arith.addi %add3A_3598, %add3A_3653 : vector<16xi32>
      %swap3A_3655 = arith.constant 1 : i32
      %swap3A_3656 = arith.index_cast %swap3A_3655 : i32 to index
      %swap3A_3657 = arith.constant 4016 : index
      %swap3A_3658 = tpu.vector_load %arg12[%swap3A_3656, %swap3A_3657] {strides = array<i32>} : memref<2x4096xi32, #tpu.memory_space<vmem>>, vector<16xi32>,
      tpu.vector_store %arg12[%swap3A_3656, %swap3A_3657], %add3A_3654 {strides = array<i32>} : memref<2x4096xi32, #tpu.memory_space<vmem>>, vector<16xi32>,
      %add3A_3659 = arith.constant 100000 : i32
      %add3A_3660 = vector.broadcast %add3A_3659 : i32 to vector<16xi32>
      %add3A_3661 = arith.addi %add3A_3605, %add3A_3660 : vector<16xi32>
      %swap3A_3662 = arith.constant 1 : i32
      %swap3A_3663 = arith.index_cast %swap3A_3662 : i32 to index
      %swap3A_3664 = arith.constant 4032 : index
      %swap3A_3665 = tpu.vector_load %arg12[%swap3A_3663, %swap3A_3664] {strides = array<i32>} : memref<2x4096xi32, #tpu.memory_space<vmem>>, vector<16xi32>,
      tpu.vector_store %arg12[%swap3A_3663, %swap3A_3664], %add3A_3661 {strides = array<i32>} : memref<2x4096xi32, #tpu.memory_space<vmem>>, vector<16xi32>,
      %add3A_3666 = arith.constant 100000 : i32
      %add3A_3667 = vector.broadcast %add3A_3666 : i32 to vector<16xi32>
      %add3A_3668 = arith.addi %add3A_3612, %add3A_3667 : vector<16xi32>
      %swap3A_3669 = arith.constant 1 : i32
      %swap3A_3670 = arith.index_cast %swap3A_3669 : i32 to index
      %swap3A_3671 = arith.constant 4048 : index
      %swap3A_3672 = tpu.vector_load %arg12[%swap3A_3670, %swap3A_3671] {strides = array<i32>} : memref<2x4096xi32, #tpu.memory_space<vmem>>, vector<16xi32>,
      tpu.vector_store %arg12[%swap3A_3670, %swap3A_3671], %add3A_3668 {strides = array<i32>} : memref<2x4096xi32, #tpu.memory_space<vmem>>, vector<16xi32>,
      %add3A_3673 = arith.constant 100000 : i32
      %add3A_3674 = vector.broadcast %add3A_3673 : i32 to vector<16xi32>
      %add3A_3675 = arith.addi %add3A_3619, %add3A_3674 : vector<16xi32>
      %swap3A_3676 = arith.constant 1 : i32
      %swap3A_3677 = arith.index_cast %swap3A_3676 : i32 to index
      %swap3A_3678 = arith.constant 4064 : index
      %swap3A_3679 = tpu.vector_load %arg12[%swap3A_3677, %swap3A_3678] {strides = array<i32>} : memref<2x4096xi32, #tpu.memory_space<vmem>>, vector<16xi32>,
      tpu.vector_store %arg12[%swap3A_3677, %swap3A_3678], %add3A_3675 {strides = array<i32>} : memref<2x4096xi32, #tpu.memory_space<vmem>>, vector<16xi32>,
      %add3A_3680 = arith.constant 100000 : i32
      %add3A_3681 = vector.broadcast %add3A_3680 : i32 to vector<16xi32>
      %add3A_3682 = arith.addi %add3A_3626, %add3A_3681 : vector<16xi32>
      %swap3A_3683 = arith.constant 1 : i32
      %swap3A_3684 = arith.index_cast %swap3A_3683 : i32 to index
      %swap3A_3685 = arith.constant 4080 : index
      %swap3A_3686 = tpu.vector_load %arg12[%swap3A_3684, %swap3A_3685] {strides = array<i32>} : memref<2x4096xi32, #tpu.memory_space<vmem>>, vector<16xi32>,
      tpu.vector_store %arg12[%swap3A_3684, %swap3A_3685], %add3A_3682 {strides = array<i32>} : memref<2x4096xi32, #tpu.memory_space<vmem>>, vector<16xi32>,
      %dma_start3A_3687 = arith.constant 1 : i32
      %dma_start3A_3688 = arith.constant 1 : i32
      %dma_start3A_3689 = arith.constant 1 : i32
      %dma_start3A_3690 = arith.constant 0 : i32
      %dma_start3A_3691 = tpu.memref_slice %arg13[%dma_start3A_3688, %dma_start3A_3690] : memref<2x4096xf32, #tpu.memory_space<vmem>> -> memref<1x4096xf32, #tpu.memory_space<vmem>>
      %dma_start3A_3692 = tpu.memref_squeeze %dma_start3A_3691 : memref<1x4096xf32, #tpu.memory_space<vmem>> -> memref<4096xf32, #tpu.memory_space<vmem>>
      %dma_start3A_3693 = arith.constant 0 : i32
      %dma_start3A_3694 = tpu.memref_slice %arg12[%dma_start3A_3687, %dma_start3A_3693] : memref<2x4096xi32, #tpu.memory_space<vmem>> -> memref<1x4096xi32, #tpu.memory_space<vmem>>
      %dma_start3A_3695 = tpu.memref_squeeze %dma_start3A_3694 : memref<1x4096xi32, #tpu.memory_space<vmem>> -> memref<4096xi32, #tpu.memory_space<vmem>>
      %dma_start3A_3696 = arith.constant 0 : i32
      %dma_start3A_3697 = tpu.memref_slice %arg5[%dma_start3A_3696] : memref<83200000xf32, #tpu.memory_space<hbm>> -> memref<83200000xf32, #tpu.memory_space<hbm>>
      %dma_start3A_3698 = tpu.memref_slice %arg16[%dma_start3A_3689] : memref<2x!tpu.dma_semaphore, #tpu.memory_space<semaphore_mem>> -> memref<1x!tpu.dma_semaphore, #tpu.memory_space<semaphore_mem>>
      %dma_start3A_3699 = tpu.memref_squeeze %dma_start3A_3698 : memref<1x!tpu.dma_semaphore, #tpu.memory_space<semaphore_mem>> -> memref<!tpu.dma_semaphore, #tpu.memory_space<semaphore_mem>>
      tpu.enqueue_indirect_dma source(%dma_start3A_3697 : memref<83200000xf32, #tpu.memory_space<hbm>>) target(%dma_start3A_3692 : memref<4096xf32, #tpu.memory_space<vmem>>) offsets(%dma_start3A_3695 : memref<4096xi32, #tpu.memory_space<vmem>>) semaphore(%dma_start3A_3699 : memref<!tpu.dma_semaphore, #tpu.memory_space<semaphore_mem>>)
      %dma_start3A_3700 = arith.constant 1 : i32
      %dma_start3A_3701 = arith.constant 1 : i32
      %dma_start3A_3702 = arith.constant 0 : i32
      %dma_start3A_3703 = arith.constant 0 : i32
      %dma_start3A_3704 = tpu.memref_slice %arg14[%dma_start3A_3700, %dma_start3A_3702, %dma_start3A_3703] : memref<2x128x32xf32, #tpu.memory_space<vmem>> -> memref<1x128x32xf32, #tpu.memory_space<vmem>>
      %dma_start3A_3705 = tpu.memref_squeeze %dma_start3A_3704 : memref<1x128x32xf32, #tpu.memory_space<vmem>> -> memref<128x32xf32, #tpu.memory_space<vmem>>
      %dma_start3A_3706 = arith.constant 0 : i32
      %dma_start3A_3707 = tpu.memref_slice %arg10[%add3A_10, %dma_start3A_3706] : memref<26x128xi32, #tpu.memory_space<vmem>> -> memref<1x128xi32, #tpu.memory_space<vmem>>
      %dma_start3A_3708 = tpu.memref_squeeze %dma_start3A_3707 : memref<1x128xi32, #tpu.memory_space<vmem>> -> memref<128xi32, #tpu.memory_space<vmem>>
      %dma_start3A_3709 = arith.constant 0 : i32
      %dma_start3A_3710 = arith.constant 0 : i32
      %dma_start3A_3711 = tpu.memref_slice %arg6[%add3A_10, %dma_start3A_3709, %dma_start3A_3710] : memref<26x3125x32xf32, #tpu.memory_space<hbm>> -> memref<1x3125x32xf32, #tpu.memory_space<hbm>>
      %dma_start3A_3712 = tpu.memref_squeeze %dma_start3A_3711 : memref<1x3125x32xf32, #tpu.memory_space<hbm>> -> memref<3125x32xf32, #tpu.memory_space<hbm>>
      %dma_start3A_3713 = arith.constant 0 : i32
      %dma_start3A_3714 = arith.constant 0 : i32
      %dma_start3A_3715 = tpu.memref_slice %dma_start3A_3712[%dma_start3A_3713, %dma_start3A_3714] : memref<3125x32xf32, #tpu.memory_space<hbm>> -> memref<3125x32xf32, #tpu.memory_space<hbm>>
      %dma_start3A_3716 = tpu.memref_slice %arg17[%dma_start3A_3701] : memref<2x!tpu.dma_semaphore, #tpu.memory_space<semaphore_mem>> -> memref<1x!tpu.dma_semaphore, #tpu.memory_space<semaphore_mem>>
      %dma_start3A_3717 = tpu.memref_squeeze %dma_start3A_3716 : memref<1x!tpu.dma_semaphore, #tpu.memory_space<semaphore_mem>> -> memref<!tpu.dma_semaphore, #tpu.memory_space<semaphore_mem>>
      tpu.enqueue_indirect_dma source(%dma_start3A_3715 : memref<3125x32xf32, #tpu.memory_space<hbm>>) target(%dma_start3A_3705 : memref<128x32xf32, #tpu.memory_space<vmem>>) offsets(%dma_start3A_3708 : memref<128xi32, #tpu.memory_space<vmem>>) semaphore(%dma_start3A_3717 : memref<!tpu.dma_semaphore, #tpu.memory_space<semaphore_mem>>)
      %dma_wait3A = arith.constant 0 : i32
      %dma_wait3A_3718 = arith.constant 0 : i32
      %dma_wait3A_3719 = arith.constant 0 : i32
      %dma_wait3A_3720 = arith.constant 0 : i32
      %dma_wait3A_3721 = tpu.memref_slice %arg13[%dma_wait3A_3718, %dma_wait3A_3720] : memref<2x4096xf32, #tpu.memory_space<vmem>> -> memref<1x4096xf32, #tpu.memory_space<vmem>>
      %dma_wait3A_3722 = tpu.memref_squeeze %dma_wait3A_3721 : memref<1x4096xf32, #tpu.memory_space<vmem>> -> memref<4096xf32, #tpu.memory_space<vmem>>
      %dma_wait3A_3723 = arith.constant 0 : i32
      %dma_wait3A_3724 = tpu.memref_slice %arg12[%dma_wait3A, %dma_wait3A_3723] : memref<2x4096xi32, #tpu.memory_space<vmem>> -> memref<1x4096xi32, #tpu.memory_space<vmem>>
      %dma_wait3A_3725 = tpu.memref_squeeze %dma_wait3A_3724 : memref<1x4096xi32, #tpu.memory_space<vmem>> -> memref<4096xi32, #tpu.memory_space<vmem>>
      %dma_wait3A_3726 = arith.constant 0 : i32
      %dma_wait3A_3727 = tpu.memref_slice %arg5[%dma_wait3A_3726] : memref<83200000xf32, #tpu.memory_space<hbm>> -> memref<83200000xf32, #tpu.memory_space<hbm>>
      %dma_wait3A_3728 = tpu.memref_slice %arg16[%dma_wait3A_3719] : memref<2x!tpu.dma_semaphore, #tpu.memory_space<semaphore_mem>> -> memref<1x!tpu.dma_semaphore, #tpu.memory_space<semaphore_mem>>
      %dma_wait3A_3729 = tpu.memref_squeeze %dma_wait3A_3728 : memref<1x!tpu.dma_semaphore, #tpu.memory_space<semaphore_mem>> -> memref<!tpu.dma_semaphore, #tpu.memory_space<semaphore_mem>>
      tpu.wait_indirect_dma semaphore(%dma_wait3A_3729 : memref<!tpu.dma_semaphore, #tpu.memory_space<semaphore_mem>>) src(%dma_wait3A_3727 : memref<83200000xf32, #tpu.memory_space<hbm>>) dst(%dma_wait3A_3722 : memref<4096xf32, #tpu.memory_space<vmem>>)
      %run_scoped3A = arith.constant 0 : i32
      "tpu.region"() ({
        %run_scoped3A_4082 = tpu.sem_alloc : memref<!tpu.dma_semaphore, #tpu.memory_space<semaphore_mem>>
        %dma_start3A_4083 = arith.constant 0 : i32
        %dma_start3A_4084 = tpu.memref_slice %arg13[%run_scoped3A, %dma_start3A_4083] : memref<2x4096xf32, #tpu.memory_space<vmem>> -> memref<1x4096xf32, #tpu.memory_space<vmem>>
        %dma_start3A_4085 = tpu.memref_squeeze %dma_start3A_4084 : memref<1x4096xf32, #tpu.memory_space<vmem>> -> memref<4096xf32, #tpu.memory_space<vmem>>
        %dma_start3A_4086 = arith.constant 0 : i32
        %dma_start3A_4087 = tpu.memref_slice %arg7[%mul3A_8, %add3A, %dma_start3A_4086] : memref<26x32x4096xf32, #tpu.memory_space<hbm>> -> memref<1x1x4096xf32, #tpu.memory_space<hbm>>
        %dma_start3A_4088 = tpu.memref_squeeze %dma_start3A_4087 : memref<1x1x4096xf32, #tpu.memory_space<hbm>> -> memref<4096xf32, #tpu.memory_space<hbm>>
        %dma_start3A_4089 = arith.constant 0 : i32
        %dma_start3A_4090 = tpu.memref_slice %arg7[%mul3A_8, %add3A, %dma_start3A_4089] : memref<26x32x4096xf32, #tpu.memory_space<hbm>> -> memref<1x1x4096xf32, #tpu.memory_space<hbm>>
        %dma_start3A_4091 = tpu.memref_squeeze %dma_start3A_4090 : memref<1x1x4096xf32, #tpu.memory_space<hbm>> -> memref<4096xf32, #tpu.memory_space<hbm>>
        %dma_start3A_4092 = arith.constant 0 : i32
        %dma_start3A_4093 = tpu.memref_slice %arg13[%run_scoped3A, %dma_start3A_4092] : memref<2x4096xf32, #tpu.memory_space<vmem>> -> memref<1x4096xf32, #tpu.memory_space<vmem>>
        %dma_start3A_4094 = tpu.memref_squeeze %dma_start3A_4093 : memref<1x4096xf32, #tpu.memory_space<vmem>> -> memref<4096xf32, #tpu.memory_space<vmem>>
        tpu.enqueue_dma source(%dma_start3A_4094 : memref<4096xf32, #tpu.memory_space<vmem>>) target(%dma_start3A_4091 : memref<4096xf32, #tpu.memory_space<hbm>>) target_semaphore(%run_scoped3A_4082 : memref<!tpu.dma_semaphore, #tpu.memory_space<semaphore_mem>>)
        %dma_wait3A_4095 = arith.constant 0 : i32
        %dma_wait3A_4096 = tpu.memref_slice %arg13[%run_scoped3A, %dma_wait3A_4095] : memref<2x4096xf32, #tpu.memory_space<vmem>> -> memref<1x4096xf32, #tpu.memory_space<vmem>>
        %dma_wait3A_4097 = tpu.memref_squeeze %dma_wait3A_4096 : memref<1x4096xf32, #tpu.memory_space<vmem>> -> memref<4096xf32, #tpu.memory_space<vmem>>
        %dma_wait3A_4098 = arith.constant 0 : i32
        %dma_wait3A_4099 = tpu.memref_slice %arg7[%mul3A_8, %add3A, %dma_wait3A_4098] : memref<26x32x4096xf32, #tpu.memory_space<hbm>> -> memref<1x1x4096xf32, #tpu.memory_space<hbm>>
        %dma_wait3A_4100 = tpu.memref_squeeze %dma_wait3A_4099 : memref<1x1x4096xf32, #tpu.memory_space<hbm>> -> memref<4096xf32, #tpu.memory_space<hbm>>
        %dma_wait3A_4101 = arith.constant 0 : i32
        %dma_wait3A_4102 = tpu.memref_slice %arg7[%mul3A_8, %add3A, %dma_wait3A_4101] : memref<26x32x4096xf32, #tpu.memory_space<hbm>> -> memref<1x1x4096xf32, #tpu.memory_space<hbm>>
        %dma_wait3A_4103 = tpu.memref_squeeze %dma_wait3A_4102 : memref<1x1x4096xf32, #tpu.memory_space<hbm>> -> memref<4096xf32, #tpu.memory_space<hbm>>
        %dma_wait3A_4104 = arith.constant 0 : i32
        %dma_wait3A_4105 = tpu.memref_slice %arg13[%run_scoped3A, %dma_wait3A_4104] : memref<2x4096xf32, #tpu.memory_space<vmem>> -> memref<1x4096xf32, #tpu.memory_space<vmem>>
        %dma_wait3A_4106 = tpu.memref_squeeze %dma_wait3A_4105 : memref<1x4096xf32, #tpu.memory_space<vmem>> -> memref<4096xf32, #tpu.memory_space<vmem>>
        tpu.wait_dma2 semaphore(%run_scoped3A_4082 : memref<!tpu.dma_semaphore, #tpu.memory_space<semaphore_mem>>) src(%dma_wait3A_4106 : memref<4096xf32, #tpu.memory_space<vmem>>) dst(%dma_wait3A_4103 : memref<4096xf32, #tpu.memory_space<hbm>>)
        tpu.yield
      }) : () -> ()
      %dma_wait3A_3730 = arith.constant 0 : i32
      %dma_wait3A_3731 = arith.constant 0 : i32
      %dma_wait3A_3732 = arith.constant 0 : i32
      %dma_wait3A_3733 = arith.constant 0 : i32
      %dma_wait3A_3734 = tpu.memref_slice %arg14[%dma_wait3A_3730, %dma_wait3A_3732, %dma_wait3A_3733] : memref<2x128x32xf32, #tpu.memory_space<vmem>> -> memref<1x128x32xf32, #tpu.memory_space<vmem>>
      %dma_wait3A_3735 = tpu.memref_squeeze %dma_wait3A_3734 : memref<1x128x32xf32, #tpu.memory_space<vmem>> -> memref<128x32xf32, #tpu.memory_space<vmem>>
      %dma_wait3A_3736 = arith.constant 0 : i32
      %dma_wait3A_3737 = tpu.memref_slice %arg10[%mul3A_8, %dma_wait3A_3736] : memref<26x128xi32, #tpu.memory_space<vmem>> -> memref<1x128xi32, #tpu.memory_space<vmem>>
      %dma_wait3A_3738 = tpu.memref_squeeze %dma_wait3A_3737 : memref<1x128xi32, #tpu.memory_space<vmem>> -> memref<128xi32, #tpu.memory_space<vmem>>
      %dma_wait3A_3739 = arith.constant 0 : i32
      %dma_wait3A_3740 = arith.constant 0 : i32
      %dma_wait3A_3741 = tpu.memref_slice %arg6[%mul3A_8, %dma_wait3A_3739, %dma_wait3A_3740] : memref<26x3125x32xf32, #tpu.memory_space<hbm>> -> memref<1x3125x32xf32, #tpu.memory_space<hbm>>
      %dma_wait3A_3742 = tpu.memref_squeeze %dma_wait3A_3741 : memref<1x3125x32xf32, #tpu.memory_space<hbm>> -> memref<3125x32xf32, #tpu.memory_space<hbm>>
      %dma_wait3A_3743 = arith.constant 0 : i32
      %dma_wait3A_3744 = arith.constant 0 : i32
      %dma_wait3A_3745 = tpu.memref_slice %dma_wait3A_3742[%dma_wait3A_3743, %dma_wait3A_3744] : memref<3125x32xf32, #tpu.memory_space<hbm>> -> memref<3125x32xf32, #tpu.memory_space<hbm>>
      %dma_wait3A_3746 = tpu.memref_slice %arg17[%dma_wait3A_3731] : memref<2x!tpu.dma_semaphore, #tpu.memory_space<semaphore_mem>> -> memref<1x!tpu.dma_semaphore, #tpu.memory_space<semaphore_mem>>
      %dma_wait3A_3747 = tpu.memref_squeeze %dma_wait3A_3746 : memref<1x!tpu.dma_semaphore, #tpu.memory_space<semaphore_mem>> -> memref<!tpu.dma_semaphore, #tpu.memory_space<semaphore_mem>>
      tpu.wait_indirect_dma semaphore(%dma_wait3A_3747 : memref<!tpu.dma_semaphore, #tpu.memory_space<semaphore_mem>>) src(%dma_wait3A_3745 : memref<3125x32xf32, #tpu.memory_space<hbm>>) dst(%dma_wait3A_3735 : memref<128x32xf32, #tpu.memory_space<vmem>>)
      %iota3A = tpu.iota {dimensions = array<i32: 0>} : vector<16xi32>
      %add3A_3748 = arith.constant 0 : i32
      %add3A_3749 = vector.broadcast %add3A_3748 : i32 to vector<16xi32>
      %add3A_3750 = arith.addi %iota3A, %add3A_3749 : vector<16xi32>
      %get3A_3751 = arith.index_cast %mul3A_8 : i32 to index
      %get3A_3752 = arith.constant 0 : index
      %get3A_3753 = tpu.vector_load %arg11[%get3A_3751, %get3A_3752] {strides = array<i32>} : memref<26x128xi32, #tpu.memory_space<vmem>>, vector<16xi32>,
      %gather3A = arith.constant 0 : i32
      %gather3A_3754 = arith.constant 0 : i32
      %gather3A_3755 = arith.constant 0 : i32
      %gather3A_3756 = tpu.memref_slice %arg14[%gather3A, %gather3A_3754, %gather3A_3755] : memref<2x128x32xf32, #tpu.memory_space<vmem>> -> memref<1x128x32xf32, #tpu.memory_space<vmem>>
      %gather3A_3757 = tpu.memref_squeeze %gather3A_3756 : memref<1x128x32xf32, #tpu.memory_space<vmem>> -> memref<128x32xf32, #tpu.memory_space<vmem>>
      %gather3A_3758 = tpu.vector_load_idx %gather3A_3757[%add3A_3750, %get3A_3753] : memref<128x32xf32, #tpu.memory_space<vmem>>[vector<16xi32>, vector<16xi32>], vector<16xf32>,
      %mul3A_3759 = arith.constant 128 : i32
      %mul3A_3760 = arith.muli %mul3A_8, %mul3A_3759 : i32
      %add3A_3761 = arith.constant 0 : i32
      %add3A_3762 = arith.addi %mul3A_3760, %add3A_3761 : i32
      %swap3A_3763 = arith.index_cast %add3A_3762 : i32 to index
      %swap3A_3764 = tpu.vector_load %arg15[%swap3A_3763] {strides = array<i32>} : memref<3328xf32, #tpu.memory_space<vmem>>, vector<16xf32>,
      tpu.vector_store %arg15[%swap3A_3763], %gather3A_3758 {strides = array<i32>} : memref<3328xf32, #tpu.memory_space<vmem>>, vector<16xf32>,
      %iota3A_3765 = tpu.iota {dimensions = array<i32: 0>} : vector<16xi32>
      %add3A_3766 = arith.constant 16 : i32
      %add3A_3767 = vector.broadcast %add3A_3766 : i32 to vector<16xi32>
      %add3A_3768 = arith.addi %iota3A_3765, %add3A_3767 : vector<16xi32>
      %get3A_3769 = arith.index_cast %mul3A_8 : i32 to index
      %get3A_3770 = arith.constant 16 : index
      %get3A_3771 = tpu.vector_load %arg11[%get3A_3769, %get3A_3770] {strides = array<i32>} : memref<26x128xi32, #tpu.memory_space<vmem>>, vector<16xi32>,
      %gather3A_3772 = arith.constant 0 : i32
      %gather3A_3773 = arith.constant 0 : i32
      %gather3A_3774 = arith.constant 0 : i32
      %gather3A_3775 = tpu.memref_slice %arg14[%gather3A_3772, %gather3A_3773, %gather3A_3774] : memref<2x128x32xf32, #tpu.memory_space<vmem>> -> memref<1x128x32xf32, #tpu.memory_space<vmem>>
      %gather3A_3776 = tpu.memref_squeeze %gather3A_3775 : memref<1x128x32xf32, #tpu.memory_space<vmem>> -> memref<128x32xf32, #tpu.memory_space<vmem>>
      %gather3A_3777 = tpu.vector_load_idx %gather3A_3776[%add3A_3768, %get3A_3771] : memref<128x32xf32, #tpu.memory_space<vmem>>[vector<16xi32>, vector<16xi32>], vector<16xf32>,
      %mul3A_3778 = arith.constant 128 : i32
      %mul3A_3779 = arith.muli %mul3A_8, %mul3A_3778 : i32
      %add3A_3780 = arith.constant 16 : i32
      %add3A_3781 = arith.addi %mul3A_3779, %add3A_3780 : i32
      %swap3A_3782 = arith.index_cast %add3A_3781 : i32 to index
      %swap3A_3783 = tpu.vector_load %arg15[%swap3A_3782] {strides = array<i32>} : memref<3328xf32, #tpu.memory_space<vmem>>, vector<16xf32>,
      tpu.vector_store %arg15[%swap3A_3782], %gather3A_3777 {strides = array<i32>} : memref<3328xf32, #tpu.memory_space<vmem>>, vector<16xf32>,
      %iota3A_3784 = tpu.iota {dimensions = array<i32: 0>} : vector<16xi32>
      %add3A_3785 = arith.constant 32 : i32
      %add3A_3786 = vector.broadcast %add3A_3785 : i32 to vector<16xi32>
      %add3A_3787 = arith.addi %iota3A_3784, %add3A_3786 : vector<16xi32>
      %get3A_3788 = arith.index_cast %mul3A_8 : i32 to index
      %get3A_3789 = arith.constant 32 : index
      %get3A_3790 = tpu.vector_load %arg11[%get3A_3788, %get3A_3789] {strides = array<i32>} : memref<26x128xi32, #tpu.memory_space<vmem>>, vector<16xi32>,
      %gather3A_3791 = arith.constant 0 : i32
      %gather3A_3792 = arith.constant 0 : i32
      %gather3A_3793 = arith.constant 0 : i32
      %gather3A_3794 = tpu.memref_slice %arg14[%gather3A_3791, %gather3A_3792, %gather3A_3793] : memref<2x128x32xf32, #tpu.memory_space<vmem>> -> memref<1x128x32xf32, #tpu.memory_space<vmem>>
      %gather3A_3795 = tpu.memref_squeeze %gather3A_3794 : memref<1x128x32xf32, #tpu.memory_space<vmem>> -> memref<128x32xf32, #tpu.memory_space<vmem>>
      %gather3A_3796 = tpu.vector_load_idx %gather3A_3795[%add3A_3787, %get3A_3790] : memref<128x32xf32, #tpu.memory_space<vmem>>[vector<16xi32>, vector<16xi32>], vector<16xf32>,
      %mul3A_3797 = arith.constant 128 : i32
      %mul3A_3798 = arith.muli %mul3A_8, %mul3A_3797 : i32
      %add3A_3799 = arith.constant 32 : i32
      %add3A_3800 = arith.addi %mul3A_3798, %add3A_3799 : i32
      %swap3A_3801 = arith.index_cast %add3A_3800 : i32 to index
      %swap3A_3802 = tpu.vector_load %arg15[%swap3A_3801] {strides = array<i32>} : memref<3328xf32, #tpu.memory_space<vmem>>, vector<16xf32>,
      tpu.vector_store %arg15[%swap3A_3801], %gather3A_3796 {strides = array<i32>} : memref<3328xf32, #tpu.memory_space<vmem>>, vector<16xf32>,
      %iota3A_3803 = tpu.iota {dimensions = array<i32: 0>} : vector<16xi32>
      %add3A_3804 = arith.constant 48 : i32
      %add3A_3805 = vector.broadcast %add3A_3804 : i32 to vector<16xi32>
      %add3A_3806 = arith.addi %iota3A_3803, %add3A_3805 : vector<16xi32>
      %get3A_3807 = arith.index_cast %mul3A_8 : i32 to index
      %get3A_3808 = arith.constant 48 : index
      %get3A_3809 = tpu.vector_load %arg11[%get3A_3807, %get3A_3808] {strides = array<i32>} : memref<26x128xi32, #tpu.memory_space<vmem>>, vector<16xi32>,
      %gather3A_3810 = arith.constant 0 : i32
      %gather3A_3811 = arith.constant 0 : i32
      %gather3A_3812 = arith.constant 0 : i32
      %gather3A_3813 = tpu.memref_slice %arg14[%gather3A_3810, %gather3A_3811, %gather3A_3812] : memref<2x128x32xf32, #tpu.memory_space<vmem>> -> memref<1x128x32xf32, #tpu.memory_space<vmem>>
      %gather3A_3814 = tpu.memref_squeeze %gather3A_3813 : memref<1x128x32xf32, #tpu.memory_space<vmem>> -> memref<128x32xf32, #tpu.memory_space<vmem>>
      %gather3A_3815 = tpu.vector_load_idx %gather3A_3814[%add3A_3806, %get3A_3809] : memref<128x32xf32, #tpu.memory_space<vmem>>[vector<16xi32>, vector<16xi32>], vector<16xf32>,
      %mul3A_3816 = arith.constant 128 : i32
      %mul3A_3817 = arith.muli %mul3A_8, %mul3A_3816 : i32
      %add3A_3818 = arith.constant 48 : i32
      %add3A_3819 = arith.addi %mul3A_3817, %add3A_3818 : i32
      %swap3A_3820 = arith.index_cast %add3A_3819 : i32 to index
      %swap3A_3821 = tpu.vector_load %arg15[%swap3A_3820] {strides = array<i32>} : memref<3328xf32, #tpu.memory_space<vmem>>, vector<16xf32>,
      tpu.vector_store %arg15[%swap3A_3820], %gather3A_3815 {strides = array<i32>} : memref<3328xf32, #tpu.memory_space<vmem>>, vector<16xf32>,
      %iota3A_3822 = tpu.iota {dimensions = array<i32: 0>} : vector<16xi32>
      %add3A_3823 = arith.constant 64 : i32
      %add3A_3824 = vector.broadcast %add3A_3823 : i32 to vector<16xi32>
      %add3A_3825 = arith.addi %iota3A_3822, %add3A_3824 : vector<16xi32>
      %get3A_3826 = arith.index_cast %mul3A_8 : i32 to index
      %get3A_3827 = arith.constant 64 : index
      %get3A_3828 = tpu.vector_load %arg11[%get3A_3826, %get3A_3827] {strides = array<i32>} : memref<26x128xi32, #tpu.memory_space<vmem>>, vector<16xi32>,
      %gather3A_3829 = arith.constant 0 : i32
      %gather3A_3830 = arith.constant 0 : i32
      %gather3A_3831 = arith.constant 0 : i32
      %gather3A_3832 = tpu.memref_slice %arg14[%gather3A_3829, %gather3A_3830, %gather3A_3831] : memref<2x128x32xf32, #tpu.memory_space<vmem>> -> memref<1x128x32xf32, #tpu.memory_space<vmem>>
      %gather3A_3833 = tpu.memref_squeeze %gather3A_3832 : memref<1x128x32xf32, #tpu.memory_space<vmem>> -> memref<128x32xf32, #tpu.memory_space<vmem>>
      %gather3A_3834 = tpu.vector_load_idx %gather3A_3833[%add3A_3825, %get3A_3828] : memref<128x32xf32, #tpu.memory_space<vmem>>[vector<16xi32>, vector<16xi32>], vector<16xf32>,
      %mul3A_3835 = arith.constant 128 : i32
      %mul3A_3836 = arith.muli %mul3A_8, %mul3A_3835 : i32
      %add3A_3837 = arith.constant 64 : i32
      %add3A_3838 = arith.addi %mul3A_3836, %add3A_3837 : i32
      %swap3A_3839 = arith.index_cast %add3A_3838 : i32 to index
      %swap3A_3840 = tpu.vector_load %arg15[%swap3A_3839] {strides = array<i32>} : memref<3328xf32, #tpu.memory_space<vmem>>, vector<16xf32>,
      tpu.vector_store %arg15[%swap3A_3839], %gather3A_3834 {strides = array<i32>} : memref<3328xf32, #tpu.memory_space<vmem>>, vector<16xf32>,
      %iota3A_3841 = tpu.iota {dimensions = array<i32: 0>} : vector<16xi32>
      %add3A_3842 = arith.constant 80 : i32
      %add3A_3843 = vector.broadcast %add3A_3842 : i32 to vector<16xi32>
      %add3A_3844 = arith.addi %iota3A_3841, %add3A_3843 : vector<16xi32>
      %get3A_3845 = arith.index_cast %mul3A_8 : i32 to index
      %get3A_3846 = arith.constant 80 : index
      %get3A_3847 = tpu.vector_load %arg11[%get3A_3845, %get3A_3846] {strides = array<i32>} : memref<26x128xi32, #tpu.memory_space<vmem>>, vector<16xi32>,
      %gather3A_3848 = arith.constant 0 : i32
      %gather3A_3849 = arith.constant 0 : i32
      %gather3A_3850 = arith.constant 0 : i32
      %gather3A_3851 = tpu.memref_slice %arg14[%gather3A_3848, %gather3A_3849, %gather3A_3850] : memref<2x128x32xf32, #tpu.memory_space<vmem>> -> memref<1x128x32xf32, #tpu.memory_space<vmem>>
      %gather3A_3852 = tpu.memref_squeeze %gather3A_3851 : memref<1x128x32xf32, #tpu.memory_space<vmem>> -> memref<128x32xf32, #tpu.memory_space<vmem>>
      %gather3A_3853 = tpu.vector_load_idx %gather3A_3852[%add3A_3844, %get3A_3847] : memref<128x32xf32, #tpu.memory_space<vmem>>[vector<16xi32>, vector<16xi32>], vector<16xf32>,
      %mul3A_3854 = arith.constant 128 : i32
      %mul3A_3855 = arith.muli %mul3A_8, %mul3A_3854 : i32
      %add3A_3856 = arith.constant 80 : i32
      %add3A_3857 = arith.addi %mul3A_3855, %add3A_3856 : i32
      %swap3A_3858 = arith.index_cast %add3A_3857 : i32 to index
      %swap3A_3859 = tpu.vector_load %arg15[%swap3A_3858] {strides = array<i32>} : memref<3328xf32, #tpu.memory_space<vmem>>, vector<16xf32>,
      tpu.vector_store %arg15[%swap3A_3858], %gather3A_3853 {strides = array<i32>} : memref<3328xf32, #tpu.memory_space<vmem>>, vector<16xf32>,
      %iota3A_3860 = tpu.iota {dimensions = array<i32: 0>} : vector<16xi32>
      %add3A_3861 = arith.constant 96 : i32
      %add3A_3862 = vector.broadcast %add3A_3861 : i32 to vector<16xi32>
      %add3A_3863 = arith.addi %iota3A_3860, %add3A_3862 : vector<16xi32>
      %get3A_3864 = arith.index_cast %mul3A_8 : i32 to index
      %get3A_3865 = arith.constant 96 : index
      %get3A_3866 = tpu.vector_load %arg11[%get3A_3864, %get3A_3865] {strides = array<i32>} : memref<26x128xi32, #tpu.memory_space<vmem>>, vector<16xi32>,
      %gather3A_3867 = arith.constant 0 : i32
      %gather3A_3868 = arith.constant 0 : i32
      %gather3A_3869 = arith.constant 0 : i32
      %gather3A_3870 = tpu.memref_slice %arg14[%gather3A_3867, %gather3A_3868, %gather3A_3869] : memref<2x128x32xf32, #tpu.memory_space<vmem>> -> memref<1x128x32xf32, #tpu.memory_space<vmem>>
      %gather3A_3871 = tpu.memref_squeeze %gather3A_3870 : memref<1x128x32xf32, #tpu.memory_space<vmem>> -> memref<128x32xf32, #tpu.memory_space<vmem>>
      %gather3A_3872 = tpu.vector_load_idx %gather3A_3871[%add3A_3863, %get3A_3866] : memref<128x32xf32, #tpu.memory_space<vmem>>[vector<16xi32>, vector<16xi32>], vector<16xf32>,
      %mul3A_3873 = arith.constant 128 : i32
      %mul3A_3874 = arith.muli %mul3A_8, %mul3A_3873 : i32
      %add3A_3875 = arith.constant 96 : i32
      %add3A_3876 = arith.addi %mul3A_3874, %add3A_3875 : i32
      %swap3A_3877 = arith.index_cast %add3A_3876 : i32 to index
      %swap3A_3878 = tpu.vector_load %arg15[%swap3A_3877] {strides = array<i32>} : memref<3328xf32, #tpu.memory_space<vmem>>, vector<16xf32>,
      tpu.vector_store %arg15[%swap3A_3877], %gather3A_3872 {strides = array<i32>} : memref<3328xf32, #tpu.memory_space<vmem>>, vector<16xf32>,
      %iota3A_3879 = tpu.iota {dimensions = array<i32: 0>} : vector<16xi32>
      %add3A_3880 = arith.constant 112 : i32
      %add3A_3881 = vector.broadcast %add3A_3880 : i32 to vector<16xi32>
      %add3A_3882 = arith.addi %iota3A_3879, %add3A_3881 : vector<16xi32>
      %get3A_3883 = arith.index_cast %mul3A_8 : i32 to index
      %get3A_3884 = arith.constant 112 : index
      %get3A_3885 = tpu.vector_load %arg11[%get3A_3883, %get3A_3884] {strides = array<i32>} : memref<26x128xi32, #tpu.memory_space<vmem>>, vector<16xi32>,
      %gather3A_3886 = arith.constant 0 : i32
      %gather3A_3887 = arith.constant 0 : i32
      %gather3A_3888 = arith.constant 0 : i32
      %gather3A_3889 = tpu.memref_slice %arg14[%gather3A_3886, %gather3A_3887, %gather3A_3888] : memref<2x128x32xf32, #tpu.memory_space<vmem>> -> memref<1x128x32xf32, #tpu.memory_space<vmem>>
      %gather3A_3890 = tpu.memref_squeeze %gather3A_3889 : memref<1x128x32xf32, #tpu.memory_space<vmem>> -> memref<128x32xf32, #tpu.memory_space<vmem>>
      %gather3A_3891 = tpu.vector_load_idx %gather3A_3890[%add3A_3882, %get3A_3885] : memref<128x32xf32, #tpu.memory_space<vmem>>[vector<16xi32>, vector<16xi32>], vector<16xf32>,
      %mul3A_3892 = arith.constant 128 : i32
      %mul3A_3893 = arith.muli %mul3A_8, %mul3A_3892 : i32
      %add3A_3894 = arith.constant 112 : i32
      %add3A_3895 = arith.addi %mul3A_3893, %add3A_3894 : i32
      %swap3A_3896 = arith.index_cast %add3A_3895 : i32 to index
      %swap3A_3897 = tpu.vector_load %arg15[%swap3A_3896] {strides = array<i32>} : memref<3328xf32, #tpu.memory_space<vmem>>, vector<16xf32>,
      tpu.vector_store %arg15[%swap3A_3896], %gather3A_3891 {strides = array<i32>} : memref<3328xf32, #tpu.memory_space<vmem>>, vector<16xf32>,
      %dma_wait3A_3898 = arith.constant 1 : i32
      %dma_wait3A_3899 = arith.constant 1 : i32
      %dma_wait3A_3900 = arith.constant 1 : i32
      %dma_wait3A_3901 = arith.constant 0 : i32
      %dma_wait3A_3902 = tpu.memref_slice %arg13[%dma_wait3A_3899, %dma_wait3A_3901] : memref<2x4096xf32, #tpu.memory_space<vmem>> -> memref<1x4096xf32, #tpu.memory_space<vmem>>
      %dma_wait3A_3903 = tpu.memref_squeeze %dma_wait3A_3902 : memref<1x4096xf32, #tpu.memory_space<vmem>> -> memref<4096xf32, #tpu.memory_space<vmem>>
      %dma_wait3A_3904 = arith.constant 0 : i32
      %dma_wait3A_3905 = tpu.memref_slice %arg12[%dma_wait3A_3898, %dma_wait3A_3904] : memref<2x4096xi32, #tpu.memory_space<vmem>> -> memref<1x4096xi32, #tpu.memory_space<vmem>>
      %dma_wait3A_3906 = tpu.memref_squeeze %dma_wait3A_3905 : memref<1x4096xi32, #tpu.memory_space<vmem>> -> memref<4096xi32, #tpu.memory_space<vmem>>
      %dma_wait3A_3907 = arith.constant 0 : i32
      %dma_wait3A_3908 = tpu.memref_slice %arg5[%dma_wait3A_3907] : memref<83200000xf32, #tpu.memory_space<hbm>> -> memref<83200000xf32, #tpu.memory_space<hbm>>
      %dma_wait3A_3909 = tpu.memref_slice %arg16[%dma_wait3A_3900] : memref<2x!tpu.dma_semaphore, #tpu.memory_space<semaphore_mem>> -> memref<1x!tpu.dma_semaphore, #tpu.memory_space<semaphore_mem>>
      %dma_wait3A_3910 = tpu.memref_squeeze %dma_wait3A_3909 : memref<1x!tpu.dma_semaphore, #tpu.memory_space<semaphore_mem>> -> memref<!tpu.dma_semaphore, #tpu.memory_space<semaphore_mem>>
      tpu.wait_indirect_dma semaphore(%dma_wait3A_3910 : memref<!tpu.dma_semaphore, #tpu.memory_space<semaphore_mem>>) src(%dma_wait3A_3908 : memref<83200000xf32, #tpu.memory_space<hbm>>) dst(%dma_wait3A_3903 : memref<4096xf32, #tpu.memory_space<vmem>>)
      %run_scoped3A_3911 = arith.constant 1 : i32
      "tpu.region"() ({
        %run_scoped3A_4082 = tpu.sem_alloc : memref<!tpu.dma_semaphore, #tpu.memory_space<semaphore_mem>>
        %dma_start3A_4083 = arith.constant 0 : i32
        %dma_start3A_4084 = tpu.memref_slice %arg13[%run_scoped3A_3911, %dma_start3A_4083] : memref<2x4096xf32, #tpu.memory_space<vmem>> -> memref<1x4096xf32, #tpu.memory_space<vmem>>
        %dma_start3A_4085 = tpu.memref_squeeze %dma_start3A_4084 : memref<1x4096xf32, #tpu.memory_space<vmem>> -> memref<4096xf32, #tpu.memory_space<vmem>>
        %dma_start3A_4086 = arith.constant 0 : i32
        %dma_start3A_4087 = tpu.memref_slice %arg7[%add3A_10, %add3A, %dma_start3A_4086] : memref<26x32x4096xf32, #tpu.memory_space<hbm>> -> memref<1x1x4096xf32, #tpu.memory_space<hbm>>
        %dma_start3A_4088 = tpu.memref_squeeze %dma_start3A_4087 : memref<1x1x4096xf32, #tpu.memory_space<hbm>> -> memref<4096xf32, #tpu.memory_space<hbm>>
        %dma_start3A_4089 = arith.constant 0 : i32
        %dma_start3A_4090 = tpu.memref_slice %arg7[%add3A_10, %add3A, %dma_start3A_4089] : memref<26x32x4096xf32, #tpu.memory_space<hbm>> -> memref<1x1x4096xf32, #tpu.memory_space<hbm>>
        %dma_start3A_4091 = tpu.memref_squeeze %dma_start3A_4090 : memref<1x1x4096xf32, #tpu.memory_space<hbm>> -> memref<4096xf32, #tpu.memory_space<hbm>>
        %dma_start3A_4092 = arith.constant 0 : i32
        %dma_start3A_4093 = tpu.memref_slice %arg13[%run_scoped3A_3911, %dma_start3A_4092] : memref<2x4096xf32, #tpu.memory_space<vmem>> -> memref<1x4096xf32, #tpu.memory_space<vmem>>
        %dma_start3A_4094 = tpu.memref_squeeze %dma_start3A_4093 : memref<1x4096xf32, #tpu.memory_space<vmem>> -> memref<4096xf32, #tpu.memory_space<vmem>>
        tpu.enqueue_dma source(%dma_start3A_4094 : memref<4096xf32, #tpu.memory_space<vmem>>) target(%dma_start3A_4091 : memref<4096xf32, #tpu.memory_space<hbm>>) target_semaphore(%run_scoped3A_4082 : memref<!tpu.dma_semaphore, #tpu.memory_space<semaphore_mem>>)
        %dma_wait3A_4095 = arith.constant 0 : i32
        %dma_wait3A_4096 = tpu.memref_slice %arg13[%run_scoped3A_3911, %dma_wait3A_4095] : memref<2x4096xf32, #tpu.memory_space<vmem>> -> memref<1x4096xf32, #tpu.memory_space<vmem>>
        %dma_wait3A_4097 = tpu.memref_squeeze %dma_wait3A_4096 : memref<1x4096xf32, #tpu.memory_space<vmem>> -> memref<4096xf32, #tpu.memory_space<vmem>>
        %dma_wait3A_4098 = arith.constant 0 : i32
        %dma_wait3A_4099 = tpu.memref_slice %arg7[%add3A_10, %add3A, %dma_wait3A_4098] : memref<26x32x4096xf32, #tpu.memory_space<hbm>> -> memref<1x1x4096xf32, #tpu.memory_space<hbm>>
        %dma_wait3A_4100 = tpu.memref_squeeze %dma_wait3A_4099 : memref<1x1x4096xf32, #tpu.memory_space<hbm>> -> memref<4096xf32, #tpu.memory_space<hbm>>
        %dma_wait3A_4101 = arith.constant 0 : i32
        %dma_wait3A_4102 = tpu.memref_slice %arg7[%add3A_10, %add3A, %dma_wait3A_4101] : memref<26x32x4096xf32, #tpu.memory_space<hbm>> -> memref<1x1x4096xf32, #tpu.memory_space<hbm>>
        %dma_wait3A_4103 = tpu.memref_squeeze %dma_wait3A_4102 : memref<1x1x4096xf32, #tpu.memory_space<hbm>> -> memref<4096xf32, #tpu.memory_space<hbm>>
        %dma_wait3A_4104 = arith.constant 0 : i32
        %dma_wait3A_4105 = tpu.memref_slice %arg13[%run_scoped3A_3911, %dma_wait3A_4104] : memref<2x4096xf32, #tpu.memory_space<vmem>> -> memref<1x4096xf32, #tpu.memory_space<vmem>>
        %dma_wait3A_4106 = tpu.memref_squeeze %dma_wait3A_4105 : memref<1x4096xf32, #tpu.memory_space<vmem>> -> memref<4096xf32, #tpu.memory_space<vmem>>
        tpu.wait_dma2 semaphore(%run_scoped3A_4082 : memref<!tpu.dma_semaphore, #tpu.memory_space<semaphore_mem>>) src(%dma_wait3A_4106 : memref<4096xf32, #tpu.memory_space<vmem>>) dst(%dma_wait3A_4103 : memref<4096xf32, #tpu.memory_space<hbm>>)
        tpu.yield
      }) : () -> ()
      %dma_wait3A_3912 = arith.constant 1 : i32
      %dma_wait3A_3913 = arith.constant 1 : i32
      %dma_wait3A_3914 = arith.constant 0 : i32
      %dma_wait3A_3915 = arith.constant 0 : i32
      %dma_wait3A_3916 = tpu.memref_slice %arg14[%dma_wait3A_3912, %dma_wait3A_3914, %dma_wait3A_3915] : memref<2x128x32xf32, #tpu.memory_space<vmem>> -> memref<1x128x32xf32, #tpu.memory_space<vmem>>
      %dma_wait3A_3917 = tpu.memref_squeeze %dma_wait3A_3916 : memref<1x128x32xf32, #tpu.memory_space<vmem>> -> memref<128x32xf32, #tpu.memory_space<vmem>>
      %dma_wait3A_3918 = arith.constant 0 : i32
      %dma_wait3A_3919 = tpu.memref_slice %arg10[%add3A_10, %dma_wait3A_3918] : memref<26x128xi32, #tpu.memory_space<vmem>> -> memref<1x128xi32, #tpu.memory_space<vmem>>
      %dma_wait3A_3920 = tpu.memref_squeeze %dma_wait3A_3919 : memref<1x128xi32, #tpu.memory_space<vmem>> -> memref<128xi32, #tpu.memory_space<vmem>>
      %dma_wait3A_3921 = arith.constant 0 : i32
      %dma_wait3A_3922 = arith.constant 0 : i32
      %dma_wait3A_3923 = tpu.memref_slice %arg6[%add3A_10, %dma_wait3A_3921, %dma_wait3A_3922] : memref<26x3125x32xf32, #tpu.memory_space<hbm>> -> memref<1x3125x32xf32, #tpu.memory_space<hbm>>
      %dma_wait3A_3924 = tpu.memref_squeeze %dma_wait3A_3923 : memref<1x3125x32xf32, #tpu.memory_space<hbm>> -> memref<3125x32xf32, #tpu.memory_space<hbm>>
      %dma_wait3A_3925 = arith.constant 0 : i32
      %dma_wait3A_3926 = arith.constant 0 : i32
      %dma_wait3A_3927 = tpu.memref_slice %dma_wait3A_3924[%dma_wait3A_3925, %dma_wait3A_3926] : memref<3125x32xf32, #tpu.memory_space<hbm>> -> memref<3125x32xf32, #tpu.memory_space<hbm>>
      %dma_wait3A_3928 = tpu.memref_slice %arg17[%dma_wait3A_3913] : memref<2x!tpu.dma_semaphore, #tpu.memory_space<semaphore_mem>> -> memref<1x!tpu.dma_semaphore, #tpu.memory_space<semaphore_mem>>
      %dma_wait3A_3929 = tpu.memref_squeeze %dma_wait3A_3928 : memref<1x!tpu.dma_semaphore, #tpu.memory_space<semaphore_mem>> -> memref<!tpu.dma_semaphore, #tpu.memory_space<semaphore_mem>>
      tpu.wait_indirect_dma semaphore(%dma_wait3A_3929 : memref<!tpu.dma_semaphore, #tpu.memory_space<semaphore_mem>>) src(%dma_wait3A_3927 : memref<3125x32xf32, #tpu.memory_space<hbm>>) dst(%dma_wait3A_3917 : memref<128x32xf32, #tpu.memory_space<vmem>>)
      %iota3A_3930 = tpu.iota {dimensions = array<i32: 0>} : vector<16xi32>
      %add3A_3931 = arith.constant 0 : i32
      %add3A_3932 = vector.broadcast %add3A_3931 : i32 to vector<16xi32>
      %add3A_3933 = arith.addi %iota3A_3930, %add3A_3932 : vector<16xi32>
      %get3A_3934 = arith.index_cast %add3A_10 : i32 to index
      %get3A_3935 = arith.constant 0 : index
      %get3A_3936 = tpu.vector_load %arg11[%get3A_3934, %get3A_3935] {strides = array<i32>} : memref<26x128xi32, #tpu.memory_space<vmem>>, vector<16xi32>,
      %gather3A_3937 = arith.constant 1 : i32
      %gather3A_3938 = arith.constant 0 : i32
      %gather3A_3939 = arith.constant 0 : i32
      %gather3A_3940 = tpu.memref_slice %arg14[%gather3A_3937, %gather3A_3938, %gather3A_3939] : memref<2x128x32xf32, #tpu.memory_space<vmem>> -> memref<1x128x32xf32, #tpu.memory_space<vmem>>
      %gather3A_3941 = tpu.memref_squeeze %gather3A_3940 : memref<1x128x32xf32, #tpu.memory_space<vmem>> -> memref<128x32xf32, #tpu.memory_space<vmem>>
      %gather3A_3942 = tpu.vector_load_idx %gather3A_3941[%add3A_3933, %get3A_3936] : memref<128x32xf32, #tpu.memory_space<vmem>>[vector<16xi32>, vector<16xi32>], vector<16xf32>,
      %mul3A_3943 = arith.constant 128 : i32
      %mul3A_3944 = arith.muli %add3A_10, %mul3A_3943 : i32
      %add3A_3945 = arith.constant 0 : i32
      %add3A_3946 = arith.addi %mul3A_3944, %add3A_3945 : i32
      %swap3A_3947 = arith.index_cast %add3A_3946 : i32 to index
      %swap3A_3948 = tpu.vector_load %arg15[%swap3A_3947] {strides = array<i32>} : memref<3328xf32, #tpu.memory_space<vmem>>, vector<16xf32>,
      tpu.vector_store %arg15[%swap3A_3947], %gather3A_3942 {strides = array<i32>} : memref<3328xf32, #tpu.memory_space<vmem>>, vector<16xf32>,
      %iota3A_3949 = tpu.iota {dimensions = array<i32: 0>} : vector<16xi32>
      %add3A_3950 = arith.constant 16 : i32
      %add3A_3951 = vector.broadcast %add3A_3950 : i32 to vector<16xi32>
      %add3A_3952 = arith.addi %iota3A_3949, %add3A_3951 : vector<16xi32>
      %get3A_3953 = arith.index_cast %add3A_10 : i32 to index
      %get3A_3954 = arith.constant 16 : index
      %get3A_3955 = tpu.vector_load %arg11[%get3A_3953, %get3A_3954] {strides = array<i32>} : memref<26x128xi32, #tpu.memory_space<vmem>>, vector<16xi32>,
      %gather3A_3956 = arith.constant 1 : i32
      %gather3A_3957 = arith.constant 0 : i32
      %gather3A_3958 = arith.constant 0 : i32
      %gather3A_3959 = tpu.memref_slice %arg14[%gather3A_3956, %gather3A_3957, %gather3A_3958] : memref<2x128x32xf32, #tpu.memory_space<vmem>> -> memref<1x128x32xf32, #tpu.memory_space<vmem>>
      %gather3A_3960 = tpu.memref_squeeze %gather3A_3959 : memref<1x128x32xf32, #tpu.memory_space<vmem>> -> memref<128x32xf32, #tpu.memory_space<vmem>>
      %gather3A_3961 = tpu.vector_load_idx %gather3A_3960[%add3A_3952, %get3A_3955] : memref<128x32xf32, #tpu.memory_space<vmem>>[vector<16xi32>, vector<16xi32>], vector<16xf32>,
      %mul3A_3962 = arith.constant 128 : i32
      %mul3A_3963 = arith.muli %add3A_10, %mul3A_3962 : i32
      %add3A_3964 = arith.constant 16 : i32
      %add3A_3965 = arith.addi %mul3A_3963, %add3A_3964 : i32
      %swap3A_3966 = arith.index_cast %add3A_3965 : i32 to index
      %swap3A_3967 = tpu.vector_load %arg15[%swap3A_3966] {strides = array<i32>} : memref<3328xf32, #tpu.memory_space<vmem>>, vector<16xf32>,
      tpu.vector_store %arg15[%swap3A_3966], %gather3A_3961 {strides = array<i32>} : memref<3328xf32, #tpu.memory_space<vmem>>, vector<16xf32>,
      %iota3A_3968 = tpu.iota {dimensions = array<i32: 0>} : vector<16xi32>
      %add3A_3969 = arith.constant 32 : i32
      %add3A_3970 = vector.broadcast %add3A_3969 : i32 to vector<16xi32>
      %add3A_3971 = arith.addi %iota3A_3968, %add3A_3970 : vector<16xi32>
      %get3A_3972 = arith.index_cast %add3A_10 : i32 to index
      %get3A_3973 = arith.constant 32 : index
      %get3A_3974 = tpu.vector_load %arg11[%get3A_3972, %get3A_3973] {strides = array<i32>} : memref<26x128xi32, #tpu.memory_space<vmem>>, vector<16xi32>,
      %gather3A_3975 = arith.constant 1 : i32
      %gather3A_3976 = arith.constant 0 : i32
      %gather3A_3977 = arith.constant 0 : i32
      %gather3A_3978 = tpu.memref_slice %arg14[%gather3A_3975, %gather3A_3976, %gather3A_3977] : memref<2x128x32xf32, #tpu.memory_space<vmem>> -> memref<1x128x32xf32, #tpu.memory_space<vmem>>
      %gather3A_3979 = tpu.memref_squeeze %gather3A_3978 : memref<1x128x32xf32, #tpu.memory_space<vmem>> -> memref<128x32xf32, #tpu.memory_space<vmem>>
      %gather3A_3980 = tpu.vector_load_idx %gather3A_3979[%add3A_3971, %get3A_3974] : memref<128x32xf32, #tpu.memory_space<vmem>>[vector<16xi32>, vector<16xi32>], vector<16xf32>,
      %mul3A_3981 = arith.constant 128 : i32
      %mul3A_3982 = arith.muli %add3A_10, %mul3A_3981 : i32
      %add3A_3983 = arith.constant 32 : i32
      %add3A_3984 = arith.addi %mul3A_3982, %add3A_3983 : i32
      %swap3A_3985 = arith.index_cast %add3A_3984 : i32 to index
      %swap3A_3986 = tpu.vector_load %arg15[%swap3A_3985] {strides = array<i32>} : memref<3328xf32, #tpu.memory_space<vmem>>, vector<16xf32>,
      tpu.vector_store %arg15[%swap3A_3985], %gather3A_3980 {strides = array<i32>} : memref<3328xf32, #tpu.memory_space<vmem>>, vector<16xf32>,
      %iota3A_3987 = tpu.iota {dimensions = array<i32: 0>} : vector<16xi32>
      %add3A_3988 = arith.constant 48 : i32
      %add3A_3989 = vector.broadcast %add3A_3988 : i32 to vector<16xi32>
      %add3A_3990 = arith.addi %iota3A_3987, %add3A_3989 : vector<16xi32>
      %get3A_3991 = arith.index_cast %add3A_10 : i32 to index
      %get3A_3992 = arith.constant 48 : index
      %get3A_3993 = tpu.vector_load %arg11[%get3A_3991, %get3A_3992] {strides = array<i32>} : memref<26x128xi32, #tpu.memory_space<vmem>>, vector<16xi32>,
      %gather3A_3994 = arith.constant 1 : i32
      %gather3A_3995 = arith.constant 0 : i32
      %gather3A_3996 = arith.constant 0 : i32
      %gather3A_3997 = tpu.memref_slice %arg14[%gather3A_3994, %gather3A_3995, %gather3A_3996] : memref<2x128x32xf32, #tpu.memory_space<vmem>> -> memref<1x128x32xf32, #tpu.memory_space<vmem>>
      %gather3A_3998 = tpu.memref_squeeze %gather3A_3997 : memref<1x128x32xf32, #tpu.memory_space<vmem>> -> memref<128x32xf32, #tpu.memory_space<vmem>>
      %gather3A_3999 = tpu.vector_load_idx %gather3A_3998[%add3A_3990, %get3A_3993] : memref<128x32xf32, #tpu.memory_space<vmem>>[vector<16xi32>, vector<16xi32>], vector<16xf32>,
      %mul3A_4000 = arith.constant 128 : i32
      %mul3A_4001 = arith.muli %add3A_10, %mul3A_4000 : i32
      %add3A_4002 = arith.constant 48 : i32
      %add3A_4003 = arith.addi %mul3A_4001, %add3A_4002 : i32
      %swap3A_4004 = arith.index_cast %add3A_4003 : i32 to index
      %swap3A_4005 = tpu.vector_load %arg15[%swap3A_4004] {strides = array<i32>} : memref<3328xf32, #tpu.memory_space<vmem>>, vector<16xf32>,
      tpu.vector_store %arg15[%swap3A_4004], %gather3A_3999 {strides = array<i32>} : memref<3328xf32, #tpu.memory_space<vmem>>, vector<16xf32>,
      %iota3A_4006 = tpu.iota {dimensions = array<i32: 0>} : vector<16xi32>
      %add3A_4007 = arith.constant 64 : i32
      %add3A_4008 = vector.broadcast %add3A_4007 : i32 to vector<16xi32>
      %add3A_4009 = arith.addi %iota3A_4006, %add3A_4008 : vector<16xi32>
      %get3A_4010 = arith.index_cast %add3A_10 : i32 to index
      %get3A_4011 = arith.constant 64 : index
      %get3A_4012 = tpu.vector_load %arg11[%get3A_4010, %get3A_4011] {strides = array<i32>} : memref<26x128xi32, #tpu.memory_space<vmem>>, vector<16xi32>,
      %gather3A_4013 = arith.constant 1 : i32
      %gather3A_4014 = arith.constant 0 : i32
      %gather3A_4015 = arith.constant 0 : i32
      %gather3A_4016 = tpu.memref_slice %arg14[%gather3A_4013, %gather3A_4014, %gather3A_4015] : memref<2x128x32xf32, #tpu.memory_space<vmem>> -> memref<1x128x32xf32, #tpu.memory_space<vmem>>
      %gather3A_4017 = tpu.memref_squeeze %gather3A_4016 : memref<1x128x32xf32, #tpu.memory_space<vmem>> -> memref<128x32xf32, #tpu.memory_space<vmem>>
      %gather3A_4018 = tpu.vector_load_idx %gather3A_4017[%add3A_4009, %get3A_4012] : memref<128x32xf32, #tpu.memory_space<vmem>>[vector<16xi32>, vector<16xi32>], vector<16xf32>,
      %mul3A_4019 = arith.constant 128 : i32
      %mul3A_4020 = arith.muli %add3A_10, %mul3A_4019 : i32
      %add3A_4021 = arith.constant 64 : i32
      %add3A_4022 = arith.addi %mul3A_4020, %add3A_4021 : i32
      %swap3A_4023 = arith.index_cast %add3A_4022 : i32 to index
      %swap3A_4024 = tpu.vector_load %arg15[%swap3A_4023] {strides = array<i32>} : memref<3328xf32, #tpu.memory_space<vmem>>, vector<16xf32>,
      tpu.vector_store %arg15[%swap3A_4023], %gather3A_4018 {strides = array<i32>} : memref<3328xf32, #tpu.memory_space<vmem>>, vector<16xf32>,
      %iota3A_4025 = tpu.iota {dimensions = array<i32: 0>} : vector<16xi32>
      %add3A_4026 = arith.constant 80 : i32
      %add3A_4027 = vector.broadcast %add3A_4026 : i32 to vector<16xi32>
      %add3A_4028 = arith.addi %iota3A_4025, %add3A_4027 : vector<16xi32>
      %get3A_4029 = arith.index_cast %add3A_10 : i32 to index
      %get3A_4030 = arith.constant 80 : index
      %get3A_4031 = tpu.vector_load %arg11[%get3A_4029, %get3A_4030] {strides = array<i32>} : memref<26x128xi32, #tpu.memory_space<vmem>>, vector<16xi32>,
      %gather3A_4032 = arith.constant 1 : i32
      %gather3A_4033 = arith.constant 0 : i32
      %gather3A_4034 = arith.constant 0 : i32
      %gather3A_4035 = tpu.memref_slice %arg14[%gather3A_4032, %gather3A_4033, %gather3A_4034] : memref<2x128x32xf32, #tpu.memory_space<vmem>> -> memref<1x128x32xf32, #tpu.memory_space<vmem>>
      %gather3A_4036 = tpu.memref_squeeze %gather3A_4035 : memref<1x128x32xf32, #tpu.memory_space<vmem>> -> memref<128x32xf32, #tpu.memory_space<vmem>>
      %gather3A_4037 = tpu.vector_load_idx %gather3A_4036[%add3A_4028, %get3A_4031] : memref<128x32xf32, #tpu.memory_space<vmem>>[vector<16xi32>, vector<16xi32>], vector<16xf32>,
      %mul3A_4038 = arith.constant 128 : i32
      %mul3A_4039 = arith.muli %add3A_10, %mul3A_4038 : i32
      %add3A_4040 = arith.constant 80 : i32
      %add3A_4041 = arith.addi %mul3A_4039, %add3A_4040 : i32
      %swap3A_4042 = arith.index_cast %add3A_4041 : i32 to index
      %swap3A_4043 = tpu.vector_load %arg15[%swap3A_4042] {strides = array<i32>} : memref<3328xf32, #tpu.memory_space<vmem>>, vector<16xf32>,
      tpu.vector_store %arg15[%swap3A_4042], %gather3A_4037 {strides = array<i32>} : memref<3328xf32, #tpu.memory_space<vmem>>, vector<16xf32>,
      %iota3A_4044 = tpu.iota {dimensions = array<i32: 0>} : vector<16xi32>
      %add3A_4045 = arith.constant 96 : i32
      %add3A_4046 = vector.broadcast %add3A_4045 : i32 to vector<16xi32>
      %add3A_4047 = arith.addi %iota3A_4044, %add3A_4046 : vector<16xi32>
      %get3A_4048 = arith.index_cast %add3A_10 : i32 to index
      %get3A_4049 = arith.constant 96 : index
      %get3A_4050 = tpu.vector_load %arg11[%get3A_4048, %get3A_4049] {strides = array<i32>} : memref<26x128xi32, #tpu.memory_space<vmem>>, vector<16xi32>,
      %gather3A_4051 = arith.constant 1 : i32
      %gather3A_4052 = arith.constant 0 : i32
      %gather3A_4053 = arith.constant 0 : i32
      %gather3A_4054 = tpu.memref_slice %arg14[%gather3A_4051, %gather3A_4052, %gather3A_4053] : memref<2x128x32xf32, #tpu.memory_space<vmem>> -> memref<1x128x32xf32, #tpu.memory_space<vmem>>
      %gather3A_4055 = tpu.memref_squeeze %gather3A_4054 : memref<1x128x32xf32, #tpu.memory_space<vmem>> -> memref<128x32xf32, #tpu.memory_space<vmem>>
      %gather3A_4056 = tpu.vector_load_idx %gather3A_4055[%add3A_4047, %get3A_4050] : memref<128x32xf32, #tpu.memory_space<vmem>>[vector<16xi32>, vector<16xi32>], vector<16xf32>,
      %mul3A_4057 = arith.constant 128 : i32
      %mul3A_4058 = arith.muli %add3A_10, %mul3A_4057 : i32
      %add3A_4059 = arith.constant 96 : i32
      %add3A_4060 = arith.addi %mul3A_4058, %add3A_4059 : i32
      %swap3A_4061 = arith.index_cast %add3A_4060 : i32 to index
      %swap3A_4062 = tpu.vector_load %arg15[%swap3A_4061] {strides = array<i32>} : memref<3328xf32, #tpu.memory_space<vmem>>, vector<16xf32>,
      tpu.vector_store %arg15[%swap3A_4061], %gather3A_4056 {strides = array<i32>} : memref<3328xf32, #tpu.memory_space<vmem>>, vector<16xf32>,
      %iota3A_4063 = tpu.iota {dimensions = array<i32: 0>} : vector<16xi32>
      %add3A_4064 = arith.constant 112 : i32
      %add3A_4065 = vector.broadcast %add3A_4064 : i32 to vector<16xi32>
      %add3A_4066 = arith.addi %iota3A_4063, %add3A_4065 : vector<16xi32>
      %get3A_4067 = arith.index_cast %add3A_10 : i32 to index
      %get3A_4068 = arith.constant 112 : index
      %get3A_4069 = tpu.vector_load %arg11[%get3A_4067, %get3A_4068] {strides = array<i32>} : memref<26x128xi32, #tpu.memory_space<vmem>>, vector<16xi32>,
      %gather3A_4070 = arith.constant 1 : i32
      %gather3A_4071 = arith.constant 0 : i32
      %gather3A_4072 = arith.constant 0 : i32
      %gather3A_4073 = tpu.memref_slice %arg14[%gather3A_4070, %gather3A_4071, %gather3A_4072] : memref<2x128x32xf32, #tpu.memory_space<vmem>> -> memref<1x128x32xf32, #tpu.memory_space<vmem>>
      %gather3A_4074 = tpu.memref_squeeze %gather3A_4073 : memref<1x128x32xf32, #tpu.memory_space<vmem>> -> memref<128x32xf32, #tpu.memory_space<vmem>>
      %gather3A_4075 = tpu.vector_load_idx %gather3A_4074[%add3A_4066, %get3A_4069] : memref<128x32xf32, #tpu.memory_space<vmem>>[vector<16xi32>, vector<16xi32>], vector<16xf32>,
      %mul3A_4076 = arith.constant 128 : i32
      %mul3A_4077 = arith.muli %add3A_10, %mul3A_4076 : i32
      %add3A_4078 = arith.constant 112 : i32
      %add3A_4079 = arith.addi %mul3A_4077, %add3A_4078 : i32
      %swap3A_4080 = arith.index_cast %add3A_4079 : i32 to index
      %swap3A_4081 = tpu.vector_load %arg15[%swap3A_4080] {strides = array<i32>} : memref<3328xf32, #tpu.memory_space<vmem>>, vector<16xf32>,
      tpu.vector_store %arg15[%swap3A_4080], %gather3A_4075 {strides = array<i32>} : memref<3328xf32, #tpu.memory_space<vmem>>, vector<16xf32>,
    }
    %scan3A_5 = arith.constant 13 : i32
    "tpu.region"() ({
      %run_scoped3A = tpu.sem_alloc : memref<!tpu.dma_semaphore, #tpu.memory_space<semaphore_mem>>
      %dma_start3A = arith.constant 0 : i32
      %dma_start3A_6 = tpu.memref_slice %arg8[%add3A, %dma_start3A] : memref<32x3328xf32, #tpu.memory_space<hbm>> -> memref<1x3328xf32, #tpu.memory_space<hbm>>
      %dma_start3A_7 = tpu.memref_squeeze %dma_start3A_6 : memref<1x3328xf32, #tpu.memory_space<hbm>> -> memref<3328xf32, #tpu.memory_space<hbm>>
      %dma_start3A_8 = arith.constant 0 : i32
      %dma_start3A_9 = tpu.memref_slice %arg8[%add3A, %dma_start3A_8] : memref<32x3328xf32, #tpu.memory_space<hbm>> -> memref<1x3328xf32, #tpu.memory_space<hbm>>
      %dma_start3A_10 = tpu.memref_squeeze %dma_start3A_9 : memref<1x3328xf32, #tpu.memory_space<hbm>> -> memref<3328xf32, #tpu.memory_space<hbm>>
      tpu.enqueue_dma source(%arg15 : memref<3328xf32, #tpu.memory_space<vmem>>) target(%dma_start3A_10 : memref<3328xf32, #tpu.memory_space<hbm>>) target_semaphore(%run_scoped3A : memref<!tpu.dma_semaphore, #tpu.memory_space<semaphore_mem>>)
      %dma_wait3A = arith.constant 0 : i32
      %dma_wait3A_11 = tpu.memref_slice %arg8[%add3A, %dma_wait3A] : memref<32x3328xf32, #tpu.memory_space<hbm>> -> memref<1x3328xf32, #tpu.memory_space<hbm>>
      %dma_wait3A_12 = tpu.memref_squeeze %dma_wait3A_11 : memref<1x3328xf32, #tpu.memory_space<hbm>> -> memref<3328xf32, #tpu.memory_space<hbm>>
      %dma_wait3A_13 = arith.constant 0 : i32
      %dma_wait3A_14 = tpu.memref_slice %arg8[%add3A, %dma_wait3A_13] : memref<32x3328xf32, #tpu.memory_space<hbm>> -> memref<1x3328xf32, #tpu.memory_space<hbm>>
      %dma_wait3A_15 = tpu.memref_squeeze %dma_wait3A_14 : memref<1x3328xf32, #tpu.memory_space<hbm>> -> memref<3328xf32, #tpu.memory_space<hbm>>
      tpu.wait_dma2 semaphore(%run_scoped3A : memref<!tpu.dma_semaphore, #tpu.memory_space<semaphore_mem>>) src(%arg15 : memref<3328xf32, #tpu.memory_space<vmem>>) dst(%dma_wait3A_15 : memref<3328xf32, #tpu.memory_space<hbm>>)
      tpu.yield
    }) : () -> ()
    return
  }
}

module attributes {stable_mosaic.version = 14 : i64} {
  func.func @_tc_body(%arg0: i32, %arg1: memref<3xf32, #tpu.memory_space<smem>>, %arg2: memref<26x1x32x128xf32, #tpu.memory_space<vmem>>, %arg3: memref<128x26xf32, #tpu.memory_space<vmem>>, %arg4: memref<26x32x256xf32, #tpu.memory_space<vmem>>, %arg5: memref<1x256xf32, #tpu.memory_space<vmem>>, %arg6: memref<256x128xf32, #tpu.memory_space<vmem>>, %arg7: memref<1x128xf32, #tpu.memory_space<vmem>>, %arg8: memref<128x1xf32, #tpu.memory_space<vmem>>, %arg9: memref<128x1xf32, #tpu.memory_space<vmem>>) attributes {dimension_semantics = [#tpu.dimension_semantics<arbitrary>], iteration_bounds = array<i64: 32>, scalar_prefetch = 0 : i64, scratch_operands = 0 : i64, tpu.core_type = #tpu.core_type<tc>, window_params = [{transform_indices = @transform_0, window_bounds = array<i64: 3>}, {transform_indices = @transform_1, window_bounds = array<i64: 26, 1, 32, 128>}, {transform_indices = @transform_2, window_bounds = array<i64: 128, 26>}, {pipeline_mode = #tpu.pipeline_mode<synchronous>, transform_indices = @transform_3, window_bounds = array<i64: 26, 32, 256>}, {pipeline_mode = #tpu.pipeline_mode<synchronous>, transform_indices = @transform_4, window_bounds = array<i64: 1, 256>}, {pipeline_mode = #tpu.pipeline_mode<synchronous>, transform_indices = @transform_5, window_bounds = array<i64: 256, 128>}, {pipeline_mode = #tpu.pipeline_mode<synchronous>, transform_indices = @transform_6, window_bounds = array<i64: 1, 128>}, {pipeline_mode = #tpu.pipeline_mode<synchronous>, transform_indices = @transform_7, window_bounds = array<i64: 128, 1>}, {transform_indices = @transform_8, window_bounds = array<i64: 128, 1>}]} {
    %broadcast_in_dim3A = arith.constant 0.000000e+00 : f32
    %broadcast_in_dim3A_0 = vector.broadcast %broadcast_in_dim3A : f32 to vector<32x128xf32>
    %broadcast_in_dim3A_1 = arith.constant 0.000000e+00 : f32
    %broadcast_in_dim3A_2 = vector.broadcast %broadcast_in_dim3A_1 : f32 to vector<32x128xf32>
    %broadcast_in_dim3A_3 = arith.constant 0.000000e+00 : f32
    %broadcast_in_dim3A_4 = vector.broadcast %broadcast_in_dim3A_3 : f32 to vector<128x256xf32>
    %get3A = arith.constant 0 : index
    %get3A_5 = arith.constant 0 : index
    %get3A_6 = arith.constant 0 : index
    %get3A_7 = arith.constant 0 : index
    %get3A_8 = vector.load %arg2[%get3A, %get3A_5, %get3A_6, %get3A_7] : memref<26x1x32x128xf32, #tpu.memory_space<vmem>>, vector<1x1x32x128xf32>
    %get3A_9 = vector.shape_cast %get3A_8 : vector<1x1x32x128xf32> to vector<32x128xf32>
    %add3A = arith.addf %broadcast_in_dim3A_0, %get3A_9 : vector<32x128xf32>
    %mul3A = arith.mulf %get3A_9, %get3A_9 : vector<32x128xf32>
    %add3A_10 = arith.addf %broadcast_in_dim3A_2, %mul3A : vector<32x128xf32>
    %get3A_11 = arith.constant 0 : index
    %get3A_12 = arith.constant 0 : index
    %get3A_13 = arith.constant 0 : index
    %get3A_14 = vector.load %arg4[%get3A_11, %get3A_12, %get3A_13] : memref<26x32x256xf32, #tpu.memory_space<vmem>>, vector<1x32x256xf32>
    %get3A_15 = vector.shape_cast %get3A_14 : vector<1x32x256xf32> to vector<32x256xf32>
    %dot_general3A = arith.constant dense<0.000000e+00> : vector<128x256xf32>
    %dot_general3A_16 = tpu.matmul %get3A_9, %get3A_15, %dot_general3A {dimension_numbers = #tpu.dot_dimension_numbers<[0], [0], [1], [1], [0, 1, 1, 1], [], []>, transpose_lhs_hint = false} : vector<32x128xf32>, vector<32x256xf32>, vector<128x256xf32> -> vector<128x256xf32>
    %add3A_17 = arith.addf %broadcast_in_dim3A_4, %dot_general3A_16 : vector<128x256xf32>
    %get3A_18 = arith.constant 1 : index
    %get3A_19 = arith.constant 0 : index
    %get3A_20 = arith.constant 0 : index
    %get3A_21 = arith.constant 0 : index
    %get3A_22 = vector.load %arg2[%get3A_18, %get3A_19, %get3A_20, %get3A_21] : memref<26x1x32x128xf32, #tpu.memory_space<vmem>>, vector<1x1x32x128xf32>
    %get3A_23 = vector.shape_cast %get3A_22 : vector<1x1x32x128xf32> to vector<32x128xf32>
    %add3A_24 = arith.addf %add3A, %get3A_23 : vector<32x128xf32>
    %mul3A_25 = arith.mulf %get3A_23, %get3A_23 : vector<32x128xf32>
    %add3A_26 = arith.addf %add3A_10, %mul3A_25 : vector<32x128xf32>
    %get3A_27 = arith.constant 1 : index
    %get3A_28 = arith.constant 0 : index
    %get3A_29 = arith.constant 0 : index
    %get3A_30 = vector.load %arg4[%get3A_27, %get3A_28, %get3A_29] : memref<26x32x256xf32, #tpu.memory_space<vmem>>, vector<1x32x256xf32>
    %get3A_31 = vector.shape_cast %get3A_30 : vector<1x32x256xf32> to vector<32x256xf32>
    %dot_general3A_32 = arith.constant dense<0.000000e+00> : vector<128x256xf32>
    %dot_general3A_33 = tpu.matmul %get3A_23, %get3A_31, %dot_general3A_32 {dimension_numbers = #tpu.dot_dimension_numbers<[0], [0], [1], [1], [0, 1, 1, 1], [], []>, transpose_lhs_hint = false} : vector<32x128xf32>, vector<32x256xf32>, vector<128x256xf32> -> vector<128x256xf32>
    %add3A_34 = arith.addf %add3A_17, %dot_general3A_33 : vector<128x256xf32>
    %get3A_35 = arith.constant 2 : index
    %get3A_36 = arith.constant 0 : index
    %get3A_37 = arith.constant 0 : index
    %get3A_38 = arith.constant 0 : index
    %get3A_39 = vector.load %arg2[%get3A_35, %get3A_36, %get3A_37, %get3A_38] : memref<26x1x32x128xf32, #tpu.memory_space<vmem>>, vector<1x1x32x128xf32>
    %get3A_40 = vector.shape_cast %get3A_39 : vector<1x1x32x128xf32> to vector<32x128xf32>
    %add3A_41 = arith.addf %add3A_24, %get3A_40 : vector<32x128xf32>
    %mul3A_42 = arith.mulf %get3A_40, %get3A_40 : vector<32x128xf32>
    %add3A_43 = arith.addf %add3A_26, %mul3A_42 : vector<32x128xf32>
    %get3A_44 = arith.constant 2 : index
    %get3A_45 = arith.constant 0 : index
    %get3A_46 = arith.constant 0 : index
    %get3A_47 = vector.load %arg4[%get3A_44, %get3A_45, %get3A_46] : memref<26x32x256xf32, #tpu.memory_space<vmem>>, vector<1x32x256xf32>
    %get3A_48 = vector.shape_cast %get3A_47 : vector<1x32x256xf32> to vector<32x256xf32>
    %dot_general3A_49 = arith.constant dense<0.000000e+00> : vector<128x256xf32>
    %dot_general3A_50 = tpu.matmul %get3A_40, %get3A_48, %dot_general3A_49 {dimension_numbers = #tpu.dot_dimension_numbers<[0], [0], [1], [1], [0, 1, 1, 1], [], []>, transpose_lhs_hint = false} : vector<32x128xf32>, vector<32x256xf32>, vector<128x256xf32> -> vector<128x256xf32>
    %add3A_51 = arith.addf %add3A_34, %dot_general3A_50 : vector<128x256xf32>
    %get3A_52 = arith.constant 3 : index
    %get3A_53 = arith.constant 0 : index
    %get3A_54 = arith.constant 0 : index
    %get3A_55 = arith.constant 0 : index
    %get3A_56 = vector.load %arg2[%get3A_52, %get3A_53, %get3A_54, %get3A_55] : memref<26x1x32x128xf32, #tpu.memory_space<vmem>>, vector<1x1x32x128xf32>
    %get3A_57 = vector.shape_cast %get3A_56 : vector<1x1x32x128xf32> to vector<32x128xf32>
    %add3A_58 = arith.addf %add3A_41, %get3A_57 : vector<32x128xf32>
    %mul3A_59 = arith.mulf %get3A_57, %get3A_57 : vector<32x128xf32>
    %add3A_60 = arith.addf %add3A_43, %mul3A_59 : vector<32x128xf32>
    %get3A_61 = arith.constant 3 : index
    %get3A_62 = arith.constant 0 : index
    %get3A_63 = arith.constant 0 : index
    %get3A_64 = vector.load %arg4[%get3A_61, %get3A_62, %get3A_63] : memref<26x32x256xf32, #tpu.memory_space<vmem>>, vector<1x32x256xf32>
    %get3A_65 = vector.shape_cast %get3A_64 : vector<1x32x256xf32> to vector<32x256xf32>
    %dot_general3A_66 = arith.constant dense<0.000000e+00> : vector<128x256xf32>
    %dot_general3A_67 = tpu.matmul %get3A_57, %get3A_65, %dot_general3A_66 {dimension_numbers = #tpu.dot_dimension_numbers<[0], [0], [1], [1], [0, 1, 1, 1], [], []>, transpose_lhs_hint = false} : vector<32x128xf32>, vector<32x256xf32>, vector<128x256xf32> -> vector<128x256xf32>
    %add3A_68 = arith.addf %add3A_51, %dot_general3A_67 : vector<128x256xf32>
    %get3A_69 = arith.constant 4 : index
    %get3A_70 = arith.constant 0 : index
    %get3A_71 = arith.constant 0 : index
    %get3A_72 = arith.constant 0 : index
    %get3A_73 = vector.load %arg2[%get3A_69, %get3A_70, %get3A_71, %get3A_72] : memref<26x1x32x128xf32, #tpu.memory_space<vmem>>, vector<1x1x32x128xf32>
    %get3A_74 = vector.shape_cast %get3A_73 : vector<1x1x32x128xf32> to vector<32x128xf32>
    %add3A_75 = arith.addf %add3A_58, %get3A_74 : vector<32x128xf32>
    %mul3A_76 = arith.mulf %get3A_74, %get3A_74 : vector<32x128xf32>
    %add3A_77 = arith.addf %add3A_60, %mul3A_76 : vector<32x128xf32>
    %get3A_78 = arith.constant 4 : index
    %get3A_79 = arith.constant 0 : index
    %get3A_80 = arith.constant 0 : index
    %get3A_81 = vector.load %arg4[%get3A_78, %get3A_79, %get3A_80] : memref<26x32x256xf32, #tpu.memory_space<vmem>>, vector<1x32x256xf32>
    %get3A_82 = vector.shape_cast %get3A_81 : vector<1x32x256xf32> to vector<32x256xf32>
    %dot_general3A_83 = arith.constant dense<0.000000e+00> : vector<128x256xf32>
    %dot_general3A_84 = tpu.matmul %get3A_74, %get3A_82, %dot_general3A_83 {dimension_numbers = #tpu.dot_dimension_numbers<[0], [0], [1], [1], [0, 1, 1, 1], [], []>, transpose_lhs_hint = false} : vector<32x128xf32>, vector<32x256xf32>, vector<128x256xf32> -> vector<128x256xf32>
    %add3A_85 = arith.addf %add3A_68, %dot_general3A_84 : vector<128x256xf32>
    %get3A_86 = arith.constant 5 : index
    %get3A_87 = arith.constant 0 : index
    %get3A_88 = arith.constant 0 : index
    %get3A_89 = arith.constant 0 : index
    %get3A_90 = vector.load %arg2[%get3A_86, %get3A_87, %get3A_88, %get3A_89] : memref<26x1x32x128xf32, #tpu.memory_space<vmem>>, vector<1x1x32x128xf32>
    %get3A_91 = vector.shape_cast %get3A_90 : vector<1x1x32x128xf32> to vector<32x128xf32>
    %add3A_92 = arith.addf %add3A_75, %get3A_91 : vector<32x128xf32>
    %mul3A_93 = arith.mulf %get3A_91, %get3A_91 : vector<32x128xf32>
    %add3A_94 = arith.addf %add3A_77, %mul3A_93 : vector<32x128xf32>
    %get3A_95 = arith.constant 5 : index
    %get3A_96 = arith.constant 0 : index
    %get3A_97 = arith.constant 0 : index
    %get3A_98 = vector.load %arg4[%get3A_95, %get3A_96, %get3A_97] : memref<26x32x256xf32, #tpu.memory_space<vmem>>, vector<1x32x256xf32>
    %get3A_99 = vector.shape_cast %get3A_98 : vector<1x32x256xf32> to vector<32x256xf32>
    %dot_general3A_100 = arith.constant dense<0.000000e+00> : vector<128x256xf32>
    %dot_general3A_101 = tpu.matmul %get3A_91, %get3A_99, %dot_general3A_100 {dimension_numbers = #tpu.dot_dimension_numbers<[0], [0], [1], [1], [0, 1, 1, 1], [], []>, transpose_lhs_hint = false} : vector<32x128xf32>, vector<32x256xf32>, vector<128x256xf32> -> vector<128x256xf32>
    %add3A_102 = arith.addf %add3A_85, %dot_general3A_101 : vector<128x256xf32>
    %get3A_103 = arith.constant 6 : index
    %get3A_104 = arith.constant 0 : index
    %get3A_105 = arith.constant 0 : index
    %get3A_106 = arith.constant 0 : index
    %get3A_107 = vector.load %arg2[%get3A_103, %get3A_104, %get3A_105, %get3A_106] : memref<26x1x32x128xf32, #tpu.memory_space<vmem>>, vector<1x1x32x128xf32>
    %get3A_108 = vector.shape_cast %get3A_107 : vector<1x1x32x128xf32> to vector<32x128xf32>
    %add3A_109 = arith.addf %add3A_92, %get3A_108 : vector<32x128xf32>
    %mul3A_110 = arith.mulf %get3A_108, %get3A_108 : vector<32x128xf32>
    %add3A_111 = arith.addf %add3A_94, %mul3A_110 : vector<32x128xf32>
    %get3A_112 = arith.constant 6 : index
    %get3A_113 = arith.constant 0 : index
    %get3A_114 = arith.constant 0 : index
    %get3A_115 = vector.load %arg4[%get3A_112, %get3A_113, %get3A_114] : memref<26x32x256xf32, #tpu.memory_space<vmem>>, vector<1x32x256xf32>
    %get3A_116 = vector.shape_cast %get3A_115 : vector<1x32x256xf32> to vector<32x256xf32>
    %dot_general3A_117 = arith.constant dense<0.000000e+00> : vector<128x256xf32>
    %dot_general3A_118 = tpu.matmul %get3A_108, %get3A_116, %dot_general3A_117 {dimension_numbers = #tpu.dot_dimension_numbers<[0], [0], [1], [1], [0, 1, 1, 1], [], []>, transpose_lhs_hint = false} : vector<32x128xf32>, vector<32x256xf32>, vector<128x256xf32> -> vector<128x256xf32>
    %add3A_119 = arith.addf %add3A_102, %dot_general3A_118 : vector<128x256xf32>
    %get3A_120 = arith.constant 7 : index
    %get3A_121 = arith.constant 0 : index
    %get3A_122 = arith.constant 0 : index
    %get3A_123 = arith.constant 0 : index
    %get3A_124 = vector.load %arg2[%get3A_120, %get3A_121, %get3A_122, %get3A_123] : memref<26x1x32x128xf32, #tpu.memory_space<vmem>>, vector<1x1x32x128xf32>
    %get3A_125 = vector.shape_cast %get3A_124 : vector<1x1x32x128xf32> to vector<32x128xf32>
    %add3A_126 = arith.addf %add3A_109, %get3A_125 : vector<32x128xf32>
    %mul3A_127 = arith.mulf %get3A_125, %get3A_125 : vector<32x128xf32>
    %add3A_128 = arith.addf %add3A_111, %mul3A_127 : vector<32x128xf32>
    %get3A_129 = arith.constant 7 : index
    %get3A_130 = arith.constant 0 : index
    %get3A_131 = arith.constant 0 : index
    %get3A_132 = vector.load %arg4[%get3A_129, %get3A_130, %get3A_131] : memref<26x32x256xf32, #tpu.memory_space<vmem>>, vector<1x32x256xf32>
    %get3A_133 = vector.shape_cast %get3A_132 : vector<1x32x256xf32> to vector<32x256xf32>
    %dot_general3A_134 = arith.constant dense<0.000000e+00> : vector<128x256xf32>
    %dot_general3A_135 = tpu.matmul %get3A_125, %get3A_133, %dot_general3A_134 {dimension_numbers = #tpu.dot_dimension_numbers<[0], [0], [1], [1], [0, 1, 1, 1], [], []>, transpose_lhs_hint = false} : vector<32x128xf32>, vector<32x256xf32>, vector<128x256xf32> -> vector<128x256xf32>
    %add3A_136 = arith.addf %add3A_119, %dot_general3A_135 : vector<128x256xf32>
    %get3A_137 = arith.constant 8 : index
    %get3A_138 = arith.constant 0 : index
    %get3A_139 = arith.constant 0 : index
    %get3A_140 = arith.constant 0 : index
    %get3A_141 = vector.load %arg2[%get3A_137, %get3A_138, %get3A_139, %get3A_140] : memref<26x1x32x128xf32, #tpu.memory_space<vmem>>, vector<1x1x32x128xf32>
    %get3A_142 = vector.shape_cast %get3A_141 : vector<1x1x32x128xf32> to vector<32x128xf32>
    %add3A_143 = arith.addf %add3A_126, %get3A_142 : vector<32x128xf32>
    %mul3A_144 = arith.mulf %get3A_142, %get3A_142 : vector<32x128xf32>
    %add3A_145 = arith.addf %add3A_128, %mul3A_144 : vector<32x128xf32>
    %get3A_146 = arith.constant 8 : index
    %get3A_147 = arith.constant 0 : index
    %get3A_148 = arith.constant 0 : index
    %get3A_149 = vector.load %arg4[%get3A_146, %get3A_147, %get3A_148] : memref<26x32x256xf32, #tpu.memory_space<vmem>>, vector<1x32x256xf32>
    %get3A_150 = vector.shape_cast %get3A_149 : vector<1x32x256xf32> to vector<32x256xf32>
    %dot_general3A_151 = arith.constant dense<0.000000e+00> : vector<128x256xf32>
    %dot_general3A_152 = tpu.matmul %get3A_142, %get3A_150, %dot_general3A_151 {dimension_numbers = #tpu.dot_dimension_numbers<[0], [0], [1], [1], [0, 1, 1, 1], [], []>, transpose_lhs_hint = false} : vector<32x128xf32>, vector<32x256xf32>, vector<128x256xf32> -> vector<128x256xf32>
    %add3A_153 = arith.addf %add3A_136, %dot_general3A_152 : vector<128x256xf32>
    %get3A_154 = arith.constant 9 : index
    %get3A_155 = arith.constant 0 : index
    %get3A_156 = arith.constant 0 : index
    %get3A_157 = arith.constant 0 : index
    %get3A_158 = vector.load %arg2[%get3A_154, %get3A_155, %get3A_156, %get3A_157] : memref<26x1x32x128xf32, #tpu.memory_space<vmem>>, vector<1x1x32x128xf32>
    %get3A_159 = vector.shape_cast %get3A_158 : vector<1x1x32x128xf32> to vector<32x128xf32>
    %add3A_160 = arith.addf %add3A_143, %get3A_159 : vector<32x128xf32>
    %mul3A_161 = arith.mulf %get3A_159, %get3A_159 : vector<32x128xf32>
    %add3A_162 = arith.addf %add3A_145, %mul3A_161 : vector<32x128xf32>
    %get3A_163 = arith.constant 9 : index
    %get3A_164 = arith.constant 0 : index
    %get3A_165 = arith.constant 0 : index
    %get3A_166 = vector.load %arg4[%get3A_163, %get3A_164, %get3A_165] : memref<26x32x256xf32, #tpu.memory_space<vmem>>, vector<1x32x256xf32>
    %get3A_167 = vector.shape_cast %get3A_166 : vector<1x32x256xf32> to vector<32x256xf32>
    %dot_general3A_168 = arith.constant dense<0.000000e+00> : vector<128x256xf32>
    %dot_general3A_169 = tpu.matmul %get3A_159, %get3A_167, %dot_general3A_168 {dimension_numbers = #tpu.dot_dimension_numbers<[0], [0], [1], [1], [0, 1, 1, 1], [], []>, transpose_lhs_hint = false} : vector<32x128xf32>, vector<32x256xf32>, vector<128x256xf32> -> vector<128x256xf32>
    %add3A_170 = arith.addf %add3A_153, %dot_general3A_169 : vector<128x256xf32>
    %get3A_171 = arith.constant 10 : index
    %get3A_172 = arith.constant 0 : index
    %get3A_173 = arith.constant 0 : index
    %get3A_174 = arith.constant 0 : index
    %get3A_175 = vector.load %arg2[%get3A_171, %get3A_172, %get3A_173, %get3A_174] : memref<26x1x32x128xf32, #tpu.memory_space<vmem>>, vector<1x1x32x128xf32>
    %get3A_176 = vector.shape_cast %get3A_175 : vector<1x1x32x128xf32> to vector<32x128xf32>
    %add3A_177 = arith.addf %add3A_160, %get3A_176 : vector<32x128xf32>
    %mul3A_178 = arith.mulf %get3A_176, %get3A_176 : vector<32x128xf32>
    %add3A_179 = arith.addf %add3A_162, %mul3A_178 : vector<32x128xf32>
    %get3A_180 = arith.constant 10 : index
    %get3A_181 = arith.constant 0 : index
    %get3A_182 = arith.constant 0 : index
    %get3A_183 = vector.load %arg4[%get3A_180, %get3A_181, %get3A_182] : memref<26x32x256xf32, #tpu.memory_space<vmem>>, vector<1x32x256xf32>
    %get3A_184 = vector.shape_cast %get3A_183 : vector<1x32x256xf32> to vector<32x256xf32>
    %dot_general3A_185 = arith.constant dense<0.000000e+00> : vector<128x256xf32>
    %dot_general3A_186 = tpu.matmul %get3A_176, %get3A_184, %dot_general3A_185 {dimension_numbers = #tpu.dot_dimension_numbers<[0], [0], [1], [1], [0, 1, 1, 1], [], []>, transpose_lhs_hint = false} : vector<32x128xf32>, vector<32x256xf32>, vector<128x256xf32> -> vector<128x256xf32>
    %add3A_187 = arith.addf %add3A_170, %dot_general3A_186 : vector<128x256xf32>
    %get3A_188 = arith.constant 11 : index
    %get3A_189 = arith.constant 0 : index
    %get3A_190 = arith.constant 0 : index
    %get3A_191 = arith.constant 0 : index
    %get3A_192 = vector.load %arg2[%get3A_188, %get3A_189, %get3A_190, %get3A_191] : memref<26x1x32x128xf32, #tpu.memory_space<vmem>>, vector<1x1x32x128xf32>
    %get3A_193 = vector.shape_cast %get3A_192 : vector<1x1x32x128xf32> to vector<32x128xf32>
    %add3A_194 = arith.addf %add3A_177, %get3A_193 : vector<32x128xf32>
    %mul3A_195 = arith.mulf %get3A_193, %get3A_193 : vector<32x128xf32>
    %add3A_196 = arith.addf %add3A_179, %mul3A_195 : vector<32x128xf32>
    %get3A_197 = arith.constant 11 : index
    %get3A_198 = arith.constant 0 : index
    %get3A_199 = arith.constant 0 : index
    %get3A_200 = vector.load %arg4[%get3A_197, %get3A_198, %get3A_199] : memref<26x32x256xf32, #tpu.memory_space<vmem>>, vector<1x32x256xf32>
    %get3A_201 = vector.shape_cast %get3A_200 : vector<1x32x256xf32> to vector<32x256xf32>
    %dot_general3A_202 = arith.constant dense<0.000000e+00> : vector<128x256xf32>
    %dot_general3A_203 = tpu.matmul %get3A_193, %get3A_201, %dot_general3A_202 {dimension_numbers = #tpu.dot_dimension_numbers<[0], [0], [1], [1], [0, 1, 1, 1], [], []>, transpose_lhs_hint = false} : vector<32x128xf32>, vector<32x256xf32>, vector<128x256xf32> -> vector<128x256xf32>
    %add3A_204 = arith.addf %add3A_187, %dot_general3A_203 : vector<128x256xf32>
    %get3A_205 = arith.constant 12 : index
    %get3A_206 = arith.constant 0 : index
    %get3A_207 = arith.constant 0 : index
    %get3A_208 = arith.constant 0 : index
    %get3A_209 = vector.load %arg2[%get3A_205, %get3A_206, %get3A_207, %get3A_208] : memref<26x1x32x128xf32, #tpu.memory_space<vmem>>, vector<1x1x32x128xf32>
    %get3A_210 = vector.shape_cast %get3A_209 : vector<1x1x32x128xf32> to vector<32x128xf32>
    %add3A_211 = arith.addf %add3A_194, %get3A_210 : vector<32x128xf32>
    %mul3A_212 = arith.mulf %get3A_210, %get3A_210 : vector<32x128xf32>
    %add3A_213 = arith.addf %add3A_196, %mul3A_212 : vector<32x128xf32>
    %get3A_214 = arith.constant 12 : index
    %get3A_215 = arith.constant 0 : index
    %get3A_216 = arith.constant 0 : index
    %get3A_217 = vector.load %arg4[%get3A_214, %get3A_215, %get3A_216] : memref<26x32x256xf32, #tpu.memory_space<vmem>>, vector<1x32x256xf32>
    %get3A_218 = vector.shape_cast %get3A_217 : vector<1x32x256xf32> to vector<32x256xf32>
    %dot_general3A_219 = arith.constant dense<0.000000e+00> : vector<128x256xf32>
    %dot_general3A_220 = tpu.matmul %get3A_210, %get3A_218, %dot_general3A_219 {dimension_numbers = #tpu.dot_dimension_numbers<[0], [0], [1], [1], [0, 1, 1, 1], [], []>, transpose_lhs_hint = false} : vector<32x128xf32>, vector<32x256xf32>, vector<128x256xf32> -> vector<128x256xf32>
    %add3A_221 = arith.addf %add3A_204, %dot_general3A_220 : vector<128x256xf32>
    %get3A_222 = arith.constant 13 : index
    %get3A_223 = arith.constant 0 : index
    %get3A_224 = arith.constant 0 : index
    %get3A_225 = arith.constant 0 : index
    %get3A_226 = vector.load %arg2[%get3A_222, %get3A_223, %get3A_224, %get3A_225] : memref<26x1x32x128xf32, #tpu.memory_space<vmem>>, vector<1x1x32x128xf32>
    %get3A_227 = vector.shape_cast %get3A_226 : vector<1x1x32x128xf32> to vector<32x128xf32>
    %add3A_228 = arith.addf %add3A_211, %get3A_227 : vector<32x128xf32>
    %mul3A_229 = arith.mulf %get3A_227, %get3A_227 : vector<32x128xf32>
    %add3A_230 = arith.addf %add3A_213, %mul3A_229 : vector<32x128xf32>
    %get3A_231 = arith.constant 13 : index
    %get3A_232 = arith.constant 0 : index
    %get3A_233 = arith.constant 0 : index
    %get3A_234 = vector.load %arg4[%get3A_231, %get3A_232, %get3A_233] : memref<26x32x256xf32, #tpu.memory_space<vmem>>, vector<1x32x256xf32>
    %get3A_235 = vector.shape_cast %get3A_234 : vector<1x32x256xf32> to vector<32x256xf32>
    %dot_general3A_236 = arith.constant dense<0.000000e+00> : vector<128x256xf32>
    %dot_general3A_237 = tpu.matmul %get3A_227, %get3A_235, %dot_general3A_236 {dimension_numbers = #tpu.dot_dimension_numbers<[0], [0], [1], [1], [0, 1, 1, 1], [], []>, transpose_lhs_hint = false} : vector<32x128xf32>, vector<32x256xf32>, vector<128x256xf32> -> vector<128x256xf32>
    %add3A_238 = arith.addf %add3A_221, %dot_general3A_237 : vector<128x256xf32>
    %get3A_239 = arith.constant 14 : index
    %get3A_240 = arith.constant 0 : index
    %get3A_241 = arith.constant 0 : index
    %get3A_242 = arith.constant 0 : index
    %get3A_243 = vector.load %arg2[%get3A_239, %get3A_240, %get3A_241, %get3A_242] : memref<26x1x32x128xf32, #tpu.memory_space<vmem>>, vector<1x1x32x128xf32>
    %get3A_244 = vector.shape_cast %get3A_243 : vector<1x1x32x128xf32> to vector<32x128xf32>
    %add3A_245 = arith.addf %add3A_228, %get3A_244 : vector<32x128xf32>
    %mul3A_246 = arith.mulf %get3A_244, %get3A_244 : vector<32x128xf32>
    %add3A_247 = arith.addf %add3A_230, %mul3A_246 : vector<32x128xf32>
    %get3A_248 = arith.constant 14 : index
    %get3A_249 = arith.constant 0 : index
    %get3A_250 = arith.constant 0 : index
    %get3A_251 = vector.load %arg4[%get3A_248, %get3A_249, %get3A_250] : memref<26x32x256xf32, #tpu.memory_space<vmem>>, vector<1x32x256xf32>
    %get3A_252 = vector.shape_cast %get3A_251 : vector<1x32x256xf32> to vector<32x256xf32>
    %dot_general3A_253 = arith.constant dense<0.000000e+00> : vector<128x256xf32>
    %dot_general3A_254 = tpu.matmul %get3A_244, %get3A_252, %dot_general3A_253 {dimension_numbers = #tpu.dot_dimension_numbers<[0], [0], [1], [1], [0, 1, 1, 1], [], []>, transpose_lhs_hint = false} : vector<32x128xf32>, vector<32x256xf32>, vector<128x256xf32> -> vector<128x256xf32>
    %add3A_255 = arith.addf %add3A_238, %dot_general3A_254 : vector<128x256xf32>
    %get3A_256 = arith.constant 15 : index
    %get3A_257 = arith.constant 0 : index
    %get3A_258 = arith.constant 0 : index
    %get3A_259 = arith.constant 0 : index
    %get3A_260 = vector.load %arg2[%get3A_256, %get3A_257, %get3A_258, %get3A_259] : memref<26x1x32x128xf32, #tpu.memory_space<vmem>>, vector<1x1x32x128xf32>
    %get3A_261 = vector.shape_cast %get3A_260 : vector<1x1x32x128xf32> to vector<32x128xf32>
    %add3A_262 = arith.addf %add3A_245, %get3A_261 : vector<32x128xf32>
    %mul3A_263 = arith.mulf %get3A_261, %get3A_261 : vector<32x128xf32>
    %add3A_264 = arith.addf %add3A_247, %mul3A_263 : vector<32x128xf32>
    %get3A_265 = arith.constant 15 : index
    %get3A_266 = arith.constant 0 : index
    %get3A_267 = arith.constant 0 : index
    %get3A_268 = vector.load %arg4[%get3A_265, %get3A_266, %get3A_267] : memref<26x32x256xf32, #tpu.memory_space<vmem>>, vector<1x32x256xf32>
    %get3A_269 = vector.shape_cast %get3A_268 : vector<1x32x256xf32> to vector<32x256xf32>
    %dot_general3A_270 = arith.constant dense<0.000000e+00> : vector<128x256xf32>
    %dot_general3A_271 = tpu.matmul %get3A_261, %get3A_269, %dot_general3A_270 {dimension_numbers = #tpu.dot_dimension_numbers<[0], [0], [1], [1], [0, 1, 1, 1], [], []>, transpose_lhs_hint = false} : vector<32x128xf32>, vector<32x256xf32>, vector<128x256xf32> -> vector<128x256xf32>
    %add3A_272 = arith.addf %add3A_255, %dot_general3A_271 : vector<128x256xf32>
    %get3A_273 = arith.constant 16 : index
    %get3A_274 = arith.constant 0 : index
    %get3A_275 = arith.constant 0 : index
    %get3A_276 = arith.constant 0 : index
    %get3A_277 = vector.load %arg2[%get3A_273, %get3A_274, %get3A_275, %get3A_276] : memref<26x1x32x128xf32, #tpu.memory_space<vmem>>, vector<1x1x32x128xf32>
    %get3A_278 = vector.shape_cast %get3A_277 : vector<1x1x32x128xf32> to vector<32x128xf32>
    %add3A_279 = arith.addf %add3A_262, %get3A_278 : vector<32x128xf32>
    %mul3A_280 = arith.mulf %get3A_278, %get3A_278 : vector<32x128xf32>
    %add3A_281 = arith.addf %add3A_264, %mul3A_280 : vector<32x128xf32>
    %get3A_282 = arith.constant 16 : index
    %get3A_283 = arith.constant 0 : index
    %get3A_284 = arith.constant 0 : index
    %get3A_285 = vector.load %arg4[%get3A_282, %get3A_283, %get3A_284] : memref<26x32x256xf32, #tpu.memory_space<vmem>>, vector<1x32x256xf32>
    %get3A_286 = vector.shape_cast %get3A_285 : vector<1x32x256xf32> to vector<32x256xf32>
    %dot_general3A_287 = arith.constant dense<0.000000e+00> : vector<128x256xf32>
    %dot_general3A_288 = tpu.matmul %get3A_278, %get3A_286, %dot_general3A_287 {dimension_numbers = #tpu.dot_dimension_numbers<[0], [0], [1], [1], [0, 1, 1, 1], [], []>, transpose_lhs_hint = false} : vector<32x128xf32>, vector<32x256xf32>, vector<128x256xf32> -> vector<128x256xf32>
    %add3A_289 = arith.addf %add3A_272, %dot_general3A_288 : vector<128x256xf32>
    %get3A_290 = arith.constant 17 : index
    %get3A_291 = arith.constant 0 : index
    %get3A_292 = arith.constant 0 : index
    %get3A_293 = arith.constant 0 : index
    %get3A_294 = vector.load %arg2[%get3A_290, %get3A_291, %get3A_292, %get3A_293] : memref<26x1x32x128xf32, #tpu.memory_space<vmem>>, vector<1x1x32x128xf32>
    %get3A_295 = vector.shape_cast %get3A_294 : vector<1x1x32x128xf32> to vector<32x128xf32>
    %add3A_296 = arith.addf %add3A_279, %get3A_295 : vector<32x128xf32>
    %mul3A_297 = arith.mulf %get3A_295, %get3A_295 : vector<32x128xf32>
    %add3A_298 = arith.addf %add3A_281, %mul3A_297 : vector<32x128xf32>
    %get3A_299 = arith.constant 17 : index
    %get3A_300 = arith.constant 0 : index
    %get3A_301 = arith.constant 0 : index
    %get3A_302 = vector.load %arg4[%get3A_299, %get3A_300, %get3A_301] : memref<26x32x256xf32, #tpu.memory_space<vmem>>, vector<1x32x256xf32>
    %get3A_303 = vector.shape_cast %get3A_302 : vector<1x32x256xf32> to vector<32x256xf32>
    %dot_general3A_304 = arith.constant dense<0.000000e+00> : vector<128x256xf32>
    %dot_general3A_305 = tpu.matmul %get3A_295, %get3A_303, %dot_general3A_304 {dimension_numbers = #tpu.dot_dimension_numbers<[0], [0], [1], [1], [0, 1, 1, 1], [], []>, transpose_lhs_hint = false} : vector<32x128xf32>, vector<32x256xf32>, vector<128x256xf32> -> vector<128x256xf32>
    %add3A_306 = arith.addf %add3A_289, %dot_general3A_305 : vector<128x256xf32>
    %get3A_307 = arith.constant 18 : index
    %get3A_308 = arith.constant 0 : index
    %get3A_309 = arith.constant 0 : index
    %get3A_310 = arith.constant 0 : index
    %get3A_311 = vector.load %arg2[%get3A_307, %get3A_308, %get3A_309, %get3A_310] : memref<26x1x32x128xf32, #tpu.memory_space<vmem>>, vector<1x1x32x128xf32>
    %get3A_312 = vector.shape_cast %get3A_311 : vector<1x1x32x128xf32> to vector<32x128xf32>
    %add3A_313 = arith.addf %add3A_296, %get3A_312 : vector<32x128xf32>
    %mul3A_314 = arith.mulf %get3A_312, %get3A_312 : vector<32x128xf32>
    %add3A_315 = arith.addf %add3A_298, %mul3A_314 : vector<32x128xf32>
    %get3A_316 = arith.constant 18 : index
    %get3A_317 = arith.constant 0 : index
    %get3A_318 = arith.constant 0 : index
    %get3A_319 = vector.load %arg4[%get3A_316, %get3A_317, %get3A_318] : memref<26x32x256xf32, #tpu.memory_space<vmem>>, vector<1x32x256xf32>
    %get3A_320 = vector.shape_cast %get3A_319 : vector<1x32x256xf32> to vector<32x256xf32>
    %dot_general3A_321 = arith.constant dense<0.000000e+00> : vector<128x256xf32>
    %dot_general3A_322 = tpu.matmul %get3A_312, %get3A_320, %dot_general3A_321 {dimension_numbers = #tpu.dot_dimension_numbers<[0], [0], [1], [1], [0, 1, 1, 1], [], []>, transpose_lhs_hint = false} : vector<32x128xf32>, vector<32x256xf32>, vector<128x256xf32> -> vector<128x256xf32>
    %add3A_323 = arith.addf %add3A_306, %dot_general3A_322 : vector<128x256xf32>
    %get3A_324 = arith.constant 19 : index
    %get3A_325 = arith.constant 0 : index
    %get3A_326 = arith.constant 0 : index
    %get3A_327 = arith.constant 0 : index
    %get3A_328 = vector.load %arg2[%get3A_324, %get3A_325, %get3A_326, %get3A_327] : memref<26x1x32x128xf32, #tpu.memory_space<vmem>>, vector<1x1x32x128xf32>
    %get3A_329 = vector.shape_cast %get3A_328 : vector<1x1x32x128xf32> to vector<32x128xf32>
    %add3A_330 = arith.addf %add3A_313, %get3A_329 : vector<32x128xf32>
    %mul3A_331 = arith.mulf %get3A_329, %get3A_329 : vector<32x128xf32>
    %add3A_332 = arith.addf %add3A_315, %mul3A_331 : vector<32x128xf32>
    %get3A_333 = arith.constant 19 : index
    %get3A_334 = arith.constant 0 : index
    %get3A_335 = arith.constant 0 : index
    %get3A_336 = vector.load %arg4[%get3A_333, %get3A_334, %get3A_335] : memref<26x32x256xf32, #tpu.memory_space<vmem>>, vector<1x32x256xf32>
    %get3A_337 = vector.shape_cast %get3A_336 : vector<1x32x256xf32> to vector<32x256xf32>
    %dot_general3A_338 = arith.constant dense<0.000000e+00> : vector<128x256xf32>
    %dot_general3A_339 = tpu.matmul %get3A_329, %get3A_337, %dot_general3A_338 {dimension_numbers = #tpu.dot_dimension_numbers<[0], [0], [1], [1], [0, 1, 1, 1], [], []>, transpose_lhs_hint = false} : vector<32x128xf32>, vector<32x256xf32>, vector<128x256xf32> -> vector<128x256xf32>
    %add3A_340 = arith.addf %add3A_323, %dot_general3A_339 : vector<128x256xf32>
    %get3A_341 = arith.constant 20 : index
    %get3A_342 = arith.constant 0 : index
    %get3A_343 = arith.constant 0 : index
    %get3A_344 = arith.constant 0 : index
    %get3A_345 = vector.load %arg2[%get3A_341, %get3A_342, %get3A_343, %get3A_344] : memref<26x1x32x128xf32, #tpu.memory_space<vmem>>, vector<1x1x32x128xf32>
    %get3A_346 = vector.shape_cast %get3A_345 : vector<1x1x32x128xf32> to vector<32x128xf32>
    %add3A_347 = arith.addf %add3A_330, %get3A_346 : vector<32x128xf32>
    %mul3A_348 = arith.mulf %get3A_346, %get3A_346 : vector<32x128xf32>
    %add3A_349 = arith.addf %add3A_332, %mul3A_348 : vector<32x128xf32>
    %get3A_350 = arith.constant 20 : index
    %get3A_351 = arith.constant 0 : index
    %get3A_352 = arith.constant 0 : index
    %get3A_353 = vector.load %arg4[%get3A_350, %get3A_351, %get3A_352] : memref<26x32x256xf32, #tpu.memory_space<vmem>>, vector<1x32x256xf32>
    %get3A_354 = vector.shape_cast %get3A_353 : vector<1x32x256xf32> to vector<32x256xf32>
    %dot_general3A_355 = arith.constant dense<0.000000e+00> : vector<128x256xf32>
    %dot_general3A_356 = tpu.matmul %get3A_346, %get3A_354, %dot_general3A_355 {dimension_numbers = #tpu.dot_dimension_numbers<[0], [0], [1], [1], [0, 1, 1, 1], [], []>, transpose_lhs_hint = false} : vector<32x128xf32>, vector<32x256xf32>, vector<128x256xf32> -> vector<128x256xf32>
    %add3A_357 = arith.addf %add3A_340, %dot_general3A_356 : vector<128x256xf32>
    %get3A_358 = arith.constant 21 : index
    %get3A_359 = arith.constant 0 : index
    %get3A_360 = arith.constant 0 : index
    %get3A_361 = arith.constant 0 : index
    %get3A_362 = vector.load %arg2[%get3A_358, %get3A_359, %get3A_360, %get3A_361] : memref<26x1x32x128xf32, #tpu.memory_space<vmem>>, vector<1x1x32x128xf32>
    %get3A_363 = vector.shape_cast %get3A_362 : vector<1x1x32x128xf32> to vector<32x128xf32>
    %add3A_364 = arith.addf %add3A_347, %get3A_363 : vector<32x128xf32>
    %mul3A_365 = arith.mulf %get3A_363, %get3A_363 : vector<32x128xf32>
    %add3A_366 = arith.addf %add3A_349, %mul3A_365 : vector<32x128xf32>
    %get3A_367 = arith.constant 21 : index
    %get3A_368 = arith.constant 0 : index
    %get3A_369 = arith.constant 0 : index
    %get3A_370 = vector.load %arg4[%get3A_367, %get3A_368, %get3A_369] : memref<26x32x256xf32, #tpu.memory_space<vmem>>, vector<1x32x256xf32>
    %get3A_371 = vector.shape_cast %get3A_370 : vector<1x32x256xf32> to vector<32x256xf32>
    %dot_general3A_372 = arith.constant dense<0.000000e+00> : vector<128x256xf32>
    %dot_general3A_373 = tpu.matmul %get3A_363, %get3A_371, %dot_general3A_372 {dimension_numbers = #tpu.dot_dimension_numbers<[0], [0], [1], [1], [0, 1, 1, 1], [], []>, transpose_lhs_hint = false} : vector<32x128xf32>, vector<32x256xf32>, vector<128x256xf32> -> vector<128x256xf32>
    %add3A_374 = arith.addf %add3A_357, %dot_general3A_373 : vector<128x256xf32>
    %get3A_375 = arith.constant 22 : index
    %get3A_376 = arith.constant 0 : index
    %get3A_377 = arith.constant 0 : index
    %get3A_378 = arith.constant 0 : index
    %get3A_379 = vector.load %arg2[%get3A_375, %get3A_376, %get3A_377, %get3A_378] : memref<26x1x32x128xf32, #tpu.memory_space<vmem>>, vector<1x1x32x128xf32>
    %get3A_380 = vector.shape_cast %get3A_379 : vector<1x1x32x128xf32> to vector<32x128xf32>
    %add3A_381 = arith.addf %add3A_364, %get3A_380 : vector<32x128xf32>
    %mul3A_382 = arith.mulf %get3A_380, %get3A_380 : vector<32x128xf32>
    %add3A_383 = arith.addf %add3A_366, %mul3A_382 : vector<32x128xf32>
    %get3A_384 = arith.constant 22 : index
    %get3A_385 = arith.constant 0 : index
    %get3A_386 = arith.constant 0 : index
    %get3A_387 = vector.load %arg4[%get3A_384, %get3A_385, %get3A_386] : memref<26x32x256xf32, #tpu.memory_space<vmem>>, vector<1x32x256xf32>
    %get3A_388 = vector.shape_cast %get3A_387 : vector<1x32x256xf32> to vector<32x256xf32>
    %dot_general3A_389 = arith.constant dense<0.000000e+00> : vector<128x256xf32>
    %dot_general3A_390 = tpu.matmul %get3A_380, %get3A_388, %dot_general3A_389 {dimension_numbers = #tpu.dot_dimension_numbers<[0], [0], [1], [1], [0, 1, 1, 1], [], []>, transpose_lhs_hint = false} : vector<32x128xf32>, vector<32x256xf32>, vector<128x256xf32> -> vector<128x256xf32>
    %add3A_391 = arith.addf %add3A_374, %dot_general3A_390 : vector<128x256xf32>
    %get3A_392 = arith.constant 23 : index
    %get3A_393 = arith.constant 0 : index
    %get3A_394 = arith.constant 0 : index
    %get3A_395 = arith.constant 0 : index
    %get3A_396 = vector.load %arg2[%get3A_392, %get3A_393, %get3A_394, %get3A_395] : memref<26x1x32x128xf32, #tpu.memory_space<vmem>>, vector<1x1x32x128xf32>
    %get3A_397 = vector.shape_cast %get3A_396 : vector<1x1x32x128xf32> to vector<32x128xf32>
    %add3A_398 = arith.addf %add3A_381, %get3A_397 : vector<32x128xf32>
    %mul3A_399 = arith.mulf %get3A_397, %get3A_397 : vector<32x128xf32>
    %add3A_400 = arith.addf %add3A_383, %mul3A_399 : vector<32x128xf32>
    %get3A_401 = arith.constant 23 : index
    %get3A_402 = arith.constant 0 : index
    %get3A_403 = arith.constant 0 : index
    %get3A_404 = vector.load %arg4[%get3A_401, %get3A_402, %get3A_403] : memref<26x32x256xf32, #tpu.memory_space<vmem>>, vector<1x32x256xf32>
    %get3A_405 = vector.shape_cast %get3A_404 : vector<1x32x256xf32> to vector<32x256xf32>
    %dot_general3A_406 = arith.constant dense<0.000000e+00> : vector<128x256xf32>
    %dot_general3A_407 = tpu.matmul %get3A_397, %get3A_405, %dot_general3A_406 {dimension_numbers = #tpu.dot_dimension_numbers<[0], [0], [1], [1], [0, 1, 1, 1], [], []>, transpose_lhs_hint = false} : vector<32x128xf32>, vector<32x256xf32>, vector<128x256xf32> -> vector<128x256xf32>
    %add3A_408 = arith.addf %add3A_391, %dot_general3A_407 : vector<128x256xf32>
    %get3A_409 = arith.constant 24 : index
    %get3A_410 = arith.constant 0 : index
    %get3A_411 = arith.constant 0 : index
    %get3A_412 = arith.constant 0 : index
    %get3A_413 = vector.load %arg2[%get3A_409, %get3A_410, %get3A_411, %get3A_412] : memref<26x1x32x128xf32, #tpu.memory_space<vmem>>, vector<1x1x32x128xf32>
    %get3A_414 = vector.shape_cast %get3A_413 : vector<1x1x32x128xf32> to vector<32x128xf32>
    %add3A_415 = arith.addf %add3A_398, %get3A_414 : vector<32x128xf32>
    %mul3A_416 = arith.mulf %get3A_414, %get3A_414 : vector<32x128xf32>
    %add3A_417 = arith.addf %add3A_400, %mul3A_416 : vector<32x128xf32>
    %get3A_418 = arith.constant 24 : index
    %get3A_419 = arith.constant 0 : index
    %get3A_420 = arith.constant 0 : index
    %get3A_421 = vector.load %arg4[%get3A_418, %get3A_419, %get3A_420] : memref<26x32x256xf32, #tpu.memory_space<vmem>>, vector<1x32x256xf32>
    %get3A_422 = vector.shape_cast %get3A_421 : vector<1x32x256xf32> to vector<32x256xf32>
    %dot_general3A_423 = arith.constant dense<0.000000e+00> : vector<128x256xf32>
    %dot_general3A_424 = tpu.matmul %get3A_414, %get3A_422, %dot_general3A_423 {dimension_numbers = #tpu.dot_dimension_numbers<[0], [0], [1], [1], [0, 1, 1, 1], [], []>, transpose_lhs_hint = false} : vector<32x128xf32>, vector<32x256xf32>, vector<128x256xf32> -> vector<128x256xf32>
    %add3A_425 = arith.addf %add3A_408, %dot_general3A_424 : vector<128x256xf32>
    %get3A_426 = arith.constant 25 : index
    %get3A_427 = arith.constant 0 : index
    %get3A_428 = arith.constant 0 : index
    %get3A_429 = arith.constant 0 : index
    %get3A_430 = vector.load %arg2[%get3A_426, %get3A_427, %get3A_428, %get3A_429] : memref<26x1x32x128xf32, #tpu.memory_space<vmem>>, vector<1x1x32x128xf32>
    %get3A_431 = vector.shape_cast %get3A_430 : vector<1x1x32x128xf32> to vector<32x128xf32>
    %add3A_432 = arith.addf %add3A_415, %get3A_431 : vector<32x128xf32>
    %mul3A_433 = arith.mulf %get3A_431, %get3A_431 : vector<32x128xf32>
    %add3A_434 = arith.addf %add3A_417, %mul3A_433 : vector<32x128xf32>
    %get3A_435 = arith.constant 25 : index
    %get3A_436 = arith.constant 0 : index
    %get3A_437 = arith.constant 0 : index
    %get3A_438 = vector.load %arg4[%get3A_435, %get3A_436, %get3A_437] : memref<26x32x256xf32, #tpu.memory_space<vmem>>, vector<1x32x256xf32>
    %get3A_439 = vector.shape_cast %get3A_438 : vector<1x32x256xf32> to vector<32x256xf32>
    %dot_general3A_440 = arith.constant dense<0.000000e+00> : vector<128x256xf32>
    %dot_general3A_441 = tpu.matmul %get3A_431, %get3A_439, %dot_general3A_440 {dimension_numbers = #tpu.dot_dimension_numbers<[0], [0], [1], [1], [0, 1, 1, 1], [], []>, transpose_lhs_hint = false} : vector<32x128xf32>, vector<32x256xf32>, vector<128x256xf32> -> vector<128x256xf32>
    %add3A_442 = arith.addf %add3A_425, %dot_general3A_441 : vector<128x256xf32>
    %broadcast_in_dim3A_443 = arith.constant 1.000000e+00 : f32
    %broadcast_in_dim3A_444 = vector.broadcast %broadcast_in_dim3A_443 : f32 to vector<32x1xf32>
    %mul3A_445 = arith.mulf %add3A_432, %add3A_432 : vector<32x128xf32>
    %dot_general3A_446 = arith.constant dense<0.000000e+00> : vector<128x1xf32>
    %dot_general3A_447 = tpu.matmul %mul3A_445, %broadcast_in_dim3A_444, %dot_general3A_446 {dimension_numbers = #tpu.dot_dimension_numbers<[0], [0], [1], [1], [0, 1, 1, 1], [], []>, transpose_lhs_hint = false} : vector<32x128xf32>, vector<32x1xf32>, vector<128x1xf32> -> vector<128x1xf32>
    %dot_general3A_448 = arith.constant dense<0.000000e+00> : vector<128x1xf32>
    %dot_general3A_449 = tpu.matmul %add3A_434, %broadcast_in_dim3A_444, %dot_general3A_448 {dimension_numbers = #tpu.dot_dimension_numbers<[0], [0], [1], [1], [0, 1, 1, 1], [], []>, transpose_lhs_hint = false} : vector<32x128xf32>, vector<32x1xf32>, vector<128x1xf32> -> vector<128x1xf32>
    %sub3A = arith.subf %dot_general3A_447, %dot_general3A_449 : vector<128x1xf32>
    %mul3A_450 = arith.constant 5.000000e-01 : f32
    %mul3A_451 = vector.broadcast %mul3A_450 : f32 to vector<128x1xf32>
    %mul3A_452 = arith.mulf %mul3A_451, %sub3A : vector<128x1xf32>
    %get3A_453 = arith.constant 0 : index
    %get3A_454 = arith.constant 0 : index
    %get3A_455 = vector.load %arg3[%get3A_453, %get3A_454] : memref<128x26xf32, #tpu.memory_space<vmem>>, vector<128x26xf32>
    %reduce_sum3A = arith.constant dense<0.000000e+00> : vector<128xf32>
    %reduce_sum3A_456 = vector.multi_reduction <add>, %get3A_455, %reduce_sum3A [1] : vector<128x26xf32> to vector<128xf32>
    %broadcast_in_dim3A_457 = vector.shape_cast %reduce_sum3A_456 : vector<128xf32> to vector<128x1xf32>
    %get3A_458 = arith.constant 0 : index
    %get3A_459 = arith.constant 0 : index
    %get3A_460 = vector.load %arg5[%get3A_458, %get3A_459] : memref<1x256xf32, #tpu.memory_space<vmem>>, vector<1x256xf32>
    %add3A_461 = vector.broadcast %get3A_460 : vector<1x256xf32> to vector<128x256xf32>
    %add3A_462 = arith.addf %add3A_442, %add3A_461 : vector<128x256xf32>
    %max3A = arith.constant 0.000000e+00 : f32
    %max3A_463 = vector.broadcast %max3A : f32 to vector<128x256xf32>
    %max3A_464 = arith.maximumf %add3A_462, %max3A_463 : vector<128x256xf32>
    %get3A_465 = arith.constant 0 : index
    %get3A_466 = arith.constant 0 : index
    %get3A_467 = vector.load %arg6[%get3A_465, %get3A_466] : memref<256x128xf32, #tpu.memory_space<vmem>>, vector<256x128xf32>
    %dot_general3A_468 = arith.constant dense<0.000000e+00> : vector<128x128xf32>
    %dot_general3A_469 = tpu.matmul %max3A_464, %get3A_467, %dot_general3A_468 {dimension_numbers = #tpu.dot_dimension_numbers<[1], [0], [0], [1], [0, 0, 1, 1], [], []>, transpose_lhs_hint = false} : vector<128x256xf32>, vector<256x128xf32>, vector<128x128xf32> -> vector<128x128xf32>
    %get3A_470 = arith.constant 0 : index
    %get3A_471 = arith.constant 0 : index
    %get3A_472 = vector.load %arg7[%get3A_470, %get3A_471] : memref<1x128xf32, #tpu.memory_space<vmem>>, vector<1x128xf32>
    %add3A_473 = vector.broadcast %get3A_472 : vector<1x128xf32> to vector<128x128xf32>
    %add3A_474 = arith.addf %dot_general3A_469, %add3A_473 : vector<128x128xf32>
    %max3A_475 = arith.constant 0.000000e+00 : f32
    %max3A_476 = vector.broadcast %max3A_475 : f32 to vector<128x128xf32>
    %max3A_477 = arith.maximumf %add3A_474, %max3A_476 : vector<128x128xf32>
    %get3A_478 = arith.constant 0 : index
    %get3A_479 = arith.constant 0 : index
    %get3A_480 = vector.load %arg8[%get3A_478, %get3A_479] : memref<128x1xf32, #tpu.memory_space<vmem>>, vector<128x1xf32>
    %dot_general3A_481 = arith.constant dense<0.000000e+00> : vector<128x1xf32>
    %dot_general3A_482 = tpu.matmul %max3A_477, %get3A_480, %dot_general3A_481 {dimension_numbers = #tpu.dot_dimension_numbers<[1], [0], [0], [1], [0, 0, 1, 1], [], []>, transpose_lhs_hint = false} : vector<128x128xf32>, vector<128x1xf32>, vector<128x1xf32> -> vector<128x1xf32>
    %get3A_483 = arith.constant 0 : index
    %get3A_484 = memref.load %arg1[%get3A_483] : memref<3xf32, #tpu.memory_space<smem>>
    %mul3A_485 = vector.broadcast %get3A_484 : f32 to vector<128x1xf32>
    %mul3A_486 = arith.mulf %broadcast_in_dim3A_457, %mul3A_485 : vector<128x1xf32>
    %get3A_487 = arith.constant 1 : index
    %get3A_488 = memref.load %arg1[%get3A_487] : memref<3xf32, #tpu.memory_space<smem>>
    %mul3A_489 = vector.broadcast %get3A_488 : f32 to vector<128x1xf32>
    %mul3A_490 = arith.mulf %mul3A_452, %mul3A_489 : vector<128x1xf32>
    %add3A_491 = arith.addf %mul3A_486, %mul3A_490 : vector<128x1xf32>
    %add3A_492 = arith.addf %add3A_491, %dot_general3A_482 : vector<128x1xf32>
    %get3A_493 = arith.constant 2 : index
    %get3A_494 = memref.load %arg1[%get3A_493] : memref<3xf32, #tpu.memory_space<smem>>
    %add3A_495 = vector.broadcast %get3A_494 : f32 to vector<128x1xf32>
    %add3A_496 = arith.addf %add3A_492, %add3A_495 : vector<128x1xf32>
    %neg3A = arith.constant 0.000000e+00 : f32
    %neg3A_497 = vector.broadcast %neg3A : f32 to vector<128x1xf32>
    %neg3A_498 = arith.subf %neg3A_497, %add3A_496 : vector<128x1xf32>
    %exp3A = math.exp %neg3A_498 : vector<128x1xf32>
    %add3A_499 = arith.constant 1.000000e+00 : f32
    %add3A_500 = vector.broadcast %add3A_499 : f32 to vector<128x1xf32>
    %add3A_501 = arith.addf %add3A_500, %exp3A : vector<128x1xf32>
    %div3A = arith.constant 1.000000e+00 : f32
    %div3A_502 = vector.broadcast %div3A : f32 to vector<128x1xf32>
    %div3A_503 = arith.divf %div3A_502, %add3A_501 : vector<128x1xf32>
    %swap3A = arith.constant 0 : index
    %swap3A_504 = arith.constant 0 : index
    %swap3A_505 = vector.load %arg9[%swap3A, %swap3A_504] : memref<128x1xf32, #tpu.memory_space<vmem>>, vector<128x1xf32>
    tpu.vector_store %arg9[%swap3A, %swap3A_504], %div3A_503 {strides = array<i32>} : memref<128x1xf32, #tpu.memory_space<vmem>>, vector<128x1xf32>,
    return
  }
  func.func @transform_0(%arg0: i32) -> i32 {
    %c0_i32 = arith.constant 0 : i32
    %c0_i32_0 = arith.constant 0 : i32
    return %c0_i32 : i32
  }
  func.func @transform_1(%arg0: i32) -> (i32, i32, i32, i32) {
    %c0_i32 = arith.constant 0 : i32
    %c0_i32_0 = arith.constant 0 : i32
    %c0_i32_1 = arith.constant 0 : i32
    %c0_i32_2 = arith.constant 0 : i32
    return %c0_i32, %arg0, %c0_i32_0, %c0_i32_1 : i32, i32, i32, i32
  }
  func.func @transform_2(%arg0: i32) -> (i32, i32) {
    %c0_i32 = arith.constant 0 : i32
    %c0_i32_0 = arith.constant 0 : i32
    return %arg0, %c0_i32 : i32, i32
  }
  func.func @transform_3(%arg0: i32) -> (i32, i32, i32) {
    %c0_i32 = arith.constant 0 : i32
    %c0_i32_0 = arith.constant 0 : i32
    %c0_i32_1 = arith.constant 0 : i32
    %c0_i32_2 = arith.constant 0 : i32
    return %c0_i32, %c0_i32_0, %c0_i32_1 : i32, i32, i32
  }
  func.func @transform_4(%arg0: i32) -> (i32, i32) {
    %c0_i32 = arith.constant 0 : i32
    %c0_i32_0 = arith.constant 0 : i32
    %c0_i32_1 = arith.constant 0 : i32
    return %c0_i32, %c0_i32_0 : i32, i32
  }
  func.func @transform_5(%arg0: i32) -> (i32, i32) {
    %c0_i32 = arith.constant 0 : i32
    %c0_i32_0 = arith.constant 0 : i32
    %c0_i32_1 = arith.constant 0 : i32
    return %c0_i32, %c0_i32_0 : i32, i32
  }
  func.func @transform_6(%arg0: i32) -> (i32, i32) {
    %c0_i32 = arith.constant 0 : i32
    %c0_i32_0 = arith.constant 0 : i32
    %c0_i32_1 = arith.constant 0 : i32
    return %c0_i32, %c0_i32_0 : i32, i32
  }
  func.func @transform_7(%arg0: i32) -> (i32, i32) {
    %c0_i32 = arith.constant 0 : i32
    %c0_i32_0 = arith.constant 0 : i32
    %c0_i32_1 = arith.constant 0 : i32
    return %c0_i32, %c0_i32_0 : i32, i32
  }
  func.func @transform_8(%arg0: i32) -> (i32, i32) {
    %c0_i32 = arith.constant 0 : i32
    %c0_i32_0 = arith.constant 0 : i32
    return %arg0, %c0_i32 : i32, i32
  }
}

</mosaic_0001>

<sc_bundles>
// kernel: kernel.4.cloned.1.call-start
scs
__scs_entry_jumppad:
0x0: {  	(pc) =	sbr.rel $0x88, $3  }
0x1: {  	(tag) =	ssettag $0x0;
	lr =	simm.s32 $0x1  }
0x2: {  	[smem:$0x3F98] =	sst lr;
	_ =	strace $0xD0000000  }
0x3: {  	_ = 	snop  }
0x4: {  	_ = 	snop  }
0x5: {  	_ = 	snop  }
0x6: {  	_ = 	snop  }
0x7: {  	_ = 	snop  }
__scs_overlays_trampoline_lowered:
0x8: {  	[smem:$0x3FA7] =	sst s0  }
0x9: {  	[smem:$0x3FA8] =	sst s1  }
0xa: {  	[smem:$0x3FA9] =	sst s2  }
0xb: {  	[smem:$0x3FAA] =	sst s3  }
0xc: {  	[smem:$0x3FAB] =	sst s4  }
0xd: {  	[smem:$0x3FAC] =	sst s5  }
0xe: {  	[smem:$0x3FAD] =	sst s6  }
0xf: {  	[smem:$0x3FAE] =	sst s7  }
0x10: {  	[smem:$0x3FAF] =	sst s8  }
0x11: {  	[smem:$0x3FB0] =	sst s9;
	s0 =	simm.s32 @!p0 $0x0  }
0x12: {  	s1 =	sld [smem:$0x3F96];
	s0 =	simm.s32 @p0 $0x1  }
0x13: {  	[smem:$0x3FB1] =	sst s0;
	s0 =	simm.s32 @!p1 $0x0  }
0x14: {  	s2 =	sld [smem:$0x3F95];
	s0 =	simm.s32 @p1 $0x1  }
0x15: {  	[smem:$0x3FB2] =	sst s0;
	s0 =	simm.s32 @!p2 $0x0  }
0x16: {  	s3 =	sld [smem:$0x3FDB];
	s0 =	simm.s32 @p2 $0x1  }
0x17: {  	s4 =	simm.s32 $0x1BF5;
	[smem:$0x3FB4] =	sst s0  }
0x18: {  	s0 =	sld [smem:$0x3F97];
	_ =	swait.ge [sflag:s4], $0x0  }
0x19: {  	s7 =	sld [smem:$0x3F98]  }
0x1a: {  	s8 =	sadd.s32 $0xFFFFE003, lr  }
0x1b: {  	s9 =	sadd.s32 $0xFFFFFEF7, lr;
	s5 =	simm.s32 $0xFFFFFFFF;
	p2 =	slt.u32 s8, $0xFFFFF086  }
0x1c: {  	p1 =	slt.u32 s9, $0xF7A;
	s5 =	simm.s32 @!p2 $0x0  }
0x1d: {  	s5 =	simm.s32 @p1 $0x1;
	p0 =	seq.s32 s7, s2  }
0x1e: {  	s7 =	smul.u32 @!p0 $0xF7A, s2;
	p2 =	seq.s32 @!p0 s5, $0x0  }
0x1f: {  	s9 =	smul.u32 $0xF7A, s1;
	s8 =	simm.s32 @!p0 $0x1BF5;
	p2 =	por !p2, p0  }
0x20: {  	[sflag:s8] =	ssyncset.s32 @!p0 $0xFFFFF086;
	s6 =	sadd.s32 @!p0 s3, s7;
	s7 =	simm.s32 @!p0 $0x108  }
0x21: {  	s3 =	sadd.s32 s3, s9;
	s6 =	sadd.s32 @!p0 $0x88, s6;
	s7 =	simm.s32 @p2 $0x1082  }
0x22: {  	[simem:s7], [sflag:s8] =	dma.local @!p0 [hbm:s6], $0xF7A  }
0x23: {  	s9 =	sor.u32 $0xD0000000, s2;
	s6 =	simm.s32 $0x108;
	_ =	swait.ge @!p0 [sflag:s8], $0x0  }
0x24: {  	s3 =	sadd.s32 $0x88, s3;
	s6 =	simm.s32 @!p1 $0x1082;
	[sflag:s4] =	ssyncset.s32 $0xFFFFF086  }
0x25: {  	[simem:s6], [sflag:s4] =	dma.local [hbm:s3], $0xF7A  }
0x26: {  	[smem:$0x3F98] =	sst s1;
	(tag) =	ssettag s2;
	_ =	strace s9  }
0x27: {  	s1 =	sld [smem:$0x3FA8]  }
0x28: {  	s2 =	sld [smem:$0x3FA9]  }
0x29: {  	s4 =	sld [smem:$0x3FAB]  }
0x2a: {  	p0 =	seq.s32 s5, $0x0;
	s5 =	sld [smem:$0x3FAC]  }
0x2b: {  	s6 =	sld [smem:$0x3FAD]  }
0x2c: {  	s7 =	sld [smem:$0x3FAE]  }
0x2d: {  	s3 =	simm.s32 $0x108;
	s8 =	sld [smem:$0x3FAF]  }
0x2e: {  	s3 =	simm.s32 @!p0 $0x1082;
	s9 =	sld [smem:$0x3FB0]  }
0x2f: {  	lr =	sadd.s32 s0, s3;
	s0 =	sld [smem:$0x3FA7]  }
0x30: {  	s3 =	sld [smem:$0x3FAA]  }
0x31: {  	[smem:$0x3FB3] =	sst s10  }
0x32: {  	s10 =	sld [smem:$0x3FB1];
	_ =	sdelay $0x3  }
0x33: {  	p0 =	seq.s32 s10, $0x1;
	s10 =	sld [smem:$0x3FB3];
	_ =	sdelay $0x3  }
0x34: {  	[smem:$0x3FB3] =	sst s10  }
0x35: {  	s10 =	sld [smem:$0x3FB2];
	_ =	sdelay $0x3  }
0x36: {  	p1 =	seq.s32 s10, $0x1;
	s10 =	sld [smem:$0x3FB3];
	_ =	sdelay $0x3  }
0x37: {  	[smem:$0x3FB3] =	sst s10  }
0x38: {  	s10 =	sld [smem:$0x3FB4]  }
0x39: {  	_ = 	snop;
	(pc) =	sbr.ind lr, $3  }
0x3a: {  	_ = 	snop  }
0x3b: {  	_ = 	snop  }
0x3c: {  	p2 =	seq.s32 s10, $0x1;
	s10 =	sld [smem:$0x3FB3]  }
0x3d: {  	_ =	shalt  }
0x3e: {  	_ =	shalt  }
0x3f: {  	_ =	shalt  }
0x40: {  	_ =	shalt  }
0x41: {  	_ =	shalt  }
0x42: {  	_ =	shalt  }
0x43: {  	_ =	shalt  }
0x44: {  	_ =	shalt  }
0x45: {  	_ =	shalt  }
0x46: {  	_ =	shalt  }
0x47: {  	_ =	shalt  }
0x48: {  	_ =	shalt  }
0x49: {  	_ =	shalt  }
0x4a: {  	_ =	shalt  }
0x4b: {  	_ =	shalt  }
0x4c: {  	_ =	shalt  }
0x4d: {  	_ =	shalt  }
0x4e: {  	_ =	shalt  }
0x4f: {  	_ =	shalt  }
0x50: {  	_ =	shalt  }
0x51: {  	_ =	shalt  }
0x52: {  	_ =	shalt  }
0x53: {  	_ =	shalt  }
0x54: {  	_ =	shalt  }
0x55: {  	_ =	shalt  }
0x56: {  	_ =	shalt  }
0x57: {  	_ =	shalt  }
0x58: {  	_ =	shalt  }
0x59: {  	_ =	shalt  }
0x5a: {  	_ =	shalt  }
0x5b: {  	_ =	shalt  }
0x5c: {  	_ =	shalt  }
0x5d: {  	_ =	shalt  }
0x5e: {  	_ =	shalt  }
0x5f: {  	_ =	shalt  }
0x60: {  	_ =	shalt  }
0x61: {  	_ =	shalt  }
0x62: {  	_ =	shalt  }
0x63: {  	_ =	shalt  }
0x64: {  	_ =	shalt  }
0x65: {  	_ =	shalt  }
0x66: {  	_ =	shalt  }
0x67: {  	_ =	shalt  }
0x68: {  	_ =	shalt  }
0x69: {  	_ =	shalt  }
0x6a: {  	_ =	shalt  }
0x6b: {  	_ =	shalt  }
0x6c: {  	_ =	shalt  }
0x6d: {  	_ =	shalt  }
0x6e: {  	_ =	shalt  }
0x6f: {  	_ =	shalt  }
0x70: {  	_ =	shalt  }
0x71: {  	_ =	shalt  }
0x72: {  	_ =	shalt  }
0x73: {  	_ =	shalt  }
0x74: {  	_ =	shalt  }
0x75: {  	_ =	shalt  }
0x76: {  	_ =	shalt  }
0x77: {  	_ =	shalt  }
0x78: {  	_ =	shalt  }
0x79: {  	_ =	shalt  }
0x7a: {  	_ =	shalt  }
0x7b: {  	_ =	shalt  }
0x7c: {  	_ =	shalt  }
0x7d: {  	_ =	shalt  }
0x7e: {  	_ =	shalt  }
0x7f: {  	_ =	shalt  }
0x80: {  	_ =	shalt  }
0x81: {  	_ =	shalt  }
0x82: {  	_ =	shalt  }
0x83: {  	_ =	shalt  }
0x84: {  	_ =	shalt  }
0x85: {  	_ =	shalt  }
0x86: {  	_ =	shalt  }
0x87: {  	_ =	shalt  }
.Lfunc_end0:
.L_simem_size_0:
called_computation_lowered:
.L_overlay_start_0:
0x88: {  	s2 =	sld [smem:$0x3FD9]  }
0x89: {  	s3 =	sld [smem:$0x3FFE];
	_ =	sdelay $0x1  }
0x8a: {  	s1 =	srdreg.scid  }
0x8b: {  	s0 =	sand.u32 $0x1, s1  }
0x8c: {  	s16 =	sshll.u32 s0, $0xA;
	s2 =	sadd.s32 s3, s2  }
0x8d: {  	s2 =	sadd.s32 s2, s16  }
0x8e: {  	[smem:$0x3FBF] =	sst s2  }
0x8f: {  	_ = 	snop  }
0x90: {  	(tm) =	ssettm $0x1  }
0x91: {  	s17 =	sld [smem:$0x3FFB];
	_ =	sdelay $0x3  }
0x92: {  	_ =	strace s17  }
0x93: {  	s2 =	sld [smem:$0x3FFC];
	_ =	sdelay $0x3  }
0x94: {  	_ =	strace s2  }
0x95: {  	s2 =	sld [smem:$0x3FFD];
	_ =	sdelay $0x3  }
0x96: {  	_ =	strace s2  }
0x97: {  	_ =	strace $0x8FFFFFFF  }
0x98: {  	s18 =	sld [smem:$0x3FDB];
	_ =	sdelay $0x1  }
0x99: {  	s19 =	simm.s32 $_scs_section_size  }
0x9a: {  	s4 =	simm.s32 $_size__tile_overlayer_lowered;
	s5 =	simm.s32 $_tile_overlayer_lowered  }
0x9b: {  	s22 =	simm.s32 $0x1BFF;
	s21 =	sshll.u32 s5, $0x1;
	s2 =	sadd.s32 s19, s18  }
0x9c: {  	s6 =	simm.s32 $0x0;
	s20 =	sshll.u32 s4, $0x1;
	s4 =	sadd.s32 s21, s2  }
0x9d: {  	[timem:s6], [sflag:s22] =	dma.local [hbm:s4], s20  }
0x9e: {  	_ =	swait.ge [sflag:s22], s20  }
0x9f: {  	s3 =	ssub.s32 $0x0, s20;
	[sflag:s22] =	ssyncset.done $0x0  }
0xa0: {  	[sflag:s22] =	ssyncadd.s32 s3;
	_ =	sdelay $0x1  }
0xa1: {  	s23 =	simm.s32 $0x1B8B  }
0xa2: {  	_ =	swait.ge [sflag:s23], $0x1  }
0xa3: {  	[sflag:s23] =	ssyncset.done $0x0  }
0xa4: {  	s25 =	simm.s32 $0x1B8E;
	s24 =	sld [smem:$0x3FFE];
	[sflag:s23] =	ssyncadd.s32 $0xFFFFFFFF  }
0xa5: {  	s26 =	simm.s32 $execute0_lowered;
	[smem:$0x3FD2] =	sst s25  }
0xa6: {  	s4 =	sshll.u32 s26, $0x1;
	_ =	strace $0x80000046;
	[dreg:$0x1] =	wrdreg $0xFFFFFFFF  }
0xa7: {  	s28 =	simm.s32 $_size_execute0_lowered;
	s2 =	sadd.s32 s2, s4;
	[dreg:$0x0] =	wrdreg $0x0  }
0xa8: {  	s4 =	sshll.u32 s28, $0x1;
	[dreg:$0x2] =	wrdreg s2  }
0xa9: {  	[dreg:$0x3] =	wrdreg s4  }
0xaa: {  	[dreg:$0x4] =	wrdreg $0xC0  }
0xab: {  	_ =	task [dreg:s6], $0x5FFFF  }
0xac: {  	[dreg:$0x1] =	wrdreg $0xFFFFFFFF  }
0xad: {  	[dreg:$0x0] =	wrdreg $0x60  }
0xae: {  	[dreg:$0x2] =	wrdreg s24  }
0xaf: {  	[dreg:$0x3] =	wrdreg $0x9  }
0xb0: {  	_ =	task.clear_ibuf [dreg:s6], $0x4FFFF;
	_ =	strace $0x90000046  }
0xb1: {  	s29 =	simm.s32 $0x9;
	_ =	strace $0x80000048  }
0xb2: {  	_ =	swait.ge [sflag:s29], $0x1  }
0xb3: {  	[sflag:s29] =	ssyncadd.s32 $0xFFFFFFFF  }
0xb4: {  	_ =	strace $0x90000048  }
0xb5: {  	_ =	sfence  }
0xb6: {  	s30 =	sld [smem:$0x0];
	_ =	sdelay $0x2  }
0xb7: {  	s31 =	sshll.u32 s1, $0xD;
	s1 =	sshrl.u32 s1, $0x2  }
0xb8: {  	s3 =	sand.u32 $0x4000, s31;
	s1 =	sadd.s32 s1, s30  }
0xb9: {  	s0 =	sor.u32 s3, s0;
	s1 =	sshll.u32 s1, $0x11  }
0xba: {  	s0 =	sor.u32 s1, s0  }
0xbb: {  	s0 =	sadd.s32 $0x8F2B, s0  }
0xbc: {  	[sflag:s0] =	ssyncadd.remote.s32 $0x1  }
0xbd: {  	_ =	sfence.sel $0xFFFF  }
0xbe: {  	[dreg:$0x0] =	wrdreg $0xFFFFFFFF;
	(pc) =	sbr.abs _section_cstart, $3  }
0xbf: {  	[dreg:$0x1] =	wrdreg $0xFFFFFFFF  }
0xc0: {  	_ =	task.clear_ibuf [dreg:s6], $0x2FFFF;
	_ =	strace $0x9FFFFFFF  }
0xc1: {  	(tm) =	ssettm $0x7FFFFFFF  }
tec
execute0_lowered:
.L_overlay_start_1:
0x0: {  	(tag) =	ssettag $0x1  }
0x1: {  	s0 =	rddreg [dreg:$0x0]  }
0x2: {  	s1 =	srdreg.scid;
	s8 =	stileid.u32  }
0x3: {  	s2 =	simm.s32 $0x0;
	s12 =	simm.s32 $0x5;
	s15 =	simm.s32 $0x1000  }
0x4: {  	s16 =	simm.s32 $0x2700;
	s17 =	simm.s32 $0x4700;
	s18 =	simm.s32 $0x80  }
0x5: {  	s19 =	simm.s32 $0x6700;
	s20 =	simm.s32 $0x3700;
	s21 =	simm.s32 $0x5700  }
0x6: {  	s22 =	simm.s32 $0x7700;
	s23 =	simm.s32 $0x1;
	s24 =	simm.s32 $0x3  }
0x7: {  	s25 =	simm.s32 $0x2;
	s26 =	simm.s32 $0x4;
	s29 =	simm.s32 $0x0  }
0x8: {  	s1 =	sand.u32 $0x1, s1;
	s3 =	sshll.u32 s8, $0x1;
	s4 =	sadd.s32 $0x9F6400, s0  }
0x9: {  	[smem:$0x7FF] =	sst s2;
	s10 =	sadd.s32 $0xA48E00, s0;
	s8 =	sshll.u32 s8, $0xD  }
0xa: {  	s3 =	sor.u32 s1, s3;
	_ =	strace $0x80000047;
	s6 =	ssub.s32 $0x2, s1  }
0xb: {  	v0 =	vlaneseq.u32;
	s1 =	sshll.u32 s1, $0xC;
	s5 =	smul.u32 $0x1A0, s3;
	s7 =	sshrl.u32 s6, $0x1  }
0xc: {  	v0 =	vmul.u32 $0x20, v0;
	s3 =	sadd.s32 $0xB200, s0;
	s1 =	sor.u32 s1, s8;
	s9 =	ssub.s32 s6, s7  }
0xd: {  	s30 =	sshrl.u32 s1, $0x3;
	s11 =	sor.u32 $0x20000, s1;
	s0 =	sadd.s32 s5, s0  }
0xe: {  	v1 =	vor.u32 $0x200, v0;
	s9 =	smax.u32 s9, $0x1;
	s1 =	sadd.s32 s30, s10;
	s31 =	sshrl.u32 s11, $0x3  }
0xf: {  	v2 =	vor.u32 $0x400, v0;
	v3 =	vor.u32 $0x600, v0;
	v4 =	vor.u32 $0x800, v0;
	s5 =	sadd.s32 $0x7E00, s0;
	s6 =	sadd.s32 $0x4A00, s0;
	s7 =	sadd.s32 $0x1600, s0  }
0x10: {  	v5 =	vor.u32 $0xA00, v0;
	v6 =	vor.u32 $0xC00, v0;
	v7 =	vor.u32 $0xE00, v0;
	s8 =	sadd.s32 $0xA45A00, s0;
	s11 =	sadd.s32 s31, s10;
	[dreg:$0x2] =	wrdreg s5  }
.LBB2_1:
0x11: {  	s0 =	rddreg [dreg:$0x2]  }
0x12: {  	[tilespmem:s2], [sflag:$0x5] =	stream.linear.gather [hbm4b:s0+s2], $0xD00, $0x38;
	[tilespmem:$0x9400] =	vst v63  }
0x13: {  	_ =	swait.ge [sflag:s12], $0xD00  }
0x14: {  	[sflag:s12] =	ssyncset.done $0x0  }
0x15: {  	s14 =	simm.s32 $0xD00;
	[sflag:s12] =	ssyncadd.s32 $0xFFFFF300  }
0x16: {  	[tilespmem:s14], [sflag:$0x5] =	stream.linear.gather [hbm4b:s6+s2], $0xD00, $0x38;
	[tilespmem:$0x9400] =	vst v63  }
0x17: {  	_ =	swait.ge [sflag:s12], $0xD00  }
0x18: {  	[sflag:s12] =	ssyncset.done $0x0  }
0x19: {  	s28 =	simm.s32 $0x1A00;
	[sflag:s12] =	ssyncadd.s32 $0xFFFFF300  }
0x1a: {  	[tilespmem:s28], [sflag:$0x5] =	stream.linear.gather [hbm4b:s7+s2], $0xD00, $0x38;
	[tilespmem:$0x9400] =	vst v63  }
0x1b: {  	s30 =	smov.u32 s11;
	_ =	swait.ge [sflag:s12], $0xD00  }
0x1c: {  	s31 =	smov.u32 s4;
	s10 =	smov.u32 s1;
	[sflag:s12] =	ssyncset.done $0x0  }
0x1d: {  	s13 =	simm.s32 $0x0;
	s0 =	simm.s32 $0x0;
	[sflag:s12] =	ssyncadd.s32 $0xFFFFF300  }
.LBB2_2:
0x1e: {  	s14 =	sshra.s32 s13, $0x2  }
0x1f: {  	v8 =	vld [tilespmem:s14+$0x0]  }
0x20: {  	v9 =	vld [tilespmem:s14+$0x10]  }
0x21: {  	v10 =	vld [tilespmem:s14+$0x20]  }
0x22: {  	v11 =	vld [tilespmem:s14+$0x30]  }
0x23: {  	v12 =	vld [tilespmem:s14+$0x40]  }
0x24: {  	v13 =	vld [tilespmem:s14+$0x50]  }
0x25: {  	v14 =	vld [tilespmem:s14+$0x60];
	v8 =	vadd.s32 s0, v8  }
0x26: {  	v15 =	vld [tilespmem:s14+$0x70];
	v9 =	vadd.s32 s0, v9;
	[tilespmem:$0x2700] =	vst v8  }
0x27: {  	v10 =	vadd.s32 s0, v10;
	[tilespmem:$0x2710] =	vst v9  }
0x28: {  	v11 =	vadd.s32 s0, v11;
	[tilespmem:$0x2720] =	vst v10  }
0x29: {  	v12 =	vadd.s32 s0, v12;
	[tilespmem:$0x2730] =	vst v11  }
0x2a: {  	v13 =	vadd.s32 s0, v13;
	[tilespmem:$0x2740] =	vst v12  }
0x2b: {  	v14 =	vadd.s32 s0, v14;
	[tilespmem:$0x2750] =	vst v13  }
0x2c: {  	v15 =	vadd.s32 s0, v15;
	[tilespmem:$0x2760] =	vst v14  }
0x2d: {  	[tilespmem:$0x2770] =	vst v15;
	v16 =	vadd.s32 $0x186A0, v8  }
0x2e: {  	v36 =	vadd.s32 $0x186A0, v9;
	[tilespmem:$0x2780] =	vst v16  }
0x2f: {  	v37 =	vadd.s32 $0x186A0, v10;
	[tilespmem:$0x2790] =	vst v36  }
0x30: {  	v38 =	vadd.s32 $0x186A0, v11;
	[tilespmem:$0x27A0] =	vst v37  }
0x31: {  	v39 =	vadd.s32 $0x186A0, v12;
	[tilespmem:$0x27B0] =	vst v38  }
0x32: {  	v40 =	vadd.s32 $0x186A0, v13;
	[tilespmem:$0x27C0] =	vst v39  }
0x33: {  	v41 =	vadd.s32 $0x186A0, v14;
	[tilespmem:$0x27D0] =	vst v40  }
0x34: {  	v42 =	vadd.s32 $0x186A0, v15;
	[tilespmem:$0x27E0] =	vst v41  }
0x35: {  	v43 =	vadd.s32 $0x30D40, v8;
	[tilespmem:$0x27F0] =	vst v42  }
0x36: {  	v44 =	vadd.s32 $0x30D40, v9;
	[tilespmem:$0x2800] =	vst v43  }
0x37: {  	v45 =	vadd.s32 $0x30D40, v10;
	[tilespmem:$0x2810] =	vst v44  }
0x38: {  	v46 =	vadd.s32 $0x30D40, v11;
	[tilespmem:$0x2820] =	vst v45  }
0x39: {  	v47 =	vadd.s32 $0x30D40, v12;
	[tilespmem:$0x2830] =	vst v46  }
0x3a: {  	v48 =	vadd.s32 $0x30D40, v13;
	[tilespmem:$0x2840] =	vst v47  }
0x3b: {  	v49 =	vadd.s32 $0x30D40, v14;
	[tilespmem:$0x2850] =	vst v48  }
0x3c: {  	v50 =	vadd.s32 $0x30D40, v15;
	[tilespmem:$0x2860] =	vst v49  }
0x3d: {  	v51 =	vadd.s32 $0x493E0, v8;
	[tilespmem:$0x2870] =	vst v50  }
0x3e: {  	v52 =	vadd.s32 $0x493E0, v9;
	[tilespmem:$0x2880] =	vst v51  }
0x3f: {  	v53 =	vadd.s32 $0x493E0, v10;
	[tilespmem:$0x2890] =	vst v52  }
0x40: {  	v54 =	vadd.s32 $0x493E0, v11;
	[tilespmem:$0x28A0] =	vst v53  }
0x41: {  	v55 =	vadd.s32 $0x493E0, v12;
	[tilespmem:$0x28B0] =	vst v54  }
0x42: {  	v56 =	vadd.s32 $0x493E0, v13;
	[tilespmem:$0x28C0] =	vst v55  }
0x43: {  	v57 =	vadd.s32 $0x493E0, v14;
	[tilespmem:$0x28D0] =	vst v56  }
0x44: {  	v58 =	vadd.s32 $0x493E0, v15;
	[tilespmem:$0x28E0] =	vst v57  }
0x45: {  	v59 =	vadd.s32 $0x61A80, v8;
	[tilespmem:$0x28F0] =	vst v58  }
0x46: {  	v60 =	vadd.s32 $0x61A80, v9;
	[tilespmem:$0x2900] =	vst v59  }
0x47: {  	v61 =	vadd.s32 $0x61A80, v10;
	[tilespmem:$0x2910] =	vst v60  }
0x48: {  	v62 =	vadd.s32 $0x61A80, v11;
	[tilespmem:$0x2920] =	vst v61  }
0x49: {  	v63 =	vadd.s32 $0x61A80, v12;
	[tilespmem:$0x2930] =	vst v62  }
0x4a: {  	v20 =	vadd.s32 $0x61A80, v13;
	[tilespmem:$0x2940] =	vst v63  }
0x4b: {  	v21 =	vadd.s32 $0x61A80, v14;
	[tilespmem:$0x2950] =	vst v20  }
0x4c: {  	v22 =	vadd.s32 $0x61A80, v15;
	[tilespmem:$0x2960] =	vst v21  }
0x4d: {  	v23 =	vadd.s32 $0x7A120, v8;
	[tilespmem:$0x2970] =	vst v22  }
0x4e: {  	v24 =	vadd.s32 $0x7A120, v9;
	[tilespmem:$0x2980] =	vst v23  }
0x4f: {  	v25 =	vadd.s32 $0x7A120, v10;
	[tilespmem:$0x2990] =	vst v24  }
0x50: {  	v26 =	vadd.s32 $0x7A120, v11;
	[tilespmem:$0x29A0] =	vst v25  }
0x51: {  	v27 =	vadd.s32 $0x7A120, v12;
	[tilespmem:$0x29B0] =	vst v26  }
0x52: {  	v28 =	vadd.s32 $0x7A120, v13;
	[tilespmem:$0x29C0] =	vst v27  }
0x53: {  	v29 =	vadd.s32 $0x7A120, v14;
	[tilespmem:$0x29D0] =	vst v28  }
0x54: {  	v30 =	vadd.s32 $0x7A120, v15;
	[tilespmem:$0x29E0] =	vst v29  }
0x55: {  	v31 =	vadd.s32 $0x927C0, v8;
	[tilespmem:$0x29F0] =	vst v30  }
0x56: {  	v32 =	vadd.s32 $0x927C0, v9;
	[tilespmem:$0x2A00] =	vst v31  }
0x57: {  	v33 =	vadd.s32 $0x927C0, v10;
	[tilespmem:$0x2A10] =	vst v32  }
0x58: {  	v34 =	vadd.s32 $0x927C0, v11;
	[tilespmem:$0x2A20] =	vst v33  }
0x59: {  	v35 =	vadd.s32 $0x927C0, v12;
	[tilespmem:$0x2A30] =	vst v34  }
0x5a: {  	[tilespmem:$0x2A40] =	vst v35;
	v36 =	vadd.s32 $0x927C0, v13  }
0x5b: {  	v37 =	vadd.s32 $0x927C0, v14;
	[tilespmem:$0x2A50] =	vst v36  }
0x5c: {  	v38 =	vadd.s32 $0x927C0, v15;
	[tilespmem:$0x2A60] =	vst v37  }
0x5d: {  	v39 =	vadd.s32 $0xAAE60, v8;
	[tilespmem:$0x2A70] =	vst v38  }
0x5e: {  	v40 =	vadd.s32 $0xAAE60, v9;
	[tilespmem:$0x2A80] =	vst v39  }
0x5f: {  	v41 =	vadd.s32 $0xAAE60, v10;
	[tilespmem:$0x2A90] =	vst v40  }
0x60: {  	v42 =	vadd.s32 $0xAAE60, v11;
	[tilespmem:$0x2AA0] =	vst v41  }
0x61: {  	v43 =	vadd.s32 $0xAAE60, v12;
	[tilespmem:$0x2AB0] =	vst v42  }
0x62: {  	v44 =	vadd.s32 $0xAAE60, v13;
	[tilespmem:$0x2AC0] =	vst v43  }
0x63: {  	v45 =	vadd.s32 $0xAAE60, v14;
	[tilespmem:$0x2AD0] =	vst v44  }
0x64: {  	v46 =	vadd.s32 $0xAAE60, v15;
	[tilespmem:$0x2AE0] =	vst v45  }
0x65: {  	v47 =	vadd.s32 $0xC3500, v8;
	[tilespmem:$0x2AF0] =	vst v46  }
0x66: {  	v48 =	vadd.s32 $0xC3500, v9;
	[tilespmem:$0x2B00] =	vst v47  }
0x67: {  	v49 =	vadd.s32 $0xC3500, v10;
	[tilespmem:$0x2B10] =	vst v48  }
0x68: {  	v50 =	vadd.s32 $0xC3500, v11;
	[tilespmem:$0x2B20] =	vst v49  }
0x69: {  	v51 =	vadd.s32 $0xC3500, v12;
	[tilespmem:$0x2B30] =	vst v50  }
0x6a: {  	v52 =	vadd.s32 $0xC3500, v13;
	[tilespmem:$0x2B40] =	vst v51  }
0x6b: {  	v53 =	vadd.s32 $0xC3500, v14;
	[tilespmem:$0x2B50] =	vst v52  }
0x6c: {  	v54 =	vadd.s32 $0xC3500, v15;
	[tilespmem:$0x2B60] =	vst v53  }
0x6d: {  	v55 =	vadd.s32 $0xDBBA0, v8;
	[tilespmem:$0x2B70] =	vst v54  }
0x6e: {  	v56 =	vadd.s32 $0xDBBA0, v9;
	[tilespmem:$0x2B80] =	vst v55  }
0x6f: {  	v57 =	vadd.s32 $0xDBBA0, v10;
	[tilespmem:$0x2B90] =	vst v56  }
0x70: {  	v58 =	vadd.s32 $0xDBBA0, v11;
	[tilespmem:$0x2BA0] =	vst v57  }
0x71: {  	v59 =	vadd.s32 $0xDBBA0, v12;
	[tilespmem:$0x2BB0] =	vst v58  }
0x72: {  	v60 =	vadd.s32 $0xDBBA0, v13;
	[tilespmem:$0x2BC0] =	vst v59  }
0x73: {  	v61 =	vadd.s32 $0xDBBA0, v14;
	[tilespmem:$0x2BD0] =	vst v60  }
0x74: {  	v62 =	vadd.s32 $0xDBBA0, v15;
	[tilespmem:$0x2BE0] =	vst v61  }
0x75: {  	v63 =	vadd.s32 $0xF4240, v8;
	[tilespmem:$0x2BF0] =	vst v62  }
0x76: {  	v20 =	vadd.s32 $0xF4240, v9;
	[tilespmem:$0x2C00] =	vst v63  }
0x77: {  	v21 =	vadd.s32 $0xF4240, v10;
	[tilespmem:$0x2C10] =	vst v20  }
0x78: {  	v22 =	vadd.s32 $0xF4240, v11;
	[tilespmem:$0x2C20] =	vst v21  }
0x79: {  	v23 =	vadd.s32 $0xF4240, v12;
	[tilespmem:$0x2C30] =	vst v22  }
0x7a: {  	v24 =	vadd.s32 $0xF4240, v13;
	[tilespmem:$0x2C40] =	vst v23  }
0x7b: {  	v25 =	vadd.s32 $0xF4240, v14;
	[tilespmem:$0x2C50] =	vst v24  }
0x7c: {  	v26 =	vadd.s32 $0xF4240, v15;
	[tilespmem:$0x2C60] =	vst v25  }
0x7d: {  	v27 =	vadd.s32 $0x10C8E0, v8;
	[tilespmem:$0x2C70] =	vst v26  }
0x7e: {  	v28 =	vadd.s32 $0x10C8E0, v9;
	[tilespmem:$0x2C80] =	vst v27  }
0x7f: {  	v29 =	vadd.s32 $0x10C8E0, v10;
	[tilespmem:$0x2C90] =	vst v28  }
0x80: {  	v30 =	vadd.s32 $0x10C8E0, v11;
	[tilespmem:$0x2CA0] =	vst v29  }
0x81: {  	v31 =	vadd.s32 $0x10C8E0, v12;
	[tilespmem:$0x2CB0] =	vst v30  }
0x82: {  	v32 =	vadd.s32 $0x10C8E0, v13;
	[tilespmem:$0x2CC0] =	vst v31  }
0x83: {  	v33 =	vadd.s32 $0x10C8E0, v14;
	[tilespmem:$0x2CD0] =	vst v32  }
0x84: {  	v34 =	vadd.s32 $0x10C8E0, v15;
	[tilespmem:$0x2CE0] =	vst v33  }
0x85: {  	v35 =	vadd.s32 $0x124F80, v8;
	[tilespmem:$0x2CF0] =	vst v34  }
0x86: {  	[tilespmem:$0x2D00] =	vst v35;
	v36 =	vadd.s32 $0x124F80, v9  }
0x87: {  	v37 =	vadd.s32 $0x124F80, v10;
	[tilespmem:$0x2D10] =	vst v36  }
0x88: {  	v38 =	vadd.s32 $0x124F80, v11;
	[tilespmem:$0x2D20] =	vst v37  }
0x89: {  	v39 =	vadd.s32 $0x124F80, v12;
	[tilespmem:$0x2D30] =	vst v38  }
0x8a: {  	v40 =	vadd.s32 $0x124F80, v13;
	[tilespmem:$0x2D40] =	vst v39  }
0x8b: {  	v41 =	vadd.s32 $0x124F80, v14;
	[tilespmem:$0x2D50] =	vst v40  }
0x8c: {  	v42 =	vadd.s32 $0x124F80, v15;
	[tilespmem:$0x2D60] =	vst v41  }
0x8d: {  	v43 =	vadd.s32 $0x13D620, v8;
	[tilespmem:$0x2D70] =	vst v42  }
0x8e: {  	v44 =	vadd.s32 $0x13D620, v9;
	[tilespmem:$0x2D80] =	vst v43  }
0x8f: {  	v45 =	vadd.s32 $0x13D620, v10;
	[tilespmem:$0x2D90] =	vst v44  }
0x90: {  	v46 =	vadd.s32 $0x13D620, v11;
	[tilespmem:$0x2DA0] =	vst v45  }
0x91: {  	v47 =	vadd.s32 $0x13D620, v12;
	[tilespmem:$0x2DB0] =	vst v46  }
0x92: {  	v48 =	vadd.s32 $0x13D620, v13;
	[tilespmem:$0x2DC0] =	vst v47  }
0x93: {  	v49 =	vadd.s32 $0x13D620, v14;
	[tilespmem:$0x2DD0] =	vst v48  }
0x94: {  	v50 =	vadd.s32 $0x13D620, v15;
	[tilespmem:$0x2DE0] =	vst v49  }
0x95: {  	v51 =	vadd.s32 $0x155CC0, v8;
	[tilespmem:$0x2DF0] =	vst v50  }
0x96: {  	v52 =	vadd.s32 $0x155CC0, v9;
	[tilespmem:$0x2E00] =	vst v51  }
0x97: {  	v53 =	vadd.s32 $0x155CC0, v10;
	[tilespmem:$0x2E10] =	vst v52  }
0x98: {  	v54 =	vadd.s32 $0x155CC0, v11;
	[tilespmem:$0x2E20] =	vst v53  }
0x99: {  	v55 =	vadd.s32 $0x155CC0, v12;
	[tilespmem:$0x2E30] =	vst v54  }
0x9a: {  	v56 =	vadd.s32 $0x155CC0, v13;
	[tilespmem:$0x2E40] =	vst v55  }
0x9b: {  	v57 =	vadd.s32 $0x155CC0, v14;
	[tilespmem:$0x2E50] =	vst v56  }
0x9c: {  	v58 =	vadd.s32 $0x155CC0, v15;
	[tilespmem:$0x2E60] =	vst v57  }
0x9d: {  	v59 =	vadd.s32 $0x16E360, v8;
	[tilespmem:$0x2E70] =	vst v58  }
0x9e: {  	v60 =	vadd.s32 $0x16E360, v9;
	[tilespmem:$0x2E80] =	vst v59  }
0x9f: {  	v61 =	vadd.s32 $0x16E360, v10;
	[tilespmem:$0x2E90] =	vst v60  }
0xa0: {  	v62 =	vadd.s32 $0x16E360, v11;
	[tilespmem:$0x2EA0] =	vst v61  }
0xa1: {  	v63 =	vadd.s32 $0x16E360, v12;
	[tilespmem:$0x2EB0] =	vst v62  }
0xa2: {  	v20 =	vadd.s32 $0x16E360, v13;
	[tilespmem:$0x2EC0] =	vst v63  }
0xa3: {  	v21 =	vadd.s32 $0x16E360, v14;
	[tilespmem:$0x2ED0] =	vst v20  }
0xa4: {  	v22 =	vadd.s32 $0x16E360, v15;
	[tilespmem:$0x2EE0] =	vst v21  }
0xa5: {  	v23 =	vadd.s32 $0x186A00, v8;
	[tilespmem:$0x2EF0] =	vst v22  }
0xa6: {  	v24 =	vadd.s32 $0x186A00, v9;
	[tilespmem:$0x2F00] =	vst v23  }
0xa7: {  	v25 =	vadd.s32 $0x186A00, v10;
	[tilespmem:$0x2F10] =	vst v24  }
0xa8: {  	v26 =	vadd.s32 $0x186A00, v11;
	[tilespmem:$0x2F20] =	vst v25  }
0xa9: {  	v27 =	vadd.s32 $0x186A00, v12;
	[tilespmem:$0x2F30] =	vst v26  }
0xaa: {  	v28 =	vadd.s32 $0x186A00, v13;
	[tilespmem:$0x2F40] =	vst v27  }
0xab: {  	v29 =	vadd.s32 $0x186A00, v14;
	[tilespmem:$0x2F50] =	vst v28  }
0xac: {  	v30 =	vadd.s32 $0x186A00, v15;
	[tilespmem:$0x2F60] =	vst v29  }
0xad: {  	v31 =	vadd.s32 $0x19F0A0, v8;
	[tilespmem:$0x2F70] =	vst v30  }
0xae: {  	v32 =	vadd.s32 $0x19F0A0, v9;
	[tilespmem:$0x2F80] =	vst v31  }
0xaf: {  	v33 =	vadd.s32 $0x19F0A0, v10;
	[tilespmem:$0x2F90] =	vst v32  }
0xb0: {  	v34 =	vadd.s32 $0x19F0A0, v11;
	[tilespmem:$0x2FA0] =	vst v33  }
0xb1: {  	v35 =	vadd.s32 $0x19F0A0, v12;
	[tilespmem:$0x2FB0] =	vst v34  }
0xb2: {  	[tilespmem:$0x2FC0] =	vst v35;
	v36 =	vadd.s32 $0x19F0A0, v13  }
0xb3: {  	v37 =	vadd.s32 $0x19F0A0, v14;
	[tilespmem:$0x2FD0] =	vst v36  }
0xb4: {  	v38 =	vadd.s32 $0x19F0A0, v15;
	[tilespmem:$0x2FE0] =	vst v37  }
0xb5: {  	v39 =	vadd.s32 $0x1B7740, v8;
	[tilespmem:$0x2FF0] =	vst v38  }
0xb6: {  	v40 =	vadd.s32 $0x1B7740, v9;
	[tilespmem:$0x3000] =	vst v39  }
0xb7: {  	v41 =	vadd.s32 $0x1B7740, v10;
	[tilespmem:$0x3010] =	vst v40  }
0xb8: {  	v42 =	vadd.s32 $0x1B7740, v11;
	[tilespmem:$0x3020] =	vst v41  }
0xb9: {  	v43 =	vadd.s32 $0x1B7740, v12;
	[tilespmem:$0x3030] =	vst v42  }
0xba: {  	v44 =	vadd.s32 $0x1B7740, v13;
	[tilespmem:$0x3040] =	vst v43  }
0xbb: {  	v45 =	vadd.s32 $0x1B7740, v14;
	[tilespmem:$0x3050] =	vst v44  }
0xbc: {  	v46 =	vadd.s32 $0x1B7740, v15;
	[tilespmem:$0x3060] =	vst v45  }
0xbd: {  	v47 =	vadd.s32 $0x1CFDE0, v8;
	[tilespmem:$0x3070] =	vst v46  }
0xbe: {  	v48 =	vadd.s32 $0x1CFDE0, v9;
	[tilespmem:$0x3080] =	vst v47  }
0xbf: {  	v49 =	vadd.s32 $0x1CFDE0, v10;
	[tilespmem:$0x3090] =	vst v48  }
0xc0: {  	v50 =	vadd.s32 $0x1CFDE0, v11;
	[tilespmem:$0x30A0] =	vst v49  }
0xc1: {  	v51 =	vadd.s32 $0x1CFDE0, v12;
	[tilespmem:$0x30B0] =	vst v50  }
0xc2: {  	v52 =	vadd.s32 $0x1CFDE0, v13;
	[tilespmem:$0x30C0] =	vst v51  }
0xc3: {  	v53 =	vadd.s32 $0x1CFDE0, v14;
	[tilespmem:$0x30D0] =	vst v52  }
0xc4: {  	v54 =	vadd.s32 $0x1CFDE0, v15;
	[tilespmem:$0x30E0] =	vst v53  }
0xc5: {  	v55 =	vadd.s32 $0x1E8480, v8;
	[tilespmem:$0x30F0] =	vst v54  }
0xc6: {  	v56 =	vadd.s32 $0x1E8480, v9;
	[tilespmem:$0x3100] =	vst v55  }
0xc7: {  	v57 =	vadd.s32 $0x1E8480, v10;
	[tilespmem:$0x3110] =	vst v56  }
0xc8: {  	v58 =	vadd.s32 $0x1E8480, v11;
	[tilespmem:$0x3120] =	vst v57  }
0xc9: {  	v59 =	vadd.s32 $0x1E8480, v12;
	[tilespmem:$0x3130] =	vst v58  }
0xca: {  	v60 =	vadd.s32 $0x1E8480, v13;
	[tilespmem:$0x3140] =	vst v59  }
0xcb: {  	v61 =	vadd.s32 $0x1E8480, v14;
	[tilespmem:$0x3150] =	vst v60  }
0xcc: {  	v62 =	vadd.s32 $0x1E8480, v15;
	[tilespmem:$0x3160] =	vst v61  }
0xcd: {  	v63 =	vadd.s32 $0x200B20, v8;
	[tilespmem:$0x3170] =	vst v62  }
0xce: {  	v20 =	vadd.s32 $0x200B20, v9;
	[tilespmem:$0x3180] =	vst v63  }
0xcf: {  	v21 =	vadd.s32 $0x200B20, v10;
	[tilespmem:$0x3190] =	vst v20  }
0xd0: {  	v22 =	vadd.s32 $0x200B20, v11;
	[tilespmem:$0x31A0] =	vst v21  }
0xd1: {  	v23 =	vadd.s32 $0x200B20, v12;
	[tilespmem:$0x31B0] =	vst v22  }
0xd2: {  	v24 =	vadd.s32 $0x200B20, v13;
	[tilespmem:$0x31C0] =	vst v23  }
0xd3: {  	v25 =	vadd.s32 $0x200B20, v14;
	[tilespmem:$0x31D0] =	vst v24  }
0xd4: {  	v26 =	vadd.s32 $0x200B20, v15;
	[tilespmem:$0x31E0] =	vst v25  }
0xd5: {  	v27 =	vadd.s32 $0x2191C0, v8;
	[tilespmem:$0x31F0] =	vst v26  }
0xd6: {  	v28 =	vadd.s32 $0x2191C0, v9;
	[tilespmem:$0x3200] =	vst v27  }
0xd7: {  	v29 =	vadd.s32 $0x2191C0, v10;
	[tilespmem:$0x3210] =	vst v28  }
0xd8: {  	v30 =	vadd.s32 $0x2191C0, v11;
	[tilespmem:$0x3220] =	vst v29  }
0xd9: {  	v31 =	vadd.s32 $0x2191C0, v12;
	[tilespmem:$0x3230] =	vst v30  }
0xda: {  	v32 =	vadd.s32 $0x2191C0, v13;
	[tilespmem:$0x3240] =	vst v31  }
0xdb: {  	v33 =	vadd.s32 $0x2191C0, v14;
	[tilespmem:$0x3250] =	vst v32  }
0xdc: {  	v34 =	vadd.s32 $0x2191C0, v15;
	[tilespmem:$0x3260] =	vst v33  }
0xdd: {  	v35 =	vadd.s32 $0x231860, v8;
	[tilespmem:$0x3270] =	vst v34  }
0xde: {  	[tilespmem:$0x3280] =	vst v35;
	v36 =	vadd.s32 $0x231860, v9  }
0xdf: {  	v37 =	vadd.s32 $0x231860, v10;
	[tilespmem:$0x3290] =	vst v36  }
0xe0: {  	v38 =	vadd.s32 $0x231860, v11;
	[tilespmem:$0x32A0] =	vst v37  }
0xe1: {  	v39 =	vadd.s32 $0x231860, v12;
	[tilespmem:$0x32B0] =	vst v38  }
0xe2: {  	v40 =	vadd.s32 $0x231860, v13;
	[tilespmem:$0x32C0] =	vst v39  }
0xe3: {  	v41 =	vadd.s32 $0x231860, v14;
	[tilespmem:$0x32D0] =	vst v40  }
0xe4: {  	v42 =	vadd.s32 $0x231860, v15;
	[tilespmem:$0x32E0] =	vst v41  }
0xe5: {  	v43 =	vadd.s32 $0x249F00, v8;
	[tilespmem:$0x32F0] =	vst v42  }
0xe6: {  	v44 =	vadd.s32 $0x249F00, v9;
	[tilespmem:$0x3300] =	vst v43  }
0xe7: {  	v45 =	vadd.s32 $0x249F00, v10;
	[tilespmem:$0x3310] =	vst v44  }
0xe8: {  	v46 =	vadd.s32 $0x249F00, v11;
	[tilespmem:$0x3320] =	vst v45  }
0xe9: {  	v47 =	vadd.s32 $0x249F00, v12;
	[tilespmem:$0x3330] =	vst v46  }
0xea: {  	v48 =	vadd.s32 $0x249F00, v13;
	[tilespmem:$0x3340] =	vst v47  }
0xeb: {  	v49 =	vadd.s32 $0x249F00, v14;
	[tilespmem:$0x3350] =	vst v48  }
0xec: {  	v50 =	vadd.s32 $0x249F00, v15;
	[tilespmem:$0x3360] =	vst v49  }
0xed: {  	v51 =	vadd.s32 $0x2625A0, v8;
	[tilespmem:$0x3370] =	vst v50  }
0xee: {  	v52 =	vadd.s32 $0x2625A0, v9;
	[tilespmem:$0x3380] =	vst v51  }
0xef: {  	v53 =	vadd.s32 $0x2625A0, v10;
	[tilespmem:$0x3390] =	vst v52  }
0xf0: {  	v54 =	vadd.s32 $0x2625A0, v11;
	[tilespmem:$0x33A0] =	vst v53  }
0xf1: {  	v55 =	vadd.s32 $0x2625A0, v12;
	[tilespmem:$0x33B0] =	vst v54  }
0xf2: {  	v56 =	vadd.s32 $0x2625A0, v13;
	[tilespmem:$0x33C0] =	vst v55  }
0xf3: {  	v57 =	vadd.s32 $0x2625A0, v14;
	[tilespmem:$0x33D0] =	vst v56  }
0xf4: {  	v58 =	vadd.s32 $0x2625A0, v15;
	[tilespmem:$0x33E0] =	vst v57  }
0xf5: {  	v59 =	vadd.s32 $0x27AC40, v8;
	[tilespmem:$0x33F0] =	vst v58  }
0xf6: {  	v60 =	vadd.s32 $0x27AC40, v9;
	[tilespmem:$0x3400] =	vst v59  }
0xf7: {  	v61 =	vadd.s32 $0x27AC40, v10;
	[tilespmem:$0x3410] =	vst v60  }
0xf8: {  	v62 =	vadd.s32 $0x27AC40, v11;
	[tilespmem:$0x3420] =	vst v61  }
0xf9: {  	v63 =	vadd.s32 $0x27AC40, v12;
	[tilespmem:$0x3430] =	vst v62  }
0xfa: {  	v20 =	vadd.s32 $0x27AC40, v13;
	[tilespmem:$0x3440] =	vst v63  }
0xfb: {  	v21 =	vadd.s32 $0x27AC40, v14;
	[tilespmem:$0x3450] =	vst v20  }
0xfc: {  	v22 =	vadd.s32 $0x27AC40, v15;
	[tilespmem:$0x3460] =	vst v21  }
0xfd: {  	v23 =	vadd.s32 $0x2932E0, v8;
	[tilespmem:$0x3470] =	vst v22  }
0xfe: {  	v24 =	vadd.s32 $0x2932E0, v9;
	[tilespmem:$0x3480] =	vst v23  }
0xff: {  	v25 =	vadd.s32 $0x2932E0, v10;
	[tilespmem:$0x3490] =	vst v24  }
0x100: {  	v26 =	vadd.s32 $0x2932E0, v11;
	[tilespmem:$0x34A0] =	vst v25  }
0x101: {  	v27 =	vadd.s32 $0x2932E0, v12;
	[tilespmem:$0x34B0] =	vst v26  }
0x102: {  	v28 =	vadd.s32 $0x2932E0, v13;
	[tilespmem:$0x34C0] =	vst v27  }
0x103: {  	v29 =	vadd.s32 $0x2932E0, v14;
	[tilespmem:$0x34D0] =	vst v28  }
0x104: {  	v30 =	vadd.s32 $0x2932E0, v15;
	[tilespmem:$0x34E0] =	vst v29  }
0x105: {  	v31 =	vadd.s32 $0x2AB980, v8;
	[tilespmem:$0x34F0] =	vst v30  }
0x106: {  	v32 =	vadd.s32 $0x2AB980, v9;
	[tilespmem:$0x3500] =	vst v31  }
0x107: {  	v33 =	vadd.s32 $0x2AB980, v10;
	[tilespmem:$0x3510] =	vst v32  }
0x108: {  	v34 =	vadd.s32 $0x2AB980, v11;
	[tilespmem:$0x3520] =	vst v33  }
0x109: {  	v35 =	vadd.s32 $0x2AB980, v12;
	[tilespmem:$0x3530] =	vst v34  }
0x10a: {  	[tilespmem:$0x3540] =	vst v35;
	v36 =	vadd.s32 $0x2AB980, v13  }
0x10b: {  	v37 =	vadd.s32 $0x2AB980, v14;
	[tilespmem:$0x3550] =	vst v36  }
0x10c: {  	v38 =	vadd.s32 $0x2AB980, v15;
	[tilespmem:$0x3560] =	vst v37  }
0x10d: {  	v39 =	vadd.s32 $0x2C4020, v8;
	[tilespmem:$0x3570] =	vst v38  }
0x10e: {  	v40 =	vadd.s32 $0x2C4020, v9;
	[tilespmem:$0x3580] =	vst v39  }
0x10f: {  	v41 =	vadd.s32 $0x2C4020, v10;
	[tilespmem:$0x3590] =	vst v40  }
0x110: {  	v42 =	vadd.s32 $0x2C4020, v11;
	[tilespmem:$0x35A0] =	vst v41  }
0x111: {  	v43 =	vadd.s32 $0x2C4020, v12;
	[tilespmem:$0x35B0] =	vst v42  }
0x112: {  	v44 =	vadd.s32 $0x2C4020, v13;
	[tilespmem:$0x35C0] =	vst v43  }
0x113: {  	v45 =	vadd.s32 $0x2C4020, v14;
	[tilespmem:$0x35D0] =	vst v44  }
0x114: {  	v46 =	vadd.s32 $0x2C4020, v15;
	[tilespmem:$0x35E0] =	vst v45  }
0x115: {  	v47 =	vadd.s32 $0x2DC6C0, v8;
	[tilespmem:$0x35F0] =	vst v46  }
0x116: {  	v48 =	vadd.s32 $0x2DC6C0, v9;
	[tilespmem:$0x3600] =	vst v47  }
0x117: {  	v49 =	vadd.s32 $0x2DC6C0, v10;
	[tilespmem:$0x3610] =	vst v48  }
0x118: {  	v50 =	vadd.s32 $0x2DC6C0, v11;
	[tilespmem:$0x3620] =	vst v49  }
0x119: {  	v51 =	vadd.s32 $0x2DC6C0, v12;
	[tilespmem:$0x3630] =	vst v50  }
0x11a: {  	v52 =	vadd.s32 $0x2DC6C0, v13;
	[tilespmem:$0x3640] =	vst v51  }
0x11b: {  	v53 =	vadd.s32 $0x2DC6C0, v14;
	[tilespmem:$0x3650] =	vst v52  }
0x11c: {  	v54 =	vadd.s32 $0x2DC6C0, v15;
	[tilespmem:$0x3660] =	vst v53  }
0x11d: {  	v8 =	vadd.s32 $0x2F4D60, v8;
	[tilespmem:$0x3670] =	vst v54  }
0x11e: {  	[tilespmem:$0x3680] =	vst v8;
	v8 =	vadd.s32 $0x2F4D60, v9  }
0x11f: {  	[tilespmem:$0x3690] =	vst v8;
	v8 =	vadd.s32 $0x2F4D60, v10  }
0x120: {  	[tilespmem:$0x36A0] =	vst v8;
	v8 =	vadd.s32 $0x2F4D60, v11  }
0x121: {  	[tilespmem:$0x36B0] =	vst v8;
	v8 =	vadd.s32 $0x2F4D60, v12  }
0x122: {  	[tilespmem:$0x36C0] =	vst v8;
	v8 =	vadd.s32 $0x2F4D60, v13  }
0x123: {  	[tilespmem:$0x36D0] =	vst v8;
	v8 =	vadd.s32 $0x2F4D60, v14  }
0x124: {  	[tilespmem:$0x36E0] =	vst v8;
	v8 =	vadd.s32 $0x2F4D60, v15  }
0x125: {  	[tilespmem:$0x36F0] =	vst v8  }
0x126: {  	[tilespmem:s17], [sflag:$0x1] =	stream.indirect.gather [hbm4b:s3+s15], $0x1, s16, s15, $0xb8;
	[tilespmem:$0x9400] =	vst v63  }
0x127: {  	s28 =	sadd.s32 $0xD00, s14  }
0x128: {  	[tilespmem:s19], [sflag:$0x3] =	stream.indirect.gather [hbm4b:s31+s18], $0x20, s28, s18, $0xb8;
	[tilespmem:$0x9400] =	vst v63  }
0x129: {  	v8 =	vld [tilespmem:s14+$0x80]  }
0x12a: {  	v55 =	vld [tilespmem:s14+$0x90]  }
0x12b: {  	v56 =	vld [tilespmem:s14+$0xA0]  }
0x12c: {  	v57 =	vld [tilespmem:s14+$0xB0]  }
0x12d: {  	v58 =	vld [tilespmem:s14+$0xC0]  }
0x12e: {  	s5 =	sadd.s32 $0x30D400, s0;
	v59 =	vld [tilespmem:s14+$0xD0]  }
0x12f: {  	v60 =	vld [tilespmem:s14+$0xE0];
	v8 =	vadd.s32 s5, v8  }
0x130: {  	v61 =	vld [tilespmem:s14+$0xF0];
	v9 =	vadd.s32 s5, v55;
	[tilespmem:$0x3700] =	vst v8  }
0x131: {  	v10 =	vadd.s32 s5, v56;
	[tilespmem:$0x3710] =	vst v9  }
0x132: {  	v11 =	vadd.s32 s5, v57;
	[tilespmem:$0x3720] =	vst v10  }
0x133: {  	v12 =	vadd.s32 s5, v58;
	[tilespmem:$0x3730] =	vst v11  }
0x134: {  	v13 =	vadd.s32 s5, v59;
	[tilespmem:$0x3740] =	vst v12  }
0x135: {  	v14 =	vadd.s32 s5, v60;
	[tilespmem:$0x3750] =	vst v13  }
0x136: {  	v15 =	vadd.s32 s5, v61;
	[tilespmem:$0x3760] =	vst v14  }
0x137: {  	[tilespmem:$0x3770] =	vst v15;
	v62 =	vadd.s32 $0x186A0, v8  }
0x138: {  	v63 =	vadd.s32 $0x186A0, v9;
	[tilespmem:$0x3780] =	vst v62  }
0x139: {  	v20 =	vadd.s32 $0x186A0, v10;
	[tilespmem:$0x3790] =	vst v63  }
0x13a: {  	v21 =	vadd.s32 $0x186A0, v11;
	[tilespmem:$0x37A0] =	vst v20  }
0x13b: {  	v22 =	vadd.s32 $0x186A0, v12;
	[tilespmem:$0x37B0] =	vst v21  }
0x13c: {  	v23 =	vadd.s32 $0x186A0, v13;
	[tilespmem:$0x37C0] =	vst v22  }
0x13d: {  	v24 =	vadd.s32 $0x186A0, v14;
	[tilespmem:$0x37D0] =	vst v23  }
0x13e: {  	v25 =	vadd.s32 $0x186A0, v15;
	[tilespmem:$0x37E0] =	vst v24  }
0x13f: {  	v26 =	vadd.s32 $0x30D40, v8;
	[tilespmem:$0x37F0] =	vst v25  }
0x140: {  	v27 =	vadd.s32 $0x30D40, v9;
	[tilespmem:$0x3800] =	vst v26  }
0x141: {  	v28 =	vadd.s32 $0x30D40, v10;
	[tilespmem:$0x3810] =	vst v27  }
0x142: {  	v29 =	vadd.s32 $0x30D40, v11;
	[tilespmem:$0x3820] =	vst v28  }
0x143: {  	v30 =	vadd.s32 $0x30D40, v12;
	[tilespmem:$0x3830] =	vst v29  }
0x144: {  	v31 =	vadd.s32 $0x30D40, v13;
	[tilespmem:$0x3840] =	vst v30  }
0x145: {  	v32 =	vadd.s32 $0x30D40, v14;
	[tilespmem:$0x3850] =	vst v31  }
0x146: {  	v33 =	vadd.s32 $0x30D40, v15;
	[tilespmem:$0x3860] =	vst v32  }
0x147: {  	v34 =	vadd.s32 $0x493E0, v8;
	[tilespmem:$0x3870] =	vst v33  }
0x148: {  	v35 =	vadd.s32 $0x493E0, v9;
	[tilespmem:$0x3880] =	vst v34  }
0x149: {  	v36 =	vadd.s32 $0x493E0, v10;
	[tilespmem:$0x3890] =	vst v35  }
0x14a: {  	v37 =	vadd.s32 $0x493E0, v11;
	[tilespmem:$0x38A0] =	vst v36  }
0x14b: {  	v38 =	vadd.s32 $0x493E0, v12;
	[tilespmem:$0x38B0] =	vst v37  }
0x14c: {  	v39 =	vadd.s32 $0x493E0, v13;
	[tilespmem:$0x38C0] =	vst v38  }
0x14d: {  	v40 =	vadd.s32 $0x493E0, v14;
	[tilespmem:$0x38D0] =	vst v39  }
0x14e: {  	v41 =	vadd.s32 $0x493E0, v15;
	[tilespmem:$0x38E0] =	vst v40  }
0x14f: {  	v42 =	vadd.s32 $0x61A80, v8;
	[tilespmem:$0x38F0] =	vst v41  }
0x150: {  	v43 =	vadd.s32 $0x61A80, v9;
	[tilespmem:$0x3900] =	vst v42  }
0x151: {  	v44 =	vadd.s32 $0x61A80, v10;
	[tilespmem:$0x3910] =	vst v43  }
0x152: {  	v45 =	vadd.s32 $0x61A80, v11;
	[tilespmem:$0x3920] =	vst v44  }
0x153: {  	v46 =	vadd.s32 $0x61A80, v12;
	[tilespmem:$0x3930] =	vst v45  }
0x154: {  	v47 =	vadd.s32 $0x61A80, v13;
	[tilespmem:$0x3940] =	vst v46  }
0x155: {  	v48 =	vadd.s32 $0x61A80, v14;
	[tilespmem:$0x3950] =	vst v47  }
0x156: {  	v49 =	vadd.s32 $0x61A80, v15;
	[tilespmem:$0x3960] =	vst v48  }
0x157: {  	v50 =	vadd.s32 $0x7A120, v8;
	[tilespmem:$0x3970] =	vst v49  }
0x158: {  	v51 =	vadd.s32 $0x7A120, v9;
	[tilespmem:$0x3980] =	vst v50  }
0x159: {  	v52 =	vadd.s32 $0x7A120, v10;
	[tilespmem:$0x3990] =	vst v51  }
0x15a: {  	v53 =	vadd.s32 $0x7A120, v11;
	[tilespmem:$0x39A0] =	vst v52  }
0x15b: {  	v54 =	vadd.s32 $0x7A120, v12;
	[tilespmem:$0x39B0] =	vst v53  }
0x15c: {  	v55 =	vadd.s32 $0x7A120, v13;
	[tilespmem:$0x39C0] =	vst v54  }
0x15d: {  	v56 =	vadd.s32 $0x7A120, v14;
	[tilespmem:$0x39D0] =	vst v55  }
0x15e: {  	v57 =	vadd.s32 $0x7A120, v15;
	[tilespmem:$0x39E0] =	vst v56  }
0x15f: {  	v58 =	vadd.s32 $0x927C0, v8;
	[tilespmem:$0x39F0] =	vst v57  }
0x160: {  	v59 =	vadd.s32 $0x927C0, v9;
	[tilespmem:$0x3A00] =	vst v58  }
0x161: {  	v60 =	vadd.s32 $0x927C0, v10;
	[tilespmem:$0x3A10] =	vst v59  }
0x162: {  	v61 =	vadd.s32 $0x927C0, v11;
	[tilespmem:$0x3A20] =	vst v60  }
0x163: {  	[tilespmem:$0x3A30] =	vst v61;
	v62 =	vadd.s32 $0x927C0, v12  }
0x164: {  	v63 =	vadd.s32 $0x927C0, v13;
	[tilespmem:$0x3A40] =	vst v62  }
0x165: {  	v20 =	vadd.s32 $0x927C0, v14;
	[tilespmem:$0x3A50] =	vst v63  }
0x166: {  	v21 =	vadd.s32 $0x927C0, v15;
	[tilespmem:$0x3A60] =	vst v20  }
0x167: {  	v22 =	vadd.s32 $0xAAE60, v8;
	[tilespmem:$0x3A70] =	vst v21  }
0x168: {  	v23 =	vadd.s32 $0xAAE60, v9;
	[tilespmem:$0x3A80] =	vst v22  }
0x169: {  	v24 =	vadd.s32 $0xAAE60, v10;
	[tilespmem:$0x3A90] =	vst v23  }
0x16a: {  	v25 =	vadd.s32 $0xAAE60, v11;
	[tilespmem:$0x3AA0] =	vst v24  }
0x16b: {  	v26 =	vadd.s32 $0xAAE60, v12;
	[tilespmem:$0x3AB0] =	vst v25  }
0x16c: {  	v27 =	vadd.s32 $0xAAE60, v13;
	[tilespmem:$0x3AC0] =	vst v26  }
0x16d: {  	v28 =	vadd.s32 $0xAAE60, v14;
	[tilespmem:$0x3AD0] =	vst v27  }
0x16e: {  	v29 =	vadd.s32 $0xAAE60, v15;
	[tilespmem:$0x3AE0] =	vst v28  }
0x16f: {  	v30 =	vadd.s32 $0xC3500, v8;
	[tilespmem:$0x3AF0] =	vst v29  }
0x170: {  	v31 =	vadd.s32 $0xC3500, v9;
	[tilespmem:$0x3B00] =	vst v30  }
0x171: {  	v32 =	vadd.s32 $0xC3500, v10;
	[tilespmem:$0x3B10] =	vst v31  }
0x172: {  	v33 =	vadd.s32 $0xC3500, v11;
	[tilespmem:$0x3B20] =	vst v32  }
0x173: {  	v34 =	vadd.s32 $0xC3500, v12;
	[tilespmem:$0x3B30] =	vst v33  }
0x174: {  	v35 =	vadd.s32 $0xC3500, v13;
	[tilespmem:$0x3B40] =	vst v34  }
0x175: {  	v36 =	vadd.s32 $0xC3500, v14;
	[tilespmem:$0x3B50] =	vst v35  }
0x176: {  	v37 =	vadd.s32 $0xC3500, v15;
	[tilespmem:$0x3B60] =	vst v36  }
0x177: {  	v38 =	vadd.s32 $0xDBBA0, v8;
	[tilespmem:$0x3B70] =	vst v37  }
0x178: {  	v39 =	vadd.s32 $0xDBBA0, v9;
	[tilespmem:$0x3B80] =	vst v38  }
0x179: {  	v40 =	vadd.s32 $0xDBBA0, v10;
	[tilespmem:$0x3B90] =	vst v39  }
0x17a: {  	v41 =	vadd.s32 $0xDBBA0, v11;
	[tilespmem:$0x3BA0] =	vst v40  }
0x17b: {  	v42 =	vadd.s32 $0xDBBA0, v12;
	[tilespmem:$0x3BB0] =	vst v41  }
0x17c: {  	v43 =	vadd.s32 $0xDBBA0, v13;
	[tilespmem:$0x3BC0] =	vst v42  }
0x17d: {  	v44 =	vadd.s32 $0xDBBA0, v14;
	[tilespmem:$0x3BD0] =	vst v43  }
0x17e: {  	v45 =	vadd.s32 $0xDBBA0, v15;
	[tilespmem:$0x3BE0] =	vst v44  }
0x17f: {  	v46 =	vadd.s32 $0xF4240, v8;
	[tilespmem:$0x3BF0] =	vst v45  }
0x180: {  	v47 =	vadd.s32 $0xF4240, v9;
	[tilespmem:$0x3C00] =	vst v46  }
0x181: {  	v48 =	vadd.s32 $0xF4240, v10;
	[tilespmem:$0x3C10] =	vst v47  }
0x182: {  	v49 =	vadd.s32 $0xF4240, v11;
	[tilespmem:$0x3C20] =	vst v48  }
0x183: {  	v50 =	vadd.s32 $0xF4240, v12;
	[tilespmem:$0x3C30] =	vst v49  }
0x184: {  	v51 =	vadd.s32 $0xF4240, v13;
	[tilespmem:$0x3C40] =	vst v50  }
0x185: {  	v52 =	vadd.s32 $0xF4240, v14;
	[tilespmem:$0x3C50] =	vst v51  }
0x186: {  	v53 =	vadd.s32 $0xF4240, v15;
	[tilespmem:$0x3C60] =	vst v52  }
0x187: {  	v54 =	vadd.s32 $0x10C8E0, v8;
	[tilespmem:$0x3C70] =	vst v53  }
0x188: {  	v55 =	vadd.s32 $0x10C8E0, v9;
	[tilespmem:$0x3C80] =	vst v54  }
0x189: {  	v56 =	vadd.s32 $0x10C8E0, v10;
	[tilespmem:$0x3C90] =	vst v55  }
0x18a: {  	v57 =	vadd.s32 $0x10C8E0, v11;
	[tilespmem:$0x3CA0] =	vst v56  }
0x18b: {  	v58 =	vadd.s32 $0x10C8E0, v12;
	[tilespmem:$0x3CB0] =	vst v57  }
0x18c: {  	v59 =	vadd.s32 $0x10C8E0, v13;
	[tilespmem:$0x3CC0] =	vst v58  }
0x18d: {  	v60 =	vadd.s32 $0x10C8E0, v14;
	[tilespmem:$0x3CD0] =	vst v59  }
0x18e: {  	v61 =	vadd.s32 $0x10C8E0, v15;
	[tilespmem:$0x3CE0] =	vst v60  }
0x18f: {  	[tilespmem:$0x3CF0] =	vst v61;
	v62 =	vadd.s32 $0x124F80, v8  }
0x190: {  	v63 =	vadd.s32 $0x124F80, v9;
	[tilespmem:$0x3D00] =	vst v62  }
0x191: {  	v20 =	vadd.s32 $0x124F80, v10;
	[tilespmem:$0x3D10] =	vst v63  }
0x192: {  	v21 =	vadd.s32 $0x124F80, v11;
	[tilespmem:$0x3D20] =	vst v20  }
0x193: {  	v22 =	vadd.s32 $0x124F80, v12;
	[tilespmem:$0x3D30] =	vst v21  }
0x194: {  	v23 =	vadd.s32 $0x124F80, v13;
	[tilespmem:$0x3D40] =	vst v22  }
0x195: {  	v24 =	vadd.s32 $0x124F80, v14;
	[tilespmem:$0x3D50] =	vst v23  }
0x196: {  	v25 =	vadd.s32 $0x124F80, v15;
	[tilespmem:$0x3D60] =	vst v24  }
0x197: {  	v26 =	vadd.s32 $0x13D620, v8;
	[tilespmem:$0x3D70] =	vst v25  }
0x198: {  	v27 =	vadd.s32 $0x13D620, v9;
	[tilespmem:$0x3D80] =	vst v26  }
0x199: {  	v28 =	vadd.s32 $0x13D620, v10;
	[tilespmem:$0x3D90] =	vst v27  }
0x19a: {  	v29 =	vadd.s32 $0x13D620, v11;
	[tilespmem:$0x3DA0] =	vst v28  }
0x19b: {  	v30 =	vadd.s32 $0x13D620, v12;
	[tilespmem:$0x3DB0] =	vst v29  }
0x19c: {  	v31 =	vadd.s32 $0x13D620, v13;
	[tilespmem:$0x3DC0] =	vst v30  }
0x19d: {  	v32 =	vadd.s32 $0x13D620, v14;
	[tilespmem:$0x3DD0] =	vst v31  }
0x19e: {  	v33 =	vadd.s32 $0x13D620, v15;
	[tilespmem:$0x3DE0] =	vst v32  }
0x19f: {  	v34 =	vadd.s32 $0x155CC0, v8;
	[tilespmem:$0x3DF0] =	vst v33  }
0x1a0: {  	v35 =	vadd.s32 $0x155CC0, v9;
	[tilespmem:$0x3E00] =	vst v34  }
0x1a1: {  	v36 =	vadd.s32 $0x155CC0, v10;
	[tilespmem:$0x3E10] =	vst v35  }
0x1a2: {  	v37 =	vadd.s32 $0x155CC0, v11;
	[tilespmem:$0x3E20] =	vst v36  }
0x1a3: {  	v38 =	vadd.s32 $0x155CC0, v12;
	[tilespmem:$0x3E30] =	vst v37  }
0x1a4: {  	v39 =	vadd.s32 $0x155CC0, v13;
	[tilespmem:$0x3E40] =	vst v38  }
0x1a5: {  	v40 =	vadd.s32 $0x155CC0, v14;
	[tilespmem:$0x3E50] =	vst v39  }
0x1a6: {  	v41 =	vadd.s32 $0x155CC0, v15;
	[tilespmem:$0x3E60] =	vst v40  }
0x1a7: {  	v42 =	vadd.s32 $0x16E360, v8;
	[tilespmem:$0x3E70] =	vst v41  }
0x1a8: {  	v43 =	vadd.s32 $0x16E360, v9;
	[tilespmem:$0x3E80] =	vst v42  }
0x1a9: {  	v44 =	vadd.s32 $0x16E360, v10;
	[tilespmem:$0x3E90] =	vst v43  }
0x1aa: {  	v45 =	vadd.s32 $0x16E360, v11;
	[tilespmem:$0x3EA0] =	vst v44  }
0x1ab: {  	v46 =	vadd.s32 $0x16E360, v12;
	[tilespmem:$0x3EB0] =	vst v45  }
0x1ac: {  	v47 =	vadd.s32 $0x16E360, v13;
	[tilespmem:$0x3EC0] =	vst v46  }
0x1ad: {  	v48 =	vadd.s32 $0x16E360, v14;
	[tilespmem:$0x3ED0] =	vst v47  }
0x1ae: {  	v49 =	vadd.s32 $0x16E360, v15;
	[tilespmem:$0x3EE0] =	vst v48  }
0x1af: {  	v50 =	vadd.s32 $0x186A00, v8;
	[tilespmem:$0x3EF0] =	vst v49  }
0x1b0: {  	v51 =	vadd.s32 $0x186A00, v9;
	[tilespmem:$0x3F00] =	vst v50  }
0x1b1: {  	v52 =	vadd.s32 $0x186A00, v10;
	[tilespmem:$0x3F10] =	vst v51  }
0x1b2: {  	v53 =	vadd.s32 $0x186A00, v11;
	[tilespmem:$0x3F20] =	vst v52  }
0x1b3: {  	v54 =	vadd.s32 $0x186A00, v12;
	[tilespmem:$0x3F30] =	vst v53  }
0x1b4: {  	v55 =	vadd.s32 $0x186A00, v13;
	[tilespmem:$0x3F40] =	vst v54  }
0x1b5: {  	v56 =	vadd.s32 $0x186A00, v14;
	[tilespmem:$0x3F50] =	vst v55  }
0x1b6: {  	v57 =	vadd.s32 $0x186A00, v15;
	[tilespmem:$0x3F60] =	vst v56  }
0x1b7: {  	v58 =	vadd.s32 $0x19F0A0, v8;
	[tilespmem:$0x3F70] =	vst v57  }
0x1b8: {  	v59 =	vadd.s32 $0x19F0A0, v9;
	[tilespmem:$0x3F80] =	vst v58  }
0x1b9: {  	v60 =	vadd.s32 $0x19F0A0, v10;
	[tilespmem:$0x3F90] =	vst v59  }
0x1ba: {  	v61 =	vadd.s32 $0x19F0A0, v11;
	[tilespmem:$0x3FA0] =	vst v60  }
0x1bb: {  	[tilespmem:$0x3FB0] =	vst v61;
	v62 =	vadd.s32 $0x19F0A0, v12  }
0x1bc: {  	v63 =	vadd.s32 $0x19F0A0, v13;
	[tilespmem:$0x3FC0] =	vst v62  }
0x1bd: {  	v20 =	vadd.s32 $0x19F0A0, v14;
	[tilespmem:$0x3FD0] =	vst v63  }
0x1be: {  	v21 =	vadd.s32 $0x19F0A0, v15;
	[tilespmem:$0x3FE0] =	vst v20  }
0x1bf: {  	v22 =	vadd.s32 $0x1B7740, v8;
	[tilespmem:$0x3FF0] =	vst v21  }
0x1c0: {  	v23 =	vadd.s32 $0x1B7740, v9;
	[tilespmem:$0x4000] =	vst v22  }
0x1c1: {  	v24 =	vadd.s32 $0x1B7740, v10;
	[tilespmem:$0x4010] =	vst v23  }
0x1c2: {  	v25 =	vadd.s32 $0x1B7740, v11;
	[tilespmem:$0x4020] =	vst v24  }
0x1c3: {  	v26 =	vadd.s32 $0x1B7740, v12;
	[tilespmem:$0x4030] =	vst v25  }
0x1c4: {  	v27 =	vadd.s32 $0x1B7740, v13;
	[tilespmem:$0x4040] =	vst v26  }
0x1c5: {  	v28 =	vadd.s32 $0x1B7740, v14;
	[tilespmem:$0x4050] =	vst v27  }
0x1c6: {  	v29 =	vadd.s32 $0x1B7740, v15;
	[tilespmem:$0x4060] =	vst v28  }
0x1c7: {  	v30 =	vadd.s32 $0x1CFDE0, v8;
	[tilespmem:$0x4070] =	vst v29  }
0x1c8: {  	v31 =	vadd.s32 $0x1CFDE0, v9;
	[tilespmem:$0x4080] =	vst v30  }
0x1c9: {  	v32 =	vadd.s32 $0x1CFDE0, v10;
	[tilespmem:$0x4090] =	vst v31  }
0x1ca: {  	v33 =	vadd.s32 $0x1CFDE0, v11;
	[tilespmem:$0x40A0] =	vst v32  }
0x1cb: {  	v34 =	vadd.s32 $0x1CFDE0, v12;
	[tilespmem:$0x40B0] =	vst v33  }
0x1cc: {  	v35 =	vadd.s32 $0x1CFDE0, v13;
	[tilespmem:$0x40C0] =	vst v34  }
0x1cd: {  	v36 =	vadd.s32 $0x1CFDE0, v14;
	[tilespmem:$0x40D0] =	vst v35  }
0x1ce: {  	v37 =	vadd.s32 $0x1CFDE0, v15;
	[tilespmem:$0x40E0] =	vst v36  }
0x1cf: {  	v38 =	vadd.s32 $0x1E8480, v8;
	[tilespmem:$0x40F0] =	vst v37  }
0x1d0: {  	v39 =	vadd.s32 $0x1E8480, v9;
	[tilespmem:$0x4100] =	vst v38  }
0x1d1: {  	v40 =	vadd.s32 $0x1E8480, v10;
	[tilespmem:$0x4110] =	vst v39  }
0x1d2: {  	v41 =	vadd.s32 $0x1E8480, v11;
	[tilespmem:$0x4120] =	vst v40  }
0x1d3: {  	v42 =	vadd.s32 $0x1E8480, v12;
	[tilespmem:$0x4130] =	vst v41  }
0x1d4: {  	v43 =	vadd.s32 $0x1E8480, v13;
	[tilespmem:$0x4140] =	vst v42  }
0x1d5: {  	v44 =	vadd.s32 $0x1E8480, v14;
	[tilespmem:$0x4150] =	vst v43  }
0x1d6: {  	v45 =	vadd.s32 $0x1E8480, v15;
	[tilespmem:$0x4160] =	vst v44  }
0x1d7: {  	v46 =	vadd.s32 $0x200B20, v8;
	[tilespmem:$0x4170] =	vst v45  }
0x1d8: {  	v47 =	vadd.s32 $0x200B20, v9;
	[tilespmem:$0x4180] =	vst v46  }
0x1d9: {  	v48 =	vadd.s32 $0x200B20, v10;
	[tilespmem:$0x4190] =	vst v47  }
0x1da: {  	v49 =	vadd.s32 $0x200B20, v11;
	[tilespmem:$0x41A0] =	vst v48  }
0x1db: {  	v50 =	vadd.s32 $0x200B20, v12;
	[tilespmem:$0x41B0] =	vst v49  }
0x1dc: {  	v51 =	vadd.s32 $0x200B20, v13;
	[tilespmem:$0x41C0] =	vst v50  }
0x1dd: {  	v52 =	vadd.s32 $0x200B20, v14;
	[tilespmem:$0x41D0] =	vst v51  }
0x1de: {  	v53 =	vadd.s32 $0x200B20, v15;
	[tilespmem:$0x41E0] =	vst v52  }
0x1df: {  	v54 =	vadd.s32 $0x2191C0, v8;
	[tilespmem:$0x41F0] =	vst v53  }
0x1e0: {  	v55 =	vadd.s32 $0x2191C0, v9;
	[tilespmem:$0x4200] =	vst v54  }
0x1e1: {  	v56 =	vadd.s32 $0x2191C0, v10;
	[tilespmem:$0x4210] =	vst v55  }
0x1e2: {  	v57 =	vadd.s32 $0x2191C0, v11;
	[tilespmem:$0x4220] =	vst v56  }
0x1e3: {  	v58 =	vadd.s32 $0x2191C0, v12;
	[tilespmem:$0x4230] =	vst v57  }
0x1e4: {  	v59 =	vadd.s32 $0x2191C0, v13;
	[tilespmem:$0x4240] =	vst v58  }
0x1e5: {  	v60 =	vadd.s32 $0x2191C0, v14;
	[tilespmem:$0x4250] =	vst v59  }
0x1e6: {  	v61 =	vadd.s32 $0x2191C0, v15;
	[tilespmem:$0x4260] =	vst v60  }
0x1e7: {  	[tilespmem:$0x4270] =	vst v61;
	v62 =	vadd.s32 $0x231860, v8  }
0x1e8: {  	v63 =	vadd.s32 $0x231860, v9;
	[tilespmem:$0x4280] =	vst v62  }
0x1e9: {  	v20 =	vadd.s32 $0x231860, v10;
	[tilespmem:$0x4290] =	vst v63  }
0x1ea: {  	v21 =	vadd.s32 $0x231860, v11;
	[tilespmem:$0x42A0] =	vst v20  }
0x1eb: {  	v22 =	vadd.s32 $0x231860, v12;
	[tilespmem:$0x42B0] =	vst v21  }
0x1ec: {  	v23 =	vadd.s32 $0x231860, v13;
	[tilespmem:$0x42C0] =	vst v22  }
0x1ed: {  	v24 =	vadd.s32 $0x231860, v14;
	[tilespmem:$0x42D0] =	vst v23  }
0x1ee: {  	v25 =	vadd.s32 $0x231860, v15;
	[tilespmem:$0x42E0] =	vst v24  }
0x1ef: {  	v26 =	vadd.s32 $0x249F00, v8;
	[tilespmem:$0x42F0] =	vst v25  }
0x1f0: {  	v27 =	vadd.s32 $0x249F00, v9;
	[tilespmem:$0x4300] =	vst v26  }
0x1f1: {  	v28 =	vadd.s32 $0x249F00, v10;
	[tilespmem:$0x4310] =	vst v27  }
0x1f2: {  	v29 =	vadd.s32 $0x249F00, v11;
	[tilespmem:$0x4320] =	vst v28  }
0x1f3: {  	v30 =	vadd.s32 $0x249F00, v12;
	[tilespmem:$0x4330] =	vst v29  }
0x1f4: {  	v31 =	vadd.s32 $0x249F00, v13;
	[tilespmem:$0x4340] =	vst v30  }
0x1f5: {  	v32 =	vadd.s32 $0x249F00, v14;
	[tilespmem:$0x4350] =	vst v31  }
0x1f6: {  	v33 =	vadd.s32 $0x249F00, v15;
	[tilespmem:$0x4360] =	vst v32  }
0x1f7: {  	v34 =	vadd.s32 $0x2625A0, v8;
	[tilespmem:$0x4370] =	vst v33  }
0x1f8: {  	v35 =	vadd.s32 $0x2625A0, v9;
	[tilespmem:$0x4380] =	vst v34  }
0x1f9: {  	v36 =	vadd.s32 $0x2625A0, v10;
	[tilespmem:$0x4390] =	vst v35  }
0x1fa: {  	v37 =	vadd.s32 $0x2625A0, v11;
	[tilespmem:$0x43A0] =	vst v36  }
0x1fb: {  	v38 =	vadd.s32 $0x2625A0, v12;
	[tilespmem:$0x43B0] =	vst v37  }
0x1fc: {  	v39 =	vadd.s32 $0x2625A0, v13;
	[tilespmem:$0x43C0] =	vst v38  }
0x1fd: {  	v40 =	vadd.s32 $0x2625A0, v14;
	[tilespmem:$0x43D0] =	vst v39  }
0x1fe: {  	v41 =	vadd.s32 $0x2625A0, v15;
	[tilespmem:$0x43E0] =	vst v40  }
0x1ff: {  	v42 =	vadd.s32 $0x27AC40, v8;
	[tilespmem:$0x43F0] =	vst v41  }
0x200: {  	v43 =	vadd.s32 $0x27AC40, v9;
	[tilespmem:$0x4400] =	vst v42  }
0x201: {  	v44 =	vadd.s32 $0x27AC40, v10;
	[tilespmem:$0x4410] =	vst v43  }
0x202: {  	v45 =	vadd.s32 $0x27AC40, v11;
	[tilespmem:$0x4420] =	vst v44  }
0x203: {  	v46 =	vadd.s32 $0x27AC40, v12;
	[tilespmem:$0x4430] =	vst v45  }
0x204: {  	v47 =	vadd.s32 $0x27AC40, v13;
	[tilespmem:$0x4440] =	vst v46  }
0x205: {  	v48 =	vadd.s32 $0x27AC40, v14;
	[tilespmem:$0x4450] =	vst v47  }
0x206: {  	v49 =	vadd.s32 $0x27AC40, v15;
	[tilespmem:$0x4460] =	vst v48  }
0x207: {  	v50 =	vadd.s32 $0x2932E0, v8;
	[tilespmem:$0x4470] =	vst v49  }
0x208: {  	v51 =	vadd.s32 $0x2932E0, v9;
	[tilespmem:$0x4480] =	vst v50  }
0x209: {  	v52 =	vadd.s32 $0x2932E0, v10;
	[tilespmem:$0x4490] =	vst v51  }
0x20a: {  	v53 =	vadd.s32 $0x2932E0, v11;
	[tilespmem:$0x44A0] =	vst v52  }
0x20b: {  	v54 =	vadd.s32 $0x2932E0, v12;
	[tilespmem:$0x44B0] =	vst v53  }
0x20c: {  	v55 =	vadd.s32 $0x2932E0, v13;
	[tilespmem:$0x44C0] =	vst v54  }
0x20d: {  	v56 =	vadd.s32 $0x2932E0, v14;
	[tilespmem:$0x44D0] =	vst v55  }
0x20e: {  	v57 =	vadd.s32 $0x2932E0, v15;
	[tilespmem:$0x44E0] =	vst v56  }
0x20f: {  	v58 =	vadd.s32 $0x2AB980, v8;
	[tilespmem:$0x44F0] =	vst v57  }
0x210: {  	v59 =	vadd.s32 $0x2AB980, v9;
	[tilespmem:$0x4500] =	vst v58  }
0x211: {  	v60 =	vadd.s32 $0x2AB980, v10;
	[tilespmem:$0x4510] =	vst v59  }
0x212: {  	v61 =	vadd.s32 $0x2AB980, v11;
	[tilespmem:$0x4520] =	vst v60  }
0x213: {  	[tilespmem:$0x4530] =	vst v61;
	v62 =	vadd.s32 $0x2AB980, v12  }
0x214: {  	v63 =	vadd.s32 $0x2AB980, v13;
	[tilespmem:$0x4540] =	vst v62  }
0x215: {  	v20 =	vadd.s32 $0x2AB980, v14;
	[tilespmem:$0x4550] =	vst v63  }
0x216: {  	v21 =	vadd.s32 $0x2AB980, v15;
	[tilespmem:$0x4560] =	vst v20  }
0x217: {  	v22 =	vadd.s32 $0x2C4020, v8;
	[tilespmem:$0x4570] =	vst v21  }
0x218: {  	v23 =	vadd.s32 $0x2C4020, v9;
	[tilespmem:$0x4580] =	vst v22  }
0x219: {  	v24 =	vadd.s32 $0x2C4020, v10;
	[tilespmem:$0x4590] =	vst v23  }
0x21a: {  	v25 =	vadd.s32 $0x2C4020, v11;
	[tilespmem:$0x45A0] =	vst v24  }
0x21b: {  	v26 =	vadd.s32 $0x2C4020, v12;
	[tilespmem:$0x45B0] =	vst v25  }
0x21c: {  	v27 =	vadd.s32 $0x2C4020, v13;
	[tilespmem:$0x45C0] =	vst v26  }
0x21d: {  	v28 =	vadd.s32 $0x2C4020, v14;
	[tilespmem:$0x45D0] =	vst v27  }
0x21e: {  	v29 =	vadd.s32 $0x2C4020, v15;
	[tilespmem:$0x45E0] =	vst v28  }
0x21f: {  	v30 =	vadd.s32 $0x2DC6C0, v8;
	[tilespmem:$0x45F0] =	vst v29  }
0x220: {  	v31 =	vadd.s32 $0x2DC6C0, v9;
	[tilespmem:$0x4600] =	vst v30  }
0x221: {  	v32 =	vadd.s32 $0x2DC6C0, v10;
	[tilespmem:$0x4610] =	vst v31  }
0x222: {  	v33 =	vadd.s32 $0x2DC6C0, v11;
	[tilespmem:$0x4620] =	vst v32  }
0x223: {  	v34 =	vadd.s32 $0x2DC6C0, v12;
	[tilespmem:$0x4630] =	vst v33  }
0x224: {  	v35 =	vadd.s32 $0x2DC6C0, v13;
	[tilespmem:$0x4640] =	vst v34  }
0x225: {  	v36 =	vadd.s32 $0x2DC6C0, v14;
	[tilespmem:$0x4650] =	vst v35  }
0x226: {  	v37 =	vadd.s32 $0x2DC6C0, v15;
	[tilespmem:$0x4660] =	vst v36  }
0x227: {  	v8 =	vadd.s32 $0x2F4D60, v8;
	[tilespmem:$0x4670] =	vst v37  }
0x228: {  	[tilespmem:$0x4680] =	vst v8;
	v8 =	vadd.s32 $0x2F4D60, v9  }
0x229: {  	[tilespmem:$0x4690] =	vst v8;
	v8 =	vadd.s32 $0x2F4D60, v10  }
0x22a: {  	[tilespmem:$0x46A0] =	vst v8;
	v8 =	vadd.s32 $0x2F4D60, v11  }
0x22b: {  	[tilespmem:$0x46B0] =	vst v8;
	v8 =	vadd.s32 $0x2F4D60, v12  }
0x22c: {  	[tilespmem:$0x46C0] =	vst v8;
	v8 =	vadd.s32 $0x2F4D60, v13  }
0x22d: {  	[tilespmem:$0x46D0] =	vst v8;
	v8 =	vadd.s32 $0x2F4D60, v14  }
0x22e: {  	[tilespmem:$0x46E0] =	vst v8;
	v8 =	vadd.s32 $0x2F4D60, v15  }
0x22f: {  	[tilespmem:$0x46F0] =	vst v8  }
0x230: {  	[tilespmem:s21], [sflag:$0x2] =	stream.indirect.gather [hbm4b:s3+s15], $0x1, s20, s15, $0xb8;
	[tilespmem:$0x9400] =	vst v63  }
0x231: {  	s28 =	sadd.s32 $0xD80, s14;
	s5 =	sadd.s32 $0x30D4, s31  }
0x232: {  	[tilespmem:s22], [sflag:$0x4] =	stream.indirect.gather [hbm4b:s5+s18], $0x20, s28, s18, $0xb8;
	[tilespmem:$0x9400] =	vst v63  }
0x233: {  	_ =	swait.ge [sflag:s23], $0x1000  }
0x234: {  	[sflag:s23] =	ssyncset.done $0x0  }
0x235: {  	[sflag:s23] =	ssyncadd.s32 $0xFFFFF000  }
0x236: {  	[hbm4b:s10+s2] =	stream.linear.scatter [tilespmem:s17], [sflag:$0x5], $0x1000, $0x38;
	[tilespmem:$0x9400] =	vst v63  }
0x237: {  	_ =	swait.ge [sflag:s12], $0x1000  }
0x238: {  	[sflag:s12] =	ssyncset.done $0x0  }
0x239: {  	[sflag:s12] =	ssyncadd.s32 $0xFFFFF000  }
0x23a: {  	_ =	swait.ge [sflag:s24], $0x1000  }
0x23b: {  	[sflag:s24] =	ssyncset.done $0x0  }
0x23c: {  	[sflag:s24] =	ssyncadd.s32 $0xFFFFF000  }
0x23d: {  	v8 =	vld [tilespmem:s14+$0x1A00];
	_ =	sdelay $0x4  }
0x23e: {  	v8 =	vadd.s32 v0, v8  }
0x23f: {  	v38 =	vld [tilespmem:s14+$0x1A10];
	_ =	sdelay $0x3  }
0x240: {  	v8 =	vld.idx.msk [tilespmem:v8+s19+$0x0], $0xffff  }
0x241: {  	v9 =	vadd.s32 v1, v38  }
0x242: {  	v39 =	vld [tilespmem:s14+$0x1A20];
	_ =	sdelay $0x2  }
0x243: {  	[tilespmem:s14+$0x8700] =	vst v8  }
0x244: {  	v8 =	vld.idx.msk [tilespmem:v9+s19+$0x0], $0xffff  }
0x245: {  	v40 =	vadd.s32 v2, v39  }
0x246: {  	v41 =	vld [tilespmem:s14+$0x1A30];
	_ =	sdelay $0x2  }
0x247: {  	[tilespmem:s14+$0x8710] =	vst v8  }
0x248: {  	v8 =	vld.idx.msk [tilespmem:v40+s19+$0x0], $0xffff  }
0x249: {  	v42 =	vadd.s32 v3, v41  }
0x24a: {  	v43 =	vld [tilespmem:s14+$0x1A40];
	_ =	sdelay $0x2  }
0x24b: {  	[tilespmem:s14+$0x8720] =	vst v8  }
0x24c: {  	v8 =	vld.idx.msk [tilespmem:v42+s19+$0x0], $0xffff  }
0x24d: {  	v44 =	vadd.s32 v4, v43  }
0x24e: {  	v45 =	vld [tilespmem:s14+$0x1A50];
	_ =	sdelay $0x2  }
0x24f: {  	[tilespmem:s14+$0x8730] =	vst v8  }
0x250: {  	v8 =	vld.idx.msk [tilespmem:v44+s19+$0x0], $0xffff  }
0x251: {  	v46 =	vadd.s32 v5, v45  }
0x252: {  	v47 =	vld [tilespmem:s14+$0x1A60];
	_ =	sdelay $0x2  }
0x253: {  	[tilespmem:s14+$0x8740] =	vst v8  }
0x254: {  	v8 =	vld.idx.msk [tilespmem:v46+s19+$0x0], $0xffff  }
0x255: {  	v48 =	vadd.s32 v6, v47  }
0x256: {  	v49 =	vld [tilespmem:s14+$0x1A70];
	_ =	sdelay $0x2  }
0x257: {  	[tilespmem:s14+$0x8750] =	vst v8  }
0x258: {  	v8 =	vld.idx.msk [tilespmem:v48+s19+$0x0], $0xffff  }
0x259: {  	v50 =	vadd.s32 v7, v49;
	_ =	sdelay $0x3  }
0x25a: {  	[tilespmem:s14+$0x8760] =	vst v8  }
0x25b: {  	v8 =	vld.idx.msk [tilespmem:v50+s19+$0x0], $0xffff;
	_ =	sdelay $0x4  }
0x25c: {  	[tilespmem:s14+$0x8770] =	vst v8  }
0x25d: {  	_ =	swait.ge [sflag:s25], $0x1000  }
0x25e: {  	[sflag:s25] =	ssyncset.done $0x0  }
0x25f: {  	[sflag:s25] =	ssyncadd.s32 $0xFFFFF000  }
0x260: {  	[hbm4b:s30+s2] =	stream.linear.scatter [tilespmem:s21], [sflag:$0x5], $0x1000, $0x38;
	[tilespmem:$0x9400] =	vst v63  }
0x261: {  	_ =	swait.ge [sflag:s12], $0x1000  }
0x262: {  	[sflag:s12] =	ssyncset.done $0x0  }
0x263: {  	[sflag:s12] =	ssyncadd.s32 $0xFFFFF000  }
0x264: {  	_ =	swait.ge [sflag:s26], $0x1000  }
0x265: {  	[sflag:s26] =	ssyncset.done $0x0  }
0x266: {  	[sflag:s26] =	ssyncadd.s32 $0xFFFFF000  }
0x267: {  	v8 =	vld [tilespmem:s14+$0x1A80];
	_ =	sdelay $0x4  }
0x268: {  	v8 =	vadd.s32 v0, v8  }
0x269: {  	v51 =	vld [tilespmem:s14+$0x1A90];
	_ =	sdelay $0x3  }
0x26a: {  	v8 =	vld.idx.msk [tilespmem:v8+s22+$0x0], $0xffff  }
0x26b: {  	v9 =	vadd.s32 v1, v51  }
0x26c: {  	v52 =	vld [tilespmem:s14+$0x1AA0];
	_ =	sdelay $0x2  }
0x26d: {  	[tilespmem:s14+$0x8780] =	vst v8  }
0x26e: {  	v8 =	vld.idx.msk [tilespmem:v9+s22+$0x0], $0xffff  }
0x26f: {  	v53 =	vadd.s32 v2, v52  }
0x270: {  	v54 =	vld [tilespmem:s14+$0x1AB0];
	_ =	sdelay $0x2  }
0x271: {  	[tilespmem:s14+$0x8790] =	vst v8  }
0x272: {  	v8 =	vld.idx.msk [tilespmem:v53+s22+$0x0], $0xffff  }
0x273: {  	v55 =	vadd.s32 v3, v54  }
0x274: {  	v56 =	vld [tilespmem:s14+$0x1AC0];
	_ =	sdelay $0x2  }
0x275: {  	[tilespmem:s14+$0x87A0] =	vst v8  }
0x276: {  	v8 =	vld.idx.msk [tilespmem:v55+s22+$0x0], $0xffff  }
0x277: {  	v57 =	vadd.s32 v4, v56  }
0x278: {  	v58 =	vld [tilespmem:s14+$0x1AD0];
	_ =	sdelay $0x2  }
0x279: {  	[tilespmem:s14+$0x87B0] =	vst v8  }
0x27a: {  	v8 =	vld.idx.msk [tilespmem:v57+s22+$0x0], $0xffff  }
0x27b: {  	v59 =	vadd.s32 v5, v58  }
0x27c: {  	v60 =	vld [tilespmem:s14+$0x1AE0];
	_ =	sdelay $0x2  }
0x27d: {  	[tilespmem:s14+$0x87C0] =	vst v8  }
0x27e: {  	v8 =	vld.idx.msk [tilespmem:v59+s22+$0x0], $0xffff  }
0x27f: {  	v61 =	vadd.s32 v6, v60  }
0x280: {  	v62 =	vld [tilespmem:s14+$0x1AF0];
	_ =	sdelay $0x2  }
0x281: {  	[tilespmem:s14+$0x87D0] =	vst v8  }
0x282: {  	v8 =	vld.idx.msk [tilespmem:v61+s22+$0x0], $0xffff  }
0x283: {  	v63 =	vadd.s32 v7, v62;
	_ =	sdelay $0x3  }
0x284: {  	[tilespmem:s14+$0x87E0] =	vst v8  }
0x285: {  	p0 =	sne.s32 s13, $0x3000;
	v8 =	vld.idx.msk [tilespmem:v63+s22+$0x0], $0xffff  }
.Ltmp0:
0x286: {  	_ = 	snop;
	(pc) =	sbr.rel @p0 .LBB2_2-.Ltmp0, $3  }
0x287: {  	_ =	sdelay $0x1  }
0x288: {  	s13 =	sadd.s32 $0x400, s13;
	s0 =	sadd.s32 $0x61A800, s0  }
0x289: {  	s31 =	sadd.s32 $0x61A8, s31;
	s10 =	sadd.s32 $0x8000, s10;
	s30 =	sadd.s32 $0x8000, s30;
	[tilespmem:s14+$0x87F0] =	vst v8  }
0x28a: {  	s29 =	sadd.s32 $0x1, s29  }
0x28b: {  	p0 =	sne.s32 s29, s9  }
.Ltmp1:
0x28c: {  	s0 =	simm.s32 $0x8700;
	(pc) =	sbr.rel @p0 .LBB2_1-.Ltmp1, $4  }
0x28d: {  	[hbm4b:s8+s2] =	stream.linear.scatter [tilespmem:s0], [sflag:$0x5], $0xD00, $0x38;
	[tilespmem:$0x9400] =	vst v63  }
0x28e: {  	_ =	swait.ge [sflag:s12], $0xD00  }
0x28f: {  	[sflag:s12] =	ssyncset.done $0x0  }
0x290: {  	[sflag:s12] =	ssyncadd.s32 $0xFFFFF300  }
0x291: {  	_ =	sfence.sel $0x180000  }
0x292: {  	[bflag:$0x0] =	sbarrier.arrive $0xFFFF  }
0x293: {  	_ =	strace $0x90000047  }
0x294: {  	s0 =	stileid.u32;
	[bflag:$0x2] =	sbarrier.arrive $0xFFFF  }
0x295: {  	p0 =	sne.s32 s0, $0x0;
	s0 =	rddreg [dreg:$0x1]  }
0x296: {  	s0 =	sadd.s32 @!p0 $0x100000, s0  }
0x297: {  	[sflag:s0] =	ssyncadd.tile.s32 @!p0 $0x1;
	_ =	shalt  }
.Lfunc_end2:
_tile_overlayer_lowered:
.L_overlay_start_2:
0x298: {  	(tag) =	ssettag $0x2  }
0x299: {  	s0 =	rddreg [dreg:$0x0];
	s2 =	stileid.u32  }
0x29a: {  	s1 =	rddreg [dreg:$0x1];
	p0 =	sne.s32 s2, $0x0  }
0x29b: {  	s3 =	rddreg [dreg:$0x2];
	[bflag:$0x3] =	sbarrier.arrive $0xFFFF;
	s2 =	simm.s32 @!p0 $0x1C05  }
0x29c: {  	[timem:s3], [sflag:s2] =	dma.local @!p0 [hbm:s0], s1  }
0x29d: {  	s0 =	simm.s32 @!p0 $0x5  }
0x29e: {  	_ =	swait.ge @!p0 [sflag:s0], s1  }
0x29f: {  	s1 =	ssub.s32 @!p0 $0x0, s1;
	[sflag:s0] =	ssyncset.done @!p0 $0x0  }
0x2a0: {  	[sflag:s0] =	ssyncadd.s32 @!p0 s1  }
0x2a1: {  	[bflag:$0x3] =	sbarrier.arrive $0xFFFF  }
0x2a2: {  	_ =	shalt  }

</sc_bundles>
